<compile_context>
chip_gen: v7x
topology: tpu7x:2x2x1
jax: 0.10.2.dev20260603
libtpu: 0.0.44.dev20260713+nightly
codegen_flags: <defaults>
</compile_context>

<pallas_src>
import functools

import jax
import jax.numpy as jnp
from jax import lax
from jax.experimental import pallas as pl
from jax.experimental.pallas import tpu as pltpu
from jax.experimental.pallas import tpu_sc as plsc

N = 10000
C = 128
H = 128
E = 320000

NC = 2
NS = 16
L = 16
NW = NC * NS

NT = 10240
CW = 64
TOTCH = 5120
EPAD = TOTCH * CW
GRP = 16
NBUF = 5
RPT = NT // NS

EC0 = 160
EC1 = 160
DC0 = 160
DC1 = 160
assert NS * (EC0 + EC1) == TOTCH and NS * (DC0 + DC1) == TOTCH

def _sc_mesh():
    return plsc.VectorSubcoreMesh(
        core_axis_name="c", subcore_axis_name="s",
        num_cores=NC, num_subcores=NS)


def _deg_body(dst_hbm, out_hbm, deg_v, didx_v):
    c = lax.axis_index("c")
    s = lax.axis_index("s")
    base = jnp.where(c == 0, s * DC0, NS * DC0 + s * DC1)
    nch = jnp.where(c == 0, DC0, DC1)
    zeros16 = jnp.zeros((L,), jnp.float32)

    def zb(i, carry):
        deg_v[pl.ds(i * L, L)] = zeros16
        return carry

    lax.fori_loop(0, NT // L, zb, 0)

    pltpu.sync_copy(dst_hbm.at[pl.ds(base, DC1)], didx_v.at[pl.ds(0, DC1)])

    if DC0 > DC1:
        @pl.when(c == 0)
        def _():
            pltpu.sync_copy(dst_hbm.at[pl.ds(base + DC1, DC0 - DC1)],
                            didx_v.at[pl.ds(DC1, DC0 - DC1)])

    ones16 = jnp.ones((L,), jnp.float32)

    def rb(r, carry):
        def kb(k, inner):
            idx = didx_v[r, pl.ds(k * L, L)]
            plsc.addupdate_scatter(deg_v, [idx], ones16)
            return inner

        return lax.fori_loop(0, CW // L, kb, carry)

    lax.fori_loop(0, nch, rb, 0)
    w = s * NC + c
    pltpu.sync_copy(deg_v, out_hbm.at[w])


@functools.cache
def _deg_counts_call():
    return pl.kernel(
        _deg_body,
        out_type=jax.ShapeDtypeStruct((NW, NT), jnp.float32),
        mesh=_sc_mesh(),
        scratch_types=[
            pltpu.VMEM((NT,), jnp.float32),
            pltpu.VMEM((DC0, CW), jnp.int32),
        ],
        compiler_params=pltpu.CompilerParams(needs_layout_passes=False),
    )


def _deg_counts(dst_p):
    return _deg_counts_call()(dst_p)


def _edge_body(src_hbm, dst_hbm, hp_hbm, out_hbm, acc_sh, sidx_v, didx_v,
               rows_v, ssem, isem, *gsems):
    c = lax.axis_index("c")
    s = lax.axis_index("s")
    base = jnp.where(c == 0, s * EC0, NS * EC0 + s * EC1)
    ngrp = jnp.where(c == 0, EC0 // GRP, EC1 // GRP)

    base0 = jnp.minimum(base, TOTCH - GRP)
    di = pltpu.async_copy(src_hbm.at[pl.ds(base0, GRP)], sidx_v.at[0],
                          gsems[0])
    dd = pltpu.async_copy(dst_hbm.at[pl.ds(base0, GRP)], didx_v.at[0], ssem)

    zeros16 = jnp.zeros((L,), jnp.float32)

    def zb(i, carry):
        rows_v[0, i // (H // L), pl.ds((i % (H // L)) * L, L)] = zeros16
        return carry

    lax.fori_loop(0, CW * (H // L), zb, 0)
    for q in range(RPT // CW):
        pltpu.sync_copy(rows_v.at[0], acc_sh.at[pl.ds(s * RPT + q * CW, CW)])
    di.wait()
    dd.wait()
    plsc.subcore_barrier()

    def gb(g, carry):
        bb = lax.rem(g, 2)
        nb = lax.rem(g + 1, 2)
        gg = jnp.minimum(g + 1, ngrp - 1)
        pi = pltpu.async_copy(src_hbm.at[pl.ds(base + gg * GRP, GRP)],
                              sidx_v.at[nb], isem)
        pd = pltpu.async_copy(dst_hbm.at[pl.ds(base + gg * GRP, GRP)],
                              didx_v.at[nb], isem)
        gd = [None] * GRP
        for j in range(NBUF - 1):
            gd[j] = pltpu.async_copy(hp_hbm.at[sidx_v.at[bb, j]],
                                     rows_v.at[j % NBUF], gsems[j % NBUF])
        prev = None
        for j in range(GRP):
            gd[j].wait()
            if prev is not None:
                prev.wait()
            jn = j + NBUF - 1
            if jn < GRP:
                gd[jn] = pltpu.async_copy(hp_hbm.at[sidx_v.at[bb, jn]],
                                          rows_v.at[jn % NBUF],
                                          gsems[jn % NBUF])
            prev = pltpu.async_copy(rows_v.at[j % NBUF],
                                    acc_sh.at[didx_v.at[bb, j]],
                                    ssem, add=True)
        prev.wait()
        pi.wait()
        pd.wait()
        return carry

    lax.fori_loop(0, ngrp, gb, 0)
    plsc.subcore_barrier()
    pltpu.sync_copy(acc_sh.at[pl.ds(s * RPT, RPT)],
                    out_hbm.at[c, pl.ds(s * RPT, RPT)])


@functools.cache
def _edge_scatter_call():
    return pl.kernel(
        _edge_body,
        out_type=jax.ShapeDtypeStruct((NC, NT, H), jnp.float32),
        mesh=_sc_mesh(),
        scratch_types=[
            pltpu.VMEM_SHARED((NT, H), jnp.float32),
            pltpu.VMEM((2, GRP, CW), jnp.int32),
            pltpu.VMEM((2, GRP, CW), jnp.int32),
            pltpu.VMEM((NBUF, CW, H), jnp.float32),
            pltpu.SemaphoreType.DMA,
            pltpu.SemaphoreType.DMA,
        ] + [pltpu.SemaphoreType.DMA] * NBUF,
    )


def _edge_scatter(src_p, dst_p, hp):
    return _edge_scatter_call()(src_p, dst_p, hp)


_F32 = jnp.float32
RB = 512
RD = 1000


def _prep_body(dp_ref, x_ref, w_ref, hp_ref, dinv_ref):
    deg = jnp.sum(dp_ref[...], axis=0) + 1.0
    dinv = lax.rsqrt(deg)
    h = jnp.dot(x_ref[...], w_ref[...], preferred_element_type=_F32)
    hp_ref[...] = h * dinv[:, None]
    dinv_ref[...] = jnp.broadcast_to(dinv[:, None], dinv_ref.shape)


def _prep(deg_parts, x_pad, conv_w):
    grid = NT // RB
    return pl.pallas_call(
        _prep_body,
        grid=(grid,),
        in_specs=[
            pl.BlockSpec((NW, RB), lambda i: (0, i)),
            pl.BlockSpec((RB, C), lambda i: (i, 0)),
            pl.BlockSpec((C, H), lambda i: (0, 0)),
        ],
        out_specs=[
            pl.BlockSpec((RB, H), lambda i: (i, 0)),
            pl.BlockSpec((RB, H), lambda i: (i, 0)),
        ],
        out_shape=[
            jax.ShapeDtypeStruct((NT, H), _F32),
            jax.ShapeDtypeStruct((NT, H), _F32),
        ],
    )(deg_parts, x_pad, conv_w)


def _accum_stats(st_ref, vals, i):
    su = jnp.sum(vals, axis=0)
    ss = jnp.sum(vals * vals, axis=0)
    st = jnp.concatenate([su[None], ss[None], jnp.zeros((6, H), _F32)], axis=0)

    @pl.when(i == 0)
    def _():
        st_ref[...] = st

    @pl.when(i > 0)
    def _():
        st_ref[...] = st_ref[...] + st


def _bn_affine(st_ref, g_ref, b_ref):
    mean = st_ref[0] / N
    var = st_ref[1] / N - mean * mean
    a = g_ref[0] * lax.rsqrt(var + 1e-5)
    c = b_ref[0] - mean * a
    return a, c


def _stage1_body(acc_ref, hp_ref, dinv_ref, x_ref, cb_ref, gw_ref, gb_ref,
                 lw_ref, lb_ref, l2w_ref, l2b_ref, p2_ref, st_ref):
    i = pl.program_id(0)
    agg = acc_ref[0] + acc_ref[1] + hp_ref[...]
    z = jnp.tanh(dinv_ref[...] * agg + cb_ref[...])
    g = jax.nn.sigmoid(
        jnp.dot(z, gw_ref[...], preferred_element_type=_F32) + gb_ref[...])
    xl = jnp.dot(x_ref[...], lw_ref[...], preferred_element_type=_F32) \
        + lb_ref[...]
    mix = (1.0 - g) * xl + g * z
    p2 = jnp.maximum(
        jnp.dot(mix, l2w_ref[...], preferred_element_type=_F32)
        + l2b_ref[...], 0.0)
    p2_ref[...] = p2
    _accum_stats(st_ref, p2, i)


def _stage2_body(p2_ref, st2_ref, g2_ref, b2_ref, l3w_ref, l3b_ref,
                 t1_ref, p3_ref, st3_ref):
    i = pl.program_id(0)
    a, c = _bn_affine(st2_ref, g2_ref, b2_ref)
    t1 = p2_ref[...] * a + c
    t1_ref[...] = t1
    p3 = jnp.maximum(
        jnp.dot(t1, l3w_ref[...], preferred_element_type=_F32)
        + l3b_ref[...], 0.0)
    p3_ref[...] = p3
    _accum_stats(st3_ref, p3, i)


def _stage3_body(p3_ref, st3_ref, t1_ref, g3_ref, b3_ref, l4w_ref, l4b_ref,
                 s_ref, p4_ref, st4_ref):
    i = pl.program_id(0)
    a, c = _bn_affine(st3_ref, g3_ref, b3_ref)
    s = p3_ref[...] * a + c + t1_ref[...]
    s_ref[...] = s
    p4 = jnp.maximum(
        jnp.dot(s, l4w_ref[...], preferred_element_type=_F32)
        + l4b_ref[...], 0.0)
    p4_ref[...] = p4
    _accum_stats(st4_ref, p4, i)


def _stage4_body(p4_ref, st4_ref, s_ref, g4_ref, b4_ref, out_ref):
    a, c = _bn_affine(st4_ref, g4_ref, b4_ref)
    out_ref[...] = p4_ref[...] * a + c + s_ref[...]


def _row_spec(i_map=lambda i: (i, 0)):
    return pl.BlockSpec((RD, H), i_map)


def _full_spec(shape):
    return pl.BlockSpec(shape, lambda i: tuple(0 for _ in shape))


_ST_SHAPE = (8, H)


def _stage1(accs, hp, dinv_b, x, cb, gw, gb, lw, lb, l2w, l2b):
    grid = N // RD
    return pl.pallas_call(
        _stage1_body,
        grid=(grid,),
        in_specs=[
            pl.BlockSpec((NC, RD, H), lambda i: (0, i, 0)),
            _row_spec(), _row_spec(), _row_spec(),
            _full_spec((1, H)), _full_spec((H, H)), _full_spec((1, H)),
            _full_spec((C, H)), _full_spec((1, H)),
            _full_spec((H, H)), _full_spec((1, H)),
        ],
        out_specs=[_row_spec(), _full_spec(_ST_SHAPE)],
        out_shape=[
            jax.ShapeDtypeStruct((N, H), _F32),
            jax.ShapeDtypeStruct(_ST_SHAPE, _F32),
        ],
    )(accs, hp, dinv_b, x, cb, gw, gb, lw, lb, l2w, l2b)


def _stage2(p2, st2, g2, b2, l3w, l3b):
    grid = N // RD
    return pl.pallas_call(
        _stage2_body,
        grid=(grid,),
        in_specs=[
            _row_spec(), _full_spec(_ST_SHAPE),
            _full_spec((1, H)), _full_spec((1, H)),
            _full_spec((H, H)), _full_spec((1, H)),
        ],
        out_specs=[_row_spec(), _row_spec(), _full_spec(_ST_SHAPE)],
        out_shape=[
            jax.ShapeDtypeStruct((N, H), _F32),
            jax.ShapeDtypeStruct((N, H), _F32),
            jax.ShapeDtypeStruct(_ST_SHAPE, _F32),
        ],
    )(p2, st2, g2, b2, l3w, l3b)


def _stage3(p3, st3, t1, g3, b3, l4w, l4b):
    grid = N // RD
    return pl.pallas_call(
        _stage3_body,
        grid=(grid,),
        in_specs=[
            _row_spec(), _full_spec(_ST_SHAPE), _row_spec(),
            _full_spec((1, H)), _full_spec((1, H)),
            _full_spec((H, H)), _full_spec((1, H)),
        ],
        out_specs=[_row_spec(), _row_spec(), _full_spec(_ST_SHAPE)],
        out_shape=[
            jax.ShapeDtypeStruct((N, H), _F32),
            jax.ShapeDtypeStruct((N, H), _F32),
            jax.ShapeDtypeStruct(_ST_SHAPE, _F32),
        ],
    )(p3, st3, t1, g3, b3, l4w, l4b)


def _stage4(p4, st4, s, g4, b4):
    grid = N // RD
    return pl.pallas_call(
        _stage4_body,
        grid=(grid,),
        in_specs=[
            _row_spec(), _full_spec(_ST_SHAPE), _row_spec(),
            _full_spec((1, H)), _full_spec((1, H)),
        ],
        out_specs=_row_spec(),
        out_shape=jax.ShapeDtypeStruct((N, H), _F32),
    )(p4, st4, s, g4, b4)


def kernel(x, edge_index, conv_w, conv_b, lin_w, lin_b, gate_w, gate_b,
           lin2_w, lin2_b, lin3_w, lin3_b, lin4_w, lin4_b,
           bn2_g, bn2_b, bn3_g, bn3_b, bn4_g, bn4_b):
    src = edge_index[0]
    dst = edge_index[1]
    fill = N + jnp.arange(EPAD - E, dtype=jnp.int32) % (NT - N)
    src_p = jnp.concatenate([src, fill]).reshape(TOTCH, CW)
    dst_p = jnp.concatenate([dst, fill]).reshape(TOTCH, CW)
    x_pad = jnp.concatenate([x, jnp.zeros((NT - N, C), _F32)], axis=0)

    deg_parts = _deg_counts(dst_p)
    hp, dinv_b = _prep(deg_parts, x_pad, conv_w)
    accs = _edge_scatter(src_p, dst_p, hp)

    cb = conv_b.reshape(1, H)
    gb = gate_b.reshape(1, H)
    lb = lin_b.reshape(1, H)
    l2b = lin2_b.reshape(1, H)
    l3b = lin3_b.reshape(1, H)
    l4b = lin4_b.reshape(1, H)

    p2, st2 = _stage1(accs, hp, dinv_b, x, cb, gate_w, gb, lin_w, lb,
                      lin2_w, l2b)
    t1, p3, st3 = _stage2(p2, st2, bn2_g.reshape(1, H), bn2_b.reshape(1, H),
                          lin3_w, l3b)
    s, p4, st4 = _stage3(p3, st3, t1, bn3_g.reshape(1, H), bn3_b.reshape(1, H),
                         lin4_w, l4b)
    return _stage4(p4, st4, s, bn4_g.reshape(1, H), bn4_b.reshape(1, H))

# --- scband reference (transcript-rebuilt; emitter-appended) ---
"""Pipeline reference for scband-splice-graph-34591666602181 (READ-ONLY COPY).

The authoritative reference and input builder live on the scoring server;
editing this copy changes nothing except your own understanding.
"""

import jax, jax.numpy as jnp
import numpy as np

N = 10000
E = 320000
C = 128
H = 128

def _glorot(key, shape):
    lim = float(np.sqrt(6.0 / (shape[0] + shape[1])))
    return jax.random.uniform(key, shape, jnp.float32, -lim, lim)

def setup_inputs(seed: int = 0):
    key = jax.random.key(seed)
    ks = jax.random.split(key, 12)
    inp = {}
    inp['x'] = jax.random.normal(ks[0], (N, C), dtype=jnp.float32)
    inp['edge_index'] = jax.random.randint(ks[1], (2, E), 0, N, dtype=jnp.int32)
    inp['conv_w'] = _glorot(ks[2], (C, H)); inp['conv_b'] = jnp.zeros((H,), jnp.float32)
    inp['lin_w'] = _glorot(ks[3], (C, H)); inp['lin_b'] = jnp.zeros((H,), jnp.float32)
    inp['gate_w'] = _glorot(ks[4], (H, H)); inp['gate_b'] = jnp.zeros((H,), jnp.float32)
    inp['lin2_w'] = _glorot(ks[5], (H, H)); inp['lin2_b'] = jnp.zeros((H,), jnp.float32)
    inp['lin3_w'] = _glorot(ks[6], (H, H)); inp['lin3_b'] = jnp.zeros((H,), jnp.float32)
    inp['lin4_w'] = _glorot(ks[7], (H, H)); inp['lin4_b'] = jnp.zeros((H,), jnp.float32)
    for nm in ['bn2', 'bn3', 'bn4']:
        inp[nm + '_g'] = jnp.ones((H,), jnp.float32)
        inp[nm + '_b'] = jnp.zeros((H,), jnp.float32)
    return inp

def _bn(x, g, b, eps=1e-5):
    mu = jnp.mean(x, axis=0)
    var = jnp.var(x, axis=0)
    return (x - mu) / jnp.sqrt(var + eps) * g + b

def _gcn(x, edge_index, W, b):
    n = x.shape[0]
    loop = jnp.arange(n, dtype=edge_index.dtype)
    src = jnp.concatenate([edge_index[0], loop])
    dst = jnp.concatenate([edge_index[1], loop])
    h = x @ W
    deg = jnp.zeros((n,), jnp.float32).at[dst].add(1.0)
    dinv = jnp.where(deg > 0, jax.lax.rsqrt(deg), 0.0)
    norm = dinv[src] * dinv[dst]
    out = jnp.zeros((n, W.shape[1]), jnp.float32).at[dst].add(h[src] * norm[:, None])
    return out + b

def reference(x, edge_index, conv_w, conv_b, lin_w, lin_b, gate_w, gate_b, lin2_w, lin2_b, lin3_w, lin3_b, lin4_w, lin4_b, bn2_g, bn2_b, bn3_g, bn3_b, bn4_g, bn4_b):
    z = jnp.tanh(_gcn(x, edge_index, conv_w, conv_b))
    g = jax.nn.sigmoid(z @ gate_w + gate_b)
    xl = x @ lin_w + lin_b
    h = (1.0 - g) * xl + g * z
    h = jax.nn.relu(h @ lin2_w + lin2_b)
    h = _bn(h, bn2_g, bn2_b)
    t = h
    h = jax.nn.relu(h @ lin3_w + lin3_b)
    h = _bn(h, bn3_g, bn3_b)
    h = h + t
    t = h
    h = jax.nn.relu(h @ lin4_w + lin4_b)
    h = _bn(h, bn4_g, bn4_b)
    h = h + t
    return h

if __name__ == "__main__":
    import jax
    _d = setup_inputs()
    print(jax.jit(kernel)(*tuple(_d.values())))

</pallas_src>

<mosaic_0001>
#map = affine_map<(d0, d1) -> (0, 0)>
#map1 = affine_map<(d0, d1) -> (0, 0, 0)>
module attributes {stable_mosaic.version = 14 : i64} {
  func.func @_edge_body(%arg0: i32, %arg1: i32, %arg2: memref<5120x64xi32, #tpu.memory_space<hbm>>, %arg3: memref<5120x64xi32, #tpu.memory_space<hbm>>, %arg4: memref<10240x128xf32, #tpu.memory_space<hbm>>, %arg5: memref<2x10240x128xf32, #tpu.memory_space<hbm>>, %arg6: memref<10240x128xf32, #tpu.memory_space<vmem_shared>>, %arg7: memref<2x16x64xi32, #tpu.memory_space<vmem>>, %arg8: memref<2x16x64xi32, #tpu.memory_space<vmem>>, %arg9: memref<5x64x128xf32, #tpu.memory_space<vmem>>, %arg10: memref<!tpu.dma_semaphore, #tpu.memory_space<semaphore_mem>>, %arg11: memref<!tpu.dma_semaphore, #tpu.memory_space<semaphore_mem>>, %arg12: memref<!tpu.dma_semaphore, #tpu.memory_space<semaphore_mem>>, %arg13: memref<!tpu.dma_semaphore, #tpu.memory_space<semaphore_mem>>, %arg14: memref<!tpu.dma_semaphore, #tpu.memory_space<semaphore_mem>>, %arg15: memref<!tpu.dma_semaphore, #tpu.memory_space<semaphore_mem>>, %arg16: memref<!tpu.dma_semaphore, #tpu.memory_space<semaphore_mem>>) attributes {dimension_semantics = [#tpu.dimension_semantics<core_parallel>, #tpu.dimension_semantics<subcore_parallel>], iteration_bounds = array<i64: 2, 16>, scalar_prefetch = 0 : i64, scratch_operands = 11 : i64, tpu.core_type = #tpu.core_type<sc_vector_subcore>, window_params = [{transform_indices = #map}, {transform_indices = #map}, {transform_indices = #map}, {transform_indices = #map1}]} {
    %eq3A = arith.constant 0 : i32
    %eq3A_0 = arith.cmpi eq, %arg0, %eq3A : i32
    %mul3A = arith.constant 160 : i32
    %mul3A_1 = arith.muli %arg1, %mul3A : i32
    %mul3A_2 = arith.constant 160 : i32
    %mul3A_3 = arith.muli %arg1, %mul3A_2 : i32
    %add3A = arith.constant 2560 : i32
    %add3A_4 = arith.addi %add3A, %mul3A_3 : i32
    %select_n3A = arith.select %eq3A_0, %mul3A_1, %add3A_4 : i32
    %eq3A_5 = arith.constant 0 : i32
    %eq3A_6 = arith.cmpi eq, %arg0, %eq3A_5 : i32
    %jit3A = arith.constant 10 : i32
    %jit3A_7 = arith.constant 10 : i32
    %select_n3A_8 = arith.select %eq3A_6, %jit3A, %jit3A_7 : i32
    %min3A = arith.constant 5104 : i32
    %min3A_9 = arith.minsi %select_n3A, %min3A : i32
    %dma_start3A = arith.constant 0 : i32
    %dma_start3A_10 = arith.constant 0 : i32
    %dma_start3A_11 = arith.constant 0 : i32
    %dma_start3A_12 = tpu.memref_slice %arg7[%dma_start3A, %dma_start3A_10, %dma_start3A_11] : memref<2x16x64xi32, #tpu.memory_space<vmem>> -> memref<1x16x64xi32, #tpu.memory_space<vmem>>
    %dma_start3A_13 = tpu.memref_squeeze %dma_start3A_12 : memref<1x16x64xi32, #tpu.memory_space<vmem>> -> memref<16x64xi32, #tpu.memory_space<vmem>>
    %dma_start3A_14 = arith.constant 0 : i32
    %dma_start3A_15 = tpu.memref_slice %arg2[%min3A_9, %dma_start3A_14] : memref<5120x64xi32, #tpu.memory_space<hbm>> -> memref<16x64xi32, #tpu.memory_space<hbm>>
    %dma_start3A_16 = arith.constant 0 : i32
    %dma_start3A_17 = arith.constant 0 : i32
    %dma_start3A_18 = tpu.memref_slice %arg7[%dma_start3A, %dma_start3A_16, %dma_start3A_17] : memref<2x16x64xi32, #tpu.memory_space<vmem>> -> memref<1x16x64xi32, #tpu.memory_space<vmem>>
    %dma_start3A_19 = tpu.memref_squeeze %dma_start3A_18 : memref<1x16x64xi32, #tpu.memory_space<vmem>> -> memref<16x64xi32, #tpu.memory_space<vmem>>
    %dma_start3A_20 = arith.constant 0 : i32
    %dma_start3A_21 = tpu.memref_slice %arg2[%min3A_9, %dma_start3A_20] : memref<5120x64xi32, #tpu.memory_space<hbm>> -> memref<16x64xi32, #tpu.memory_space<hbm>>
    tpu.enqueue_dma source(%dma_start3A_21 : memref<16x64xi32, #tpu.memory_space<hbm>>) target(%dma_start3A_19 : memref<16x64xi32, #tpu.memory_space<vmem>>) target_semaphore(%arg12 : memref<!tpu.dma_semaphore, #tpu.memory_space<semaphore_mem>>)
    %dma_start3A_22 = arith.constant 0 : i32
    %dma_start3A_23 = arith.constant 0 : i32
    %dma_start3A_24 = arith.constant 0 : i32
    %dma_start3A_25 = tpu.memref_slice %arg8[%dma_start3A_22, %dma_start3A_23, %dma_start3A_24] : memref<2x16x64xi32, #tpu.memory_space<vmem>> -> memref<1x16x64xi32, #tpu.memory_space<vmem>>
    %dma_start3A_26 = tpu.memref_squeeze %dma_start3A_25 : memref<1x16x64xi32, #tpu.memory_space<vmem>> -> memref<16x64xi32, #tpu.memory_space<vmem>>
    %dma_start3A_27 = arith.constant 0 : i32
    %dma_start3A_28 = tpu.memref_slice %arg3[%min3A_9, %dma_start3A_27] : memref<5120x64xi32, #tpu.memory_space<hbm>> -> memref<16x64xi32, #tpu.memory_space<hbm>>
    %dma_start3A_29 = arith.constant 0 : i32
    %dma_start3A_30 = arith.constant 0 : i32
    %dma_start3A_31 = tpu.memref_slice %arg8[%dma_start3A_22, %dma_start3A_29, %dma_start3A_30] : memref<2x16x64xi32, #tpu.memory_space<vmem>> -> memref<1x16x64xi32, #tpu.memory_space<vmem>>
    %dma_start3A_32 = tpu.memref_squeeze %dma_start3A_31 : memref<1x16x64xi32, #tpu.memory_space<vmem>> -> memref<16x64xi32, #tpu.memory_space<vmem>>
    %dma_start3A_33 = arith.constant 0 : i32
    %dma_start3A_34 = tpu.memref_slice %arg3[%min3A_9, %dma_start3A_33] : memref<5120x64xi32, #tpu.memory_space<hbm>> -> memref<16x64xi32, #tpu.memory_space<hbm>>
    tpu.enqueue_dma source(%dma_start3A_34 : memref<16x64xi32, #tpu.memory_space<hbm>>) target(%dma_start3A_32 : memref<16x64xi32, #tpu.memory_space<vmem>>) target_semaphore(%arg10 : memref<!tpu.dma_semaphore, #tpu.memory_space<semaphore_mem>>)
    %broadcast_in_dim3A = arith.constant 0.000000e+00 : f32
    %broadcast_in_dim3A_35 = vector.broadcast %broadcast_in_dim3A : f32 to vector<16xf32>
    %scan3A = arith.constant 0 : i32
    %scan3A_36 = arith.constant 0 : i32
    %scan3A_37 = arith.constant 512 : i32
    %scan3A_38 = arith.addi %scan3A_36, %scan3A_37 : i32
    %scan3A_39 = arith.constant 1 : i32
    scf.for %scan3A_129 = %scan3A_36 to %scan3A_38 step %scan3A_39  : i32 {
      %jit3A_130 = arith.constant 8 : i32
      %div3A = arith.divsi %scan3A_129, %jit3A_130 : i32
      %sign3A = arith.constant 0 : i32
      %sign3A_131 = arith.cmpi sgt, %scan3A_129, %sign3A : i32
      %sign3A_132 = arith.extui %sign3A_131 : i1 to i32
      %sign3A_133 = arith.constant 0 : i32
      %sign3A_134 = arith.cmpi slt, %scan3A_129, %sign3A_133 : i32
      %sign3A_135 = arith.extui %sign3A_134 : i1 to i32
      %sign3A_136 = arith.subi %sign3A_132, %sign3A_135 : i32
      %sign3A_137 = arith.constant 0 : i32
      %sign3A_138 = arith.cmpi sgt, %jit3A_130, %sign3A_137 : i32
      %sign3A_139 = arith.extui %sign3A_138 : i1 to i32
      %sign3A_140 = arith.constant 0 : i32
      %sign3A_141 = arith.cmpi slt, %jit3A_130, %sign3A_140 : i32
      %sign3A_142 = arith.extui %sign3A_141 : i1 to i32
      %sign3A_143 = arith.subi %sign3A_139, %sign3A_142 : i32
      %ne3A = arith.cmpi ne, %sign3A_136, %sign3A_143 : i32
      %rem3A = arith.remsi %scan3A_129, %jit3A_130 : i32
      %ne3A_144 = arith.constant 0 : i32
      %ne3A_145 = arith.cmpi ne, %rem3A, %ne3A_144 : i32
      %and3A = arith.andi %ne3A, %ne3A_145 : i1
      %sub3A = arith.constant 1 : i32
      %sub3A_146 = arith.subi %div3A, %sub3A : i32
      %select_n3A_147 = arith.select %and3A, %sub3A_146, %div3A : i32
      %jit3A_148 = arith.constant 8 : i32
      %eq3A_149 = arith.constant 0 : i32
      %eq3A_150 = arith.cmpi eq, %jit3A_148, %eq3A_149 : i32
      %jit3A_151 = arith.constant 1 : i32
      %select_n3A_152 = arith.select %eq3A_150, %jit3A_151, %jit3A_148 : i32
      %rem3A_153 = arith.remsi %scan3A_129, %select_n3A_152 : i32
      %ne3A_154 = arith.constant 0 : i32
      %ne3A_155 = arith.cmpi ne, %rem3A_153, %ne3A_154 : i32
      %lt3A = arith.constant 0 : i32
      %lt3A_156 = arith.cmpi slt, %rem3A_153, %lt3A : i32
      %lt3A_157 = arith.constant 0 : i32
      %lt3A_158 = arith.cmpi slt, %select_n3A_152, %lt3A_157 : i32
      %ne3A_159 = arith.xori %lt3A_156, %lt3A_158 : i1
      %and3A_160 = arith.andi %ne3A_159, %ne3A_155 : i1
      %add3A_161 = arith.addi %rem3A_153, %select_n3A_152 : i32
      %select_n3A_162 = arith.select %and3A_160, %add3A_161, %rem3A_153 : i32
      %mul3A_163 = arith.constant 16 : i32
      %mul3A_164 = arith.muli %select_n3A_162, %mul3A_163 : i32
      %swap3A = arith.constant 0 : i32
      %swap3A_165 = arith.index_cast %swap3A : i32 to index
      %swap3A_166 = arith.index_cast %select_n3A_147 : i32 to index
      %swap3A_167 = arith.index_cast %mul3A_164 : i32 to index
      %swap3A_168 = tpu.vector_load %arg9[%swap3A_165, %swap3A_166, %swap3A_167] {strides = array<i32>} : memref<5x64x128xf32, #tpu.memory_space<vmem>>, vector<1x1x16xf32>,
      %swap3A_169 = vector.shape_cast %swap3A_168 : vector<1x1x16xf32> to vector<16xf32>
      %swap3A_170 = vector.shape_cast %broadcast_in_dim3A_35 : vector<16xf32> to vector<1x1x16xf32>
      tpu.vector_store %arg9[%swap3A_165, %swap3A_166, %swap3A_167], %swap3A_170 {strides = array<i32>} : memref<5x64x128xf32, #tpu.memory_space<vmem>>, vector<1x1x16xf32>,
    }
    %scan3A_40 = arith.constant 512 : i32
    %mul3A_41 = arith.constant 640 : i32
    %mul3A_42 = arith.muli %arg1, %mul3A_41 : i32
    %add3A_43 = arith.constant 0 : i32
    %add3A_44 = arith.addi %mul3A_42, %add3A_43 : i32
    %run_scoped3A = arith.constant 0 : i32
    "tpu.region"() ({
      %run_scoped3A_129 = tpu.sem_alloc : memref<!tpu.dma_semaphore, #tpu.memory_space<semaphore_mem>>
      %dma_start3A_130 = arith.constant 0 : i32
      %dma_start3A_131 = arith.constant 0 : i32
      %dma_start3A_132 = tpu.memref_slice %arg9[%run_scoped3A, %dma_start3A_130, %dma_start3A_131] : memref<5x64x128xf32, #tpu.memory_space<vmem>> -> memref<1x64x128xf32, #tpu.memory_space<vmem>>
      %dma_start3A_133 = tpu.memref_squeeze %dma_start3A_132 : memref<1x64x128xf32, #tpu.memory_space<vmem>> -> memref<64x128xf32, #tpu.memory_space<vmem>>
      %dma_start3A_134 = arith.constant 0 : i32
      %dma_start3A_135 = tpu.memref_slice %arg6[%add3A_44, %dma_start3A_134] : memref<10240x128xf32, #tpu.memory_space<vmem_shared>> -> memref<64x128xf32, #tpu.memory_space<vmem_shared>>
      %dma_start3A_136 = arith.constant 0 : i32
      %dma_start3A_137 = tpu.memref_slice %arg6[%add3A_44, %dma_start3A_136] : memref<10240x128xf32, #tpu.memory_space<vmem_shared>> -> memref<64x128xf32, #tpu.memory_space<vmem_shared>>
      %dma_start3A_138 = arith.constant 0 : i32
      %dma_start3A_139 = arith.constant 0 : i32
      %dma_start3A_140 = tpu.memref_slice %arg9[%run_scoped3A, %dma_start3A_138, %dma_start3A_139] : memref<5x64x128xf32, #tpu.memory_space<vmem>> -> memref<1x64x128xf32, #tpu.memory_space<vmem>>
      %dma_start3A_141 = tpu.memref_squeeze %dma_start3A_140 : memref<1x64x128xf32, #tpu.memory_space<vmem>> -> memref<64x128xf32, #tpu.memory_space<vmem>>
      tpu.enqueue_dma source(%dma_start3A_141 : memref<64x128xf32, #tpu.memory_space<vmem>>) target(%dma_start3A_137 : memref<64x128xf32, #tpu.memory_space<vmem_shared>>) target_semaphore(%run_scoped3A_129 : memref<!tpu.dma_semaphore, #tpu.memory_space<semaphore_mem>>)
      %dma_wait3A_142 = arith.constant 0 : i32
      %dma_wait3A_143 = arith.constant 0 : i32
      %dma_wait3A_144 = tpu.memref_slice %arg9[%run_scoped3A, %dma_wait3A_142, %dma_wait3A_143] : memref<5x64x128xf32, #tpu.memory_space<vmem>> -> memref<1x64x128xf32, #tpu.memory_space<vmem>>
      %dma_wait3A_145 = tpu.memref_squeeze %dma_wait3A_144 : memref<1x64x128xf32, #tpu.memory_space<vmem>> -> memref<64x128xf32, #tpu.memory_space<vmem>>
      %dma_wait3A_146 = arith.constant 0 : i32
      %dma_wait3A_147 = tpu.memref_slice %arg6[%add3A_44, %dma_wait3A_146] : memref<10240x128xf32, #tpu.memory_space<vmem_shared>> -> memref<64x128xf32, #tpu.memory_space<vmem_shared>>
      %dma_wait3A_148 = arith.constant 0 : i32
      %dma_wait3A_149 = tpu.memref_slice %arg6[%add3A_44, %dma_wait3A_148] : memref<10240x128xf32, #tpu.memory_space<vmem_shared>> -> memref<64x128xf32, #tpu.memory_space<vmem_shared>>
      %dma_wait3A_150 = arith.constant 0 : i32
      %dma_wait3A_151 = arith.constant 0 : i32
      %dma_wait3A_152 = tpu.memref_slice %arg9[%run_scoped3A, %dma_wait3A_150, %dma_wait3A_151] : memref<5x64x128xf32, #tpu.memory_space<vmem>> -> memref<1x64x128xf32, #tpu.memory_space<vmem>>
      %dma_wait3A_153 = tpu.memref_squeeze %dma_wait3A_152 : memref<1x64x128xf32, #tpu.memory_space<vmem>> -> memref<64x128xf32, #tpu.memory_space<vmem>>
      tpu.wait_dma2 semaphore(%run_scoped3A_129 : memref<!tpu.dma_semaphore, #tpu.memory_space<semaphore_mem>>) src(%dma_wait3A_153 : memref<64x128xf32, #tpu.memory_space<vmem>>) dst(%dma_wait3A_149 : memref<64x128xf32, #tpu.memory_space<vmem_shared>>)
      tpu.yield
    }) : () -> ()
    %mul3A_45 = arith.constant 640 : i32
    %mul3A_46 = arith.muli %arg1, %mul3A_45 : i32
    %add3A_47 = arith.constant 64 : i32
    %add3A_48 = arith.addi %mul3A_46, %add3A_47 : i32
    %run_scoped3A_49 = arith.constant 0 : i32
    "tpu.region"() ({
      %run_scoped3A_129 = tpu.sem_alloc : memref<!tpu.dma_semaphore, #tpu.memory_space<semaphore_mem>>
      %dma_start3A_130 = arith.constant 0 : i32
      %dma_start3A_131 = arith.constant 0 : i32
      %dma_start3A_132 = tpu.memref_slice %arg9[%run_scoped3A_49, %dma_start3A_130, %dma_start3A_131] : memref<5x64x128xf32, #tpu.memory_space<vmem>> -> memref<1x64x128xf32, #tpu.memory_space<vmem>>
      %dma_start3A_133 = tpu.memref_squeeze %dma_start3A_132 : memref<1x64x128xf32, #tpu.memory_space<vmem>> -> memref<64x128xf32, #tpu.memory_space<vmem>>
      %dma_start3A_134 = arith.constant 0 : i32
      %dma_start3A_135 = tpu.memref_slice %arg6[%add3A_48, %dma_start3A_134] : memref<10240x128xf32, #tpu.memory_space<vmem_shared>> -> memref<64x128xf32, #tpu.memory_space<vmem_shared>>
      %dma_start3A_136 = arith.constant 0 : i32
      %dma_start3A_137 = tpu.memref_slice %arg6[%add3A_48, %dma_start3A_136] : memref<10240x128xf32, #tpu.memory_space<vmem_shared>> -> memref<64x128xf32, #tpu.memory_space<vmem_shared>>
      %dma_start3A_138 = arith.constant 0 : i32
      %dma_start3A_139 = arith.constant 0 : i32
      %dma_start3A_140 = tpu.memref_slice %arg9[%run_scoped3A_49, %dma_start3A_138, %dma_start3A_139] : memref<5x64x128xf32, #tpu.memory_space<vmem>> -> memref<1x64x128xf32, #tpu.memory_space<vmem>>
      %dma_start3A_141 = tpu.memref_squeeze %dma_start3A_140 : memref<1x64x128xf32, #tpu.memory_space<vmem>> -> memref<64x128xf32, #tpu.memory_space<vmem>>
      tpu.enqueue_dma source(%dma_start3A_141 : memref<64x128xf32, #tpu.memory_space<vmem>>) target(%dma_start3A_137 : memref<64x128xf32, #tpu.memory_space<vmem_shared>>) target_semaphore(%run_scoped3A_129 : memref<!tpu.dma_semaphore, #tpu.memory_space<semaphore_mem>>)
      %dma_wait3A_142 = arith.constant 0 : i32
      %dma_wait3A_143 = arith.constant 0 : i32
      %dma_wait3A_144 = tpu.memref_slice %arg9[%run_scoped3A_49, %dma_wait3A_142, %dma_wait3A_143] : memref<5x64x128xf32, #tpu.memory_space<vmem>> -> memref<1x64x128xf32, #tpu.memory_space<vmem>>
      %dma_wait3A_145 = tpu.memref_squeeze %dma_wait3A_144 : memref<1x64x128xf32, #tpu.memory_space<vmem>> -> memref<64x128xf32, #tpu.memory_space<vmem>>
      %dma_wait3A_146 = arith.constant 0 : i32
      %dma_wait3A_147 = tpu.memref_slice %arg6[%add3A_48, %dma_wait3A_146] : memref<10240x128xf32, #tpu.memory_space<vmem_shared>> -> memref<64x128xf32, #tpu.memory_space<vmem_shared>>
      %dma_wait3A_148 = arith.constant 0 : i32
      %dma_wait3A_149 = tpu.memref_slice %arg6[%add3A_48, %dma_wait3A_148] : memref<10240x128xf32, #tpu.memory_space<vmem_shared>> -> memref<64x128xf32, #tpu.memory_space<vmem_shared>>
      %dma_wait3A_150 = arith.constant 0 : i32
      %dma_wait3A_151 = arith.constant 0 : i32
      %dma_wait3A_152 = tpu.memref_slice %arg9[%run_scoped3A_49, %dma_wait3A_150, %dma_wait3A_151] : memref<5x64x128xf32, #tpu.memory_space<vmem>> -> memref<1x64x128xf32, #tpu.memory_space<vmem>>
      %dma_wait3A_153 = tpu.memref_squeeze %dma_wait3A_152 : memref<1x64x128xf32, #tpu.memory_space<vmem>> -> memref<64x128xf32, #tpu.memory_space<vmem>>
      tpu.wait_dma2 semaphore(%run_scoped3A_129 : memref<!tpu.dma_semaphore, #tpu.memory_space<semaphore_mem>>) src(%dma_wait3A_153 : memref<64x128xf32, #tpu.memory_space<vmem>>) dst(%dma_wait3A_149 : memref<64x128xf32, #tpu.memory_space<vmem_shared>>)
      tpu.yield
    }) : () -> ()
    %mul3A_50 = arith.constant 640 : i32
    %mul3A_51 = arith.muli %arg1, %mul3A_50 : i32
    %add3A_52 = arith.constant 128 : i32
    %add3A_53 = arith.addi %mul3A_51, %add3A_52 : i32
    %run_scoped3A_54 = arith.constant 0 : i32
    "tpu.region"() ({
      %run_scoped3A_129 = tpu.sem_alloc : memref<!tpu.dma_semaphore, #tpu.memory_space<semaphore_mem>>
      %dma_start3A_130 = arith.constant 0 : i32
      %dma_start3A_131 = arith.constant 0 : i32
      %dma_start3A_132 = tpu.memref_slice %arg9[%run_scoped3A_54, %dma_start3A_130, %dma_start3A_131] : memref<5x64x128xf32, #tpu.memory_space<vmem>> -> memref<1x64x128xf32, #tpu.memory_space<vmem>>
      %dma_start3A_133 = tpu.memref_squeeze %dma_start3A_132 : memref<1x64x128xf32, #tpu.memory_space<vmem>> -> memref<64x128xf32, #tpu.memory_space<vmem>>
      %dma_start3A_134 = arith.constant 0 : i32
      %dma_start3A_135 = tpu.memref_slice %arg6[%add3A_53, %dma_start3A_134] : memref<10240x128xf32, #tpu.memory_space<vmem_shared>> -> memref<64x128xf32, #tpu.memory_space<vmem_shared>>
      %dma_start3A_136 = arith.constant 0 : i32
      %dma_start3A_137 = tpu.memref_slice %arg6[%add3A_53, %dma_start3A_136] : memref<10240x128xf32, #tpu.memory_space<vmem_shared>> -> memref<64x128xf32, #tpu.memory_space<vmem_shared>>
      %dma_start3A_138 = arith.constant 0 : i32
      %dma_start3A_139 = arith.constant 0 : i32
      %dma_start3A_140 = tpu.memref_slice %arg9[%run_scoped3A_54, %dma_start3A_138, %dma_start3A_139] : memref<5x64x128xf32, #tpu.memory_space<vmem>> -> memref<1x64x128xf32, #tpu.memory_space<vmem>>
      %dma_start3A_141 = tpu.memref_squeeze %dma_start3A_140 : memref<1x64x128xf32, #tpu.memory_space<vmem>> -> memref<64x128xf32, #tpu.memory_space<vmem>>
      tpu.enqueue_dma source(%dma_start3A_141 : memref<64x128xf32, #tpu.memory_space<vmem>>) target(%dma_start3A_137 : memref<64x128xf32, #tpu.memory_space<vmem_shared>>) target_semaphore(%run_scoped3A_129 : memref<!tpu.dma_semaphore, #tpu.memory_space<semaphore_mem>>)
      %dma_wait3A_142 = arith.constant 0 : i32
      %dma_wait3A_143 = arith.constant 0 : i32
      %dma_wait3A_144 = tpu.memref_slice %arg9[%run_scoped3A_54, %dma_wait3A_142, %dma_wait3A_143] : memref<5x64x128xf32, #tpu.memory_space<vmem>> -> memref<1x64x128xf32, #tpu.memory_space<vmem>>
      %dma_wait3A_145 = tpu.memref_squeeze %dma_wait3A_144 : memref<1x64x128xf32, #tpu.memory_space<vmem>> -> memref<64x128xf32, #tpu.memory_space<vmem>>
      %dma_wait3A_146 = arith.constant 0 : i32
      %dma_wait3A_147 = tpu.memref_slice %arg6[%add3A_53, %dma_wait3A_146] : memref<10240x128xf32, #tpu.memory_space<vmem_shared>> -> memref<64x128xf32, #tpu.memory_space<vmem_shared>>
      %dma_wait3A_148 = arith.constant 0 : i32
      %dma_wait3A_149 = tpu.memref_slice %arg6[%add3A_53, %dma_wait3A_148] : memref<10240x128xf32, #tpu.memory_space<vmem_shared>> -> memref<64x128xf32, #tpu.memory_space<vmem_shared>>
      %dma_wait3A_150 = arith.constant 0 : i32
      %dma_wait3A_151 = arith.constant 0 : i32
      %dma_wait3A_152 = tpu.memref_slice %arg9[%run_scoped3A_54, %dma_wait3A_150, %dma_wait3A_151] : memref<5x64x128xf32, #tpu.memory_space<vmem>> -> memref<1x64x128xf32, #tpu.memory_space<vmem>>
      %dma_wait3A_153 = tpu.memref_squeeze %dma_wait3A_152 : memref<1x64x128xf32, #tpu.memory_space<vmem>> -> memref<64x128xf32, #tpu.memory_space<vmem>>
      tpu.wait_dma2 semaphore(%run_scoped3A_129 : memref<!tpu.dma_semaphore, #tpu.memory_space<semaphore_mem>>) src(%dma_wait3A_153 : memref<64x128xf32, #tpu.memory_space<vmem>>) dst(%dma_wait3A_149 : memref<64x128xf32, #tpu.memory_space<vmem_shared>>)
      tpu.yield
    }) : () -> ()
    %mul3A_55 = arith.constant 640 : i32
    %mul3A_56 = arith.muli %arg1, %mul3A_55 : i32
    %add3A_57 = arith.constant 192 : i32
    %add3A_58 = arith.addi %mul3A_56, %add3A_57 : i32
    %run_scoped3A_59 = arith.constant 0 : i32
    "tpu.region"() ({
      %run_scoped3A_129 = tpu.sem_alloc : memref<!tpu.dma_semaphore, #tpu.memory_space<semaphore_mem>>
      %dma_start3A_130 = arith.constant 0 : i32
      %dma_start3A_131 = arith.constant 0 : i32
      %dma_start3A_132 = tpu.memref_slice %arg9[%run_scoped3A_59, %dma_start3A_130, %dma_start3A_131] : memref<5x64x128xf32, #tpu.memory_space<vmem>> -> memref<1x64x128xf32, #tpu.memory_space<vmem>>
      %dma_start3A_133 = tpu.memref_squeeze %dma_start3A_132 : memref<1x64x128xf32, #tpu.memory_space<vmem>> -> memref<64x128xf32, #tpu.memory_space<vmem>>
      %dma_start3A_134 = arith.constant 0 : i32
      %dma_start3A_135 = tpu.memref_slice %arg6[%add3A_58, %dma_start3A_134] : memref<10240x128xf32, #tpu.memory_space<vmem_shared>> -> memref<64x128xf32, #tpu.memory_space<vmem_shared>>
      %dma_start3A_136 = arith.constant 0 : i32
      %dma_start3A_137 = tpu.memref_slice %arg6[%add3A_58, %dma_start3A_136] : memref<10240x128xf32, #tpu.memory_space<vmem_shared>> -> memref<64x128xf32, #tpu.memory_space<vmem_shared>>
      %dma_start3A_138 = arith.constant 0 : i32
      %dma_start3A_139 = arith.constant 0 : i32
      %dma_start3A_140 = tpu.memref_slice %arg9[%run_scoped3A_59, %dma_start3A_138, %dma_start3A_139] : memref<5x64x128xf32, #tpu.memory_space<vmem>> -> memref<1x64x128xf32, #tpu.memory_space<vmem>>
      %dma_start3A_141 = tpu.memref_squeeze %dma_start3A_140 : memref<1x64x128xf32, #tpu.memory_space<vmem>> -> memref<64x128xf32, #tpu.memory_space<vmem>>
      tpu.enqueue_dma source(%dma_start3A_141 : memref<64x128xf32, #tpu.memory_space<vmem>>) target(%dma_start3A_137 : memref<64x128xf32, #tpu.memory_space<vmem_shared>>) target_semaphore(%run_scoped3A_129 : memref<!tpu.dma_semaphore, #tpu.memory_space<semaphore_mem>>)
      %dma_wait3A_142 = arith.constant 0 : i32
      %dma_wait3A_143 = arith.constant 0 : i32
      %dma_wait3A_144 = tpu.memref_slice %arg9[%run_scoped3A_59, %dma_wait3A_142, %dma_wait3A_143] : memref<5x64x128xf32, #tpu.memory_space<vmem>> -> memref<1x64x128xf32, #tpu.memory_space<vmem>>
      %dma_wait3A_145 = tpu.memref_squeeze %dma_wait3A_144 : memref<1x64x128xf32, #tpu.memory_space<vmem>> -> memref<64x128xf32, #tpu.memory_space<vmem>>
      %dma_wait3A_146 = arith.constant 0 : i32
      %dma_wait3A_147 = tpu.memref_slice %arg6[%add3A_58, %dma_wait3A_146] : memref<10240x128xf32, #tpu.memory_space<vmem_shared>> -> memref<64x128xf32, #tpu.memory_space<vmem_shared>>
      %dma_wait3A_148 = arith.constant 0 : i32
      %dma_wait3A_149 = tpu.memref_slice %arg6[%add3A_58, %dma_wait3A_148] : memref<10240x128xf32, #tpu.memory_space<vmem_shared>> -> memref<64x128xf32, #tpu.memory_space<vmem_shared>>
      %dma_wait3A_150 = arith.constant 0 : i32
      %dma_wait3A_151 = arith.constant 0 : i32
      %dma_wait3A_152 = tpu.memref_slice %arg9[%run_scoped3A_59, %dma_wait3A_150, %dma_wait3A_151] : memref<5x64x128xf32, #tpu.memory_space<vmem>> -> memref<1x64x128xf32, #tpu.memory_space<vmem>>
      %dma_wait3A_153 = tpu.memref_squeeze %dma_wait3A_152 : memref<1x64x128xf32, #tpu.memory_space<vmem>> -> memref<64x128xf32, #tpu.memory_space<vmem>>
      tpu.wait_dma2 semaphore(%run_scoped3A_129 : memref<!tpu.dma_semaphore, #tpu.memory_space<semaphore_mem>>) src(%dma_wait3A_153 : memref<64x128xf32, #tpu.memory_space<vmem>>) dst(%dma_wait3A_149 : memref<64x128xf32, #tpu.memory_space<vmem_shared>>)
      tpu.yield
    }) : () -> ()
    %mul3A_60 = arith.constant 640 : i32
    %mul3A_61 = arith.muli %arg1, %mul3A_60 : i32
    %add3A_62 = arith.constant 256 : i32
    %add3A_63 = arith.addi %mul3A_61, %add3A_62 : i32
    %run_scoped3A_64 = arith.constant 0 : i32
    "tpu.region"() ({
      %run_scoped3A_129 = tpu.sem_alloc : memref<!tpu.dma_semaphore, #tpu.memory_space<semaphore_mem>>
      %dma_start3A_130 = arith.constant 0 : i32
      %dma_start3A_131 = arith.constant 0 : i32
      %dma_start3A_132 = tpu.memref_slice %arg9[%run_scoped3A_64, %dma_start3A_130, %dma_start3A_131] : memref<5x64x128xf32, #tpu.memory_space<vmem>> -> memref<1x64x128xf32, #tpu.memory_space<vmem>>
      %dma_start3A_133 = tpu.memref_squeeze %dma_start3A_132 : memref<1x64x128xf32, #tpu.memory_space<vmem>> -> memref<64x128xf32, #tpu.memory_space<vmem>>
      %dma_start3A_134 = arith.constant 0 : i32
      %dma_start3A_135 = tpu.memref_slice %arg6[%add3A_63, %dma_start3A_134] : memref<10240x128xf32, #tpu.memory_space<vmem_shared>> -> memref<64x128xf32, #tpu.memory_space<vmem_shared>>
      %dma_start3A_136 = arith.constant 0 : i32
      %dma_start3A_137 = tpu.memref_slice %arg6[%add3A_63, %dma_start3A_136] : memref<10240x128xf32, #tpu.memory_space<vmem_shared>> -> memref<64x128xf32, #tpu.memory_space<vmem_shared>>
      %dma_start3A_138 = arith.constant 0 : i32
      %dma_start3A_139 = arith.constant 0 : i32
      %dma_start3A_140 = tpu.memref_slice %arg9[%run_scoped3A_64, %dma_start3A_138, %dma_start3A_139] : memref<5x64x128xf32, #tpu.memory_space<vmem>> -> memref<1x64x128xf32, #tpu.memory_space<vmem>>
      %dma_start3A_141 = tpu.memref_squeeze %dma_start3A_140 : memref<1x64x128xf32, #tpu.memory_space<vmem>> -> memref<64x128xf32, #tpu.memory_space<vmem>>
      tpu.enqueue_dma source(%dma_start3A_141 : memref<64x128xf32, #tpu.memory_space<vmem>>) target(%dma_start3A_137 : memref<64x128xf32, #tpu.memory_space<vmem_shared>>) target_semaphore(%run_scoped3A_129 : memref<!tpu.dma_semaphore, #tpu.memory_space<semaphore_mem>>)
      %dma_wait3A_142 = arith.constant 0 : i32
      %dma_wait3A_143 = arith.constant 0 : i32
      %dma_wait3A_144 = tpu.memref_slice %arg9[%run_scoped3A_64, %dma_wait3A_142, %dma_wait3A_143] : memref<5x64x128xf32, #tpu.memory_space<vmem>> -> memref<1x64x128xf32, #tpu.memory_space<vmem>>
      %dma_wait3A_145 = tpu.memref_squeeze %dma_wait3A_144 : memref<1x64x128xf32, #tpu.memory_space<vmem>> -> memref<64x128xf32, #tpu.memory_space<vmem>>
      %dma_wait3A_146 = arith.constant 0 : i32
      %dma_wait3A_147 = tpu.memref_slice %arg6[%add3A_63, %dma_wait3A_146] : memref<10240x128xf32, #tpu.memory_space<vmem_shared>> -> memref<64x128xf32, #tpu.memory_space<vmem_shared>>
      %dma_wait3A_148 = arith.constant 0 : i32
      %dma_wait3A_149 = tpu.memref_slice %arg6[%add3A_63, %dma_wait3A_148] : memref<10240x128xf32, #tpu.memory_space<vmem_shared>> -> memref<64x128xf32, #tpu.memory_space<vmem_shared>>
      %dma_wait3A_150 = arith.constant 0 : i32
      %dma_wait3A_151 = arith.constant 0 : i32
      %dma_wait3A_152 = tpu.memref_slice %arg9[%run_scoped3A_64, %dma_wait3A_150, %dma_wait3A_151] : memref<5x64x128xf32, #tpu.memory_space<vmem>> -> memref<1x64x128xf32, #tpu.memory_space<vmem>>
      %dma_wait3A_153 = tpu.memref_squeeze %dma_wait3A_152 : memref<1x64x128xf32, #tpu.memory_space<vmem>> -> memref<64x128xf32, #tpu.memory_space<vmem>>
      tpu.wait_dma2 semaphore(%run_scoped3A_129 : memref<!tpu.dma_semaphore, #tpu.memory_space<semaphore_mem>>) src(%dma_wait3A_153 : memref<64x128xf32, #tpu.memory_space<vmem>>) dst(%dma_wait3A_149 : memref<64x128xf32, #tpu.memory_space<vmem_shared>>)
      tpu.yield
    }) : () -> ()
    %mul3A_65 = arith.constant 640 : i32
    %mul3A_66 = arith.muli %arg1, %mul3A_65 : i32
    %add3A_67 = arith.constant 320 : i32
    %add3A_68 = arith.addi %mul3A_66, %add3A_67 : i32
    %run_scoped3A_69 = arith.constant 0 : i32
    "tpu.region"() ({
      %run_scoped3A_129 = tpu.sem_alloc : memref<!tpu.dma_semaphore, #tpu.memory_space<semaphore_mem>>
      %dma_start3A_130 = arith.constant 0 : i32
      %dma_start3A_131 = arith.constant 0 : i32
      %dma_start3A_132 = tpu.memref_slice %arg9[%run_scoped3A_69, %dma_start3A_130, %dma_start3A_131] : memref<5x64x128xf32, #tpu.memory_space<vmem>> -> memref<1x64x128xf32, #tpu.memory_space<vmem>>
      %dma_start3A_133 = tpu.memref_squeeze %dma_start3A_132 : memref<1x64x128xf32, #tpu.memory_space<vmem>> -> memref<64x128xf32, #tpu.memory_space<vmem>>
      %dma_start3A_134 = arith.constant 0 : i32
      %dma_start3A_135 = tpu.memref_slice %arg6[%add3A_68, %dma_start3A_134] : memref<10240x128xf32, #tpu.memory_space<vmem_shared>> -> memref<64x128xf32, #tpu.memory_space<vmem_shared>>
      %dma_start3A_136 = arith.constant 0 : i32
      %dma_start3A_137 = tpu.memref_slice %arg6[%add3A_68, %dma_start3A_136] : memref<10240x128xf32, #tpu.memory_space<vmem_shared>> -> memref<64x128xf32, #tpu.memory_space<vmem_shared>>
      %dma_start3A_138 = arith.constant 0 : i32
      %dma_start3A_139 = arith.constant 0 : i32
      %dma_start3A_140 = tpu.memref_slice %arg9[%run_scoped3A_69, %dma_start3A_138, %dma_start3A_139] : memref<5x64x128xf32, #tpu.memory_space<vmem>> -> memref<1x64x128xf32, #tpu.memory_space<vmem>>
      %dma_start3A_141 = tpu.memref_squeeze %dma_start3A_140 : memref<1x64x128xf32, #tpu.memory_space<vmem>> -> memref<64x128xf32, #tpu.memory_space<vmem>>
      tpu.enqueue_dma source(%dma_start3A_141 : memref<64x128xf32, #tpu.memory_space<vmem>>) target(%dma_start3A_137 : memref<64x128xf32, #tpu.memory_space<vmem_shared>>) target_semaphore(%run_scoped3A_129 : memref<!tpu.dma_semaphore, #tpu.memory_space<semaphore_mem>>)
      %dma_wait3A_142 = arith.constant 0 : i32
      %dma_wait3A_143 = arith.constant 0 : i32
      %dma_wait3A_144 = tpu.memref_slice %arg9[%run_scoped3A_69, %dma_wait3A_142, %dma_wait3A_143] : memref<5x64x128xf32, #tpu.memory_space<vmem>> -> memref<1x64x128xf32, #tpu.memory_space<vmem>>
      %dma_wait3A_145 = tpu.memref_squeeze %dma_wait3A_144 : memref<1x64x128xf32, #tpu.memory_space<vmem>> -> memref<64x128xf32, #tpu.memory_space<vmem>>
      %dma_wait3A_146 = arith.constant 0 : i32
      %dma_wait3A_147 = tpu.memref_slice %arg6[%add3A_68, %dma_wait3A_146] : memref<10240x128xf32, #tpu.memory_space<vmem_shared>> -> memref<64x128xf32, #tpu.memory_space<vmem_shared>>
      %dma_wait3A_148 = arith.constant 0 : i32
      %dma_wait3A_149 = tpu.memref_slice %arg6[%add3A_68, %dma_wait3A_148] : memref<10240x128xf32, #tpu.memory_space<vmem_shared>> -> memref<64x128xf32, #tpu.memory_space<vmem_shared>>
      %dma_wait3A_150 = arith.constant 0 : i32
      %dma_wait3A_151 = arith.constant 0 : i32
      %dma_wait3A_152 = tpu.memref_slice %arg9[%run_scoped3A_69, %dma_wait3A_150, %dma_wait3A_151] : memref<5x64x128xf32, #tpu.memory_space<vmem>> -> memref<1x64x128xf32, #tpu.memory_space<vmem>>
      %dma_wait3A_153 = tpu.memref_squeeze %dma_wait3A_152 : memref<1x64x128xf32, #tpu.memory_space<vmem>> -> memref<64x128xf32, #tpu.memory_space<vmem>>
      tpu.wait_dma2 semaphore(%run_scoped3A_129 : memref<!tpu.dma_semaphore, #tpu.memory_space<semaphore_mem>>) src(%dma_wait3A_153 : memref<64x128xf32, #tpu.memory_space<vmem>>) dst(%dma_wait3A_149 : memref<64x128xf32, #tpu.memory_space<vmem_shared>>)
      tpu.yield
    }) : () -> ()
    %mul3A_70 = arith.constant 640 : i32
    %mul3A_71 = arith.muli %arg1, %mul3A_70 : i32
    %add3A_72 = arith.constant 384 : i32
    %add3A_73 = arith.addi %mul3A_71, %add3A_72 : i32
    %run_scoped3A_74 = arith.constant 0 : i32
    "tpu.region"() ({
      %run_scoped3A_129 = tpu.sem_alloc : memref<!tpu.dma_semaphore, #tpu.memory_space<semaphore_mem>>
      %dma_start3A_130 = arith.constant 0 : i32
      %dma_start3A_131 = arith.constant 0 : i32
      %dma_start3A_132 = tpu.memref_slice %arg9[%run_scoped3A_74, %dma_start3A_130, %dma_start3A_131] : memref<5x64x128xf32, #tpu.memory_space<vmem>> -> memref<1x64x128xf32, #tpu.memory_space<vmem>>
      %dma_start3A_133 = tpu.memref_squeeze %dma_start3A_132 : memref<1x64x128xf32, #tpu.memory_space<vmem>> -> memref<64x128xf32, #tpu.memory_space<vmem>>
      %dma_start3A_134 = arith.constant 0 : i32
      %dma_start3A_135 = tpu.memref_slice %arg6[%add3A_73, %dma_start3A_134] : memref<10240x128xf32, #tpu.memory_space<vmem_shared>> -> memref<64x128xf32, #tpu.memory_space<vmem_shared>>
      %dma_start3A_136 = arith.constant 0 : i32
      %dma_start3A_137 = tpu.memref_slice %arg6[%add3A_73, %dma_start3A_136] : memref<10240x128xf32, #tpu.memory_space<vmem_shared>> -> memref<64x128xf32, #tpu.memory_space<vmem_shared>>
      %dma_start3A_138 = arith.constant 0 : i32
      %dma_start3A_139 = arith.constant 0 : i32
      %dma_start3A_140 = tpu.memref_slice %arg9[%run_scoped3A_74, %dma_start3A_138, %dma_start3A_139] : memref<5x64x128xf32, #tpu.memory_space<vmem>> -> memref<1x64x128xf32, #tpu.memory_space<vmem>>
      %dma_start3A_141 = tpu.memref_squeeze %dma_start3A_140 : memref<1x64x128xf32, #tpu.memory_space<vmem>> -> memref<64x128xf32, #tpu.memory_space<vmem>>
      tpu.enqueue_dma source(%dma_start3A_141 : memref<64x128xf32, #tpu.memory_space<vmem>>) target(%dma_start3A_137 : memref<64x128xf32, #tpu.memory_space<vmem_shared>>) target_semaphore(%run_scoped3A_129 : memref<!tpu.dma_semaphore, #tpu.memory_space<semaphore_mem>>)
      %dma_wait3A_142 = arith.constant 0 : i32
      %dma_wait3A_143 = arith.constant 0 : i32
      %dma_wait3A_144 = tpu.memref_slice %arg9[%run_scoped3A_74, %dma_wait3A_142, %dma_wait3A_143] : memref<5x64x128xf32, #tpu.memory_space<vmem>> -> memref<1x64x128xf32, #tpu.memory_space<vmem>>
      %dma_wait3A_145 = tpu.memref_squeeze %dma_wait3A_144 : memref<1x64x128xf32, #tpu.memory_space<vmem>> -> memref<64x128xf32, #tpu.memory_space<vmem>>
      %dma_wait3A_146 = arith.constant 0 : i32
      %dma_wait3A_147 = tpu.memref_slice %arg6[%add3A_73, %dma_wait3A_146] : memref<10240x128xf32, #tpu.memory_space<vmem_shared>> -> memref<64x128xf32, #tpu.memory_space<vmem_shared>>
      %dma_wait3A_148 = arith.constant 0 : i32
      %dma_wait3A_149 = tpu.memref_slice %arg6[%add3A_73, %dma_wait3A_148] : memref<10240x128xf32, #tpu.memory_space<vmem_shared>> -> memref<64x128xf32, #tpu.memory_space<vmem_shared>>
      %dma_wait3A_150 = arith.constant 0 : i32
      %dma_wait3A_151 = arith.constant 0 : i32
      %dma_wait3A_152 = tpu.memref_slice %arg9[%run_scoped3A_74, %dma_wait3A_150, %dma_wait3A_151] : memref<5x64x128xf32, #tpu.memory_space<vmem>> -> memref<1x64x128xf32, #tpu.memory_space<vmem>>
      %dma_wait3A_153 = tpu.memref_squeeze %dma_wait3A_152 : memref<1x64x128xf32, #tpu.memory_space<vmem>> -> memref<64x128xf32, #tpu.memory_space<vmem>>
      tpu.wait_dma2 semaphore(%run_scoped3A_129 : memref<!tpu.dma_semaphore, #tpu.memory_space<semaphore_mem>>) src(%dma_wait3A_153 : memref<64x128xf32, #tpu.memory_space<vmem>>) dst(%dma_wait3A_149 : memref<64x128xf32, #tpu.memory_space<vmem_shared>>)
      tpu.yield
    }) : () -> ()
    %mul3A_75 = arith.constant 640 : i32
    %mul3A_76 = arith.muli %arg1, %mul3A_75 : i32
    %add3A_77 = arith.constant 448 : i32
    %add3A_78 = arith.addi %mul3A_76, %add3A_77 : i32
    %run_scoped3A_79 = arith.constant 0 : i32
    "tpu.region"() ({
      %run_scoped3A_129 = tpu.sem_alloc : memref<!tpu.dma_semaphore, #tpu.memory_space<semaphore_mem>>
      %dma_start3A_130 = arith.constant 0 : i32
      %dma_start3A_131 = arith.constant 0 : i32
      %dma_start3A_132 = tpu.memref_slice %arg9[%run_scoped3A_79, %dma_start3A_130, %dma_start3A_131] : memref<5x64x128xf32, #tpu.memory_space<vmem>> -> memref<1x64x128xf32, #tpu.memory_space<vmem>>
      %dma_start3A_133 = tpu.memref_squeeze %dma_start3A_132 : memref<1x64x128xf32, #tpu.memory_space<vmem>> -> memref<64x128xf32, #tpu.memory_space<vmem>>
      %dma_start3A_134 = arith.constant 0 : i32
      %dma_start3A_135 = tpu.memref_slice %arg6[%add3A_78, %dma_start3A_134] : memref<10240x128xf32, #tpu.memory_space<vmem_shared>> -> memref<64x128xf32, #tpu.memory_space<vmem_shared>>
      %dma_start3A_136 = arith.constant 0 : i32
      %dma_start3A_137 = tpu.memref_slice %arg6[%add3A_78, %dma_start3A_136] : memref<10240x128xf32, #tpu.memory_space<vmem_shared>> -> memref<64x128xf32, #tpu.memory_space<vmem_shared>>
      %dma_start3A_138 = arith.constant 0 : i32
      %dma_start3A_139 = arith.constant 0 : i32
      %dma_start3A_140 = tpu.memref_slice %arg9[%run_scoped3A_79, %dma_start3A_138, %dma_start3A_139] : memref<5x64x128xf32, #tpu.memory_space<vmem>> -> memref<1x64x128xf32, #tpu.memory_space<vmem>>
      %dma_start3A_141 = tpu.memref_squeeze %dma_start3A_140 : memref<1x64x128xf32, #tpu.memory_space<vmem>> -> memref<64x128xf32, #tpu.memory_space<vmem>>
      tpu.enqueue_dma source(%dma_start3A_141 : memref<64x128xf32, #tpu.memory_space<vmem>>) target(%dma_start3A_137 : memref<64x128xf32, #tpu.memory_space<vmem_shared>>) target_semaphore(%run_scoped3A_129 : memref<!tpu.dma_semaphore, #tpu.memory_space<semaphore_mem>>)
      %dma_wait3A_142 = arith.constant 0 : i32
      %dma_wait3A_143 = arith.constant 0 : i32
      %dma_wait3A_144 = tpu.memref_slice %arg9[%run_scoped3A_79, %dma_wait3A_142, %dma_wait3A_143] : memref<5x64x128xf32, #tpu.memory_space<vmem>> -> memref<1x64x128xf32, #tpu.memory_space<vmem>>
      %dma_wait3A_145 = tpu.memref_squeeze %dma_wait3A_144 : memref<1x64x128xf32, #tpu.memory_space<vmem>> -> memref<64x128xf32, #tpu.memory_space<vmem>>
      %dma_wait3A_146 = arith.constant 0 : i32
      %dma_wait3A_147 = tpu.memref_slice %arg6[%add3A_78, %dma_wait3A_146] : memref<10240x128xf32, #tpu.memory_space<vmem_shared>> -> memref<64x128xf32, #tpu.memory_space<vmem_shared>>
      %dma_wait3A_148 = arith.constant 0 : i32
      %dma_wait3A_149 = tpu.memref_slice %arg6[%add3A_78, %dma_wait3A_148] : memref<10240x128xf32, #tpu.memory_space<vmem_shared>> -> memref<64x128xf32, #tpu.memory_space<vmem_shared>>
      %dma_wait3A_150 = arith.constant 0 : i32
      %dma_wait3A_151 = arith.constant 0 : i32
      %dma_wait3A_152 = tpu.memref_slice %arg9[%run_scoped3A_79, %dma_wait3A_150, %dma_wait3A_151] : memref<5x64x128xf32, #tpu.memory_space<vmem>> -> memref<1x64x128xf32, #tpu.memory_space<vmem>>
      %dma_wait3A_153 = tpu.memref_squeeze %dma_wait3A_152 : memref<1x64x128xf32, #tpu.memory_space<vmem>> -> memref<64x128xf32, #tpu.memory_space<vmem>>
      tpu.wait_dma2 semaphore(%run_scoped3A_129 : memref<!tpu.dma_semaphore, #tpu.memory_space<semaphore_mem>>) src(%dma_wait3A_153 : memref<64x128xf32, #tpu.memory_space<vmem>>) dst(%dma_wait3A_149 : memref<64x128xf32, #tpu.memory_space<vmem_shared>>)
      tpu.yield
    }) : () -> ()
    %mul3A_80 = arith.constant 640 : i32
    %mul3A_81 = arith.muli %arg1, %mul3A_80 : i32
    %add3A_82 = arith.constant 512 : i32
    %add3A_83 = arith.addi %mul3A_81, %add3A_82 : i32
    %run_scoped3A_84 = arith.constant 0 : i32
    "tpu.region"() ({
      %run_scoped3A_129 = tpu.sem_alloc : memref<!tpu.dma_semaphore, #tpu.memory_space<semaphore_mem>>
      %dma_start3A_130 = arith.constant 0 : i32
      %dma_start3A_131 = arith.constant 0 : i32
      %dma_start3A_132 = tpu.memref_slice %arg9[%run_scoped3A_84, %dma_start3A_130, %dma_start3A_131] : memref<5x64x128xf32, #tpu.memory_space<vmem>> -> memref<1x64x128xf32, #tpu.memory_space<vmem>>
      %dma_start3A_133 = tpu.memref_squeeze %dma_start3A_132 : memref<1x64x128xf32, #tpu.memory_space<vmem>> -> memref<64x128xf32, #tpu.memory_space<vmem>>
      %dma_start3A_134 = arith.constant 0 : i32
      %dma_start3A_135 = tpu.memref_slice %arg6[%add3A_83, %dma_start3A_134] : memref<10240x128xf32, #tpu.memory_space<vmem_shared>> -> memref<64x128xf32, #tpu.memory_space<vmem_shared>>
      %dma_start3A_136 = arith.constant 0 : i32
      %dma_start3A_137 = tpu.memref_slice %arg6[%add3A_83, %dma_start3A_136] : memref<10240x128xf32, #tpu.memory_space<vmem_shared>> -> memref<64x128xf32, #tpu.memory_space<vmem_shared>>
      %dma_start3A_138 = arith.constant 0 : i32
      %dma_start3A_139 = arith.constant 0 : i32
      %dma_start3A_140 = tpu.memref_slice %arg9[%run_scoped3A_84, %dma_start3A_138, %dma_start3A_139] : memref<5x64x128xf32, #tpu.memory_space<vmem>> -> memref<1x64x128xf32, #tpu.memory_space<vmem>>
      %dma_start3A_141 = tpu.memref_squeeze %dma_start3A_140 : memref<1x64x128xf32, #tpu.memory_space<vmem>> -> memref<64x128xf32, #tpu.memory_space<vmem>>
      tpu.enqueue_dma source(%dma_start3A_141 : memref<64x128xf32, #tpu.memory_space<vmem>>) target(%dma_start3A_137 : memref<64x128xf32, #tpu.memory_space<vmem_shared>>) target_semaphore(%run_scoped3A_129 : memref<!tpu.dma_semaphore, #tpu.memory_space<semaphore_mem>>)
      %dma_wait3A_142 = arith.constant 0 : i32
      %dma_wait3A_143 = arith.constant 0 : i32
      %dma_wait3A_144 = tpu.memref_slice %arg9[%run_scoped3A_84, %dma_wait3A_142, %dma_wait3A_143] : memref<5x64x128xf32, #tpu.memory_space<vmem>> -> memref<1x64x128xf32, #tpu.memory_space<vmem>>
      %dma_wait3A_145 = tpu.memref_squeeze %dma_wait3A_144 : memref<1x64x128xf32, #tpu.memory_space<vmem>> -> memref<64x128xf32, #tpu.memory_space<vmem>>
      %dma_wait3A_146 = arith.constant 0 : i32
      %dma_wait3A_147 = tpu.memref_slice %arg6[%add3A_83, %dma_wait3A_146] : memref<10240x128xf32, #tpu.memory_space<vmem_shared>> -> memref<64x128xf32, #tpu.memory_space<vmem_shared>>
      %dma_wait3A_148 = arith.constant 0 : i32
      %dma_wait3A_149 = tpu.memref_slice %arg6[%add3A_83, %dma_wait3A_148] : memref<10240x128xf32, #tpu.memory_space<vmem_shared>> -> memref<64x128xf32, #tpu.memory_space<vmem_shared>>
      %dma_wait3A_150 = arith.constant 0 : i32
      %dma_wait3A_151 = arith.constant 0 : i32
      %dma_wait3A_152 = tpu.memref_slice %arg9[%run_scoped3A_84, %dma_wait3A_150, %dma_wait3A_151] : memref<5x64x128xf32, #tpu.memory_space<vmem>> -> memref<1x64x128xf32, #tpu.memory_space<vmem>>
      %dma_wait3A_153 = tpu.memref_squeeze %dma_wait3A_152 : memref<1x64x128xf32, #tpu.memory_space<vmem>> -> memref<64x128xf32, #tpu.memory_space<vmem>>
      tpu.wait_dma2 semaphore(%run_scoped3A_129 : memref<!tpu.dma_semaphore, #tpu.memory_space<semaphore_mem>>) src(%dma_wait3A_153 : memref<64x128xf32, #tpu.memory_space<vmem>>) dst(%dma_wait3A_149 : memref<64x128xf32, #tpu.memory_space<vmem_shared>>)
      tpu.yield
    }) : () -> ()
    %mul3A_85 = arith.constant 640 : i32
    %mul3A_86 = arith.muli %arg1, %mul3A_85 : i32
    %add3A_87 = arith.constant 576 : i32
    %add3A_88 = arith.addi %mul3A_86, %add3A_87 : i32
    %run_scoped3A_89 = arith.constant 0 : i32
    "tpu.region"() ({
      %run_scoped3A_129 = tpu.sem_alloc : memref<!tpu.dma_semaphore, #tpu.memory_space<semaphore_mem>>
      %dma_start3A_130 = arith.constant 0 : i32
      %dma_start3A_131 = arith.constant 0 : i32
      %dma_start3A_132 = tpu.memref_slice %arg9[%run_scoped3A_89, %dma_start3A_130, %dma_start3A_131] : memref<5x64x128xf32, #tpu.memory_space<vmem>> -> memref<1x64x128xf32, #tpu.memory_space<vmem>>
      %dma_start3A_133 = tpu.memref_squeeze %dma_start3A_132 : memref<1x64x128xf32, #tpu.memory_space<vmem>> -> memref<64x128xf32, #tpu.memory_space<vmem>>
      %dma_start3A_134 = arith.constant 0 : i32
      %dma_start3A_135 = tpu.memref_slice %arg6[%add3A_88, %dma_start3A_134] : memref<10240x128xf32, #tpu.memory_space<vmem_shared>> -> memref<64x128xf32, #tpu.memory_space<vmem_shared>>
      %dma_start3A_136 = arith.constant 0 : i32
      %dma_start3A_137 = tpu.memref_slice %arg6[%add3A_88, %dma_start3A_136] : memref<10240x128xf32, #tpu.memory_space<vmem_shared>> -> memref<64x128xf32, #tpu.memory_space<vmem_shared>>
      %dma_start3A_138 = arith.constant 0 : i32
      %dma_start3A_139 = arith.constant 0 : i32
      %dma_start3A_140 = tpu.memref_slice %arg9[%run_scoped3A_89, %dma_start3A_138, %dma_start3A_139] : memref<5x64x128xf32, #tpu.memory_space<vmem>> -> memref<1x64x128xf32, #tpu.memory_space<vmem>>
      %dma_start3A_141 = tpu.memref_squeeze %dma_start3A_140 : memref<1x64x128xf32, #tpu.memory_space<vmem>> -> memref<64x128xf32, #tpu.memory_space<vmem>>
      tpu.enqueue_dma source(%dma_start3A_141 : memref<64x128xf32, #tpu.memory_space<vmem>>) target(%dma_start3A_137 : memref<64x128xf32, #tpu.memory_space<vmem_shared>>) target_semaphore(%run_scoped3A_129 : memref<!tpu.dma_semaphore, #tpu.memory_space<semaphore_mem>>)
      %dma_wait3A_142 = arith.constant 0 : i32
      %dma_wait3A_143 = arith.constant 0 : i32
      %dma_wait3A_144 = tpu.memref_slice %arg9[%run_scoped3A_89, %dma_wait3A_142, %dma_wait3A_143] : memref<5x64x128xf32, #tpu.memory_space<vmem>> -> memref<1x64x128xf32, #tpu.memory_space<vmem>>
      %dma_wait3A_145 = tpu.memref_squeeze %dma_wait3A_144 : memref<1x64x128xf32, #tpu.memory_space<vmem>> -> memref<64x128xf32, #tpu.memory_space<vmem>>
      %dma_wait3A_146 = arith.constant 0 : i32
      %dma_wait3A_147 = tpu.memref_slice %arg6[%add3A_88, %dma_wait3A_146] : memref<10240x128xf32, #tpu.memory_space<vmem_shared>> -> memref<64x128xf32, #tpu.memory_space<vmem_shared>>
      %dma_wait3A_148 = arith.constant 0 : i32
      %dma_wait3A_149 = tpu.memref_slice %arg6[%add3A_88, %dma_wait3A_148] : memref<10240x128xf32, #tpu.memory_space<vmem_shared>> -> memref<64x128xf32, #tpu.memory_space<vmem_shared>>
      %dma_wait3A_150 = arith.constant 0 : i32
      %dma_wait3A_151 = arith.constant 0 : i32
      %dma_wait3A_152 = tpu.memref_slice %arg9[%run_scoped3A_89, %dma_wait3A_150, %dma_wait3A_151] : memref<5x64x128xf32, #tpu.memory_space<vmem>> -> memref<1x64x128xf32, #tpu.memory_space<vmem>>
      %dma_wait3A_153 = tpu.memref_squeeze %dma_wait3A_152 : memref<1x64x128xf32, #tpu.memory_space<vmem>> -> memref<64x128xf32, #tpu.memory_space<vmem>>
      tpu.wait_dma2 semaphore(%run_scoped3A_129 : memref<!tpu.dma_semaphore, #tpu.memory_space<semaphore_mem>>) src(%dma_wait3A_153 : memref<64x128xf32, #tpu.memory_space<vmem>>) dst(%dma_wait3A_149 : memref<64x128xf32, #tpu.memory_space<vmem_shared>>)
      tpu.yield
    }) : () -> ()
    %dma_wait3A = arith.constant 0 : i32
    %dma_wait3A_90 = arith.constant 0 : i32
    %dma_wait3A_91 = arith.constant 0 : i32
    %dma_wait3A_92 = tpu.memref_slice %arg7[%dma_wait3A, %dma_wait3A_90, %dma_wait3A_91] : memref<2x16x64xi32, #tpu.memory_space<vmem>> -> memref<1x16x64xi32, #tpu.memory_space<vmem>>
    %dma_wait3A_93 = tpu.memref_squeeze %dma_wait3A_92 : memref<1x16x64xi32, #tpu.memory_space<vmem>> -> memref<16x64xi32, #tpu.memory_space<vmem>>
    %dma_wait3A_94 = arith.constant 0 : i32
    %dma_wait3A_95 = tpu.memref_slice %arg2[%min3A_9, %dma_wait3A_94] : memref<5120x64xi32, #tpu.memory_space<hbm>> -> memref<16x64xi32, #tpu.memory_space<hbm>>
    %dma_wait3A_96 = arith.constant 0 : i32
    %dma_wait3A_97 = arith.constant 0 : i32
    %dma_wait3A_98 = tpu.memref_slice %arg7[%dma_wait3A, %dma_wait3A_96, %dma_wait3A_97] : memref<2x16x64xi32, #tpu.memory_space<vmem>> -> memref<1x16x64xi32, #tpu.memory_space<vmem>>
    %dma_wait3A_99 = tpu.memref_squeeze %dma_wait3A_98 : memref<1x16x64xi32, #tpu.memory_space<vmem>> -> memref<16x64xi32, #tpu.memory_space<vmem>>
    %dma_wait3A_100 = arith.constant 0 : i32
    %dma_wait3A_101 = tpu.memref_slice %arg2[%min3A_9, %dma_wait3A_100] : memref<5120x64xi32, #tpu.memory_space<hbm>> -> memref<16x64xi32, #tpu.memory_space<hbm>>
    tpu.wait_dma2 semaphore(%arg12 : memref<!tpu.dma_semaphore, #tpu.memory_space<semaphore_mem>>) src(%dma_wait3A_101 : memref<16x64xi32, #tpu.memory_space<hbm>>) dst(%dma_wait3A_99 : memref<16x64xi32, #tpu.memory_space<vmem>>)
    %dma_wait3A_102 = arith.constant 0 : i32
    %dma_wait3A_103 = arith.constant 0 : i32
    %dma_wait3A_104 = arith.constant 0 : i32
    %dma_wait3A_105 = tpu.memref_slice %arg8[%dma_wait3A_102, %dma_wait3A_103, %dma_wait3A_104] : memref<2x16x64xi32, #tpu.memory_space<vmem>> -> memref<1x16x64xi32, #tpu.memory_space<vmem>>
    %dma_wait3A_106 = tpu.memref_squeeze %dma_wait3A_105 : memref<1x16x64xi32, #tpu.memory_space<vmem>> -> memref<16x64xi32, #tpu.memory_space<vmem>>
    %dma_wait3A_107 = arith.constant 0 : i32
    %dma_wait3A_108 = tpu.memref_slice %arg3[%min3A_9, %dma_wait3A_107] : memref<5120x64xi32, #tpu.memory_space<hbm>> -> memref<16x64xi32, #tpu.memory_space<hbm>>
    %dma_wait3A_109 = arith.constant 0 : i32
    %dma_wait3A_110 = arith.constant 0 : i32
    %dma_wait3A_111 = tpu.memref_slice %arg8[%dma_wait3A_102, %dma_wait3A_109, %dma_wait3A_110] : memref<2x16x64xi32, #tpu.memory_space<vmem>> -> memref<1x16x64xi32, #tpu.memory_space<vmem>>
    %dma_wait3A_112 = tpu.memref_squeeze %dma_wait3A_111 : memref<1x16x64xi32, #tpu.memory_space<vmem>> -> memref<16x64xi32, #tpu.memory_space<vmem>>
    %dma_wait3A_113 = arith.constant 0 : i32
    %dma_wait3A_114 = tpu.memref_slice %arg3[%min3A_9, %dma_wait3A_113] : memref<5120x64xi32, #tpu.memory_space<hbm>> -> memref<16x64xi32, #tpu.memory_space<hbm>>
    tpu.wait_dma2 semaphore(%arg10 : memref<!tpu.dma_semaphore, #tpu.memory_space<semaphore_mem>>) src(%dma_wait3A_114 : memref<16x64xi32, #tpu.memory_space<hbm>>) dst(%dma_wait3A_112 : memref<16x64xi32, #tpu.memory_space<vmem>>)
    %barrier3A = arith.constant 0 : index
    tpu.barrier barrier_id(%barrier3A)
    %while3A = arith.constant 0 : i32
    %while3A_115 = arith.constant 0 : i32
    %while3A_116 = arith.subi %select_n3A_8, %while3A_115 : i32
    %while3A_117 = arith.addi %while3A_115, %while3A_116 : i32
    %while3A_118 = arith.constant 1 : i32
    %while3A_119 = arith.divsi %while3A_116, %while3A_118 : i32
    %while3A_120 = arith.muli %while3A_119, %while3A_118 : i32
    %while3A_121 = arith.addi %while3A_115, %while3A_120 : i32
    %while3A_122 = arith.constant 1 : i32
    scf.for %while3A_129 = %while3A_115 to %while3A_121 step %while3A_122  : i32 {
      %rem3A = arith.constant 2 : i32
      %rem3A_130 = arith.remsi %while3A_129, %rem3A : i32
      %add3A_131 = arith.constant 1 : i32
      %add3A_132 = arith.addi %while3A_129, %add3A_131 : i32
      %rem3A_133 = arith.constant 2 : i32
      %rem3A_134 = arith.remsi %add3A_132, %rem3A_133 : i32
      %add3A_135 = arith.constant 1 : i32
      %add3A_136 = arith.addi %while3A_129, %add3A_135 : i32
      %sub3A = arith.constant 1 : i32
      %sub3A_137 = arith.subi %select_n3A_8, %sub3A : i32
      %min3A_138 = arith.minsi %add3A_136, %sub3A_137 : i32
      %mul3A_139 = arith.constant 16 : i32
      %mul3A_140 = arith.muli %min3A_138, %mul3A_139 : i32
      %add3A_141 = arith.addi %select_n3A, %mul3A_140 : i32
      %dma_start3A_142 = arith.constant 0 : i32
      %dma_start3A_143 = arith.constant 0 : i32
      %dma_start3A_144 = tpu.memref_slice %arg7[%rem3A_134, %dma_start3A_142, %dma_start3A_143] : memref<2x16x64xi32, #tpu.memory_space<vmem>> -> memref<1x16x64xi32, #tpu.memory_space<vmem>>
      %dma_start3A_145 = tpu.memref_squeeze %dma_start3A_144 : memref<1x16x64xi32, #tpu.memory_space<vmem>> -> memref<16x64xi32, #tpu.memory_space<vmem>>
      %dma_start3A_146 = arith.constant 0 : i32
      %dma_start3A_147 = tpu.memref_slice %arg2[%add3A_141, %dma_start3A_146] : memref<5120x64xi32, #tpu.memory_space<hbm>> -> memref<16x64xi32, #tpu.memory_space<hbm>>
      %dma_start3A_148 = arith.constant 0 : i32
      %dma_start3A_149 = arith.constant 0 : i32
      %dma_start3A_150 = tpu.memref_slice %arg7[%rem3A_134, %dma_start3A_148, %dma_start3A_149] : memref<2x16x64xi32, #tpu.memory_space<vmem>> -> memref<1x16x64xi32, #tpu.memory_space<vmem>>
      %dma_start3A_151 = tpu.memref_squeeze %dma_start3A_150 : memref<1x16x64xi32, #tpu.memory_space<vmem>> -> memref<16x64xi32, #tpu.memory_space<vmem>>
      %dma_start3A_152 = arith.constant 0 : i32
      %dma_start3A_153 = tpu.memref_slice %arg2[%add3A_141, %dma_start3A_152] : memref<5120x64xi32, #tpu.memory_space<hbm>> -> memref<16x64xi32, #tpu.memory_space<hbm>>
      tpu.enqueue_dma source(%dma_start3A_153 : memref<16x64xi32, #tpu.memory_space<hbm>>) target(%dma_start3A_151 : memref<16x64xi32, #tpu.memory_space<vmem>>) target_semaphore(%arg11 : memref<!tpu.dma_semaphore, #tpu.memory_space<semaphore_mem>>)
      %mul3A_154 = arith.constant 16 : i32
      %mul3A_155 = arith.muli %min3A_138, %mul3A_154 : i32
      %add3A_156 = arith.addi %select_n3A, %mul3A_155 : i32
      %dma_start3A_157 = arith.constant 0 : i32
      %dma_start3A_158 = arith.constant 0 : i32
      %dma_start3A_159 = tpu.memref_slice %arg8[%rem3A_134, %dma_start3A_157, %dma_start3A_158] : memref<2x16x64xi32, #tpu.memory_space<vmem>> -> memref<1x16x64xi32, #tpu.memory_space<vmem>>
      %dma_start3A_160 = tpu.memref_squeeze %dma_start3A_159 : memref<1x16x64xi32, #tpu.memory_space<vmem>> -> memref<16x64xi32, #tpu.memory_space<vmem>>
      %dma_start3A_161 = arith.constant 0 : i32
      %dma_start3A_162 = tpu.memref_slice %arg3[%add3A_156, %dma_start3A_161] : memref<5120x64xi32, #tpu.memory_space<hbm>> -> memref<16x64xi32, #tpu.memory_space<hbm>>
      %dma_start3A_163 = arith.constant 0 : i32
      %dma_start3A_164 = arith.constant 0 : i32
      %dma_start3A_165 = tpu.memref_slice %arg8[%rem3A_134, %dma_start3A_163, %dma_start3A_164] : memref<2x16x64xi32, #tpu.memory_space<vmem>> -> memref<1x16x64xi32, #tpu.memory_space<vmem>>
      %dma_start3A_166 = tpu.memref_squeeze %dma_start3A_165 : memref<1x16x64xi32, #tpu.memory_space<vmem>> -> memref<16x64xi32, #tpu.memory_space<vmem>>
      %dma_start3A_167 = arith.constant 0 : i32
      %dma_start3A_168 = tpu.memref_slice %arg3[%add3A_156, %dma_start3A_167] : memref<5120x64xi32, #tpu.memory_space<hbm>> -> memref<16x64xi32, #tpu.memory_space<hbm>>
      tpu.enqueue_dma source(%dma_start3A_168 : memref<16x64xi32, #tpu.memory_space<hbm>>) target(%dma_start3A_166 : memref<16x64xi32, #tpu.memory_space<vmem>>) target_semaphore(%arg11 : memref<!tpu.dma_semaphore, #tpu.memory_space<semaphore_mem>>)
      %dma_start3A_169 = arith.constant 0 : i32
      %dma_start3A_170 = arith.constant 0 : i32
      %dma_start3A_171 = arith.constant 0 : i32
      %dma_start3A_172 = arith.constant 0 : i32
      %dma_start3A_173 = tpu.memref_slice %arg9[%dma_start3A_170, %dma_start3A_171, %dma_start3A_172] : memref<5x64x128xf32, #tpu.memory_space<vmem>> -> memref<1x64x128xf32, #tpu.memory_space<vmem>>
      %dma_start3A_174 = tpu.memref_squeeze %dma_start3A_173 : memref<1x64x128xf32, #tpu.memory_space<vmem>> -> memref<64x128xf32, #tpu.memory_space<vmem>>
      %dma_start3A_175 = arith.constant 0 : i32
      %dma_start3A_176 = tpu.memref_slice %arg7[%rem3A_130, %dma_start3A_169, %dma_start3A_175] : memref<2x16x64xi32, #tpu.memory_space<vmem>> -> memref<1x1x64xi32, #tpu.memory_space<vmem>>
      %dma_start3A_177 = tpu.memref_squeeze %dma_start3A_176 : memref<1x1x64xi32, #tpu.memory_space<vmem>> -> memref<64xi32, #tpu.memory_space<vmem>>
      %dma_start3A_178 = arith.constant 0 : i32
      %dma_start3A_179 = arith.constant 0 : i32
      %dma_start3A_180 = tpu.memref_slice %arg4[%dma_start3A_178, %dma_start3A_179] : memref<10240x128xf32, #tpu.memory_space<hbm>> -> memref<10240x128xf32, #tpu.memory_space<hbm>>
      tpu.enqueue_indirect_dma source(%dma_start3A_180 : memref<10240x128xf32, #tpu.memory_space<hbm>>) target(%dma_start3A_174 : memref<64x128xf32, #tpu.memory_space<vmem>>) offsets(%dma_start3A_177 : memref<64xi32, #tpu.memory_space<vmem>>) semaphore(%arg12 : memref<!tpu.dma_semaphore, #tpu.memory_space<semaphore_mem>>)
      %dma_start3A_181 = arith.constant 1 : i32
      %dma_start3A_182 = arith.constant 1 : i32
      %dma_start3A_183 = arith.constant 0 : i32
      %dma_start3A_184 = arith.constant 0 : i32
      %dma_start3A_185 = tpu.memref_slice %arg9[%dma_start3A_182, %dma_start3A_183, %dma_start3A_184] : memref<5x64x128xf32, #tpu.memory_space<vmem>> -> memref<1x64x128xf32, #tpu.memory_space<vmem>>
      %dma_start3A_186 = tpu.memref_squeeze %dma_start3A_185 : memref<1x64x128xf32, #tpu.memory_space<vmem>> -> memref<64x128xf32, #tpu.memory_space<vmem>>
      %dma_start3A_187 = arith.constant 0 : i32
      %dma_start3A_188 = tpu.memref_slice %arg7[%rem3A_130, %dma_start3A_181, %dma_start3A_187] : memref<2x16x64xi32, #tpu.memory_space<vmem>> -> memref<1x1x64xi32, #tpu.memory_space<vmem>>
      %dma_start3A_189 = tpu.memref_squeeze %dma_start3A_188 : memref<1x1x64xi32, #tpu.memory_space<vmem>> -> memref<64xi32, #tpu.memory_space<vmem>>
      %dma_start3A_190 = arith.constant 0 : i32
      %dma_start3A_191 = arith.constant 0 : i32
      %dma_start3A_192 = tpu.memref_slice %arg4[%dma_start3A_190, %dma_start3A_191] : memref<10240x128xf32, #tpu.memory_space<hbm>> -> memref<10240x128xf32, #tpu.memory_space<hbm>>
      tpu.enqueue_indirect_dma source(%dma_start3A_192 : memref<10240x128xf32, #tpu.memory_space<hbm>>) target(%dma_start3A_186 : memref<64x128xf32, #tpu.memory_space<vmem>>) offsets(%dma_start3A_189 : memref<64xi32, #tpu.memory_space<vmem>>) semaphore(%arg13 : memref<!tpu.dma_semaphore, #tpu.memory_space<semaphore_mem>>)
      %dma_start3A_193 = arith.constant 2 : i32
      %dma_start3A_194 = arith.constant 2 : i32
      %dma_start3A_195 = arith.constant 0 : i32
      %dma_start3A_196 = arith.constant 0 : i32
      %dma_start3A_197 = tpu.memref_slice %arg9[%dma_start3A_194, %dma_start3A_195, %dma_start3A_196] : memref<5x64x128xf32, #tpu.memory_space<vmem>> -> memref<1x64x128xf32, #tpu.memory_space<vmem>>
      %dma_start3A_198 = tpu.memref_squeeze %dma_start3A_197 : memref<1x64x128xf32, #tpu.memory_space<vmem>> -> memref<64x128xf32, #tpu.memory_space<vmem>>
      %dma_start3A_199 = arith.constant 0 : i32
      %dma_start3A_200 = tpu.memref_slice %arg7[%rem3A_130, %dma_start3A_193, %dma_start3A_199] : memref<2x16x64xi32, #tpu.memory_space<vmem>> -> memref<1x1x64xi32, #tpu.memory_space<vmem>>
      %dma_start3A_201 = tpu.memref_squeeze %dma_start3A_200 : memref<1x1x64xi32, #tpu.memory_space<vmem>> -> memref<64xi32, #tpu.memory_space<vmem>>
      %dma_start3A_202 = arith.constant 0 : i32
      %dma_start3A_203 = arith.constant 0 : i32
      %dma_start3A_204 = tpu.memref_slice %arg4[%dma_start3A_202, %dma_start3A_203] : memref<10240x128xf32, #tpu.memory_space<hbm>> -> memref<10240x128xf32, #tpu.memory_space<hbm>>
      tpu.enqueue_indirect_dma source(%dma_start3A_204 : memref<10240x128xf32, #tpu.memory_space<hbm>>) target(%dma_start3A_198 : memref<64x128xf32, #tpu.memory_space<vmem>>) offsets(%dma_start3A_201 : memref<64xi32, #tpu.memory_space<vmem>>) semaphore(%arg14 : memref<!tpu.dma_semaphore, #tpu.memory_space<semaphore_mem>>)
      %dma_start3A_205 = arith.constant 3 : i32
      %dma_start3A_206 = arith.constant 3 : i32
      %dma_start3A_207 = arith.constant 0 : i32
      %dma_start3A_208 = arith.constant 0 : i32
      %dma_start3A_209 = tpu.memref_slice %arg9[%dma_start3A_206, %dma_start3A_207, %dma_start3A_208] : memref<5x64x128xf32, #tpu.memory_space<vmem>> -> memref<1x64x128xf32, #tpu.memory_space<vmem>>
      %dma_start3A_210 = tpu.memref_squeeze %dma_start3A_209 : memref<1x64x128xf32, #tpu.memory_space<vmem>> -> memref<64x128xf32, #tpu.memory_space<vmem>>
      %dma_start3A_211 = arith.constant 0 : i32
      %dma_start3A_212 = tpu.memref_slice %arg7[%rem3A_130, %dma_start3A_205, %dma_start3A_211] : memref<2x16x64xi32, #tpu.memory_space<vmem>> -> memref<1x1x64xi32, #tpu.memory_space<vmem>>
      %dma_start3A_213 = tpu.memref_squeeze %dma_start3A_212 : memref<1x1x64xi32, #tpu.memory_space<vmem>> -> memref<64xi32, #tpu.memory_space<vmem>>
      %dma_start3A_214 = arith.constant 0 : i32
      %dma_start3A_215 = arith.constant 0 : i32
      %dma_start3A_216 = tpu.memref_slice %arg4[%dma_start3A_214, %dma_start3A_215] : memref<10240x128xf32, #tpu.memory_space<hbm>> -> memref<10240x128xf32, #tpu.memory_space<hbm>>
      tpu.enqueue_indirect_dma source(%dma_start3A_216 : memref<10240x128xf32, #tpu.memory_space<hbm>>) target(%dma_start3A_210 : memref<64x128xf32, #tpu.memory_space<vmem>>) offsets(%dma_start3A_213 : memref<64xi32, #tpu.memory_space<vmem>>) semaphore(%arg15 : memref<!tpu.dma_semaphore, #tpu.memory_space<semaphore_mem>>)
      %dma_wait3A_217 = arith.constant 0 : i32
      %dma_wait3A_218 = arith.constant 0 : i32
      %dma_wait3A_219 = arith.constant 0 : i32
      %dma_wait3A_220 = arith.constant 0 : i32
      %dma_wait3A_221 = tpu.memref_slice %arg9[%dma_wait3A_218, %dma_wait3A_219, %dma_wait3A_220] : memref<5x64x128xf32, #tpu.memory_space<vmem>> -> memref<1x64x128xf32, #tpu.memory_space<vmem>>
      %dma_wait3A_222 = tpu.memref_squeeze %dma_wait3A_221 : memref<1x64x128xf32, #tpu.memory_space<vmem>> -> memref<64x128xf32, #tpu.memory_space<vmem>>
      %dma_wait3A_223 = arith.constant 0 : i32
      %dma_wait3A_224 = tpu.memref_slice %arg7[%rem3A_130, %dma_wait3A_217, %dma_wait3A_223] : memref<2x16x64xi32, #tpu.memory_space<vmem>> -> memref<1x1x64xi32, #tpu.memory_space<vmem>>
      %dma_wait3A_225 = tpu.memref_squeeze %dma_wait3A_224 : memref<1x1x64xi32, #tpu.memory_space<vmem>> -> memref<64xi32, #tpu.memory_space<vmem>>
      %dma_wait3A_226 = arith.constant 0 : i32
      %dma_wait3A_227 = arith.constant 0 : i32
      %dma_wait3A_228 = tpu.memref_slice %arg4[%dma_wait3A_226, %dma_wait3A_227] : memref<10240x128xf32, #tpu.memory_space<hbm>> -> memref<10240x128xf32, #tpu.memory_space<hbm>>
      tpu.wait_indirect_dma semaphore(%arg12 : memref<!tpu.dma_semaphore, #tpu.memory_space<semaphore_mem>>) src(%dma_wait3A_228 : memref<10240x128xf32, #tpu.memory_space<hbm>>) dst(%dma_wait3A_222 : memref<64x128xf32, #tpu.memory_space<vmem>>)
      %dma_start3A_229 = arith.constant 4 : i32
      %dma_start3A_230 = arith.constant 4 : i32
      %dma_start3A_231 = arith.constant 0 : i32
      %dma_start3A_232 = arith.constant 0 : i32
      %dma_start3A_233 = tpu.memref_slice %arg9[%dma_start3A_230, %dma_start3A_231, %dma_start3A_232] : memref<5x64x128xf32, #tpu.memory_space<vmem>> -> memref<1x64x128xf32, #tpu.memory_space<vmem>>
      %dma_start3A_234 = tpu.memref_squeeze %dma_start3A_233 : memref<1x64x128xf32, #tpu.memory_space<vmem>> -> memref<64x128xf32, #tpu.memory_space<vmem>>
      %dma_start3A_235 = arith.constant 0 : i32
      %dma_start3A_236 = tpu.memref_slice %arg7[%rem3A_130, %dma_start3A_229, %dma_start3A_235] : memref<2x16x64xi32, #tpu.memory_space<vmem>> -> memref<1x1x64xi32, #tpu.memory_space<vmem>>
      %dma_start3A_237 = tpu.memref_squeeze %dma_start3A_236 : memref<1x1x64xi32, #tpu.memory_space<vmem>> -> memref<64xi32, #tpu.memory_space<vmem>>
      %dma_start3A_238 = arith.constant 0 : i32
      %dma_start3A_239 = arith.constant 0 : i32
      %dma_start3A_240 = tpu.memref_slice %arg4[%dma_start3A_238, %dma_start3A_239] : memref<10240x128xf32, #tpu.memory_space<hbm>> -> memref<10240x128xf32, #tpu.memory_space<hbm>>
      tpu.enqueue_indirect_dma source(%dma_start3A_240 : memref<10240x128xf32, #tpu.memory_space<hbm>>) target(%dma_start3A_234 : memref<64x128xf32, #tpu.memory_space<vmem>>) offsets(%dma_start3A_237 : memref<64xi32, #tpu.memory_space<vmem>>) semaphore(%arg16 : memref<!tpu.dma_semaphore, #tpu.memory_space<semaphore_mem>>)
      %dma_start3A_241 = arith.constant 0 : i32
      %dma_start3A_242 = arith.constant 0 : i32
      %dma_start3A_243 = arith.constant 0 : i32
      %dma_start3A_244 = arith.constant 0 : i32
      %dma_start3A_245 = tpu.memref_slice %arg9[%dma_start3A_241, %dma_start3A_243, %dma_start3A_244] : memref<5x64x128xf32, #tpu.memory_space<vmem>> -> memref<1x64x128xf32, #tpu.memory_space<vmem>>
      %dma_start3A_246 = tpu.memref_squeeze %dma_start3A_245 : memref<1x64x128xf32, #tpu.memory_space<vmem>> -> memref<64x128xf32, #tpu.memory_space<vmem>>
      %dma_start3A_247 = arith.constant 0 : i32
      %dma_start3A_248 = tpu.memref_slice %arg8[%rem3A_130, %dma_start3A_242, %dma_start3A_247] : memref<2x16x64xi32, #tpu.memory_space<vmem>> -> memref<1x1x64xi32, #tpu.memory_space<vmem>>
      %dma_start3A_249 = tpu.memref_squeeze %dma_start3A_248 : memref<1x1x64xi32, #tpu.memory_space<vmem>> -> memref<64xi32, #tpu.memory_space<vmem>>
      %dma_start3A_250 = arith.constant 0 : i32
      %dma_start3A_251 = arith.constant 0 : i32
      %dma_start3A_252 = tpu.memref_slice %arg6[%dma_start3A_250, %dma_start3A_251] : memref<10240x128xf32, #tpu.memory_space<vmem_shared>> -> memref<10240x128xf32, #tpu.memory_space<vmem_shared>>
      tpu.enqueue_indirect_dma source(%dma_start3A_246 : memref<64x128xf32, #tpu.memory_space<vmem>>) target(%dma_start3A_252 : memref<10240x128xf32, #tpu.memory_space<vmem_shared>>) offsets(%dma_start3A_249 : memref<64xi32, #tpu.memory_space<vmem>>) semaphore(%arg10 : memref<!tpu.dma_semaphore, #tpu.memory_space<semaphore_mem>>) {add = true}
      %dma_wait3A_253 = arith.constant 1 : i32
      %dma_wait3A_254 = arith.constant 1 : i32
      %dma_wait3A_255 = arith.constant 0 : i32
      %dma_wait3A_256 = arith.constant 0 : i32
      %dma_wait3A_257 = tpu.memref_slice %arg9[%dma_wait3A_254, %dma_wait3A_255, %dma_wait3A_256] : memref<5x64x128xf32, #tpu.memory_space<vmem>> -> memref<1x64x128xf32, #tpu.memory_space<vmem>>
      %dma_wait3A_258 = tpu.memref_squeeze %dma_wait3A_257 : memref<1x64x128xf32, #tpu.memory_space<vmem>> -> memref<64x128xf32, #tpu.memory_space<vmem>>
      %dma_wait3A_259 = arith.constant 0 : i32
      %dma_wait3A_260 = tpu.memref_slice %arg7[%rem3A_130, %dma_wait3A_253, %dma_wait3A_259] : memref<2x16x64xi32, #tpu.memory_space<vmem>> -> memref<1x1x64xi32, #tpu.memory_space<vmem>>
      %dma_wait3A_261 = tpu.memref_squeeze %dma_wait3A_260 : memref<1x1x64xi32, #tpu.memory_space<vmem>> -> memref<64xi32, #tpu.memory_space<vmem>>
      %dma_wait3A_262 = arith.constant 0 : i32
      %dma_wait3A_263 = arith.constant 0 : i32
      %dma_wait3A_264 = tpu.memref_slice %arg4[%dma_wait3A_262, %dma_wait3A_263] : memref<10240x128xf32, #tpu.memory_space<hbm>> -> memref<10240x128xf32, #tpu.memory_space<hbm>>
      tpu.wait_indirect_dma semaphore(%arg13 : memref<!tpu.dma_semaphore, #tpu.memory_space<semaphore_mem>>) src(%dma_wait3A_264 : memref<10240x128xf32, #tpu.memory_space<hbm>>) dst(%dma_wait3A_258 : memref<64x128xf32, #tpu.memory_space<vmem>>)
      %dma_wait3A_265 = arith.constant 0 : i32
      %dma_wait3A_266 = arith.constant 0 : i32
      %dma_wait3A_267 = arith.constant 0 : i32
      %dma_wait3A_268 = arith.constant 0 : i32
      %dma_wait3A_269 = tpu.memref_slice %arg9[%dma_wait3A_265, %dma_wait3A_267, %dma_wait3A_268] : memref<5x64x128xf32, #tpu.memory_space<vmem>> -> memref<1x64x128xf32, #tpu.memory_space<vmem>>
      %dma_wait3A_270 = tpu.memref_squeeze %dma_wait3A_269 : memref<1x64x128xf32, #tpu.memory_space<vmem>> -> memref<64x128xf32, #tpu.memory_space<vmem>>
      %dma_wait3A_271 = arith.constant 0 : i32
      %dma_wait3A_272 = tpu.memref_slice %arg8[%rem3A_130, %dma_wait3A_266, %dma_wait3A_271] : memref<2x16x64xi32, #tpu.memory_space<vmem>> -> memref<1x1x64xi32, #tpu.memory_space<vmem>>
      %dma_wait3A_273 = tpu.memref_squeeze %dma_wait3A_272 : memref<1x1x64xi32, #tpu.memory_space<vmem>> -> memref<64xi32, #tpu.memory_space<vmem>>
      %dma_wait3A_274 = arith.constant 0 : i32
      %dma_wait3A_275 = arith.constant 0 : i32
      %dma_wait3A_276 = tpu.memref_slice %arg6[%dma_wait3A_274, %dma_wait3A_275] : memref<10240x128xf32, #tpu.memory_space<vmem_shared>> -> memref<10240x128xf32, #tpu.memory_space<vmem_shared>>
      tpu.wait_indirect_dma semaphore(%arg10 : memref<!tpu.dma_semaphore, #tpu.memory_space<semaphore_mem>>) src(%dma_wait3A_270 : memref<64x128xf32, #tpu.memory_space<vmem>>) dst(%dma_wait3A_276 : memref<10240x128xf32, #tpu.memory_space<vmem_shared>>)
      %dma_start3A_277 = arith.constant 5 : i32
      %dma_start3A_278 = arith.constant 0 : i32
      %dma_start3A_279 = arith.constant 0 : i32
      %dma_start3A_280 = arith.constant 0 : i32
      %dma_start3A_281 = tpu.memref_slice %arg9[%dma_start3A_278, %dma_start3A_279, %dma_start3A_280] : memref<5x64x128xf32, #tpu.memory_space<vmem>> -> memref<1x64x128xf32, #tpu.memory_space<vmem>>
      %dma_start3A_282 = tpu.memref_squeeze %dma_start3A_281 : memref<1x64x128xf32, #tpu.memory_space<vmem>> -> memref<64x128xf32, #tpu.memory_space<vmem>>
      %dma_start3A_283 = arith.constant 0 : i32
      %dma_start3A_284 = tpu.memref_slice %arg7[%rem3A_130, %dma_start3A_277, %dma_start3A_283] : memref<2x16x64xi32, #tpu.memory_space<vmem>> -> memref<1x1x64xi32, #tpu.memory_space<vmem>>
      %dma_start3A_285 = tpu.memref_squeeze %dma_start3A_284 : memref<1x1x64xi32, #tpu.memory_space<vmem>> -> memref<64xi32, #tpu.memory_space<vmem>>
      %dma_start3A_286 = arith.constant 0 : i32
      %dma_start3A_287 = arith.constant 0 : i32
      %dma_start3A_288 = tpu.memref_slice %arg4[%dma_start3A_286, %dma_start3A_287] : memref<10240x128xf32, #tpu.memory_space<hbm>> -> memref<10240x128xf32, #tpu.memory_space<hbm>>
      tpu.enqueue_indirect_dma source(%dma_start3A_288 : memref<10240x128xf32, #tpu.memory_space<hbm>>) target(%dma_start3A_282 : memref<64x128xf32, #tpu.memory_space<vmem>>) offsets(%dma_start3A_285 : memref<64xi32, #tpu.memory_space<vmem>>) semaphore(%arg12 : memref<!tpu.dma_semaphore, #tpu.memory_space<semaphore_mem>>)
      %dma_start3A_289 = arith.constant 1 : i32
      %dma_start3A_290 = arith.constant 1 : i32
      %dma_start3A_291 = arith.constant 0 : i32
      %dma_start3A_292 = arith.constant 0 : i32
      %dma_start3A_293 = tpu.memref_slice %arg9[%dma_start3A_289, %dma_start3A_291, %dma_start3A_292] : memref<5x64x128xf32, #tpu.memory_space<vmem>> -> memref<1x64x128xf32, #tpu.memory_space<vmem>>
      %dma_start3A_294 = tpu.memref_squeeze %dma_start3A_293 : memref<1x64x128xf32, #tpu.memory_space<vmem>> -> memref<64x128xf32, #tpu.memory_space<vmem>>
      %dma_start3A_295 = arith.constant 0 : i32
      %dma_start3A_296 = tpu.memref_slice %arg8[%rem3A_130, %dma_start3A_290, %dma_start3A_295] : memref<2x16x64xi32, #tpu.memory_space<vmem>> -> memref<1x1x64xi32, #tpu.memory_space<vmem>>
      %dma_start3A_297 = tpu.memref_squeeze %dma_start3A_296 : memref<1x1x64xi32, #tpu.memory_space<vmem>> -> memref<64xi32, #tpu.memory_space<vmem>>
      %dma_start3A_298 = arith.constant 0 : i32
      %dma_start3A_299 = arith.constant 0 : i32
      %dma_start3A_300 = tpu.memref_slice %arg6[%dma_start3A_298, %dma_start3A_299] : memref<10240x128xf32, #tpu.memory_space<vmem_shared>> -> memref<10240x128xf32, #tpu.memory_space<vmem_shared>>
      tpu.enqueue_indirect_dma source(%dma_start3A_294 : memref<64x128xf32, #tpu.memory_space<vmem>>) target(%dma_start3A_300 : memref<10240x128xf32, #tpu.memory_space<vmem_shared>>) offsets(%dma_start3A_297 : memref<64xi32, #tpu.memory_space<vmem>>) semaphore(%arg10 : memref<!tpu.dma_semaphore, #tpu.memory_space<semaphore_mem>>) {add = true}
      %dma_wait3A_301 = arith.constant 2 : i32
      %dma_wait3A_302 = arith.constant 2 : i32
      %dma_wait3A_303 = arith.constant 0 : i32
      %dma_wait3A_304 = arith.constant 0 : i32
      %dma_wait3A_305 = tpu.memref_slice %arg9[%dma_wait3A_302, %dma_wait3A_303, %dma_wait3A_304] : memref<5x64x128xf32, #tpu.memory_space<vmem>> -> memref<1x64x128xf32, #tpu.memory_space<vmem>>
      %dma_wait3A_306 = tpu.memref_squeeze %dma_wait3A_305 : memref<1x64x128xf32, #tpu.memory_space<vmem>> -> memref<64x128xf32, #tpu.memory_space<vmem>>
      %dma_wait3A_307 = arith.constant 0 : i32
      %dma_wait3A_308 = tpu.memref_slice %arg7[%rem3A_130, %dma_wait3A_301, %dma_wait3A_307] : memref<2x16x64xi32, #tpu.memory_space<vmem>> -> memref<1x1x64xi32, #tpu.memory_space<vmem>>
      %dma_wait3A_309 = tpu.memref_squeeze %dma_wait3A_308 : memref<1x1x64xi32, #tpu.memory_space<vmem>> -> memref<64xi32, #tpu.memory_space<vmem>>
      %dma_wait3A_310 = arith.constant 0 : i32
      %dma_wait3A_311 = arith.constant 0 : i32
      %dma_wait3A_312 = tpu.memref_slice %arg4[%dma_wait3A_310, %dma_wait3A_311] : memref<10240x128xf32, #tpu.memory_space<hbm>> -> memref<10240x128xf32, #tpu.memory_space<hbm>>
      tpu.wait_indirect_dma semaphore(%arg14 : memref<!tpu.dma_semaphore, #tpu.memory_space<semaphore_mem>>) src(%dma_wait3A_312 : memref<10240x128xf32, #tpu.memory_space<hbm>>) dst(%dma_wait3A_306 : memref<64x128xf32, #tpu.memory_space<vmem>>)
      %dma_wait3A_313 = arith.constant 1 : i32
      %dma_wait3A_314 = arith.constant 1 : i32
      %dma_wait3A_315 = arith.constant 0 : i32
      %dma_wait3A_316 = arith.constant 0 : i32
      %dma_wait3A_317 = tpu.memref_slice %arg9[%dma_wait3A_313, %dma_wait3A_315, %dma_wait3A_316] : memref<5x64x128xf32, #tpu.memory_space<vmem>> -> memref<1x64x128xf32, #tpu.memory_space<vmem>>
      %dma_wait3A_318 = tpu.memref_squeeze %dma_wait3A_317 : memref<1x64x128xf32, #tpu.memory_space<vmem>> -> memref<64x128xf32, #tpu.memory_space<vmem>>
      %dma_wait3A_319 = arith.constant 0 : i32
      %dma_wait3A_320 = tpu.memref_slice %arg8[%rem3A_130, %dma_wait3A_314, %dma_wait3A_319] : memref<2x16x64xi32, #tpu.memory_space<vmem>> -> memref<1x1x64xi32, #tpu.memory_space<vmem>>
      %dma_wait3A_321 = tpu.memref_squeeze %dma_wait3A_320 : memref<1x1x64xi32, #tpu.memory_space<vmem>> -> memref<64xi32, #tpu.memory_space<vmem>>
      %dma_wait3A_322 = arith.constant 0 : i32
      %dma_wait3A_323 = arith.constant 0 : i32
      %dma_wait3A_324 = tpu.memref_slice %arg6[%dma_wait3A_322, %dma_wait3A_323] : memref<10240x128xf32, #tpu.memory_space<vmem_shared>> -> memref<10240x128xf32, #tpu.memory_space<vmem_shared>>
      tpu.wait_indirect_dma semaphore(%arg10 : memref<!tpu.dma_semaphore, #tpu.memory_space<semaphore_mem>>) src(%dma_wait3A_318 : memref<64x128xf32, #tpu.memory_space<vmem>>) dst(%dma_wait3A_324 : memref<10240x128xf32, #tpu.memory_space<vmem_shared>>)
      %dma_start3A_325 = arith.constant 6 : i32
      %dma_start3A_326 = arith.constant 1 : i32
      %dma_start3A_327 = arith.constant 0 : i32
      %dma_start3A_328 = arith.constant 0 : i32
      %dma_start3A_329 = tpu.memref_slice %arg9[%dma_start3A_326, %dma_start3A_327, %dma_start3A_328] : memref<5x64x128xf32, #tpu.memory_space<vmem>> -> memref<1x64x128xf32, #tpu.memory_space<vmem>>
      %dma_start3A_330 = tpu.memref_squeeze %dma_start3A_329 : memref<1x64x128xf32, #tpu.memory_space<vmem>> -> memref<64x128xf32, #tpu.memory_space<vmem>>
      %dma_start3A_331 = arith.constant 0 : i32
      %dma_start3A_332 = tpu.memref_slice %arg7[%rem3A_130, %dma_start3A_325, %dma_start3A_331] : memref<2x16x64xi32, #tpu.memory_space<vmem>> -> memref<1x1x64xi32, #tpu.memory_space<vmem>>
      %dma_start3A_333 = tpu.memref_squeeze %dma_start3A_332 : memref<1x1x64xi32, #tpu.memory_space<vmem>> -> memref<64xi32, #tpu.memory_space<vmem>>
      %dma_start3A_334 = arith.constant 0 : i32
      %dma_start3A_335 = arith.constant 0 : i32
      %dma_start3A_336 = tpu.memref_slice %arg4[%dma_start3A_334, %dma_start3A_335] : memref<10240x128xf32, #tpu.memory_space<hbm>> -> memref<10240x128xf32, #tpu.memory_space<hbm>>
      tpu.enqueue_indirect_dma source(%dma_start3A_336 : memref<10240x128xf32, #tpu.memory_space<hbm>>) target(%dma_start3A_330 : memref<64x128xf32, #tpu.memory_space<vmem>>) offsets(%dma_start3A_333 : memref<64xi32, #tpu.memory_space<vmem>>) semaphore(%arg13 : memref<!tpu.dma_semaphore, #tpu.memory_space<semaphore_mem>>)
      %dma_start3A_337 = arith.constant 2 : i32
      %dma_start3A_338 = arith.constant 2 : i32
      %dma_start3A_339 = arith.constant 0 : i32
      %dma_start3A_340 = arith.constant 0 : i32
      %dma_start3A_341 = tpu.memref_slice %arg9[%dma_start3A_337, %dma_start3A_339, %dma_start3A_340] : memref<5x64x128xf32, #tpu.memory_space<vmem>> -> memref<1x64x128xf32, #tpu.memory_space<vmem>>
      %dma_start3A_342 = tpu.memref_squeeze %dma_start3A_341 : memref<1x64x128xf32, #tpu.memory_space<vmem>> -> memref<64x128xf32, #tpu.memory_space<vmem>>
      %dma_start3A_343 = arith.constant 0 : i32
      %dma_start3A_344 = tpu.memref_slice %arg8[%rem3A_130, %dma_start3A_338, %dma_start3A_343] : memref<2x16x64xi32, #tpu.memory_space<vmem>> -> memref<1x1x64xi32, #tpu.memory_space<vmem>>
      %dma_start3A_345 = tpu.memref_squeeze %dma_start3A_344 : memref<1x1x64xi32, #tpu.memory_space<vmem>> -> memref<64xi32, #tpu.memory_space<vmem>>
      %dma_start3A_346 = arith.constant 0 : i32
      %dma_start3A_347 = arith.constant 0 : i32
      %dma_start3A_348 = tpu.memref_slice %arg6[%dma_start3A_346, %dma_start3A_347] : memref<10240x128xf32, #tpu.memory_space<vmem_shared>> -> memref<10240x128xf32, #tpu.memory_space<vmem_shared>>
      tpu.enqueue_indirect_dma source(%dma_start3A_342 : memref<64x128xf32, #tpu.memory_space<vmem>>) target(%dma_start3A_348 : memref<10240x128xf32, #tpu.memory_space<vmem_shared>>) offsets(%dma_start3A_345 : memref<64xi32, #tpu.memory_space<vmem>>) semaphore(%arg10 : memref<!tpu.dma_semaphore, #tpu.memory_space<semaphore_mem>>) {add = true}
      %dma_wait3A_349 = arith.constant 3 : i32
      %dma_wait3A_350 = arith.constant 3 : i32
      %dma_wait3A_351 = arith.constant 0 : i32
      %dma_wait3A_352 = arith.constant 0 : i32
      %dma_wait3A_353 = tpu.memref_slice %arg9[%dma_wait3A_350, %dma_wait3A_351, %dma_wait3A_352] : memref<5x64x128xf32, #tpu.memory_space<vmem>> -> memref<1x64x128xf32, #tpu.memory_space<vmem>>
      %dma_wait3A_354 = tpu.memref_squeeze %dma_wait3A_353 : memref<1x64x128xf32, #tpu.memory_space<vmem>> -> memref<64x128xf32, #tpu.memory_space<vmem>>
      %dma_wait3A_355 = arith.constant 0 : i32
      %dma_wait3A_356 = tpu.memref_slice %arg7[%rem3A_130, %dma_wait3A_349, %dma_wait3A_355] : memref<2x16x64xi32, #tpu.memory_space<vmem>> -> memref<1x1x64xi32, #tpu.memory_space<vmem>>
      %dma_wait3A_357 = tpu.memref_squeeze %dma_wait3A_356 : memref<1x1x64xi32, #tpu.memory_space<vmem>> -> memref<64xi32, #tpu.memory_space<vmem>>
      %dma_wait3A_358 = arith.constant 0 : i32
      %dma_wait3A_359 = arith.constant 0 : i32
      %dma_wait3A_360 = tpu.memref_slice %arg4[%dma_wait3A_358, %dma_wait3A_359] : memref<10240x128xf32, #tpu.memory_space<hbm>> -> memref<10240x128xf32, #tpu.memory_space<hbm>>
      tpu.wait_indirect_dma semaphore(%arg15 : memref<!tpu.dma_semaphore, #tpu.memory_space<semaphore_mem>>) src(%dma_wait3A_360 : memref<10240x128xf32, #tpu.memory_space<hbm>>) dst(%dma_wait3A_354 : memref<64x128xf32, #tpu.memory_space<vmem>>)
      %dma_wait3A_361 = arith.constant 2 : i32
      %dma_wait3A_362 = arith.constant 2 : i32
      %dma_wait3A_363 = arith.constant 0 : i32
      %dma_wait3A_364 = arith.constant 0 : i32
      %dma_wait3A_365 = tpu.memref_slice %arg9[%dma_wait3A_361, %dma_wait3A_363, %dma_wait3A_364] : memref<5x64x128xf32, #tpu.memory_space<vmem>> -> memref<1x64x128xf32, #tpu.memory_space<vmem>>
      %dma_wait3A_366 = tpu.memref_squeeze %dma_wait3A_365 : memref<1x64x128xf32, #tpu.memory_space<vmem>> -> memref<64x128xf32, #tpu.memory_space<vmem>>
      %dma_wait3A_367 = arith.constant 0 : i32
      %dma_wait3A_368 = tpu.memref_slice %arg8[%rem3A_130, %dma_wait3A_362, %dma_wait3A_367] : memref<2x16x64xi32, #tpu.memory_space<vmem>> -> memref<1x1x64xi32, #tpu.memory_space<vmem>>
      %dma_wait3A_369 = tpu.memref_squeeze %dma_wait3A_368 : memref<1x1x64xi32, #tpu.memory_space<vmem>> -> memref<64xi32, #tpu.memory_space<vmem>>
      %dma_wait3A_370 = arith.constant 0 : i32
      %dma_wait3A_371 = arith.constant 0 : i32
      %dma_wait3A_372 = tpu.memref_slice %arg6[%dma_wait3A_370, %dma_wait3A_371] : memref<10240x128xf32, #tpu.memory_space<vmem_shared>> -> memref<10240x128xf32, #tpu.memory_space<vmem_shared>>
      tpu.wait_indirect_dma semaphore(%arg10 : memref<!tpu.dma_semaphore, #tpu.memory_space<semaphore_mem>>) src(%dma_wait3A_366 : memref<64x128xf32, #tpu.memory_space<vmem>>) dst(%dma_wait3A_372 : memref<10240x128xf32, #tpu.memory_space<vmem_shared>>)
      %dma_start3A_373 = arith.constant 7 : i32
      %dma_start3A_374 = arith.constant 2 : i32
      %dma_start3A_375 = arith.constant 0 : i32
      %dma_start3A_376 = arith.constant 0 : i32
      %dma_start3A_377 = tpu.memref_slice %arg9[%dma_start3A_374, %dma_start3A_375, %dma_start3A_376] : memref<5x64x128xf32, #tpu.memory_space<vmem>> -> memref<1x64x128xf32, #tpu.memory_space<vmem>>
      %dma_start3A_378 = tpu.memref_squeeze %dma_start3A_377 : memref<1x64x128xf32, #tpu.memory_space<vmem>> -> memref<64x128xf32, #tpu.memory_space<vmem>>
      %dma_start3A_379 = arith.constant 0 : i32
      %dma_start3A_380 = tpu.memref_slice %arg7[%rem3A_130, %dma_start3A_373, %dma_start3A_379] : memref<2x16x64xi32, #tpu.memory_space<vmem>> -> memref<1x1x64xi32, #tpu.memory_space<vmem>>
      %dma_start3A_381 = tpu.memref_squeeze %dma_start3A_380 : memref<1x1x64xi32, #tpu.memory_space<vmem>> -> memref<64xi32, #tpu.memory_space<vmem>>
      %dma_start3A_382 = arith.constant 0 : i32
      %dma_start3A_383 = arith.constant 0 : i32
      %dma_start3A_384 = tpu.memref_slice %arg4[%dma_start3A_382, %dma_start3A_383] : memref<10240x128xf32, #tpu.memory_space<hbm>> -> memref<10240x128xf32, #tpu.memory_space<hbm>>
      tpu.enqueue_indirect_dma source(%dma_start3A_384 : memref<10240x128xf32, #tpu.memory_space<hbm>>) target(%dma_start3A_378 : memref<64x128xf32, #tpu.memory_space<vmem>>) offsets(%dma_start3A_381 : memref<64xi32, #tpu.memory_space<vmem>>) semaphore(%arg14 : memref<!tpu.dma_semaphore, #tpu.memory_space<semaphore_mem>>)
      %dma_start3A_385 = arith.constant 3 : i32
      %dma_start3A_386 = arith.constant 3 : i32
      %dma_start3A_387 = arith.constant 0 : i32
      %dma_start3A_388 = arith.constant 0 : i32
      %dma_start3A_389 = tpu.memref_slice %arg9[%dma_start3A_385, %dma_start3A_387, %dma_start3A_388] : memref<5x64x128xf32, #tpu.memory_space<vmem>> -> memref<1x64x128xf32, #tpu.memory_space<vmem>>
      %dma_start3A_390 = tpu.memref_squeeze %dma_start3A_389 : memref<1x64x128xf32, #tpu.memory_space<vmem>> -> memref<64x128xf32, #tpu.memory_space<vmem>>
      %dma_start3A_391 = arith.constant 0 : i32
      %dma_start3A_392 = tpu.memref_slice %arg8[%rem3A_130, %dma_start3A_386, %dma_start3A_391] : memref<2x16x64xi32, #tpu.memory_space<vmem>> -> memref<1x1x64xi32, #tpu.memory_space<vmem>>
      %dma_start3A_393 = tpu.memref_squeeze %dma_start3A_392 : memref<1x1x64xi32, #tpu.memory_space<vmem>> -> memref<64xi32, #tpu.memory_space<vmem>>
      %dma_start3A_394 = arith.constant 0 : i32
      %dma_start3A_395 = arith.constant 0 : i32
      %dma_start3A_396 = tpu.memref_slice %arg6[%dma_start3A_394, %dma_start3A_395] : memref<10240x128xf32, #tpu.memory_space<vmem_shared>> -> memref<10240x128xf32, #tpu.memory_space<vmem_shared>>
      tpu.enqueue_indirect_dma source(%dma_start3A_390 : memref<64x128xf32, #tpu.memory_space<vmem>>) target(%dma_start3A_396 : memref<10240x128xf32, #tpu.memory_space<vmem_shared>>) offsets(%dma_start3A_393 : memref<64xi32, #tpu.memory_space<vmem>>) semaphore(%arg10 : memref<!tpu.dma_semaphore, #tpu.memory_space<semaphore_mem>>) {add = true}
      %dma_wait3A_397 = arith.constant 4 : i32
      %dma_wait3A_398 = arith.constant 4 : i32
      %dma_wait3A_399 = arith.constant 0 : i32
      %dma_wait3A_400 = arith.constant 0 : i32
      %dma_wait3A_401 = tpu.memref_slice %arg9[%dma_wait3A_398, %dma_wait3A_399, %dma_wait3A_400] : memref<5x64x128xf32, #tpu.memory_space<vmem>> -> memref<1x64x128xf32, #tpu.memory_space<vmem>>
      %dma_wait3A_402 = tpu.memref_squeeze %dma_wait3A_401 : memref<1x64x128xf32, #tpu.memory_space<vmem>> -> memref<64x128xf32, #tpu.memory_space<vmem>>
      %dma_wait3A_403 = arith.constant 0 : i32
      %dma_wait3A_404 = tpu.memref_slice %arg7[%rem3A_130, %dma_wait3A_397, %dma_wait3A_403] : memref<2x16x64xi32, #tpu.memory_space<vmem>> -> memref<1x1x64xi32, #tpu.memory_space<vmem>>
      %dma_wait3A_405 = tpu.memref_squeeze %dma_wait3A_404 : memref<1x1x64xi32, #tpu.memory_space<vmem>> -> memref<64xi32, #tpu.memory_space<vmem>>
      %dma_wait3A_406 = arith.constant 0 : i32
      %dma_wait3A_407 = arith.constant 0 : i32
      %dma_wait3A_408 = tpu.memref_slice %arg4[%dma_wait3A_406, %dma_wait3A_407] : memref<10240x128xf32, #tpu.memory_space<hbm>> -> memref<10240x128xf32, #tpu.memory_space<hbm>>
      tpu.wait_indirect_dma semaphore(%arg16 : memref<!tpu.dma_semaphore, #tpu.memory_space<semaphore_mem>>) src(%dma_wait3A_408 : memref<10240x128xf32, #tpu.memory_space<hbm>>) dst(%dma_wait3A_402 : memref<64x128xf32, #tpu.memory_space<vmem>>)
      %dma_wait3A_409 = arith.constant 3 : i32
      %dma_wait3A_410 = arith.constant 3 : i32
      %dma_wait3A_411 = arith.constant 0 : i32
      %dma_wait3A_412 = arith.constant 0 : i32
      %dma_wait3A_413 = tpu.memref_slice %arg9[%dma_wait3A_409, %dma_wait3A_411, %dma_wait3A_412] : memref<5x64x128xf32, #tpu.memory_space<vmem>> -> memref<1x64x128xf32, #tpu.memory_space<vmem>>
      %dma_wait3A_414 = tpu.memref_squeeze %dma_wait3A_413 : memref<1x64x128xf32, #tpu.memory_space<vmem>> -> memref<64x128xf32, #tpu.memory_space<vmem>>
      %dma_wait3A_415 = arith.constant 0 : i32
      %dma_wait3A_416 = tpu.memref_slice %arg8[%rem3A_130, %dma_wait3A_410, %dma_wait3A_415] : memref<2x16x64xi32, #tpu.memory_space<vmem>> -> memref<1x1x64xi32, #tpu.memory_space<vmem>>
      %dma_wait3A_417 = tpu.memref_squeeze %dma_wait3A_416 : memref<1x1x64xi32, #tpu.memory_space<vmem>> -> memref<64xi32, #tpu.memory_space<vmem>>
      %dma_wait3A_418 = arith.constant 0 : i32
      %dma_wait3A_419 = arith.constant 0 : i32
      %dma_wait3A_420 = tpu.memref_slice %arg6[%dma_wait3A_418, %dma_wait3A_419] : memref<10240x128xf32, #tpu.memory_space<vmem_shared>> -> memref<10240x128xf32, #tpu.memory_space<vmem_shared>>
      tpu.wait_indirect_dma semaphore(%arg10 : memref<!tpu.dma_semaphore, #tpu.memory_space<semaphore_mem>>) src(%dma_wait3A_414 : memref<64x128xf32, #tpu.memory_space<vmem>>) dst(%dma_wait3A_420 : memref<10240x128xf32, #tpu.memory_space<vmem_shared>>)
      %dma_start3A_421 = arith.constant 8 : i32
      %dma_start3A_422 = arith.constant 3 : i32
      %dma_start3A_423 = arith.constant 0 : i32
      %dma_start3A_424 = arith.constant 0 : i32
      %dma_start3A_425 = tpu.memref_slice %arg9[%dma_start3A_422, %dma_start3A_423, %dma_start3A_424] : memref<5x64x128xf32, #tpu.memory_space<vmem>> -> memref<1x64x128xf32, #tpu.memory_space<vmem>>
      %dma_start3A_426 = tpu.memref_squeeze %dma_start3A_425 : memref<1x64x128xf32, #tpu.memory_space<vmem>> -> memref<64x128xf32, #tpu.memory_space<vmem>>
      %dma_start3A_427 = arith.constant 0 : i32
      %dma_start3A_428 = tpu.memref_slice %arg7[%rem3A_130, %dma_start3A_421, %dma_start3A_427] : memref<2x16x64xi32, #tpu.memory_space<vmem>> -> memref<1x1x64xi32, #tpu.memory_space<vmem>>
      %dma_start3A_429 = tpu.memref_squeeze %dma_start3A_428 : memref<1x1x64xi32, #tpu.memory_space<vmem>> -> memref<64xi32, #tpu.memory_space<vmem>>
      %dma_start3A_430 = arith.constant 0 : i32
      %dma_start3A_431 = arith.constant 0 : i32
      %dma_start3A_432 = tpu.memref_slice %arg4[%dma_start3A_430, %dma_start3A_431] : memref<10240x128xf32, #tpu.memory_space<hbm>> -> memref<10240x128xf32, #tpu.memory_space<hbm>>
      tpu.enqueue_indirect_dma source(%dma_start3A_432 : memref<10240x128xf32, #tpu.memory_space<hbm>>) target(%dma_start3A_426 : memref<64x128xf32, #tpu.memory_space<vmem>>) offsets(%dma_start3A_429 : memref<64xi32, #tpu.memory_space<vmem>>) semaphore(%arg15 : memref<!tpu.dma_semaphore, #tpu.memory_space<semaphore_mem>>)
      %dma_start3A_433 = arith.constant 4 : i32
      %dma_start3A_434 = arith.constant 4 : i32
      %dma_start3A_435 = arith.constant 0 : i32
      %dma_start3A_436 = arith.constant 0 : i32
      %dma_start3A_437 = tpu.memref_slice %arg9[%dma_start3A_433, %dma_start3A_435, %dma_start3A_436] : memref<5x64x128xf32, #tpu.memory_space<vmem>> -> memref<1x64x128xf32, #tpu.memory_space<vmem>>
      %dma_start3A_438 = tpu.memref_squeeze %dma_start3A_437 : memref<1x64x128xf32, #tpu.memory_space<vmem>> -> memref<64x128xf32, #tpu.memory_space<vmem>>
      %dma_start3A_439 = arith.constant 0 : i32
      %dma_start3A_440 = tpu.memref_slice %arg8[%rem3A_130, %dma_start3A_434, %dma_start3A_439] : memref<2x16x64xi32, #tpu.memory_space<vmem>> -> memref<1x1x64xi32, #tpu.memory_space<vmem>>
      %dma_start3A_441 = tpu.memref_squeeze %dma_start3A_440 : memref<1x1x64xi32, #tpu.memory_space<vmem>> -> memref<64xi32, #tpu.memory_space<vmem>>
      %dma_start3A_442 = arith.constant 0 : i32
      %dma_start3A_443 = arith.constant 0 : i32
      %dma_start3A_444 = tpu.memref_slice %arg6[%dma_start3A_442, %dma_start3A_443] : memref<10240x128xf32, #tpu.memory_space<vmem_shared>> -> memref<10240x128xf32, #tpu.memory_space<vmem_shared>>
      tpu.enqueue_indirect_dma source(%dma_start3A_438 : memref<64x128xf32, #tpu.memory_space<vmem>>) target(%dma_start3A_444 : memref<10240x128xf32, #tpu.memory_space<vmem_shared>>) offsets(%dma_start3A_441 : memref<64xi32, #tpu.memory_space<vmem>>) semaphore(%arg10 : memref<!tpu.dma_semaphore, #tpu.memory_space<semaphore_mem>>) {add = true}
      %dma_wait3A_445 = arith.constant 5 : i32
      %dma_wait3A_446 = arith.constant 0 : i32
      %dma_wait3A_447 = arith.constant 0 : i32
      %dma_wait3A_448 = arith.constant 0 : i32
      %dma_wait3A_449 = tpu.memref_slice %arg9[%dma_wait3A_446, %dma_wait3A_447, %dma_wait3A_448] : memref<5x64x128xf32, #tpu.memory_space<vmem>> -> memref<1x64x128xf32, #tpu.memory_space<vmem>>
      %dma_wait3A_450 = tpu.memref_squeeze %dma_wait3A_449 : memref<1x64x128xf32, #tpu.memory_space<vmem>> -> memref<64x128xf32, #tpu.memory_space<vmem>>
      %dma_wait3A_451 = arith.constant 0 : i32
      %dma_wait3A_452 = tpu.memref_slice %arg7[%rem3A_130, %dma_wait3A_445, %dma_wait3A_451] : memref<2x16x64xi32, #tpu.memory_space<vmem>> -> memref<1x1x64xi32, #tpu.memory_space<vmem>>
      %dma_wait3A_453 = tpu.memref_squeeze %dma_wait3A_452 : memref<1x1x64xi32, #tpu.memory_space<vmem>> -> memref<64xi32, #tpu.memory_space<vmem>>
      %dma_wait3A_454 = arith.constant 0 : i32
      %dma_wait3A_455 = arith.constant 0 : i32
      %dma_wait3A_456 = tpu.memref_slice %arg4[%dma_wait3A_454, %dma_wait3A_455] : memref<10240x128xf32, #tpu.memory_space<hbm>> -> memref<10240x128xf32, #tpu.memory_space<hbm>>
      tpu.wait_indirect_dma semaphore(%arg12 : memref<!tpu.dma_semaphore, #tpu.memory_space<semaphore_mem>>) src(%dma_wait3A_456 : memref<10240x128xf32, #tpu.memory_space<hbm>>) dst(%dma_wait3A_450 : memref<64x128xf32, #tpu.memory_space<vmem>>)
      %dma_wait3A_457 = arith.constant 4 : i32
      %dma_wait3A_458 = arith.constant 4 : i32
      %dma_wait3A_459 = arith.constant 0 : i32
      %dma_wait3A_460 = arith.constant 0 : i32
      %dma_wait3A_461 = tpu.memref_slice %arg9[%dma_wait3A_457, %dma_wait3A_459, %dma_wait3A_460] : memref<5x64x128xf32, #tpu.memory_space<vmem>> -> memref<1x64x128xf32, #tpu.memory_space<vmem>>
      %dma_wait3A_462 = tpu.memref_squeeze %dma_wait3A_461 : memref<1x64x128xf32, #tpu.memory_space<vmem>> -> memref<64x128xf32, #tpu.memory_space<vmem>>
      %dma_wait3A_463 = arith.constant 0 : i32
      %dma_wait3A_464 = tpu.memref_slice %arg8[%rem3A_130, %dma_wait3A_458, %dma_wait3A_463] : memref<2x16x64xi32, #tpu.memory_space<vmem>> -> memref<1x1x64xi32, #tpu.memory_space<vmem>>
      %dma_wait3A_465 = tpu.memref_squeeze %dma_wait3A_464 : memref<1x1x64xi32, #tpu.memory_space<vmem>> -> memref<64xi32, #tpu.memory_space<vmem>>
      %dma_wait3A_466 = arith.constant 0 : i32
      %dma_wait3A_467 = arith.constant 0 : i32
      %dma_wait3A_468 = tpu.memref_slice %arg6[%dma_wait3A_466, %dma_wait3A_467] : memref<10240x128xf32, #tpu.memory_space<vmem_shared>> -> memref<10240x128xf32, #tpu.memory_space<vmem_shared>>
      tpu.wait_indirect_dma semaphore(%arg10 : memref<!tpu.dma_semaphore, #tpu.memory_space<semaphore_mem>>) src(%dma_wait3A_462 : memref<64x128xf32, #tpu.memory_space<vmem>>) dst(%dma_wait3A_468 : memref<10240x128xf32, #tpu.memory_space<vmem_shared>>)
      %dma_start3A_469 = arith.constant 9 : i32
      %dma_start3A_470 = arith.constant 4 : i32
      %dma_start3A_471 = arith.constant 0 : i32
      %dma_start3A_472 = arith.constant 0 : i32
      %dma_start3A_473 = tpu.memref_slice %arg9[%dma_start3A_470, %dma_start3A_471, %dma_start3A_472] : memref<5x64x128xf32, #tpu.memory_space<vmem>> -> memref<1x64x128xf32, #tpu.memory_space<vmem>>
      %dma_start3A_474 = tpu.memref_squeeze %dma_start3A_473 : memref<1x64x128xf32, #tpu.memory_space<vmem>> -> memref<64x128xf32, #tpu.memory_space<vmem>>
      %dma_start3A_475 = arith.constant 0 : i32
      %dma_start3A_476 = tpu.memref_slice %arg7[%rem3A_130, %dma_start3A_469, %dma_start3A_475] : memref<2x16x64xi32, #tpu.memory_space<vmem>> -> memref<1x1x64xi32, #tpu.memory_space<vmem>>
      %dma_start3A_477 = tpu.memref_squeeze %dma_start3A_476 : memref<1x1x64xi32, #tpu.memory_space<vmem>> -> memref<64xi32, #tpu.memory_space<vmem>>
      %dma_start3A_478 = arith.constant 0 : i32
      %dma_start3A_479 = arith.constant 0 : i32
      %dma_start3A_480 = tpu.memref_slice %arg4[%dma_start3A_478, %dma_start3A_479] : memref<10240x128xf32, #tpu.memory_space<hbm>> -> memref<10240x128xf32, #tpu.memory_space<hbm>>
      tpu.enqueue_indirect_dma source(%dma_start3A_480 : memref<10240x128xf32, #tpu.memory_space<hbm>>) target(%dma_start3A_474 : memref<64x128xf32, #tpu.memory_space<vmem>>) offsets(%dma_start3A_477 : memref<64xi32, #tpu.memory_space<vmem>>) semaphore(%arg16 : memref<!tpu.dma_semaphore, #tpu.memory_space<semaphore_mem>>)
      %dma_start3A_481 = arith.constant 0 : i32
      %dma_start3A_482 = arith.constant 5 : i32
      %dma_start3A_483 = arith.constant 0 : i32
      %dma_start3A_484 = arith.constant 0 : i32
      %dma_start3A_485 = tpu.memref_slice %arg9[%dma_start3A_481, %dma_start3A_483, %dma_start3A_484] : memref<5x64x128xf32, #tpu.memory_space<vmem>> -> memref<1x64x128xf32, #tpu.memory_space<vmem>>
      %dma_start3A_486 = tpu.memref_squeeze %dma_start3A_485 : memref<1x64x128xf32, #tpu.memory_space<vmem>> -> memref<64x128xf32, #tpu.memory_space<vmem>>
      %dma_start3A_487 = arith.constant 0 : i32
      %dma_start3A_488 = tpu.memref_slice %arg8[%rem3A_130, %dma_start3A_482, %dma_start3A_487] : memref<2x16x64xi32, #tpu.memory_space<vmem>> -> memref<1x1x64xi32, #tpu.memory_space<vmem>>
      %dma_start3A_489 = tpu.memref_squeeze %dma_start3A_488 : memref<1x1x64xi32, #tpu.memory_space<vmem>> -> memref<64xi32, #tpu.memory_space<vmem>>
      %dma_start3A_490 = arith.constant 0 : i32
      %dma_start3A_491 = arith.constant 0 : i32
      %dma_start3A_492 = tpu.memref_slice %arg6[%dma_start3A_490, %dma_start3A_491] : memref<10240x128xf32, #tpu.memory_space<vmem_shared>> -> memref<10240x128xf32, #tpu.memory_space<vmem_shared>>
      tpu.enqueue_indirect_dma source(%dma_start3A_486 : memref<64x128xf32, #tpu.memory_space<vmem>>) target(%dma_start3A_492 : memref<10240x128xf32, #tpu.memory_space<vmem_shared>>) offsets(%dma_start3A_489 : memref<64xi32, #tpu.memory_space<vmem>>) semaphore(%arg10 : memref<!tpu.dma_semaphore, #tpu.memory_space<semaphore_mem>>) {add = true}
      %dma_wait3A_493 = arith.constant 6 : i32
      %dma_wait3A_494 = arith.constant 1 : i32
      %dma_wait3A_495 = arith.constant 0 : i32
      %dma_wait3A_496 = arith.constant 0 : i32
      %dma_wait3A_497 = tpu.memref_slice %arg9[%dma_wait3A_494, %dma_wait3A_495, %dma_wait3A_496] : memref<5x64x128xf32, #tpu.memory_space<vmem>> -> memref<1x64x128xf32, #tpu.memory_space<vmem>>
      %dma_wait3A_498 = tpu.memref_squeeze %dma_wait3A_497 : memref<1x64x128xf32, #tpu.memory_space<vmem>> -> memref<64x128xf32, #tpu.memory_space<vmem>>
      %dma_wait3A_499 = arith.constant 0 : i32
      %dma_wait3A_500 = tpu.memref_slice %arg7[%rem3A_130, %dma_wait3A_493, %dma_wait3A_499] : memref<2x16x64xi32, #tpu.memory_space<vmem>> -> memref<1x1x64xi32, #tpu.memory_space<vmem>>
      %dma_wait3A_501 = tpu.memref_squeeze %dma_wait3A_500 : memref<1x1x64xi32, #tpu.memory_space<vmem>> -> memref<64xi32, #tpu.memory_space<vmem>>
      %dma_wait3A_502 = arith.constant 0 : i32
      %dma_wait3A_503 = arith.constant 0 : i32
      %dma_wait3A_504 = tpu.memref_slice %arg4[%dma_wait3A_502, %dma_wait3A_503] : memref<10240x128xf32, #tpu.memory_space<hbm>> -> memref<10240x128xf32, #tpu.memory_space<hbm>>
      tpu.wait_indirect_dma semaphore(%arg13 : memref<!tpu.dma_semaphore, #tpu.memory_space<semaphore_mem>>) src(%dma_wait3A_504 : memref<10240x128xf32, #tpu.memory_space<hbm>>) dst(%dma_wait3A_498 : memref<64x128xf32, #tpu.memory_space<vmem>>)
      %dma_wait3A_505 = arith.constant 0 : i32
      %dma_wait3A_506 = arith.constant 5 : i32
      %dma_wait3A_507 = arith.constant 0 : i32
      %dma_wait3A_508 = arith.constant 0 : i32
      %dma_wait3A_509 = tpu.memref_slice %arg9[%dma_wait3A_505, %dma_wait3A_507, %dma_wait3A_508] : memref<5x64x128xf32, #tpu.memory_space<vmem>> -> memref<1x64x128xf32, #tpu.memory_space<vmem>>
      %dma_wait3A_510 = tpu.memref_squeeze %dma_wait3A_509 : memref<1x64x128xf32, #tpu.memory_space<vmem>> -> memref<64x128xf32, #tpu.memory_space<vmem>>
      %dma_wait3A_511 = arith.constant 0 : i32
      %dma_wait3A_512 = tpu.memref_slice %arg8[%rem3A_130, %dma_wait3A_506, %dma_wait3A_511] : memref<2x16x64xi32, #tpu.memory_space<vmem>> -> memref<1x1x64xi32, #tpu.memory_space<vmem>>
      %dma_wait3A_513 = tpu.memref_squeeze %dma_wait3A_512 : memref<1x1x64xi32, #tpu.memory_space<vmem>> -> memref<64xi32, #tpu.memory_space<vmem>>
      %dma_wait3A_514 = arith.constant 0 : i32
      %dma_wait3A_515 = arith.constant 0 : i32
      %dma_wait3A_516 = tpu.memref_slice %arg6[%dma_wait3A_514, %dma_wait3A_515] : memref<10240x128xf32, #tpu.memory_space<vmem_shared>> -> memref<10240x128xf32, #tpu.memory_space<vmem_shared>>
      tpu.wait_indirect_dma semaphore(%arg10 : memref<!tpu.dma_semaphore, #tpu.memory_space<semaphore_mem>>) src(%dma_wait3A_510 : memref<64x128xf32, #tpu.memory_space<vmem>>) dst(%dma_wait3A_516 : memref<10240x128xf32, #tpu.memory_space<vmem_shared>>)
      %dma_start3A_517 = arith.constant 10 : i32
      %dma_start3A_518 = arith.constant 0 : i32
      %dma_start3A_519 = arith.constant 0 : i32
      %dma_start3A_520 = arith.constant 0 : i32
      %dma_start3A_521 = tpu.memref_slice %arg9[%dma_start3A_518, %dma_start3A_519, %dma_start3A_520] : memref<5x64x128xf32, #tpu.memory_space<vmem>> -> memref<1x64x128xf32, #tpu.memory_space<vmem>>
      %dma_start3A_522 = tpu.memref_squeeze %dma_start3A_521 : memref<1x64x128xf32, #tpu.memory_space<vmem>> -> memref<64x128xf32, #tpu.memory_space<vmem>>
      %dma_start3A_523 = arith.constant 0 : i32
      %dma_start3A_524 = tpu.memref_slice %arg7[%rem3A_130, %dma_start3A_517, %dma_start3A_523] : memref<2x16x64xi32, #tpu.memory_space<vmem>> -> memref<1x1x64xi32, #tpu.memory_space<vmem>>
      %dma_start3A_525 = tpu.memref_squeeze %dma_start3A_524 : memref<1x1x64xi32, #tpu.memory_space<vmem>> -> memref<64xi32, #tpu.memory_space<vmem>>
      %dma_start3A_526 = arith.constant 0 : i32
      %dma_start3A_527 = arith.constant 0 : i32
      %dma_start3A_528 = tpu.memref_slice %arg4[%dma_start3A_526, %dma_start3A_527] : memref<10240x128xf32, #tpu.memory_space<hbm>> -> memref<10240x128xf32, #tpu.memory_space<hbm>>
      tpu.enqueue_indirect_dma source(%dma_start3A_528 : memref<10240x128xf32, #tpu.memory_space<hbm>>) target(%dma_start3A_522 : memref<64x128xf32, #tpu.memory_space<vmem>>) offsets(%dma_start3A_525 : memref<64xi32, #tpu.memory_space<vmem>>) semaphore(%arg12 : memref<!tpu.dma_semaphore, #tpu.memory_space<semaphore_mem>>)
      %dma_start3A_529 = arith.constant 1 : i32
      %dma_start3A_530 = arith.constant 6 : i32
      %dma_start3A_531 = arith.constant 0 : i32
      %dma_start3A_532 = arith.constant 0 : i32
      %dma_start3A_533 = tpu.memref_slice %arg9[%dma_start3A_529, %dma_start3A_531, %dma_start3A_532] : memref<5x64x128xf32, #tpu.memory_space<vmem>> -> memref<1x64x128xf32, #tpu.memory_space<vmem>>
      %dma_start3A_534 = tpu.memref_squeeze %dma_start3A_533 : memref<1x64x128xf32, #tpu.memory_space<vmem>> -> memref<64x128xf32, #tpu.memory_space<vmem>>
      %dma_start3A_535 = arith.constant 0 : i32
      %dma_start3A_536 = tpu.memref_slice %arg8[%rem3A_130, %dma_start3A_530, %dma_start3A_535] : memref<2x16x64xi32, #tpu.memory_space<vmem>> -> memref<1x1x64xi32, #tpu.memory_space<vmem>>
      %dma_start3A_537 = tpu.memref_squeeze %dma_start3A_536 : memref<1x1x64xi32, #tpu.memory_space<vmem>> -> memref<64xi32, #tpu.memory_space<vmem>>
      %dma_start3A_538 = arith.constant 0 : i32
      %dma_start3A_539 = arith.constant 0 : i32
      %dma_start3A_540 = tpu.memref_slice %arg6[%dma_start3A_538, %dma_start3A_539] : memref<10240x128xf32, #tpu.memory_space<vmem_shared>> -> memref<10240x128xf32, #tpu.memory_space<vmem_shared>>
      tpu.enqueue_indirect_dma source(%dma_start3A_534 : memref<64x128xf32, #tpu.memory_space<vmem>>) target(%dma_start3A_540 : memref<10240x128xf32, #tpu.memory_space<vmem_shared>>) offsets(%dma_start3A_537 : memref<64xi32, #tpu.memory_space<vmem>>) semaphore(%arg10 : memref<!tpu.dma_semaphore, #tpu.memory_space<semaphore_mem>>) {add = true}
      %dma_wait3A_541 = arith.constant 7 : i32
      %dma_wait3A_542 = arith.constant 2 : i32
      %dma_wait3A_543 = arith.constant 0 : i32
      %dma_wait3A_544 = arith.constant 0 : i32
      %dma_wait3A_545 = tpu.memref_slice %arg9[%dma_wait3A_542, %dma_wait3A_543, %dma_wait3A_544] : memref<5x64x128xf32, #tpu.memory_space<vmem>> -> memref<1x64x128xf32, #tpu.memory_space<vmem>>
      %dma_wait3A_546 = tpu.memref_squeeze %dma_wait3A_545 : memref<1x64x128xf32, #tpu.memory_space<vmem>> -> memref<64x128xf32, #tpu.memory_space<vmem>>
      %dma_wait3A_547 = arith.constant 0 : i32
      %dma_wait3A_548 = tpu.memref_slice %arg7[%rem3A_130, %dma_wait3A_541, %dma_wait3A_547] : memref<2x16x64xi32, #tpu.memory_space<vmem>> -> memref<1x1x64xi32, #tpu.memory_space<vmem>>
      %dma_wait3A_549 = tpu.memref_squeeze %dma_wait3A_548 : memref<1x1x64xi32, #tpu.memory_space<vmem>> -> memref<64xi32, #tpu.memory_space<vmem>>
      %dma_wait3A_550 = arith.constant 0 : i32
      %dma_wait3A_551 = arith.constant 0 : i32
      %dma_wait3A_552 = tpu.memref_slice %arg4[%dma_wait3A_550, %dma_wait3A_551] : memref<10240x128xf32, #tpu.memory_space<hbm>> -> memref<10240x128xf32, #tpu.memory_space<hbm>>
      tpu.wait_indirect_dma semaphore(%arg14 : memref<!tpu.dma_semaphore, #tpu.memory_space<semaphore_mem>>) src(%dma_wait3A_552 : memref<10240x128xf32, #tpu.memory_space<hbm>>) dst(%dma_wait3A_546 : memref<64x128xf32, #tpu.memory_space<vmem>>)
      %dma_wait3A_553 = arith.constant 1 : i32
      %dma_wait3A_554 = arith.constant 6 : i32
      %dma_wait3A_555 = arith.constant 0 : i32
      %dma_wait3A_556 = arith.constant 0 : i32
      %dma_wait3A_557 = tpu.memref_slice %arg9[%dma_wait3A_553, %dma_wait3A_555, %dma_wait3A_556] : memref<5x64x128xf32, #tpu.memory_space<vmem>> -> memref<1x64x128xf32, #tpu.memory_space<vmem>>
      %dma_wait3A_558 = tpu.memref_squeeze %dma_wait3A_557 : memref<1x64x128xf32, #tpu.memory_space<vmem>> -> memref<64x128xf32, #tpu.memory_space<vmem>>
      %dma_wait3A_559 = arith.constant 0 : i32
      %dma_wait3A_560 = tpu.memref_slice %arg8[%rem3A_130, %dma_wait3A_554, %dma_wait3A_559] : memref<2x16x64xi32, #tpu.memory_space<vmem>> -> memref<1x1x64xi32, #tpu.memory_space<vmem>>
      %dma_wait3A_561 = tpu.memref_squeeze %dma_wait3A_560 : memref<1x1x64xi32, #tpu.memory_space<vmem>> -> memref<64xi32, #tpu.memory_space<vmem>>
      %dma_wait3A_562 = arith.constant 0 : i32
      %dma_wait3A_563 = arith.constant 0 : i32
      %dma_wait3A_564 = tpu.memref_slice %arg6[%dma_wait3A_562, %dma_wait3A_563] : memref<10240x128xf32, #tpu.memory_space<vmem_shared>> -> memref<10240x128xf32, #tpu.memory_space<vmem_shared>>
      tpu.wait_indirect_dma semaphore(%arg10 : memref<!tpu.dma_semaphore, #tpu.memory_space<semaphore_mem>>) src(%dma_wait3A_558 : memref<64x128xf32, #tpu.memory_space<vmem>>) dst(%dma_wait3A_564 : memref<10240x128xf32, #tpu.memory_space<vmem_shared>>)
      %dma_start3A_565 = arith.constant 11 : i32
      %dma_start3A_566 = arith.constant 1 : i32
      %dma_start3A_567 = arith.constant 0 : i32
      %dma_start3A_568 = arith.constant 0 : i32
      %dma_start3A_569 = tpu.memref_slice %arg9[%dma_start3A_566, %dma_start3A_567, %dma_start3A_568] : memref<5x64x128xf32, #tpu.memory_space<vmem>> -> memref<1x64x128xf32, #tpu.memory_space<vmem>>
      %dma_start3A_570 = tpu.memref_squeeze %dma_start3A_569 : memref<1x64x128xf32, #tpu.memory_space<vmem>> -> memref<64x128xf32, #tpu.memory_space<vmem>>
      %dma_start3A_571 = arith.constant 0 : i32
      %dma_start3A_572 = tpu.memref_slice %arg7[%rem3A_130, %dma_start3A_565, %dma_start3A_571] : memref<2x16x64xi32, #tpu.memory_space<vmem>> -> memref<1x1x64xi32, #tpu.memory_space<vmem>>
      %dma_start3A_573 = tpu.memref_squeeze %dma_start3A_572 : memref<1x1x64xi32, #tpu.memory_space<vmem>> -> memref<64xi32, #tpu.memory_space<vmem>>
      %dma_start3A_574 = arith.constant 0 : i32
      %dma_start3A_575 = arith.constant 0 : i32
      %dma_start3A_576 = tpu.memref_slice %arg4[%dma_start3A_574, %dma_start3A_575] : memref<10240x128xf32, #tpu.memory_space<hbm>> -> memref<10240x128xf32, #tpu.memory_space<hbm>>
      tpu.enqueue_indirect_dma source(%dma_start3A_576 : memref<10240x128xf32, #tpu.memory_space<hbm>>) target(%dma_start3A_570 : memref<64x128xf32, #tpu.memory_space<vmem>>) offsets(%dma_start3A_573 : memref<64xi32, #tpu.memory_space<vmem>>) semaphore(%arg13 : memref<!tpu.dma_semaphore, #tpu.memory_space<semaphore_mem>>)
      %dma_start3A_577 = arith.constant 2 : i32
      %dma_start3A_578 = arith.constant 7 : i32
      %dma_start3A_579 = arith.constant 0 : i32
      %dma_start3A_580 = arith.constant 0 : i32
      %dma_start3A_581 = tpu.memref_slice %arg9[%dma_start3A_577, %dma_start3A_579, %dma_start3A_580] : memref<5x64x128xf32, #tpu.memory_space<vmem>> -> memref<1x64x128xf32, #tpu.memory_space<vmem>>
      %dma_start3A_582 = tpu.memref_squeeze %dma_start3A_581 : memref<1x64x128xf32, #tpu.memory_space<vmem>> -> memref<64x128xf32, #tpu.memory_space<vmem>>
      %dma_start3A_583 = arith.constant 0 : i32
      %dma_start3A_584 = tpu.memref_slice %arg8[%rem3A_130, %dma_start3A_578, %dma_start3A_583] : memref<2x16x64xi32, #tpu.memory_space<vmem>> -> memref<1x1x64xi32, #tpu.memory_space<vmem>>
      %dma_start3A_585 = tpu.memref_squeeze %dma_start3A_584 : memref<1x1x64xi32, #tpu.memory_space<vmem>> -> memref<64xi32, #tpu.memory_space<vmem>>
      %dma_start3A_586 = arith.constant 0 : i32
      %dma_start3A_587 = arith.constant 0 : i32
      %dma_start3A_588 = tpu.memref_slice %arg6[%dma_start3A_586, %dma_start3A_587] : memref<10240x128xf32, #tpu.memory_space<vmem_shared>> -> memref<10240x128xf32, #tpu.memory_space<vmem_shared>>
      tpu.enqueue_indirect_dma source(%dma_start3A_582 : memref<64x128xf32, #tpu.memory_space<vmem>>) target(%dma_start3A_588 : memref<10240x128xf32, #tpu.memory_space<vmem_shared>>) offsets(%dma_start3A_585 : memref<64xi32, #tpu.memory_space<vmem>>) semaphore(%arg10 : memref<!tpu.dma_semaphore, #tpu.memory_space<semaphore_mem>>) {add = true}
      %dma_wait3A_589 = arith.constant 8 : i32
      %dma_wait3A_590 = arith.constant 3 : i32
      %dma_wait3A_591 = arith.constant 0 : i32
      %dma_wait3A_592 = arith.constant 0 : i32
      %dma_wait3A_593 = tpu.memref_slice %arg9[%dma_wait3A_590, %dma_wait3A_591, %dma_wait3A_592] : memref<5x64x128xf32, #tpu.memory_space<vmem>> -> memref<1x64x128xf32, #tpu.memory_space<vmem>>
      %dma_wait3A_594 = tpu.memref_squeeze %dma_wait3A_593 : memref<1x64x128xf32, #tpu.memory_space<vmem>> -> memref<64x128xf32, #tpu.memory_space<vmem>>
      %dma_wait3A_595 = arith.constant 0 : i32
      %dma_wait3A_596 = tpu.memref_slice %arg7[%rem3A_130, %dma_wait3A_589, %dma_wait3A_595] : memref<2x16x64xi32, #tpu.memory_space<vmem>> -> memref<1x1x64xi32, #tpu.memory_space<vmem>>
      %dma_wait3A_597 = tpu.memref_squeeze %dma_wait3A_596 : memref<1x1x64xi32, #tpu.memory_space<vmem>> -> memref<64xi32, #tpu.memory_space<vmem>>
      %dma_wait3A_598 = arith.constant 0 : i32
      %dma_wait3A_599 = arith.constant 0 : i32
      %dma_wait3A_600 = tpu.memref_slice %arg4[%dma_wait3A_598, %dma_wait3A_599] : memref<10240x128xf32, #tpu.memory_space<hbm>> -> memref<10240x128xf32, #tpu.memory_space<hbm>>
      tpu.wait_indirect_dma semaphore(%arg15 : memref<!tpu.dma_semaphore, #tpu.memory_space<semaphore_mem>>) src(%dma_wait3A_600 : memref<10240x128xf32, #tpu.memory_space<hbm>>) dst(%dma_wait3A_594 : memref<64x128xf32, #tpu.memory_space<vmem>>)
      %dma_wait3A_601 = arith.constant 2 : i32
      %dma_wait3A_602 = arith.constant 7 : i32
      %dma_wait3A_603 = arith.constant 0 : i32
      %dma_wait3A_604 = arith.constant 0 : i32
      %dma_wait3A_605 = tpu.memref_slice %arg9[%dma_wait3A_601, %dma_wait3A_603, %dma_wait3A_604] : memref<5x64x128xf32, #tpu.memory_space<vmem>> -> memref<1x64x128xf32, #tpu.memory_space<vmem>>
      %dma_wait3A_606 = tpu.memref_squeeze %dma_wait3A_605 : memref<1x64x128xf32, #tpu.memory_space<vmem>> -> memref<64x128xf32, #tpu.memory_space<vmem>>
      %dma_wait3A_607 = arith.constant 0 : i32
      %dma_wait3A_608 = tpu.memref_slice %arg8[%rem3A_130, %dma_wait3A_602, %dma_wait3A_607] : memref<2x16x64xi32, #tpu.memory_space<vmem>> -> memref<1x1x64xi32, #tpu.memory_space<vmem>>
      %dma_wait3A_609 = tpu.memref_squeeze %dma_wait3A_608 : memref<1x1x64xi32, #tpu.memory_space<vmem>> -> memref<64xi32, #tpu.memory_space<vmem>>
      %dma_wait3A_610 = arith.constant 0 : i32
      %dma_wait3A_611 = arith.constant 0 : i32
      %dma_wait3A_612 = tpu.memref_slice %arg6[%dma_wait3A_610, %dma_wait3A_611] : memref<10240x128xf32, #tpu.memory_space<vmem_shared>> -> memref<10240x128xf32, #tpu.memory_space<vmem_shared>>
      tpu.wait_indirect_dma semaphore(%arg10 : memref<!tpu.dma_semaphore, #tpu.memory_space<semaphore_mem>>) src(%dma_wait3A_606 : memref<64x128xf32, #tpu.memory_space<vmem>>) dst(%dma_wait3A_612 : memref<10240x128xf32, #tpu.memory_space<vmem_shared>>)
      %dma_start3A_613 = arith.constant 12 : i32
      %dma_start3A_614 = arith.constant 2 : i32
      %dma_start3A_615 = arith.constant 0 : i32
      %dma_start3A_616 = arith.constant 0 : i32
      %dma_start3A_617 = tpu.memref_slice %arg9[%dma_start3A_614, %dma_start3A_615, %dma_start3A_616] : memref<5x64x128xf32, #tpu.memory_space<vmem>> -> memref<1x64x128xf32, #tpu.memory_space<vmem>>
      %dma_start3A_618 = tpu.memref_squeeze %dma_start3A_617 : memref<1x64x128xf32, #tpu.memory_space<vmem>> -> memref<64x128xf32, #tpu.memory_space<vmem>>
      %dma_start3A_619 = arith.constant 0 : i32
      %dma_start3A_620 = tpu.memref_slice %arg7[%rem3A_130, %dma_start3A_613, %dma_start3A_619] : memref<2x16x64xi32, #tpu.memory_space<vmem>> -> memref<1x1x64xi32, #tpu.memory_space<vmem>>
      %dma_start3A_621 = tpu.memref_squeeze %dma_start3A_620 : memref<1x1x64xi32, #tpu.memory_space<vmem>> -> memref<64xi32, #tpu.memory_space<vmem>>
      %dma_start3A_622 = arith.constant 0 : i32
      %dma_start3A_623 = arith.constant 0 : i32
      %dma_start3A_624 = tpu.memref_slice %arg4[%dma_start3A_622, %dma_start3A_623] : memref<10240x128xf32, #tpu.memory_space<hbm>> -> memref<10240x128xf32, #tpu.memory_space<hbm>>
      tpu.enqueue_indirect_dma source(%dma_start3A_624 : memref<10240x128xf32, #tpu.memory_space<hbm>>) target(%dma_start3A_618 : memref<64x128xf32, #tpu.memory_space<vmem>>) offsets(%dma_start3A_621 : memref<64xi32, #tpu.memory_space<vmem>>) semaphore(%arg14 : memref<!tpu.dma_semaphore, #tpu.memory_space<semaphore_mem>>)
      %dma_start3A_625 = arith.constant 3 : i32
      %dma_start3A_626 = arith.constant 8 : i32
      %dma_start3A_627 = arith.constant 0 : i32
      %dma_start3A_628 = arith.constant 0 : i32
      %dma_start3A_629 = tpu.memref_slice %arg9[%dma_start3A_625, %dma_start3A_627, %dma_start3A_628] : memref<5x64x128xf32, #tpu.memory_space<vmem>> -> memref<1x64x128xf32, #tpu.memory_space<vmem>>
      %dma_start3A_630 = tpu.memref_squeeze %dma_start3A_629 : memref<1x64x128xf32, #tpu.memory_space<vmem>> -> memref<64x128xf32, #tpu.memory_space<vmem>>
      %dma_start3A_631 = arith.constant 0 : i32
      %dma_start3A_632 = tpu.memref_slice %arg8[%rem3A_130, %dma_start3A_626, %dma_start3A_631] : memref<2x16x64xi32, #tpu.memory_space<vmem>> -> memref<1x1x64xi32, #tpu.memory_space<vmem>>
      %dma_start3A_633 = tpu.memref_squeeze %dma_start3A_632 : memref<1x1x64xi32, #tpu.memory_space<vmem>> -> memref<64xi32, #tpu.memory_space<vmem>>
      %dma_start3A_634 = arith.constant 0 : i32
      %dma_start3A_635 = arith.constant 0 : i32
      %dma_start3A_636 = tpu.memref_slice %arg6[%dma_start3A_634, %dma_start3A_635] : memref<10240x128xf32, #tpu.memory_space<vmem_shared>> -> memref<10240x128xf32, #tpu.memory_space<vmem_shared>>
      tpu.enqueue_indirect_dma source(%dma_start3A_630 : memref<64x128xf32, #tpu.memory_space<vmem>>) target(%dma_start3A_636 : memref<10240x128xf32, #tpu.memory_space<vmem_shared>>) offsets(%dma_start3A_633 : memref<64xi32, #tpu.memory_space<vmem>>) semaphore(%arg10 : memref<!tpu.dma_semaphore, #tpu.memory_space<semaphore_mem>>) {add = true}
      %dma_wait3A_637 = arith.constant 9 : i32
      %dma_wait3A_638 = arith.constant 4 : i32
      %dma_wait3A_639 = arith.constant 0 : i32
      %dma_wait3A_640 = arith.constant 0 : i32
      %dma_wait3A_641 = tpu.memref_slice %arg9[%dma_wait3A_638, %dma_wait3A_639, %dma_wait3A_640] : memref<5x64x128xf32, #tpu.memory_space<vmem>> -> memref<1x64x128xf32, #tpu.memory_space<vmem>>
      %dma_wait3A_642 = tpu.memref_squeeze %dma_wait3A_641 : memref<1x64x128xf32, #tpu.memory_space<vmem>> -> memref<64x128xf32, #tpu.memory_space<vmem>>
      %dma_wait3A_643 = arith.constant 0 : i32
      %dma_wait3A_644 = tpu.memref_slice %arg7[%rem3A_130, %dma_wait3A_637, %dma_wait3A_643] : memref<2x16x64xi32, #tpu.memory_space<vmem>> -> memref<1x1x64xi32, #tpu.memory_space<vmem>>
      %dma_wait3A_645 = tpu.memref_squeeze %dma_wait3A_644 : memref<1x1x64xi32, #tpu.memory_space<vmem>> -> memref<64xi32, #tpu.memory_space<vmem>>
      %dma_wait3A_646 = arith.constant 0 : i32
      %dma_wait3A_647 = arith.constant 0 : i32
      %dma_wait3A_648 = tpu.memref_slice %arg4[%dma_wait3A_646, %dma_wait3A_647] : memref<10240x128xf32, #tpu.memory_space<hbm>> -> memref<10240x128xf32, #tpu.memory_space<hbm>>
      tpu.wait_indirect_dma semaphore(%arg16 : memref<!tpu.dma_semaphore, #tpu.memory_space<semaphore_mem>>) src(%dma_wait3A_648 : memref<10240x128xf32, #tpu.memory_space<hbm>>) dst(%dma_wait3A_642 : memref<64x128xf32, #tpu.memory_space<vmem>>)
      %dma_wait3A_649 = arith.constant 3 : i32
      %dma_wait3A_650 = arith.constant 8 : i32
      %dma_wait3A_651 = arith.constant 0 : i32
      %dma_wait3A_652 = arith.constant 0 : i32
      %dma_wait3A_653 = tpu.memref_slice %arg9[%dma_wait3A_649, %dma_wait3A_651, %dma_wait3A_652] : memref<5x64x128xf32, #tpu.memory_space<vmem>> -> memref<1x64x128xf32, #tpu.memory_space<vmem>>
      %dma_wait3A_654 = tpu.memref_squeeze %dma_wait3A_653 : memref<1x64x128xf32, #tpu.memory_space<vmem>> -> memref<64x128xf32, #tpu.memory_space<vmem>>
      %dma_wait3A_655 = arith.constant 0 : i32
      %dma_wait3A_656 = tpu.memref_slice %arg8[%rem3A_130, %dma_wait3A_650, %dma_wait3A_655] : memref<2x16x64xi32, #tpu.memory_space<vmem>> -> memref<1x1x64xi32, #tpu.memory_space<vmem>>
      %dma_wait3A_657 = tpu.memref_squeeze %dma_wait3A_656 : memref<1x1x64xi32, #tpu.memory_space<vmem>> -> memref<64xi32, #tpu.memory_space<vmem>>
      %dma_wait3A_658 = arith.constant 0 : i32
      %dma_wait3A_659 = arith.constant 0 : i32
      %dma_wait3A_660 = tpu.memref_slice %arg6[%dma_wait3A_658, %dma_wait3A_659] : memref<10240x128xf32, #tpu.memory_space<vmem_shared>> -> memref<10240x128xf32, #tpu.memory_space<vmem_shared>>
      tpu.wait_indirect_dma semaphore(%arg10 : memref<!tpu.dma_semaphore, #tpu.memory_space<semaphore_mem>>) src(%dma_wait3A_654 : memref<64x128xf32, #tpu.memory_space<vmem>>) dst(%dma_wait3A_660 : memref<10240x128xf32, #tpu.memory_space<vmem_shared>>)
      %dma_start3A_661 = arith.constant 13 : i32
      %dma_start3A_662 = arith.constant 3 : i32
      %dma_start3A_663 = arith.constant 0 : i32
      %dma_start3A_664 = arith.constant 0 : i32
      %dma_start3A_665 = tpu.memref_slice %arg9[%dma_start3A_662, %dma_start3A_663, %dma_start3A_664] : memref<5x64x128xf32, #tpu.memory_space<vmem>> -> memref<1x64x128xf32, #tpu.memory_space<vmem>>
      %dma_start3A_666 = tpu.memref_squeeze %dma_start3A_665 : memref<1x64x128xf32, #tpu.memory_space<vmem>> -> memref<64x128xf32, #tpu.memory_space<vmem>>
      %dma_start3A_667 = arith.constant 0 : i32
      %dma_start3A_668 = tpu.memref_slice %arg7[%rem3A_130, %dma_start3A_661, %dma_start3A_667] : memref<2x16x64xi32, #tpu.memory_space<vmem>> -> memref<1x1x64xi32, #tpu.memory_space<vmem>>
      %dma_start3A_669 = tpu.memref_squeeze %dma_start3A_668 : memref<1x1x64xi32, #tpu.memory_space<vmem>> -> memref<64xi32, #tpu.memory_space<vmem>>
      %dma_start3A_670 = arith.constant 0 : i32
      %dma_start3A_671 = arith.constant 0 : i32
      %dma_start3A_672 = tpu.memref_slice %arg4[%dma_start3A_670, %dma_start3A_671] : memref<10240x128xf32, #tpu.memory_space<hbm>> -> memref<10240x128xf32, #tpu.memory_space<hbm>>
      tpu.enqueue_indirect_dma source(%dma_start3A_672 : memref<10240x128xf32, #tpu.memory_space<hbm>>) target(%dma_start3A_666 : memref<64x128xf32, #tpu.memory_space<vmem>>) offsets(%dma_start3A_669 : memref<64xi32, #tpu.memory_space<vmem>>) semaphore(%arg15 : memref<!tpu.dma_semaphore, #tpu.memory_space<semaphore_mem>>)
      %dma_start3A_673 = arith.constant 4 : i32
      %dma_start3A_674 = arith.constant 9 : i32
      %dma_start3A_675 = arith.constant 0 : i32
      %dma_start3A_676 = arith.constant 0 : i32
      %dma_start3A_677 = tpu.memref_slice %arg9[%dma_start3A_673, %dma_start3A_675, %dma_start3A_676] : memref<5x64x128xf32, #tpu.memory_space<vmem>> -> memref<1x64x128xf32, #tpu.memory_space<vmem>>
      %dma_start3A_678 = tpu.memref_squeeze %dma_start3A_677 : memref<1x64x128xf32, #tpu.memory_space<vmem>> -> memref<64x128xf32, #tpu.memory_space<vmem>>
      %dma_start3A_679 = arith.constant 0 : i32
      %dma_start3A_680 = tpu.memref_slice %arg8[%rem3A_130, %dma_start3A_674, %dma_start3A_679] : memref<2x16x64xi32, #tpu.memory_space<vmem>> -> memref<1x1x64xi32, #tpu.memory_space<vmem>>
      %dma_start3A_681 = tpu.memref_squeeze %dma_start3A_680 : memref<1x1x64xi32, #tpu.memory_space<vmem>> -> memref<64xi32, #tpu.memory_space<vmem>>
      %dma_start3A_682 = arith.constant 0 : i32
      %dma_start3A_683 = arith.constant 0 : i32
      %dma_start3A_684 = tpu.memref_slice %arg6[%dma_start3A_682, %dma_start3A_683] : memref<10240x128xf32, #tpu.memory_space<vmem_shared>> -> memref<10240x128xf32, #tpu.memory_space<vmem_shared>>
      tpu.enqueue_indirect_dma source(%dma_start3A_678 : memref<64x128xf32, #tpu.memory_space<vmem>>) target(%dma_start3A_684 : memref<10240x128xf32, #tpu.memory_space<vmem_shared>>) offsets(%dma_start3A_681 : memref<64xi32, #tpu.memory_space<vmem>>) semaphore(%arg10 : memref<!tpu.dma_semaphore, #tpu.memory_space<semaphore_mem>>) {add = true}
      %dma_wait3A_685 = arith.constant 10 : i32
      %dma_wait3A_686 = arith.constant 0 : i32
      %dma_wait3A_687 = arith.constant 0 : i32
      %dma_wait3A_688 = arith.constant 0 : i32
      %dma_wait3A_689 = tpu.memref_slice %arg9[%dma_wait3A_686, %dma_wait3A_687, %dma_wait3A_688] : memref<5x64x128xf32, #tpu.memory_space<vmem>> -> memref<1x64x128xf32, #tpu.memory_space<vmem>>
      %dma_wait3A_690 = tpu.memref_squeeze %dma_wait3A_689 : memref<1x64x128xf32, #tpu.memory_space<vmem>> -> memref<64x128xf32, #tpu.memory_space<vmem>>
      %dma_wait3A_691 = arith.constant 0 : i32
      %dma_wait3A_692 = tpu.memref_slice %arg7[%rem3A_130, %dma_wait3A_685, %dma_wait3A_691] : memref<2x16x64xi32, #tpu.memory_space<vmem>> -> memref<1x1x64xi32, #tpu.memory_space<vmem>>
      %dma_wait3A_693 = tpu.memref_squeeze %dma_wait3A_692 : memref<1x1x64xi32, #tpu.memory_space<vmem>> -> memref<64xi32, #tpu.memory_space<vmem>>
      %dma_wait3A_694 = arith.constant 0 : i32
      %dma_wait3A_695 = arith.constant 0 : i32
      %dma_wait3A_696 = tpu.memref_slice %arg4[%dma_wait3A_694, %dma_wait3A_695] : memref<10240x128xf32, #tpu.memory_space<hbm>> -> memref<10240x128xf32, #tpu.memory_space<hbm>>
      tpu.wait_indirect_dma semaphore(%arg12 : memref<!tpu.dma_semaphore, #tpu.memory_space<semaphore_mem>>) src(%dma_wait3A_696 : memref<10240x128xf32, #tpu.memory_space<hbm>>) dst(%dma_wait3A_690 : memref<64x128xf32, #tpu.memory_space<vmem>>)
      %dma_wait3A_697 = arith.constant 4 : i32
      %dma_wait3A_698 = arith.constant 9 : i32
      %dma_wait3A_699 = arith.constant 0 : i32
      %dma_wait3A_700 = arith.constant 0 : i32
      %dma_wait3A_701 = tpu.memref_slice %arg9[%dma_wait3A_697, %dma_wait3A_699, %dma_wait3A_700] : memref<5x64x128xf32, #tpu.memory_space<vmem>> -> memref<1x64x128xf32, #tpu.memory_space<vmem>>
      %dma_wait3A_702 = tpu.memref_squeeze %dma_wait3A_701 : memref<1x64x128xf32, #tpu.memory_space<vmem>> -> memref<64x128xf32, #tpu.memory_space<vmem>>
      %dma_wait3A_703 = arith.constant 0 : i32
      %dma_wait3A_704 = tpu.memref_slice %arg8[%rem3A_130, %dma_wait3A_698, %dma_wait3A_703] : memref<2x16x64xi32, #tpu.memory_space<vmem>> -> memref<1x1x64xi32, #tpu.memory_space<vmem>>
      %dma_wait3A_705 = tpu.memref_squeeze %dma_wait3A_704 : memref<1x1x64xi32, #tpu.memory_space<vmem>> -> memref<64xi32, #tpu.memory_space<vmem>>
      %dma_wait3A_706 = arith.constant 0 : i32
      %dma_wait3A_707 = arith.constant 0 : i32
      %dma_wait3A_708 = tpu.memref_slice %arg6[%dma_wait3A_706, %dma_wait3A_707] : memref<10240x128xf32, #tpu.memory_space<vmem_shared>> -> memref<10240x128xf32, #tpu.memory_space<vmem_shared>>
      tpu.wait_indirect_dma semaphore(%arg10 : memref<!tpu.dma_semaphore, #tpu.memory_space<semaphore_mem>>) src(%dma_wait3A_702 : memref<64x128xf32, #tpu.memory_space<vmem>>) dst(%dma_wait3A_708 : memref<10240x128xf32, #tpu.memory_space<vmem_shared>>)
      %dma_start3A_709 = arith.constant 14 : i32
      %dma_start3A_710 = arith.constant 4 : i32
      %dma_start3A_711 = arith.constant 0 : i32
      %dma_start3A_712 = arith.constant 0 : i32
      %dma_start3A_713 = tpu.memref_slice %arg9[%dma_start3A_710, %dma_start3A_711, %dma_start3A_712] : memref<5x64x128xf32, #tpu.memory_space<vmem>> -> memref<1x64x128xf32, #tpu.memory_space<vmem>>
      %dma_start3A_714 = tpu.memref_squeeze %dma_start3A_713 : memref<1x64x128xf32, #tpu.memory_space<vmem>> -> memref<64x128xf32, #tpu.memory_space<vmem>>
      %dma_start3A_715 = arith.constant 0 : i32
      %dma_start3A_716 = tpu.memref_slice %arg7[%rem3A_130, %dma_start3A_709, %dma_start3A_715] : memref<2x16x64xi32, #tpu.memory_space<vmem>> -> memref<1x1x64xi32, #tpu.memory_space<vmem>>
      %dma_start3A_717 = tpu.memref_squeeze %dma_start3A_716 : memref<1x1x64xi32, #tpu.memory_space<vmem>> -> memref<64xi32, #tpu.memory_space<vmem>>
      %dma_start3A_718 = arith.constant 0 : i32
      %dma_start3A_719 = arith.constant 0 : i32
      %dma_start3A_720 = tpu.memref_slice %arg4[%dma_start3A_718, %dma_start3A_719] : memref<10240x128xf32, #tpu.memory_space<hbm>> -> memref<10240x128xf32, #tpu.memory_space<hbm>>
      tpu.enqueue_indirect_dma source(%dma_start3A_720 : memref<10240x128xf32, #tpu.memory_space<hbm>>) target(%dma_start3A_714 : memref<64x128xf32, #tpu.memory_space<vmem>>) offsets(%dma_start3A_717 : memref<64xi32, #tpu.memory_space<vmem>>) semaphore(%arg16 : memref<!tpu.dma_semaphore, #tpu.memory_space<semaphore_mem>>)
      %dma_start3A_721 = arith.constant 0 : i32
      %dma_start3A_722 = arith.constant 10 : i32
      %dma_start3A_723 = arith.constant 0 : i32
      %dma_start3A_724 = arith.constant 0 : i32
      %dma_start3A_725 = tpu.memref_slice %arg9[%dma_start3A_721, %dma_start3A_723, %dma_start3A_724] : memref<5x64x128xf32, #tpu.memory_space<vmem>> -> memref<1x64x128xf32, #tpu.memory_space<vmem>>
      %dma_start3A_726 = tpu.memref_squeeze %dma_start3A_725 : memref<1x64x128xf32, #tpu.memory_space<vmem>> -> memref<64x128xf32, #tpu.memory_space<vmem>>
      %dma_start3A_727 = arith.constant 0 : i32
      %dma_start3A_728 = tpu.memref_slice %arg8[%rem3A_130, %dma_start3A_722, %dma_start3A_727] : memref<2x16x64xi32, #tpu.memory_space<vmem>> -> memref<1x1x64xi32, #tpu.memory_space<vmem>>
      %dma_start3A_729 = tpu.memref_squeeze %dma_start3A_728 : memref<1x1x64xi32, #tpu.memory_space<vmem>> -> memref<64xi32, #tpu.memory_space<vmem>>
      %dma_start3A_730 = arith.constant 0 : i32
      %dma_start3A_731 = arith.constant 0 : i32
      %dma_start3A_732 = tpu.memref_slice %arg6[%dma_start3A_730, %dma_start3A_731] : memref<10240x128xf32, #tpu.memory_space<vmem_shared>> -> memref<10240x128xf32, #tpu.memory_space<vmem_shared>>
      tpu.enqueue_indirect_dma source(%dma_start3A_726 : memref<64x128xf32, #tpu.memory_space<vmem>>) target(%dma_start3A_732 : memref<10240x128xf32, #tpu.memory_space<vmem_shared>>) offsets(%dma_start3A_729 : memref<64xi32, #tpu.memory_space<vmem>>) semaphore(%arg10 : memref<!tpu.dma_semaphore, #tpu.memory_space<semaphore_mem>>) {add = true}
      %dma_wait3A_733 = arith.constant 11 : i32
      %dma_wait3A_734 = arith.constant 1 : i32
      %dma_wait3A_735 = arith.constant 0 : i32
      %dma_wait3A_736 = arith.constant 0 : i32
      %dma_wait3A_737 = tpu.memref_slice %arg9[%dma_wait3A_734, %dma_wait3A_735, %dma_wait3A_736] : memref<5x64x128xf32, #tpu.memory_space<vmem>> -> memref<1x64x128xf32, #tpu.memory_space<vmem>>
      %dma_wait3A_738 = tpu.memref_squeeze %dma_wait3A_737 : memref<1x64x128xf32, #tpu.memory_space<vmem>> -> memref<64x128xf32, #tpu.memory_space<vmem>>
      %dma_wait3A_739 = arith.constant 0 : i32
      %dma_wait3A_740 = tpu.memref_slice %arg7[%rem3A_130, %dma_wait3A_733, %dma_wait3A_739] : memref<2x16x64xi32, #tpu.memory_space<vmem>> -> memref<1x1x64xi32, #tpu.memory_space<vmem>>
      %dma_wait3A_741 = tpu.memref_squeeze %dma_wait3A_740 : memref<1x1x64xi32, #tpu.memory_space<vmem>> -> memref<64xi32, #tpu.memory_space<vmem>>
      %dma_wait3A_742 = arith.constant 0 : i32
      %dma_wait3A_743 = arith.constant 0 : i32
      %dma_wait3A_744 = tpu.memref_slice %arg4[%dma_wait3A_742, %dma_wait3A_743] : memref<10240x128xf32, #tpu.memory_space<hbm>> -> memref<10240x128xf32, #tpu.memory_space<hbm>>
      tpu.wait_indirect_dma semaphore(%arg13 : memref<!tpu.dma_semaphore, #tpu.memory_space<semaphore_mem>>) src(%dma_wait3A_744 : memref<10240x128xf32, #tpu.memory_space<hbm>>) dst(%dma_wait3A_738 : memref<64x128xf32, #tpu.memory_space<vmem>>)
      %dma_wait3A_745 = arith.constant 0 : i32
      %dma_wait3A_746 = arith.constant 10 : i32
      %dma_wait3A_747 = arith.constant 0 : i32
      %dma_wait3A_748 = arith.constant 0 : i32
      %dma_wait3A_749 = tpu.memref_slice %arg9[%dma_wait3A_745, %dma_wait3A_747, %dma_wait3A_748] : memref<5x64x128xf32, #tpu.memory_space<vmem>> -> memref<1x64x128xf32, #tpu.memory_space<vmem>>
      %dma_wait3A_750 = tpu.memref_squeeze %dma_wait3A_749 : memref<1x64x128xf32, #tpu.memory_space<vmem>> -> memref<64x128xf32, #tpu.memory_space<vmem>>
      %dma_wait3A_751 = arith.constant 0 : i32
      %dma_wait3A_752 = tpu.memref_slice %arg8[%rem3A_130, %dma_wait3A_746, %dma_wait3A_751] : memref<2x16x64xi32, #tpu.memory_space<vmem>> -> memref<1x1x64xi32, #tpu.memory_space<vmem>>
      %dma_wait3A_753 = tpu.memref_squeeze %dma_wait3A_752 : memref<1x1x64xi32, #tpu.memory_space<vmem>> -> memref<64xi32, #tpu.memory_space<vmem>>
      %dma_wait3A_754 = arith.constant 0 : i32
      %dma_wait3A_755 = arith.constant 0 : i32
      %dma_wait3A_756 = tpu.memref_slice %arg6[%dma_wait3A_754, %dma_wait3A_755] : memref<10240x128xf32, #tpu.memory_space<vmem_shared>> -> memref<10240x128xf32, #tpu.memory_space<vmem_shared>>
      tpu.wait_indirect_dma semaphore(%arg10 : memref<!tpu.dma_semaphore, #tpu.memory_space<semaphore_mem>>) src(%dma_wait3A_750 : memref<64x128xf32, #tpu.memory_space<vmem>>) dst(%dma_wait3A_756 : memref<10240x128xf32, #tpu.memory_space<vmem_shared>>)
      %dma_start3A_757 = arith.constant 15 : i32
      %dma_start3A_758 = arith.constant 0 : i32
      %dma_start3A_759 = arith.constant 0 : i32
      %dma_start3A_760 = arith.constant 0 : i32
      %dma_start3A_761 = tpu.memref_slice %arg9[%dma_start3A_758, %dma_start3A_759, %dma_start3A_760] : memref<5x64x128xf32, #tpu.memory_space<vmem>> -> memref<1x64x128xf32, #tpu.memory_space<vmem>>
      %dma_start3A_762 = tpu.memref_squeeze %dma_start3A_761 : memref<1x64x128xf32, #tpu.memory_space<vmem>> -> memref<64x128xf32, #tpu.memory_space<vmem>>
      %dma_start3A_763 = arith.constant 0 : i32
      %dma_start3A_764 = tpu.memref_slice %arg7[%rem3A_130, %dma_start3A_757, %dma_start3A_763] : memref<2x16x64xi32, #tpu.memory_space<vmem>> -> memref<1x1x64xi32, #tpu.memory_space<vmem>>
      %dma_start3A_765 = tpu.memref_squeeze %dma_start3A_764 : memref<1x1x64xi32, #tpu.memory_space<vmem>> -> memref<64xi32, #tpu.memory_space<vmem>>
      %dma_start3A_766 = arith.constant 0 : i32
      %dma_start3A_767 = arith.constant 0 : i32
      %dma_start3A_768 = tpu.memref_slice %arg4[%dma_start3A_766, %dma_start3A_767] : memref<10240x128xf32, #tpu.memory_space<hbm>> -> memref<10240x128xf32, #tpu.memory_space<hbm>>
      tpu.enqueue_indirect_dma source(%dma_start3A_768 : memref<10240x128xf32, #tpu.memory_space<hbm>>) target(%dma_start3A_762 : memref<64x128xf32, #tpu.memory_space<vmem>>) offsets(%dma_start3A_765 : memref<64xi32, #tpu.memory_space<vmem>>) semaphore(%arg12 : memref<!tpu.dma_semaphore, #tpu.memory_space<semaphore_mem>>)
      %dma_start3A_769 = arith.constant 1 : i32
      %dma_start3A_770 = arith.constant 11 : i32
      %dma_start3A_771 = arith.constant 0 : i32
      %dma_start3A_772 = arith.constant 0 : i32
      %dma_start3A_773 = tpu.memref_slice %arg9[%dma_start3A_769, %dma_start3A_771, %dma_start3A_772] : memref<5x64x128xf32, #tpu.memory_space<vmem>> -> memref<1x64x128xf32, #tpu.memory_space<vmem>>
      %dma_start3A_774 = tpu.memref_squeeze %dma_start3A_773 : memref<1x64x128xf32, #tpu.memory_space<vmem>> -> memref<64x128xf32, #tpu.memory_space<vmem>>
      %dma_start3A_775 = arith.constant 0 : i32
      %dma_start3A_776 = tpu.memref_slice %arg8[%rem3A_130, %dma_start3A_770, %dma_start3A_775] : memref<2x16x64xi32, #tpu.memory_space<vmem>> -> memref<1x1x64xi32, #tpu.memory_space<vmem>>
      %dma_start3A_777 = tpu.memref_squeeze %dma_start3A_776 : memref<1x1x64xi32, #tpu.memory_space<vmem>> -> memref<64xi32, #tpu.memory_space<vmem>>
      %dma_start3A_778 = arith.constant 0 : i32
      %dma_start3A_779 = arith.constant 0 : i32
      %dma_start3A_780 = tpu.memref_slice %arg6[%dma_start3A_778, %dma_start3A_779] : memref<10240x128xf32, #tpu.memory_space<vmem_shared>> -> memref<10240x128xf32, #tpu.memory_space<vmem_shared>>
      tpu.enqueue_indirect_dma source(%dma_start3A_774 : memref<64x128xf32, #tpu.memory_space<vmem>>) target(%dma_start3A_780 : memref<10240x128xf32, #tpu.memory_space<vmem_shared>>) offsets(%dma_start3A_777 : memref<64xi32, #tpu.memory_space<vmem>>) semaphore(%arg10 : memref<!tpu.dma_semaphore, #tpu.memory_space<semaphore_mem>>) {add = true}
      %dma_wait3A_781 = arith.constant 12 : i32
      %dma_wait3A_782 = arith.constant 2 : i32
      %dma_wait3A_783 = arith.constant 0 : i32
      %dma_wait3A_784 = arith.constant 0 : i32
      %dma_wait3A_785 = tpu.memref_slice %arg9[%dma_wait3A_782, %dma_wait3A_783, %dma_wait3A_784] : memref<5x64x128xf32, #tpu.memory_space<vmem>> -> memref<1x64x128xf32, #tpu.memory_space<vmem>>
      %dma_wait3A_786 = tpu.memref_squeeze %dma_wait3A_785 : memref<1x64x128xf32, #tpu.memory_space<vmem>> -> memref<64x128xf32, #tpu.memory_space<vmem>>
      %dma_wait3A_787 = arith.constant 0 : i32
      %dma_wait3A_788 = tpu.memref_slice %arg7[%rem3A_130, %dma_wait3A_781, %dma_wait3A_787] : memref<2x16x64xi32, #tpu.memory_space<vmem>> -> memref<1x1x64xi32, #tpu.memory_space<vmem>>
      %dma_wait3A_789 = tpu.memref_squeeze %dma_wait3A_788 : memref<1x1x64xi32, #tpu.memory_space<vmem>> -> memref<64xi32, #tpu.memory_space<vmem>>
      %dma_wait3A_790 = arith.constant 0 : i32
      %dma_wait3A_791 = arith.constant 0 : i32
      %dma_wait3A_792 = tpu.memref_slice %arg4[%dma_wait3A_790, %dma_wait3A_791] : memref<10240x128xf32, #tpu.memory_space<hbm>> -> memref<10240x128xf32, #tpu.memory_space<hbm>>
      tpu.wait_indirect_dma semaphore(%arg14 : memref<!tpu.dma_semaphore, #tpu.memory_space<semaphore_mem>>) src(%dma_wait3A_792 : memref<10240x128xf32, #tpu.memory_space<hbm>>) dst(%dma_wait3A_786 : memref<64x128xf32, #tpu.memory_space<vmem>>)
      %dma_wait3A_793 = arith.constant 1 : i32
      %dma_wait3A_794 = arith.constant 11 : i32
      %dma_wait3A_795 = arith.constant 0 : i32
      %dma_wait3A_796 = arith.constant 0 : i32
      %dma_wait3A_797 = tpu.memref_slice %arg9[%dma_wait3A_793, %dma_wait3A_795, %dma_wait3A_796] : memref<5x64x128xf32, #tpu.memory_space<vmem>> -> memref<1x64x128xf32, #tpu.memory_space<vmem>>
      %dma_wait3A_798 = tpu.memref_squeeze %dma_wait3A_797 : memref<1x64x128xf32, #tpu.memory_space<vmem>> -> memref<64x128xf32, #tpu.memory_space<vmem>>
      %dma_wait3A_799 = arith.constant 0 : i32
      %dma_wait3A_800 = tpu.memref_slice %arg8[%rem3A_130, %dma_wait3A_794, %dma_wait3A_799] : memref<2x16x64xi32, #tpu.memory_space<vmem>> -> memref<1x1x64xi32, #tpu.memory_space<vmem>>
      %dma_wait3A_801 = tpu.memref_squeeze %dma_wait3A_800 : memref<1x1x64xi32, #tpu.memory_space<vmem>> -> memref<64xi32, #tpu.memory_space<vmem>>
      %dma_wait3A_802 = arith.constant 0 : i32
      %dma_wait3A_803 = arith.constant 0 : i32
      %dma_wait3A_804 = tpu.memref_slice %arg6[%dma_wait3A_802, %dma_wait3A_803] : memref<10240x128xf32, #tpu.memory_space<vmem_shared>> -> memref<10240x128xf32, #tpu.memory_space<vmem_shared>>
      tpu.wait_indirect_dma semaphore(%arg10 : memref<!tpu.dma_semaphore, #tpu.memory_space<semaphore_mem>>) src(%dma_wait3A_798 : memref<64x128xf32, #tpu.memory_space<vmem>>) dst(%dma_wait3A_804 : memref<10240x128xf32, #tpu.memory_space<vmem_shared>>)
      %dma_start3A_805 = arith.constant 2 : i32
      %dma_start3A_806 = arith.constant 12 : i32
      %dma_start3A_807 = arith.constant 0 : i32
      %dma_start3A_808 = arith.constant 0 : i32
      %dma_start3A_809 = tpu.memref_slice %arg9[%dma_start3A_805, %dma_start3A_807, %dma_start3A_808] : memref<5x64x128xf32, #tpu.memory_space<vmem>> -> memref<1x64x128xf32, #tpu.memory_space<vmem>>
      %dma_start3A_810 = tpu.memref_squeeze %dma_start3A_809 : memref<1x64x128xf32, #tpu.memory_space<vmem>> -> memref<64x128xf32, #tpu.memory_space<vmem>>
      %dma_start3A_811 = arith.constant 0 : i32
      %dma_start3A_812 = tpu.memref_slice %arg8[%rem3A_130, %dma_start3A_806, %dma_start3A_811] : memref<2x16x64xi32, #tpu.memory_space<vmem>> -> memref<1x1x64xi32, #tpu.memory_space<vmem>>
      %dma_start3A_813 = tpu.memref_squeeze %dma_start3A_812 : memref<1x1x64xi32, #tpu.memory_space<vmem>> -> memref<64xi32, #tpu.memory_space<vmem>>
      %dma_start3A_814 = arith.constant 0 : i32
      %dma_start3A_815 = arith.constant 0 : i32
      %dma_start3A_816 = tpu.memref_slice %arg6[%dma_start3A_814, %dma_start3A_815] : memref<10240x128xf32, #tpu.memory_space<vmem_shared>> -> memref<10240x128xf32, #tpu.memory_space<vmem_shared>>
      tpu.enqueue_indirect_dma source(%dma_start3A_810 : memref<64x128xf32, #tpu.memory_space<vmem>>) target(%dma_start3A_816 : memref<10240x128xf32, #tpu.memory_space<vmem_shared>>) offsets(%dma_start3A_813 : memref<64xi32, #tpu.memory_space<vmem>>) semaphore(%arg10 : memref<!tpu.dma_semaphore, #tpu.memory_space<semaphore_mem>>) {add = true}
      %dma_wait3A_817 = arith.constant 13 : i32
      %dma_wait3A_818 = arith.constant 3 : i32
      %dma_wait3A_819 = arith.constant 0 : i32
      %dma_wait3A_820 = arith.constant 0 : i32
      %dma_wait3A_821 = tpu.memref_slice %arg9[%dma_wait3A_818, %dma_wait3A_819, %dma_wait3A_820] : memref<5x64x128xf32, #tpu.memory_space<vmem>> -> memref<1x64x128xf32, #tpu.memory_space<vmem>>
      %dma_wait3A_822 = tpu.memref_squeeze %dma_wait3A_821 : memref<1x64x128xf32, #tpu.memory_space<vmem>> -> memref<64x128xf32, #tpu.memory_space<vmem>>
      %dma_wait3A_823 = arith.constant 0 : i32
      %dma_wait3A_824 = tpu.memref_slice %arg7[%rem3A_130, %dma_wait3A_817, %dma_wait3A_823] : memref<2x16x64xi32, #tpu.memory_space<vmem>> -> memref<1x1x64xi32, #tpu.memory_space<vmem>>
      %dma_wait3A_825 = tpu.memref_squeeze %dma_wait3A_824 : memref<1x1x64xi32, #tpu.memory_space<vmem>> -> memref<64xi32, #tpu.memory_space<vmem>>
      %dma_wait3A_826 = arith.constant 0 : i32
      %dma_wait3A_827 = arith.constant 0 : i32
      %dma_wait3A_828 = tpu.memref_slice %arg4[%dma_wait3A_826, %dma_wait3A_827] : memref<10240x128xf32, #tpu.memory_space<hbm>> -> memref<10240x128xf32, #tpu.memory_space<hbm>>
      tpu.wait_indirect_dma semaphore(%arg15 : memref<!tpu.dma_semaphore, #tpu.memory_space<semaphore_mem>>) src(%dma_wait3A_828 : memref<10240x128xf32, #tpu.memory_space<hbm>>) dst(%dma_wait3A_822 : memref<64x128xf32, #tpu.memory_space<vmem>>)
      %dma_wait3A_829 = arith.constant 2 : i32
      %dma_wait3A_830 = arith.constant 12 : i32
      %dma_wait3A_831 = arith.constant 0 : i32
      %dma_wait3A_832 = arith.constant 0 : i32
      %dma_wait3A_833 = tpu.memref_slice %arg9[%dma_wait3A_829, %dma_wait3A_831, %dma_wait3A_832] : memref<5x64x128xf32, #tpu.memory_space<vmem>> -> memref<1x64x128xf32, #tpu.memory_space<vmem>>
      %dma_wait3A_834 = tpu.memref_squeeze %dma_wait3A_833 : memref<1x64x128xf32, #tpu.memory_space<vmem>> -> memref<64x128xf32, #tpu.memory_space<vmem>>
      %dma_wait3A_835 = arith.constant 0 : i32
      %dma_wait3A_836 = tpu.memref_slice %arg8[%rem3A_130, %dma_wait3A_830, %dma_wait3A_835] : memref<2x16x64xi32, #tpu.memory_space<vmem>> -> memref<1x1x64xi32, #tpu.memory_space<vmem>>
      %dma_wait3A_837 = tpu.memref_squeeze %dma_wait3A_836 : memref<1x1x64xi32, #tpu.memory_space<vmem>> -> memref<64xi32, #tpu.memory_space<vmem>>
      %dma_wait3A_838 = arith.constant 0 : i32
      %dma_wait3A_839 = arith.constant 0 : i32
      %dma_wait3A_840 = tpu.memref_slice %arg6[%dma_wait3A_838, %dma_wait3A_839] : memref<10240x128xf32, #tpu.memory_space<vmem_shared>> -> memref<10240x128xf32, #tpu.memory_space<vmem_shared>>
      tpu.wait_indirect_dma semaphore(%arg10 : memref<!tpu.dma_semaphore, #tpu.memory_space<semaphore_mem>>) src(%dma_wait3A_834 : memref<64x128xf32, #tpu.memory_space<vmem>>) dst(%dma_wait3A_840 : memref<10240x128xf32, #tpu.memory_space<vmem_shared>>)
      %dma_start3A_841 = arith.constant 3 : i32
      %dma_start3A_842 = arith.constant 13 : i32
      %dma_start3A_843 = arith.constant 0 : i32
      %dma_start3A_844 = arith.constant 0 : i32
      %dma_start3A_845 = tpu.memref_slice %arg9[%dma_start3A_841, %dma_start3A_843, %dma_start3A_844] : memref<5x64x128xf32, #tpu.memory_space<vmem>> -> memref<1x64x128xf32, #tpu.memory_space<vmem>>
      %dma_start3A_846 = tpu.memref_squeeze %dma_start3A_845 : memref<1x64x128xf32, #tpu.memory_space<vmem>> -> memref<64x128xf32, #tpu.memory_space<vmem>>
      %dma_start3A_847 = arith.constant 0 : i32
      %dma_start3A_848 = tpu.memref_slice %arg8[%rem3A_130, %dma_start3A_842, %dma_start3A_847] : memref<2x16x64xi32, #tpu.memory_space<vmem>> -> memref<1x1x64xi32, #tpu.memory_space<vmem>>
      %dma_start3A_849 = tpu.memref_squeeze %dma_start3A_848 : memref<1x1x64xi32, #tpu.memory_space<vmem>> -> memref<64xi32, #tpu.memory_space<vmem>>
      %dma_start3A_850 = arith.constant 0 : i32
      %dma_start3A_851 = arith.constant 0 : i32
      %dma_start3A_852 = tpu.memref_slice %arg6[%dma_start3A_850, %dma_start3A_851] : memref<10240x128xf32, #tpu.memory_space<vmem_shared>> -> memref<10240x128xf32, #tpu.memory_space<vmem_shared>>
      tpu.enqueue_indirect_dma source(%dma_start3A_846 : memref<64x128xf32, #tpu.memory_space<vmem>>) target(%dma_start3A_852 : memref<10240x128xf32, #tpu.memory_space<vmem_shared>>) offsets(%dma_start3A_849 : memref<64xi32, #tpu.memory_space<vmem>>) semaphore(%arg10 : memref<!tpu.dma_semaphore, #tpu.memory_space<semaphore_mem>>) {add = true}
      %dma_wait3A_853 = arith.constant 14 : i32
      %dma_wait3A_854 = arith.constant 4 : i32
      %dma_wait3A_855 = arith.constant 0 : i32
      %dma_wait3A_856 = arith.constant 0 : i32
      %dma_wait3A_857 = tpu.memref_slice %arg9[%dma_wait3A_854, %dma_wait3A_855, %dma_wait3A_856] : memref<5x64x128xf32, #tpu.memory_space<vmem>> -> memref<1x64x128xf32, #tpu.memory_space<vmem>>
      %dma_wait3A_858 = tpu.memref_squeeze %dma_wait3A_857 : memref<1x64x128xf32, #tpu.memory_space<vmem>> -> memref<64x128xf32, #tpu.memory_space<vmem>>
      %dma_wait3A_859 = arith.constant 0 : i32
      %dma_wait3A_860 = tpu.memref_slice %arg7[%rem3A_130, %dma_wait3A_853, %dma_wait3A_859] : memref<2x16x64xi32, #tpu.memory_space<vmem>> -> memref<1x1x64xi32, #tpu.memory_space<vmem>>
      %dma_wait3A_861 = tpu.memref_squeeze %dma_wait3A_860 : memref<1x1x64xi32, #tpu.memory_space<vmem>> -> memref<64xi32, #tpu.memory_space<vmem>>
      %dma_wait3A_862 = arith.constant 0 : i32
      %dma_wait3A_863 = arith.constant 0 : i32
      %dma_wait3A_864 = tpu.memref_slice %arg4[%dma_wait3A_862, %dma_wait3A_863] : memref<10240x128xf32, #tpu.memory_space<hbm>> -> memref<10240x128xf32, #tpu.memory_space<hbm>>
      tpu.wait_indirect_dma semaphore(%arg16 : memref<!tpu.dma_semaphore, #tpu.memory_space<semaphore_mem>>) src(%dma_wait3A_864 : memref<10240x128xf32, #tpu.memory_space<hbm>>) dst(%dma_wait3A_858 : memref<64x128xf32, #tpu.memory_space<vmem>>)
      %dma_wait3A_865 = arith.constant 3 : i32
      %dma_wait3A_866 = arith.constant 13 : i32
      %dma_wait3A_867 = arith.constant 0 : i32
      %dma_wait3A_868 = arith.constant 0 : i32
      %dma_wait3A_869 = tpu.memref_slice %arg9[%dma_wait3A_865, %dma_wait3A_867, %dma_wait3A_868] : memref<5x64x128xf32, #tpu.memory_space<vmem>> -> memref<1x64x128xf32, #tpu.memory_space<vmem>>
      %dma_wait3A_870 = tpu.memref_squeeze %dma_wait3A_869 : memref<1x64x128xf32, #tpu.memory_space<vmem>> -> memref<64x128xf32, #tpu.memory_space<vmem>>
      %dma_wait3A_871 = arith.constant 0 : i32
      %dma_wait3A_872 = tpu.memref_slice %arg8[%rem3A_130, %dma_wait3A_866, %dma_wait3A_871] : memref<2x16x64xi32, #tpu.memory_space<vmem>> -> memref<1x1x64xi32, #tpu.memory_space<vmem>>
      %dma_wait3A_873 = tpu.memref_squeeze %dma_wait3A_872 : memref<1x1x64xi32, #tpu.memory_space<vmem>> -> memref<64xi32, #tpu.memory_space<vmem>>
      %dma_wait3A_874 = arith.constant 0 : i32
      %dma_wait3A_875 = arith.constant 0 : i32
      %dma_wait3A_876 = tpu.memref_slice %arg6[%dma_wait3A_874, %dma_wait3A_875] : memref<10240x128xf32, #tpu.memory_space<vmem_shared>> -> memref<10240x128xf32, #tpu.memory_space<vmem_shared>>
      tpu.wait_indirect_dma semaphore(%arg10 : memref<!tpu.dma_semaphore, #tpu.memory_space<semaphore_mem>>) src(%dma_wait3A_870 : memref<64x128xf32, #tpu.memory_space<vmem>>) dst(%dma_wait3A_876 : memref<10240x128xf32, #tpu.memory_space<vmem_shared>>)
      %dma_start3A_877 = arith.constant 4 : i32
      %dma_start3A_878 = arith.constant 14 : i32
      %dma_start3A_879 = arith.constant 0 : i32
      %dma_start3A_880 = arith.constant 0 : i32
      %dma_start3A_881 = tpu.memref_slice %arg9[%dma_start3A_877, %dma_start3A_879, %dma_start3A_880] : memref<5x64x128xf32, #tpu.memory_space<vmem>> -> memref<1x64x128xf32, #tpu.memory_space<vmem>>
      %dma_start3A_882 = tpu.memref_squeeze %dma_start3A_881 : memref<1x64x128xf32, #tpu.memory_space<vmem>> -> memref<64x128xf32, #tpu.memory_space<vmem>>
      %dma_start3A_883 = arith.constant 0 : i32
      %dma_start3A_884 = tpu.memref_slice %arg8[%rem3A_130, %dma_start3A_878, %dma_start3A_883] : memref<2x16x64xi32, #tpu.memory_space<vmem>> -> memref<1x1x64xi32, #tpu.memory_space<vmem>>
      %dma_start3A_885 = tpu.memref_squeeze %dma_start3A_884 : memref<1x1x64xi32, #tpu.memory_space<vmem>> -> memref<64xi32, #tpu.memory_space<vmem>>
      %dma_start3A_886 = arith.constant 0 : i32
      %dma_start3A_887 = arith.constant 0 : i32
      %dma_start3A_888 = tpu.memref_slice %arg6[%dma_start3A_886, %dma_start3A_887] : memref<10240x128xf32, #tpu.memory_space<vmem_shared>> -> memref<10240x128xf32, #tpu.memory_space<vmem_shared>>
      tpu.enqueue_indirect_dma source(%dma_start3A_882 : memref<64x128xf32, #tpu.memory_space<vmem>>) target(%dma_start3A_888 : memref<10240x128xf32, #tpu.memory_space<vmem_shared>>) offsets(%dma_start3A_885 : memref<64xi32, #tpu.memory_space<vmem>>) semaphore(%arg10 : memref<!tpu.dma_semaphore, #tpu.memory_space<semaphore_mem>>) {add = true}
      %dma_wait3A_889 = arith.constant 15 : i32
      %dma_wait3A_890 = arith.constant 0 : i32
      %dma_wait3A_891 = arith.constant 0 : i32
      %dma_wait3A_892 = arith.constant 0 : i32
      %dma_wait3A_893 = tpu.memref_slice %arg9[%dma_wait3A_890, %dma_wait3A_891, %dma_wait3A_892] : memref<5x64x128xf32, #tpu.memory_space<vmem>> -> memref<1x64x128xf32, #tpu.memory_space<vmem>>
      %dma_wait3A_894 = tpu.memref_squeeze %dma_wait3A_893 : memref<1x64x128xf32, #tpu.memory_space<vmem>> -> memref<64x128xf32, #tpu.memory_space<vmem>>
      %dma_wait3A_895 = arith.constant 0 : i32
      %dma_wait3A_896 = tpu.memref_slice %arg7[%rem3A_130, %dma_wait3A_889, %dma_wait3A_895] : memref<2x16x64xi32, #tpu.memory_space<vmem>> -> memref<1x1x64xi32, #tpu.memory_space<vmem>>
      %dma_wait3A_897 = tpu.memref_squeeze %dma_wait3A_896 : memref<1x1x64xi32, #tpu.memory_space<vmem>> -> memref<64xi32, #tpu.memory_space<vmem>>
      %dma_wait3A_898 = arith.constant 0 : i32
      %dma_wait3A_899 = arith.constant 0 : i32
      %dma_wait3A_900 = tpu.memref_slice %arg4[%dma_wait3A_898, %dma_wait3A_899] : memref<10240x128xf32, #tpu.memory_space<hbm>> -> memref<10240x128xf32, #tpu.memory_space<hbm>>
      tpu.wait_indirect_dma semaphore(%arg12 : memref<!tpu.dma_semaphore, #tpu.memory_space<semaphore_mem>>) src(%dma_wait3A_900 : memref<10240x128xf32, #tpu.memory_space<hbm>>) dst(%dma_wait3A_894 : memref<64x128xf32, #tpu.memory_space<vmem>>)
      %dma_wait3A_901 = arith.constant 4 : i32
      %dma_wait3A_902 = arith.constant 14 : i32
      %dma_wait3A_903 = arith.constant 0 : i32
      %dma_wait3A_904 = arith.constant 0 : i32
      %dma_wait3A_905 = tpu.memref_slice %arg9[%dma_wait3A_901, %dma_wait3A_903, %dma_wait3A_904] : memref<5x64x128xf32, #tpu.memory_space<vmem>> -> memref<1x64x128xf32, #tpu.memory_space<vmem>>
      %dma_wait3A_906 = tpu.memref_squeeze %dma_wait3A_905 : memref<1x64x128xf32, #tpu.memory_space<vmem>> -> memref<64x128xf32, #tpu.memory_space<vmem>>
      %dma_wait3A_907 = arith.constant 0 : i32
      %dma_wait3A_908 = tpu.memref_slice %arg8[%rem3A_130, %dma_wait3A_902, %dma_wait3A_907] : memref<2x16x64xi32, #tpu.memory_space<vmem>> -> memref<1x1x64xi32, #tpu.memory_space<vmem>>
      %dma_wait3A_909 = tpu.memref_squeeze %dma_wait3A_908 : memref<1x1x64xi32, #tpu.memory_space<vmem>> -> memref<64xi32, #tpu.memory_space<vmem>>
      %dma_wait3A_910 = arith.constant 0 : i32
      %dma_wait3A_911 = arith.constant 0 : i32
      %dma_wait3A_912 = tpu.memref_slice %arg6[%dma_wait3A_910, %dma_wait3A_911] : memref<10240x128xf32, #tpu.memory_space<vmem_shared>> -> memref<10240x128xf32, #tpu.memory_space<vmem_shared>>
      tpu.wait_indirect_dma semaphore(%arg10 : memref<!tpu.dma_semaphore, #tpu.memory_space<semaphore_mem>>) src(%dma_wait3A_906 : memref<64x128xf32, #tpu.memory_space<vmem>>) dst(%dma_wait3A_912 : memref<10240x128xf32, #tpu.memory_space<vmem_shared>>)
      %dma_start3A_913 = arith.constant 0 : i32
      %dma_start3A_914 = arith.constant 15 : i32
      %dma_start3A_915 = arith.constant 0 : i32
      %dma_start3A_916 = arith.constant 0 : i32
      %dma_start3A_917 = tpu.memref_slice %arg9[%dma_start3A_913, %dma_start3A_915, %dma_start3A_916] : memref<5x64x128xf32, #tpu.memory_space<vmem>> -> memref<1x64x128xf32, #tpu.memory_space<vmem>>
      %dma_start3A_918 = tpu.memref_squeeze %dma_start3A_917 : memref<1x64x128xf32, #tpu.memory_space<vmem>> -> memref<64x128xf32, #tpu.memory_space<vmem>>
      %dma_start3A_919 = arith.constant 0 : i32
      %dma_start3A_920 = tpu.memref_slice %arg8[%rem3A_130, %dma_start3A_914, %dma_start3A_919] : memref<2x16x64xi32, #tpu.memory_space<vmem>> -> memref<1x1x64xi32, #tpu.memory_space<vmem>>
      %dma_start3A_921 = tpu.memref_squeeze %dma_start3A_920 : memref<1x1x64xi32, #tpu.memory_space<vmem>> -> memref<64xi32, #tpu.memory_space<vmem>>
      %dma_start3A_922 = arith.constant 0 : i32
      %dma_start3A_923 = arith.constant 0 : i32
      %dma_start3A_924 = tpu.memref_slice %arg6[%dma_start3A_922, %dma_start3A_923] : memref<10240x128xf32, #tpu.memory_space<vmem_shared>> -> memref<10240x128xf32, #tpu.memory_space<vmem_shared>>
      tpu.enqueue_indirect_dma source(%dma_start3A_918 : memref<64x128xf32, #tpu.memory_space<vmem>>) target(%dma_start3A_924 : memref<10240x128xf32, #tpu.memory_space<vmem_shared>>) offsets(%dma_start3A_921 : memref<64xi32, #tpu.memory_space<vmem>>) semaphore(%arg10 : memref<!tpu.dma_semaphore, #tpu.memory_space<semaphore_mem>>) {add = true}
      %dma_wait3A_925 = arith.constant 0 : i32
      %dma_wait3A_926 = arith.constant 15 : i32
      %dma_wait3A_927 = arith.constant 0 : i32
      %dma_wait3A_928 = arith.constant 0 : i32
      %dma_wait3A_929 = tpu.memref_slice %arg9[%dma_wait3A_925, %dma_wait3A_927, %dma_wait3A_928] : memref<5x64x128xf32, #tpu.memory_space<vmem>> -> memref<1x64x128xf32, #tpu.memory_space<vmem>>
      %dma_wait3A_930 = tpu.memref_squeeze %dma_wait3A_929 : memref<1x64x128xf32, #tpu.memory_space<vmem>> -> memref<64x128xf32, #tpu.memory_space<vmem>>
      %dma_wait3A_931 = arith.constant 0 : i32
      %dma_wait3A_932 = tpu.memref_slice %arg8[%rem3A_130, %dma_wait3A_926, %dma_wait3A_931] : memref<2x16x64xi32, #tpu.memory_space<vmem>> -> memref<1x1x64xi32, #tpu.memory_space<vmem>>
      %dma_wait3A_933 = tpu.memref_squeeze %dma_wait3A_932 : memref<1x1x64xi32, #tpu.memory_space<vmem>> -> memref<64xi32, #tpu.memory_space<vmem>>
      %dma_wait3A_934 = arith.constant 0 : i32
      %dma_wait3A_935 = arith.constant 0 : i32
      %dma_wait3A_936 = tpu.memref_slice %arg6[%dma_wait3A_934, %dma_wait3A_935] : memref<10240x128xf32, #tpu.memory_space<vmem_shared>> -> memref<10240x128xf32, #tpu.memory_space<vmem_shared>>
      tpu.wait_indirect_dma semaphore(%arg10 : memref<!tpu.dma_semaphore, #tpu.memory_space<semaphore_mem>>) src(%dma_wait3A_930 : memref<64x128xf32, #tpu.memory_space<vmem>>) dst(%dma_wait3A_936 : memref<10240x128xf32, #tpu.memory_space<vmem_shared>>)
      %dma_wait3A_937 = arith.constant 0 : i32
      %dma_wait3A_938 = arith.constant 0 : i32
      %dma_wait3A_939 = tpu.memref_slice %arg7[%rem3A_134, %dma_wait3A_937, %dma_wait3A_938] : memref<2x16x64xi32, #tpu.memory_space<vmem>> -> memref<1x16x64xi32, #tpu.memory_space<vmem>>
      %dma_wait3A_940 = tpu.memref_squeeze %dma_wait3A_939 : memref<1x16x64xi32, #tpu.memory_space<vmem>> -> memref<16x64xi32, #tpu.memory_space<vmem>>
      %dma_wait3A_941 = arith.constant 0 : i32
      %dma_wait3A_942 = tpu.memref_slice %arg2[%add3A_141, %dma_wait3A_941] : memref<5120x64xi32, #tpu.memory_space<hbm>> -> memref<16x64xi32, #tpu.memory_space<hbm>>
      %dma_wait3A_943 = arith.constant 0 : i32
      %dma_wait3A_944 = arith.constant 0 : i32
      %dma_wait3A_945 = tpu.memref_slice %arg7[%rem3A_134, %dma_wait3A_943, %dma_wait3A_944] : memref<2x16x64xi32, #tpu.memory_space<vmem>> -> memref<1x16x64xi32, #tpu.memory_space<vmem>>
      %dma_wait3A_946 = tpu.memref_squeeze %dma_wait3A_945 : memref<1x16x64xi32, #tpu.memory_space<vmem>> -> memref<16x64xi32, #tpu.memory_space<vmem>>
      %dma_wait3A_947 = arith.constant 0 : i32
      %dma_wait3A_948 = tpu.memref_slice %arg2[%add3A_141, %dma_wait3A_947] : memref<5120x64xi32, #tpu.memory_space<hbm>> -> memref<16x64xi32, #tpu.memory_space<hbm>>
      tpu.wait_dma2 semaphore(%arg11 : memref<!tpu.dma_semaphore, #tpu.memory_space<semaphore_mem>>) src(%dma_wait3A_948 : memref<16x64xi32, #tpu.memory_space<hbm>>) dst(%dma_wait3A_946 : memref<16x64xi32, #tpu.memory_space<vmem>>)
      %dma_wait3A_949 = arith.constant 0 : i32
      %dma_wait3A_950 = arith.constant 0 : i32
      %dma_wait3A_951 = tpu.memref_slice %arg8[%rem3A_134, %dma_wait3A_949, %dma_wait3A_950] : memref<2x16x64xi32, #tpu.memory_space<vmem>> -> memref<1x16x64xi32, #tpu.memory_space<vmem>>
      %dma_wait3A_952 = tpu.memref_squeeze %dma_wait3A_951 : memref<1x16x64xi32, #tpu.memory_space<vmem>> -> memref<16x64xi32, #tpu.memory_space<vmem>>
      %dma_wait3A_953 = arith.constant 0 : i32
      %dma_wait3A_954 = tpu.memref_slice %arg3[%add3A_156, %dma_wait3A_953] : memref<5120x64xi32, #tpu.memory_space<hbm>> -> memref<16x64xi32, #tpu.memory_space<hbm>>
      %dma_wait3A_955 = arith.constant 0 : i32
      %dma_wait3A_956 = arith.constant 0 : i32
      %dma_wait3A_957 = tpu.memref_slice %arg8[%rem3A_134, %dma_wait3A_955, %dma_wait3A_956] : memref<2x16x64xi32, #tpu.memory_space<vmem>> -> memref<1x16x64xi32, #tpu.memory_space<vmem>>
      %dma_wait3A_958 = tpu.memref_squeeze %dma_wait3A_957 : memref<1x16x64xi32, #tpu.memory_space<vmem>> -> memref<16x64xi32, #tpu.memory_space<vmem>>
      %dma_wait3A_959 = arith.constant 0 : i32
      %dma_wait3A_960 = tpu.memref_slice %arg3[%add3A_156, %dma_wait3A_959] : memref<5120x64xi32, #tpu.memory_space<hbm>> -> memref<16x64xi32, #tpu.memory_space<hbm>>
      tpu.wait_dma2 semaphore(%arg11 : memref<!tpu.dma_semaphore, #tpu.memory_space<semaphore_mem>>) src(%dma_wait3A_960 : memref<16x64xi32, #tpu.memory_space<hbm>>) dst(%dma_wait3A_958 : memref<16x64xi32, #tpu.memory_space<vmem>>)
    }
    %while3A_123 = arith.constant 1 : i32
    scf.for %while3A_129 = %while3A_121 to %while3A_117 step %while3A_123  : i32 {
      %rem3A = arith.constant 2 : i32
      %rem3A_130 = arith.remsi %while3A_129, %rem3A : i32
      %add3A_131 = arith.constant 1 : i32
      %add3A_132 = arith.addi %while3A_129, %add3A_131 : i32
      %rem3A_133 = arith.constant 2 : i32
      %rem3A_134 = arith.remsi %add3A_132, %rem3A_133 : i32
      %add3A_135 = arith.constant 1 : i32
      %add3A_136 = arith.addi %while3A_129, %add3A_135 : i32
      %sub3A = arith.constant 1 : i32
      %sub3A_137 = arith.subi %select_n3A_8, %sub3A : i32
      %min3A_138 = arith.minsi %add3A_136, %sub3A_137 : i32
      %mul3A_139 = arith.constant 16 : i32
      %mul3A_140 = arith.muli %min3A_138, %mul3A_139 : i32
      %add3A_141 = arith.addi %select_n3A, %mul3A_140 : i32
      %dma_start3A_142 = arith.constant 0 : i32
      %dma_start3A_143 = arith.constant 0 : i32
      %dma_start3A_144 = tpu.memref_slice %arg7[%rem3A_134, %dma_start3A_142, %dma_start3A_143] : memref<2x16x64xi32, #tpu.memory_space<vmem>> -> memref<1x16x64xi32, #tpu.memory_space<vmem>>
      %dma_start3A_145 = tpu.memref_squeeze %dma_start3A_144 : memref<1x16x64xi32, #tpu.memory_space<vmem>> -> memref<16x64xi32, #tpu.memory_space<vmem>>
      %dma_start3A_146 = arith.constant 0 : i32
      %dma_start3A_147 = tpu.memref_slice %arg2[%add3A_141, %dma_start3A_146] : memref<5120x64xi32, #tpu.memory_space<hbm>> -> memref<16x64xi32, #tpu.memory_space<hbm>>
      %dma_start3A_148 = arith.constant 0 : i32
      %dma_start3A_149 = arith.constant 0 : i32
      %dma_start3A_150 = tpu.memref_slice %arg7[%rem3A_134, %dma_start3A_148, %dma_start3A_149] : memref<2x16x64xi32, #tpu.memory_space<vmem>> -> memref<1x16x64xi32, #tpu.memory_space<vmem>>
      %dma_start3A_151 = tpu.memref_squeeze %dma_start3A_150 : memref<1x16x64xi32, #tpu.memory_space<vmem>> -> memref<16x64xi32, #tpu.memory_space<vmem>>
      %dma_start3A_152 = arith.constant 0 : i32
      %dma_start3A_153 = tpu.memref_slice %arg2[%add3A_141, %dma_start3A_152] : memref<5120x64xi32, #tpu.memory_space<hbm>> -> memref<16x64xi32, #tpu.memory_space<hbm>>
      tpu.enqueue_dma source(%dma_start3A_153 : memref<16x64xi32, #tpu.memory_space<hbm>>) target(%dma_start3A_151 : memref<16x64xi32, #tpu.memory_space<vmem>>) target_semaphore(%arg11 : memref<!tpu.dma_semaphore, #tpu.memory_space<semaphore_mem>>)
      %mul3A_154 = arith.constant 16 : i32
      %mul3A_155 = arith.muli %min3A_138, %mul3A_154 : i32
      %add3A_156 = arith.addi %select_n3A, %mul3A_155 : i32
      %dma_start3A_157 = arith.constant 0 : i32
      %dma_start3A_158 = arith.constant 0 : i32
      %dma_start3A_159 = tpu.memref_slice %arg8[%rem3A_134, %dma_start3A_157, %dma_start3A_158] : memref<2x16x64xi32, #tpu.memory_space<vmem>> -> memref<1x16x64xi32, #tpu.memory_space<vmem>>
      %dma_start3A_160 = tpu.memref_squeeze %dma_start3A_159 : memref<1x16x64xi32, #tpu.memory_space<vmem>> -> memref<16x64xi32, #tpu.memory_space<vmem>>
      %dma_start3A_161 = arith.constant 0 : i32
      %dma_start3A_162 = tpu.memref_slice %arg3[%add3A_156, %dma_start3A_161] : memref<5120x64xi32, #tpu.memory_space<hbm>> -> memref<16x64xi32, #tpu.memory_space<hbm>>
      %dma_start3A_163 = arith.constant 0 : i32
      %dma_start3A_164 = arith.constant 0 : i32
      %dma_start3A_165 = tpu.memref_slice %arg8[%rem3A_134, %dma_start3A_163, %dma_start3A_164] : memref<2x16x64xi32, #tpu.memory_space<vmem>> -> memref<1x16x64xi32, #tpu.memory_space<vmem>>
      %dma_start3A_166 = tpu.memref_squeeze %dma_start3A_165 : memref<1x16x64xi32, #tpu.memory_space<vmem>> -> memref<16x64xi32, #tpu.memory_space<vmem>>
      %dma_start3A_167 = arith.constant 0 : i32
      %dma_start3A_168 = tpu.memref_slice %arg3[%add3A_156, %dma_start3A_167] : memref<5120x64xi32, #tpu.memory_space<hbm>> -> memref<16x64xi32, #tpu.memory_space<hbm>>
      tpu.enqueue_dma source(%dma_start3A_168 : memref<16x64xi32, #tpu.memory_space<hbm>>) target(%dma_start3A_166 : memref<16x64xi32, #tpu.memory_space<vmem>>) target_semaphore(%arg11 : memref<!tpu.dma_semaphore, #tpu.memory_space<semaphore_mem>>)
      %dma_start3A_169 = arith.constant 0 : i32
      %dma_start3A_170 = arith.constant 0 : i32
      %dma_start3A_171 = arith.constant 0 : i32
      %dma_start3A_172 = arith.constant 0 : i32
      %dma_start3A_173 = tpu.memref_slice %arg9[%dma_start3A_170, %dma_start3A_171, %dma_start3A_172] : memref<5x64x128xf32, #tpu.memory_space<vmem>> -> memref<1x64x128xf32, #tpu.memory_space<vmem>>
      %dma_start3A_174 = tpu.memref_squeeze %dma_start3A_173 : memref<1x64x128xf32, #tpu.memory_space<vmem>> -> memref<64x128xf32, #tpu.memory_space<vmem>>
      %dma_start3A_175 = arith.constant 0 : i32
      %dma_start3A_176 = tpu.memref_slice %arg7[%rem3A_130, %dma_start3A_169, %dma_start3A_175] : memref<2x16x64xi32, #tpu.memory_space<vmem>> -> memref<1x1x64xi32, #tpu.memory_space<vmem>>
      %dma_start3A_177 = tpu.memref_squeeze %dma_start3A_176 : memref<1x1x64xi32, #tpu.memory_space<vmem>> -> memref<64xi32, #tpu.memory_space<vmem>>
      %dma_start3A_178 = arith.constant 0 : i32
      %dma_start3A_179 = arith.constant 0 : i32
      %dma_start3A_180 = tpu.memref_slice %arg4[%dma_start3A_178, %dma_start3A_179] : memref<10240x128xf32, #tpu.memory_space<hbm>> -> memref<10240x128xf32, #tpu.memory_space<hbm>>
      tpu.enqueue_indirect_dma source(%dma_start3A_180 : memref<10240x128xf32, #tpu.memory_space<hbm>>) target(%dma_start3A_174 : memref<64x128xf32, #tpu.memory_space<vmem>>) offsets(%dma_start3A_177 : memref<64xi32, #tpu.memory_space<vmem>>) semaphore(%arg12 : memref<!tpu.dma_semaphore, #tpu.memory_space<semaphore_mem>>)
      %dma_start3A_181 = arith.constant 1 : i32
      %dma_start3A_182 = arith.constant 1 : i32
      %dma_start3A_183 = arith.constant 0 : i32
      %dma_start3A_184 = arith.constant 0 : i32
      %dma_start3A_185 = tpu.memref_slice %arg9[%dma_start3A_182, %dma_start3A_183, %dma_start3A_184] : memref<5x64x128xf32, #tpu.memory_space<vmem>> -> memref<1x64x128xf32, #tpu.memory_space<vmem>>
      %dma_start3A_186 = tpu.memref_squeeze %dma_start3A_185 : memref<1x64x128xf32, #tpu.memory_space<vmem>> -> memref<64x128xf32, #tpu.memory_space<vmem>>
      %dma_start3A_187 = arith.constant 0 : i32
      %dma_start3A_188 = tpu.memref_slice %arg7[%rem3A_130, %dma_start3A_181, %dma_start3A_187] : memref<2x16x64xi32, #tpu.memory_space<vmem>> -> memref<1x1x64xi32, #tpu.memory_space<vmem>>
      %dma_start3A_189 = tpu.memref_squeeze %dma_start3A_188 : memref<1x1x64xi32, #tpu.memory_space<vmem>> -> memref<64xi32, #tpu.memory_space<vmem>>
      %dma_start3A_190 = arith.constant 0 : i32
      %dma_start3A_191 = arith.constant 0 : i32
      %dma_start3A_192 = tpu.memref_slice %arg4[%dma_start3A_190, %dma_start3A_191] : memref<10240x128xf32, #tpu.memory_space<hbm>> -> memref<10240x128xf32, #tpu.memory_space<hbm>>
      tpu.enqueue_indirect_dma source(%dma_start3A_192 : memref<10240x128xf32, #tpu.memory_space<hbm>>) target(%dma_start3A_186 : memref<64x128xf32, #tpu.memory_space<vmem>>) offsets(%dma_start3A_189 : memref<64xi32, #tpu.memory_space<vmem>>) semaphore(%arg13 : memref<!tpu.dma_semaphore, #tpu.memory_space<semaphore_mem>>)
      %dma_start3A_193 = arith.constant 2 : i32
      %dma_start3A_194 = arith.constant 2 : i32
      %dma_start3A_195 = arith.constant 0 : i32
      %dma_start3A_196 = arith.constant 0 : i32
      %dma_start3A_197 = tpu.memref_slice %arg9[%dma_start3A_194, %dma_start3A_195, %dma_start3A_196] : memref<5x64x128xf32, #tpu.memory_space<vmem>> -> memref<1x64x128xf32, #tpu.memory_space<vmem>>
      %dma_start3A_198 = tpu.memref_squeeze %dma_start3A_197 : memref<1x64x128xf32, #tpu.memory_space<vmem>> -> memref<64x128xf32, #tpu.memory_space<vmem>>
      %dma_start3A_199 = arith.constant 0 : i32
      %dma_start3A_200 = tpu.memref_slice %arg7[%rem3A_130, %dma_start3A_193, %dma_start3A_199] : memref<2x16x64xi32, #tpu.memory_space<vmem>> -> memref<1x1x64xi32, #tpu.memory_space<vmem>>
      %dma_start3A_201 = tpu.memref_squeeze %dma_start3A_200 : memref<1x1x64xi32, #tpu.memory_space<vmem>> -> memref<64xi32, #tpu.memory_space<vmem>>
      %dma_start3A_202 = arith.constant 0 : i32
      %dma_start3A_203 = arith.constant 0 : i32
      %dma_start3A_204 = tpu.memref_slice %arg4[%dma_start3A_202, %dma_start3A_203] : memref<10240x128xf32, #tpu.memory_space<hbm>> -> memref<10240x128xf32, #tpu.memory_space<hbm>>
      tpu.enqueue_indirect_dma source(%dma_start3A_204 : memref<10240x128xf32, #tpu.memory_space<hbm>>) target(%dma_start3A_198 : memref<64x128xf32, #tpu.memory_space<vmem>>) offsets(%dma_start3A_201 : memref<64xi32, #tpu.memory_space<vmem>>) semaphore(%arg14 : memref<!tpu.dma_semaphore, #tpu.memory_space<semaphore_mem>>)
      %dma_start3A_205 = arith.constant 3 : i32
      %dma_start3A_206 = arith.constant 3 : i32
      %dma_start3A_207 = arith.constant 0 : i32
      %dma_start3A_208 = arith.constant 0 : i32
      %dma_start3A_209 = tpu.memref_slice %arg9[%dma_start3A_206, %dma_start3A_207, %dma_start3A_208] : memref<5x64x128xf32, #tpu.memory_space<vmem>> -> memref<1x64x128xf32, #tpu.memory_space<vmem>>
      %dma_start3A_210 = tpu.memref_squeeze %dma_start3A_209 : memref<1x64x128xf32, #tpu.memory_space<vmem>> -> memref<64x128xf32, #tpu.memory_space<vmem>>
      %dma_start3A_211 = arith.constant 0 : i32
      %dma_start3A_212 = tpu.memref_slice %arg7[%rem3A_130, %dma_start3A_205, %dma_start3A_211] : memref<2x16x64xi32, #tpu.memory_space<vmem>> -> memref<1x1x64xi32, #tpu.memory_space<vmem>>
      %dma_start3A_213 = tpu.memref_squeeze %dma_start3A_212 : memref<1x1x64xi32, #tpu.memory_space<vmem>> -> memref<64xi32, #tpu.memory_space<vmem>>
      %dma_start3A_214 = arith.constant 0 : i32
      %dma_start3A_215 = arith.constant 0 : i32
      %dma_start3A_216 = tpu.memref_slice %arg4[%dma_start3A_214, %dma_start3A_215] : memref<10240x128xf32, #tpu.memory_space<hbm>> -> memref<10240x128xf32, #tpu.memory_space<hbm>>
      tpu.enqueue_indirect_dma source(%dma_start3A_216 : memref<10240x128xf32, #tpu.memory_space<hbm>>) target(%dma_start3A_210 : memref<64x128xf32, #tpu.memory_space<vmem>>) offsets(%dma_start3A_213 : memref<64xi32, #tpu.memory_space<vmem>>) semaphore(%arg15 : memref<!tpu.dma_semaphore, #tpu.memory_space<semaphore_mem>>)
      %dma_wait3A_217 = arith.constant 0 : i32
      %dma_wait3A_218 = arith.constant 0 : i32
      %dma_wait3A_219 = arith.constant 0 : i32
      %dma_wait3A_220 = arith.constant 0 : i32
      %dma_wait3A_221 = tpu.memref_slice %arg9[%dma_wait3A_218, %dma_wait3A_219, %dma_wait3A_220] : memref<5x64x128xf32, #tpu.memory_space<vmem>> -> memref<1x64x128xf32, #tpu.memory_space<vmem>>
      %dma_wait3A_222 = tpu.memref_squeeze %dma_wait3A_221 : memref<1x64x128xf32, #tpu.memory_space<vmem>> -> memref<64x128xf32, #tpu.memory_space<vmem>>
      %dma_wait3A_223 = arith.constant 0 : i32
      %dma_wait3A_224 = tpu.memref_slice %arg7[%rem3A_130, %dma_wait3A_217, %dma_wait3A_223] : memref<2x16x64xi32, #tpu.memory_space<vmem>> -> memref<1x1x64xi32, #tpu.memory_space<vmem>>
      %dma_wait3A_225 = tpu.memref_squeeze %dma_wait3A_224 : memref<1x1x64xi32, #tpu.memory_space<vmem>> -> memref<64xi32, #tpu.memory_space<vmem>>
      %dma_wait3A_226 = arith.constant 0 : i32
      %dma_wait3A_227 = arith.constant 0 : i32
      %dma_wait3A_228 = tpu.memref_slice %arg4[%dma_wait3A_226, %dma_wait3A_227] : memref<10240x128xf32, #tpu.memory_space<hbm>> -> memref<10240x128xf32, #tpu.memory_space<hbm>>
      tpu.wait_indirect_dma semaphore(%arg12 : memref<!tpu.dma_semaphore, #tpu.memory_space<semaphore_mem>>) src(%dma_wait3A_228 : memref<10240x128xf32, #tpu.memory_space<hbm>>) dst(%dma_wait3A_222 : memref<64x128xf32, #tpu.memory_space<vmem>>)
      %dma_start3A_229 = arith.constant 4 : i32
      %dma_start3A_230 = arith.constant 4 : i32
      %dma_start3A_231 = arith.constant 0 : i32
      %dma_start3A_232 = arith.constant 0 : i32
      %dma_start3A_233 = tpu.memref_slice %arg9[%dma_start3A_230, %dma_start3A_231, %dma_start3A_232] : memref<5x64x128xf32, #tpu.memory_space<vmem>> -> memref<1x64x128xf32, #tpu.memory_space<vmem>>
      %dma_start3A_234 = tpu.memref_squeeze %dma_start3A_233 : memref<1x64x128xf32, #tpu.memory_space<vmem>> -> memref<64x128xf32, #tpu.memory_space<vmem>>
      %dma_start3A_235 = arith.constant 0 : i32
      %dma_start3A_236 = tpu.memref_slice %arg7[%rem3A_130, %dma_start3A_229, %dma_start3A_235] : memref<2x16x64xi32, #tpu.memory_space<vmem>> -> memref<1x1x64xi32, #tpu.memory_space<vmem>>
      %dma_start3A_237 = tpu.memref_squeeze %dma_start3A_236 : memref<1x1x64xi32, #tpu.memory_space<vmem>> -> memref<64xi32, #tpu.memory_space<vmem>>
      %dma_start3A_238 = arith.constant 0 : i32
      %dma_start3A_239 = arith.constant 0 : i32
      %dma_start3A_240 = tpu.memref_slice %arg4[%dma_start3A_238, %dma_start3A_239] : memref<10240x128xf32, #tpu.memory_space<hbm>> -> memref<10240x128xf32, #tpu.memory_space<hbm>>
      tpu.enqueue_indirect_dma source(%dma_start3A_240 : memref<10240x128xf32, #tpu.memory_space<hbm>>) target(%dma_start3A_234 : memref<64x128xf32, #tpu.memory_space<vmem>>) offsets(%dma_start3A_237 : memref<64xi32, #tpu.memory_space<vmem>>) semaphore(%arg16 : memref<!tpu.dma_semaphore, #tpu.memory_space<semaphore_mem>>)
      %dma_start3A_241 = arith.constant 0 : i32
      %dma_start3A_242 = arith.constant 0 : i32
      %dma_start3A_243 = arith.constant 0 : i32
      %dma_start3A_244 = arith.constant 0 : i32
      %dma_start3A_245 = tpu.memref_slice %arg9[%dma_start3A_241, %dma_start3A_243, %dma_start3A_244] : memref<5x64x128xf32, #tpu.memory_space<vmem>> -> memref<1x64x128xf32, #tpu.memory_space<vmem>>
      %dma_start3A_246 = tpu.memref_squeeze %dma_start3A_245 : memref<1x64x128xf32, #tpu.memory_space<vmem>> -> memref<64x128xf32, #tpu.memory_space<vmem>>
      %dma_start3A_247 = arith.constant 0 : i32
      %dma_start3A_248 = tpu.memref_slice %arg8[%rem3A_130, %dma_start3A_242, %dma_start3A_247] : memref<2x16x64xi32, #tpu.memory_space<vmem>> -> memref<1x1x64xi32, #tpu.memory_space<vmem>>
      %dma_start3A_249 = tpu.memref_squeeze %dma_start3A_248 : memref<1x1x64xi32, #tpu.memory_space<vmem>> -> memref<64xi32, #tpu.memory_space<vmem>>
      %dma_start3A_250 = arith.constant 0 : i32
      %dma_start3A_251 = arith.constant 0 : i32
      %dma_start3A_252 = tpu.memref_slice %arg6[%dma_start3A_250, %dma_start3A_251] : memref<10240x128xf32, #tpu.memory_space<vmem_shared>> -> memref<10240x128xf32, #tpu.memory_space<vmem_shared>>
      tpu.enqueue_indirect_dma source(%dma_start3A_246 : memref<64x128xf32, #tpu.memory_space<vmem>>) target(%dma_start3A_252 : memref<10240x128xf32, #tpu.memory_space<vmem_shared>>) offsets(%dma_start3A_249 : memref<64xi32, #tpu.memory_space<vmem>>) semaphore(%arg10 : memref<!tpu.dma_semaphore, #tpu.memory_space<semaphore_mem>>) {add = true}
      %dma_wait3A_253 = arith.constant 1 : i32
      %dma_wait3A_254 = arith.constant 1 : i32
      %dma_wait3A_255 = arith.constant 0 : i32
      %dma_wait3A_256 = arith.constant 0 : i32
      %dma_wait3A_257 = tpu.memref_slice %arg9[%dma_wait3A_254, %dma_wait3A_255, %dma_wait3A_256] : memref<5x64x128xf32, #tpu.memory_space<vmem>> -> memref<1x64x128xf32, #tpu.memory_space<vmem>>
      %dma_wait3A_258 = tpu.memref_squeeze %dma_wait3A_257 : memref<1x64x128xf32, #tpu.memory_space<vmem>> -> memref<64x128xf32, #tpu.memory_space<vmem>>
      %dma_wait3A_259 = arith.constant 0 : i32
      %dma_wait3A_260 = tpu.memref_slice %arg7[%rem3A_130, %dma_wait3A_253, %dma_wait3A_259] : memref<2x16x64xi32, #tpu.memory_space<vmem>> -> memref<1x1x64xi32, #tpu.memory_space<vmem>>
      %dma_wait3A_261 = tpu.memref_squeeze %dma_wait3A_260 : memref<1x1x64xi32, #tpu.memory_space<vmem>> -> memref<64xi32, #tpu.memory_space<vmem>>
      %dma_wait3A_262 = arith.constant 0 : i32
      %dma_wait3A_263 = arith.constant 0 : i32
      %dma_wait3A_264 = tpu.memref_slice %arg4[%dma_wait3A_262, %dma_wait3A_263] : memref<10240x128xf32, #tpu.memory_space<hbm>> -> memref<10240x128xf32, #tpu.memory_space<hbm>>
      tpu.wait_indirect_dma semaphore(%arg13 : memref<!tpu.dma_semaphore, #tpu.memory_space<semaphore_mem>>) src(%dma_wait3A_264 : memref<10240x128xf32, #tpu.memory_space<hbm>>) dst(%dma_wait3A_258 : memref<64x128xf32, #tpu.memory_space<vmem>>)
      %dma_wait3A_265 = arith.constant 0 : i32
      %dma_wait3A_266 = arith.constant 0 : i32
      %dma_wait3A_267 = arith.constant 0 : i32
      %dma_wait3A_268 = arith.constant 0 : i32
      %dma_wait3A_269 = tpu.memref_slice %arg9[%dma_wait3A_265, %dma_wait3A_267, %dma_wait3A_268] : memref<5x64x128xf32, #tpu.memory_space<vmem>> -> memref<1x64x128xf32, #tpu.memory_space<vmem>>
      %dma_wait3A_270 = tpu.memref_squeeze %dma_wait3A_269 : memref<1x64x128xf32, #tpu.memory_space<vmem>> -> memref<64x128xf32, #tpu.memory_space<vmem>>
      %dma_wait3A_271 = arith.constant 0 : i32
      %dma_wait3A_272 = tpu.memref_slice %arg8[%rem3A_130, %dma_wait3A_266, %dma_wait3A_271] : memref<2x16x64xi32, #tpu.memory_space<vmem>> -> memref<1x1x64xi32, #tpu.memory_space<vmem>>
      %dma_wait3A_273 = tpu.memref_squeeze %dma_wait3A_272 : memref<1x1x64xi32, #tpu.memory_space<vmem>> -> memref<64xi32, #tpu.memory_space<vmem>>
      %dma_wait3A_274 = arith.constant 0 : i32
      %dma_wait3A_275 = arith.constant 0 : i32
      %dma_wait3A_276 = tpu.memref_slice %arg6[%dma_wait3A_274, %dma_wait3A_275] : memref<10240x128xf32, #tpu.memory_space<vmem_shared>> -> memref<10240x128xf32, #tpu.memory_space<vmem_shared>>
      tpu.wait_indirect_dma semaphore(%arg10 : memref<!tpu.dma_semaphore, #tpu.memory_space<semaphore_mem>>) src(%dma_wait3A_270 : memref<64x128xf32, #tpu.memory_space<vmem>>) dst(%dma_wait3A_276 : memref<10240x128xf32, #tpu.memory_space<vmem_shared>>)
      %dma_start3A_277 = arith.constant 5 : i32
      %dma_start3A_278 = arith.constant 0 : i32
      %dma_start3A_279 = arith.constant 0 : i32
      %dma_start3A_280 = arith.constant 0 : i32
      %dma_start3A_281 = tpu.memref_slice %arg9[%dma_start3A_278, %dma_start3A_279, %dma_start3A_280] : memref<5x64x128xf32, #tpu.memory_space<vmem>> -> memref<1x64x128xf32, #tpu.memory_space<vmem>>
      %dma_start3A_282 = tpu.memref_squeeze %dma_start3A_281 : memref<1x64x128xf32, #tpu.memory_space<vmem>> -> memref<64x128xf32, #tpu.memory_space<vmem>>
      %dma_start3A_283 = arith.constant 0 : i32
      %dma_start3A_284 = tpu.memref_slice %arg7[%rem3A_130, %dma_start3A_277, %dma_start3A_283] : memref<2x16x64xi32, #tpu.memory_space<vmem>> -> memref<1x1x64xi32, #tpu.memory_space<vmem>>
      %dma_start3A_285 = tpu.memref_squeeze %dma_start3A_284 : memref<1x1x64xi32, #tpu.memory_space<vmem>> -> memref<64xi32, #tpu.memory_space<vmem>>
      %dma_start3A_286 = arith.constant 0 : i32
      %dma_start3A_287 = arith.constant 0 : i32
      %dma_start3A_288 = tpu.memref_slice %arg4[%dma_start3A_286, %dma_start3A_287] : memref<10240x128xf32, #tpu.memory_space<hbm>> -> memref<10240x128xf32, #tpu.memory_space<hbm>>
      tpu.enqueue_indirect_dma source(%dma_start3A_288 : memref<10240x128xf32, #tpu.memory_space<hbm>>) target(%dma_start3A_282 : memref<64x128xf32, #tpu.memory_space<vmem>>) offsets(%dma_start3A_285 : memref<64xi32, #tpu.memory_space<vmem>>) semaphore(%arg12 : memref<!tpu.dma_semaphore, #tpu.memory_space<semaphore_mem>>)
      %dma_start3A_289 = arith.constant 1 : i32
      %dma_start3A_290 = arith.constant 1 : i32
      %dma_start3A_291 = arith.constant 0 : i32
      %dma_start3A_292 = arith.constant 0 : i32
      %dma_start3A_293 = tpu.memref_slice %arg9[%dma_start3A_289, %dma_start3A_291, %dma_start3A_292] : memref<5x64x128xf32, #tpu.memory_space<vmem>> -> memref<1x64x128xf32, #tpu.memory_space<vmem>>
      %dma_start3A_294 = tpu.memref_squeeze %dma_start3A_293 : memref<1x64x128xf32, #tpu.memory_space<vmem>> -> memref<64x128xf32, #tpu.memory_space<vmem>>
      %dma_start3A_295 = arith.constant 0 : i32
      %dma_start3A_296 = tpu.memref_slice %arg8[%rem3A_130, %dma_start3A_290, %dma_start3A_295] : memref<2x16x64xi32, #tpu.memory_space<vmem>> -> memref<1x1x64xi32, #tpu.memory_space<vmem>>
      %dma_start3A_297 = tpu.memref_squeeze %dma_start3A_296 : memref<1x1x64xi32, #tpu.memory_space<vmem>> -> memref<64xi32, #tpu.memory_space<vmem>>
      %dma_start3A_298 = arith.constant 0 : i32
      %dma_start3A_299 = arith.constant 0 : i32
      %dma_start3A_300 = tpu.memref_slice %arg6[%dma_start3A_298, %dma_start3A_299] : memref<10240x128xf32, #tpu.memory_space<vmem_shared>> -> memref<10240x128xf32, #tpu.memory_space<vmem_shared>>
      tpu.enqueue_indirect_dma source(%dma_start3A_294 : memref<64x128xf32, #tpu.memory_space<vmem>>) target(%dma_start3A_300 : memref<10240x128xf32, #tpu.memory_space<vmem_shared>>) offsets(%dma_start3A_297 : memref<64xi32, #tpu.memory_space<vmem>>) semaphore(%arg10 : memref<!tpu.dma_semaphore, #tpu.memory_space<semaphore_mem>>) {add = true}
      %dma_wait3A_301 = arith.constant 2 : i32
      %dma_wait3A_302 = arith.constant 2 : i32
      %dma_wait3A_303 = arith.constant 0 : i32
      %dma_wait3A_304 = arith.constant 0 : i32
      %dma_wait3A_305 = tpu.memref_slice %arg9[%dma_wait3A_302, %dma_wait3A_303, %dma_wait3A_304] : memref<5x64x128xf32, #tpu.memory_space<vmem>> -> memref<1x64x128xf32, #tpu.memory_space<vmem>>
      %dma_wait3A_306 = tpu.memref_squeeze %dma_wait3A_305 : memref<1x64x128xf32, #tpu.memory_space<vmem>> -> memref<64x128xf32, #tpu.memory_space<vmem>>
      %dma_wait3A_307 = arith.constant 0 : i32
      %dma_wait3A_308 = tpu.memref_slice %arg7[%rem3A_130, %dma_wait3A_301, %dma_wait3A_307] : memref<2x16x64xi32, #tpu.memory_space<vmem>> -> memref<1x1x64xi32, #tpu.memory_space<vmem>>
      %dma_wait3A_309 = tpu.memref_squeeze %dma_wait3A_308 : memref<1x1x64xi32, #tpu.memory_space<vmem>> -> memref<64xi32, #tpu.memory_space<vmem>>
      %dma_wait3A_310 = arith.constant 0 : i32
      %dma_wait3A_311 = arith.constant 0 : i32
      %dma_wait3A_312 = tpu.memref_slice %arg4[%dma_wait3A_310, %dma_wait3A_311] : memref<10240x128xf32, #tpu.memory_space<hbm>> -> memref<10240x128xf32, #tpu.memory_space<hbm>>
      tpu.wait_indirect_dma semaphore(%arg14 : memref<!tpu.dma_semaphore, #tpu.memory_space<semaphore_mem>>) src(%dma_wait3A_312 : memref<10240x128xf32, #tpu.memory_space<hbm>>) dst(%dma_wait3A_306 : memref<64x128xf32, #tpu.memory_space<vmem>>)
      %dma_wait3A_313 = arith.constant 1 : i32
      %dma_wait3A_314 = arith.constant 1 : i32
      %dma_wait3A_315 = arith.constant 0 : i32
      %dma_wait3A_316 = arith.constant 0 : i32
      %dma_wait3A_317 = tpu.memref_slice %arg9[%dma_wait3A_313, %dma_wait3A_315, %dma_wait3A_316] : memref<5x64x128xf32, #tpu.memory_space<vmem>> -> memref<1x64x128xf32, #tpu.memory_space<vmem>>
      %dma_wait3A_318 = tpu.memref_squeeze %dma_wait3A_317 : memref<1x64x128xf32, #tpu.memory_space<vmem>> -> memref<64x128xf32, #tpu.memory_space<vmem>>
      %dma_wait3A_319 = arith.constant 0 : i32
      %dma_wait3A_320 = tpu.memref_slice %arg8[%rem3A_130, %dma_wait3A_314, %dma_wait3A_319] : memref<2x16x64xi32, #tpu.memory_space<vmem>> -> memref<1x1x64xi32, #tpu.memory_space<vmem>>
      %dma_wait3A_321 = tpu.memref_squeeze %dma_wait3A_320 : memref<1x1x64xi32, #tpu.memory_space<vmem>> -> memref<64xi32, #tpu.memory_space<vmem>>
      %dma_wait3A_322 = arith.constant 0 : i32
      %dma_wait3A_323 = arith.constant 0 : i32
      %dma_wait3A_324 = tpu.memref_slice %arg6[%dma_wait3A_322, %dma_wait3A_323] : memref<10240x128xf32, #tpu.memory_space<vmem_shared>> -> memref<10240x128xf32, #tpu.memory_space<vmem_shared>>
      tpu.wait_indirect_dma semaphore(%arg10 : memref<!tpu.dma_semaphore, #tpu.memory_space<semaphore_mem>>) src(%dma_wait3A_318 : memref<64x128xf32, #tpu.memory_space<vmem>>) dst(%dma_wait3A_324 : memref<10240x128xf32, #tpu.memory_space<vmem_shared>>)
      %dma_start3A_325 = arith.constant 6 : i32
      %dma_start3A_326 = arith.constant 1 : i32
      %dma_start3A_327 = arith.constant 0 : i32
      %dma_start3A_328 = arith.constant 0 : i32
      %dma_start3A_329 = tpu.memref_slice %arg9[%dma_start3A_326, %dma_start3A_327, %dma_start3A_328] : memref<5x64x128xf32, #tpu.memory_space<vmem>> -> memref<1x64x128xf32, #tpu.memory_space<vmem>>
      %dma_start3A_330 = tpu.memref_squeeze %dma_start3A_329 : memref<1x64x128xf32, #tpu.memory_space<vmem>> -> memref<64x128xf32, #tpu.memory_space<vmem>>
      %dma_start3A_331 = arith.constant 0 : i32
      %dma_start3A_332 = tpu.memref_slice %arg7[%rem3A_130, %dma_start3A_325, %dma_start3A_331] : memref<2x16x64xi32, #tpu.memory_space<vmem>> -> memref<1x1x64xi32, #tpu.memory_space<vmem>>
      %dma_start3A_333 = tpu.memref_squeeze %dma_start3A_332 : memref<1x1x64xi32, #tpu.memory_space<vmem>> -> memref<64xi32, #tpu.memory_space<vmem>>
      %dma_start3A_334 = arith.constant 0 : i32
      %dma_start3A_335 = arith.constant 0 : i32
      %dma_start3A_336 = tpu.memref_slice %arg4[%dma_start3A_334, %dma_start3A_335] : memref<10240x128xf32, #tpu.memory_space<hbm>> -> memref<10240x128xf32, #tpu.memory_space<hbm>>
      tpu.enqueue_indirect_dma source(%dma_start3A_336 : memref<10240x128xf32, #tpu.memory_space<hbm>>) target(%dma_start3A_330 : memref<64x128xf32, #tpu.memory_space<vmem>>) offsets(%dma_start3A_333 : memref<64xi32, #tpu.memory_space<vmem>>) semaphore(%arg13 : memref<!tpu.dma_semaphore, #tpu.memory_space<semaphore_mem>>)
      %dma_start3A_337 = arith.constant 2 : i32
      %dma_start3A_338 = arith.constant 2 : i32
      %dma_start3A_339 = arith.constant 0 : i32
      %dma_start3A_340 = arith.constant 0 : i32
      %dma_start3A_341 = tpu.memref_slice %arg9[%dma_start3A_337, %dma_start3A_339, %dma_start3A_340] : memref<5x64x128xf32, #tpu.memory_space<vmem>> -> memref<1x64x128xf32, #tpu.memory_space<vmem>>
      %dma_start3A_342 = tpu.memref_squeeze %dma_start3A_341 : memref<1x64x128xf32, #tpu.memory_space<vmem>> -> memref<64x128xf32, #tpu.memory_space<vmem>>
      %dma_start3A_343 = arith.constant 0 : i32
      %dma_start3A_344 = tpu.memref_slice %arg8[%rem3A_130, %dma_start3A_338, %dma_start3A_343] : memref<2x16x64xi32, #tpu.memory_space<vmem>> -> memref<1x1x64xi32, #tpu.memory_space<vmem>>
      %dma_start3A_345 = tpu.memref_squeeze %dma_start3A_344 : memref<1x1x64xi32, #tpu.memory_space<vmem>> -> memref<64xi32, #tpu.memory_space<vmem>>
      %dma_start3A_346 = arith.constant 0 : i32
      %dma_start3A_347 = arith.constant 0 : i32
      %dma_start3A_348 = tpu.memref_slice %arg6[%dma_start3A_346, %dma_start3A_347] : memref<10240x128xf32, #tpu.memory_space<vmem_shared>> -> memref<10240x128xf32, #tpu.memory_space<vmem_shared>>
      tpu.enqueue_indirect_dma source(%dma_start3A_342 : memref<64x128xf32, #tpu.memory_space<vmem>>) target(%dma_start3A_348 : memref<10240x128xf32, #tpu.memory_space<vmem_shared>>) offsets(%dma_start3A_345 : memref<64xi32, #tpu.memory_space<vmem>>) semaphore(%arg10 : memref<!tpu.dma_semaphore, #tpu.memory_space<semaphore_mem>>) {add = true}
      %dma_wait3A_349 = arith.constant 3 : i32
      %dma_wait3A_350 = arith.constant 3 : i32
      %dma_wait3A_351 = arith.constant 0 : i32
      %dma_wait3A_352 = arith.constant 0 : i32
      %dma_wait3A_353 = tpu.memref_slice %arg9[%dma_wait3A_350, %dma_wait3A_351, %dma_wait3A_352] : memref<5x64x128xf32, #tpu.memory_space<vmem>> -> memref<1x64x128xf32, #tpu.memory_space<vmem>>
      %dma_wait3A_354 = tpu.memref_squeeze %dma_wait3A_353 : memref<1x64x128xf32, #tpu.memory_space<vmem>> -> memref<64x128xf32, #tpu.memory_space<vmem>>
      %dma_wait3A_355 = arith.constant 0 : i32
      %dma_wait3A_356 = tpu.memref_slice %arg7[%rem3A_130, %dma_wait3A_349, %dma_wait3A_355] : memref<2x16x64xi32, #tpu.memory_space<vmem>> -> memref<1x1x64xi32, #tpu.memory_space<vmem>>
      %dma_wait3A_357 = tpu.memref_squeeze %dma_wait3A_356 : memref<1x1x64xi32, #tpu.memory_space<vmem>> -> memref<64xi32, #tpu.memory_space<vmem>>
      %dma_wait3A_358 = arith.constant 0 : i32
      %dma_wait3A_359 = arith.constant 0 : i32
      %dma_wait3A_360 = tpu.memref_slice %arg4[%dma_wait3A_358, %dma_wait3A_359] : memref<10240x128xf32, #tpu.memory_space<hbm>> -> memref<10240x128xf32, #tpu.memory_space<hbm>>
      tpu.wait_indirect_dma semaphore(%arg15 : memref<!tpu.dma_semaphore, #tpu.memory_space<semaphore_mem>>) src(%dma_wait3A_360 : memref<10240x128xf32, #tpu.memory_space<hbm>>) dst(%dma_wait3A_354 : memref<64x128xf32, #tpu.memory_space<vmem>>)
      %dma_wait3A_361 = arith.constant 2 : i32
      %dma_wait3A_362 = arith.constant 2 : i32
      %dma_wait3A_363 = arith.constant 0 : i32
      %dma_wait3A_364 = arith.constant 0 : i32
      %dma_wait3A_365 = tpu.memref_slice %arg9[%dma_wait3A_361, %dma_wait3A_363, %dma_wait3A_364] : memref<5x64x128xf32, #tpu.memory_space<vmem>> -> memref<1x64x128xf32, #tpu.memory_space<vmem>>
      %dma_wait3A_366 = tpu.memref_squeeze %dma_wait3A_365 : memref<1x64x128xf32, #tpu.memory_space<vmem>> -> memref<64x128xf32, #tpu.memory_space<vmem>>
      %dma_wait3A_367 = arith.constant 0 : i32
      %dma_wait3A_368 = tpu.memref_slice %arg8[%rem3A_130, %dma_wait3A_362, %dma_wait3A_367] : memref<2x16x64xi32, #tpu.memory_space<vmem>> -> memref<1x1x64xi32, #tpu.memory_space<vmem>>
      %dma_wait3A_369 = tpu.memref_squeeze %dma_wait3A_368 : memref<1x1x64xi32, #tpu.memory_space<vmem>> -> memref<64xi32, #tpu.memory_space<vmem>>
      %dma_wait3A_370 = arith.constant 0 : i32
      %dma_wait3A_371 = arith.constant 0 : i32
      %dma_wait3A_372 = tpu.memref_slice %arg6[%dma_wait3A_370, %dma_wait3A_371] : memref<10240x128xf32, #tpu.memory_space<vmem_shared>> -> memref<10240x128xf32, #tpu.memory_space<vmem_shared>>
      tpu.wait_indirect_dma semaphore(%arg10 : memref<!tpu.dma_semaphore, #tpu.memory_space<semaphore_mem>>) src(%dma_wait3A_366 : memref<64x128xf32, #tpu.memory_space<vmem>>) dst(%dma_wait3A_372 : memref<10240x128xf32, #tpu.memory_space<vmem_shared>>)
      %dma_start3A_373 = arith.constant 7 : i32
      %dma_start3A_374 = arith.constant 2 : i32
      %dma_start3A_375 = arith.constant 0 : i32
      %dma_start3A_376 = arith.constant 0 : i32
      %dma_start3A_377 = tpu.memref_slice %arg9[%dma_start3A_374, %dma_start3A_375, %dma_start3A_376] : memref<5x64x128xf32, #tpu.memory_space<vmem>> -> memref<1x64x128xf32, #tpu.memory_space<vmem>>
      %dma_start3A_378 = tpu.memref_squeeze %dma_start3A_377 : memref<1x64x128xf32, #tpu.memory_space<vmem>> -> memref<64x128xf32, #tpu.memory_space<vmem>>
      %dma_start3A_379 = arith.constant 0 : i32
      %dma_start3A_380 = tpu.memref_slice %arg7[%rem3A_130, %dma_start3A_373, %dma_start3A_379] : memref<2x16x64xi32, #tpu.memory_space<vmem>> -> memref<1x1x64xi32, #tpu.memory_space<vmem>>
      %dma_start3A_381 = tpu.memref_squeeze %dma_start3A_380 : memref<1x1x64xi32, #tpu.memory_space<vmem>> -> memref<64xi32, #tpu.memory_space<vmem>>
      %dma_start3A_382 = arith.constant 0 : i32
      %dma_start3A_383 = arith.constant 0 : i32
      %dma_start3A_384 = tpu.memref_slice %arg4[%dma_start3A_382, %dma_start3A_383] : memref<10240x128xf32, #tpu.memory_space<hbm>> -> memref<10240x128xf32, #tpu.memory_space<hbm>>
      tpu.enqueue_indirect_dma source(%dma_start3A_384 : memref<10240x128xf32, #tpu.memory_space<hbm>>) target(%dma_start3A_378 : memref<64x128xf32, #tpu.memory_space<vmem>>) offsets(%dma_start3A_381 : memref<64xi32, #tpu.memory_space<vmem>>) semaphore(%arg14 : memref<!tpu.dma_semaphore, #tpu.memory_space<semaphore_mem>>)
      %dma_start3A_385 = arith.constant 3 : i32
      %dma_start3A_386 = arith.constant 3 : i32
      %dma_start3A_387 = arith.constant 0 : i32
      %dma_start3A_388 = arith.constant 0 : i32
      %dma_start3A_389 = tpu.memref_slice %arg9[%dma_start3A_385, %dma_start3A_387, %dma_start3A_388] : memref<5x64x128xf32, #tpu.memory_space<vmem>> -> memref<1x64x128xf32, #tpu.memory_space<vmem>>
      %dma_start3A_390 = tpu.memref_squeeze %dma_start3A_389 : memref<1x64x128xf32, #tpu.memory_space<vmem>> -> memref<64x128xf32, #tpu.memory_space<vmem>>
      %dma_start3A_391 = arith.constant 0 : i32
      %dma_start3A_392 = tpu.memref_slice %arg8[%rem3A_130, %dma_start3A_386, %dma_start3A_391] : memref<2x16x64xi32, #tpu.memory_space<vmem>> -> memref<1x1x64xi32, #tpu.memory_space<vmem>>
      %dma_start3A_393 = tpu.memref_squeeze %dma_start3A_392 : memref<1x1x64xi32, #tpu.memory_space<vmem>> -> memref<64xi32, #tpu.memory_space<vmem>>
      %dma_start3A_394 = arith.constant 0 : i32
      %dma_start3A_395 = arith.constant 0 : i32
      %dma_start3A_396 = tpu.memref_slice %arg6[%dma_start3A_394, %dma_start3A_395] : memref<10240x128xf32, #tpu.memory_space<vmem_shared>> -> memref<10240x128xf32, #tpu.memory_space<vmem_shared>>
      tpu.enqueue_indirect_dma source(%dma_start3A_390 : memref<64x128xf32, #tpu.memory_space<vmem>>) target(%dma_start3A_396 : memref<10240x128xf32, #tpu.memory_space<vmem_shared>>) offsets(%dma_start3A_393 : memref<64xi32, #tpu.memory_space<vmem>>) semaphore(%arg10 : memref<!tpu.dma_semaphore, #tpu.memory_space<semaphore_mem>>) {add = true}
      %dma_wait3A_397 = arith.constant 4 : i32
      %dma_wait3A_398 = arith.constant 4 : i32
      %dma_wait3A_399 = arith.constant 0 : i32
      %dma_wait3A_400 = arith.constant 0 : i32
      %dma_wait3A_401 = tpu.memref_slice %arg9[%dma_wait3A_398, %dma_wait3A_399, %dma_wait3A_400] : memref<5x64x128xf32, #tpu.memory_space<vmem>> -> memref<1x64x128xf32, #tpu.memory_space<vmem>>
      %dma_wait3A_402 = tpu.memref_squeeze %dma_wait3A_401 : memref<1x64x128xf32, #tpu.memory_space<vmem>> -> memref<64x128xf32, #tpu.memory_space<vmem>>
      %dma_wait3A_403 = arith.constant 0 : i32
      %dma_wait3A_404 = tpu.memref_slice %arg7[%rem3A_130, %dma_wait3A_397, %dma_wait3A_403] : memref<2x16x64xi32, #tpu.memory_space<vmem>> -> memref<1x1x64xi32, #tpu.memory_space<vmem>>
      %dma_wait3A_405 = tpu.memref_squeeze %dma_wait3A_404 : memref<1x1x64xi32, #tpu.memory_space<vmem>> -> memref<64xi32, #tpu.memory_space<vmem>>
      %dma_wait3A_406 = arith.constant 0 : i32
      %dma_wait3A_407 = arith.constant 0 : i32
      %dma_wait3A_408 = tpu.memref_slice %arg4[%dma_wait3A_406, %dma_wait3A_407] : memref<10240x128xf32, #tpu.memory_space<hbm>> -> memref<10240x128xf32, #tpu.memory_space<hbm>>
      tpu.wait_indirect_dma semaphore(%arg16 : memref<!tpu.dma_semaphore, #tpu.memory_space<semaphore_mem>>) src(%dma_wait3A_408 : memref<10240x128xf32, #tpu.memory_space<hbm>>) dst(%dma_wait3A_402 : memref<64x128xf32, #tpu.memory_space<vmem>>)
      %dma_wait3A_409 = arith.constant 3 : i32
      %dma_wait3A_410 = arith.constant 3 : i32
      %dma_wait3A_411 = arith.constant 0 : i32
      %dma_wait3A_412 = arith.constant 0 : i32
      %dma_wait3A_413 = tpu.memref_slice %arg9[%dma_wait3A_409, %dma_wait3A_411, %dma_wait3A_412] : memref<5x64x128xf32, #tpu.memory_space<vmem>> -> memref<1x64x128xf32, #tpu.memory_space<vmem>>
      %dma_wait3A_414 = tpu.memref_squeeze %dma_wait3A_413 : memref<1x64x128xf32, #tpu.memory_space<vmem>> -> memref<64x128xf32, #tpu.memory_space<vmem>>
      %dma_wait3A_415 = arith.constant 0 : i32
      %dma_wait3A_416 = tpu.memref_slice %arg8[%rem3A_130, %dma_wait3A_410, %dma_wait3A_415] : memref<2x16x64xi32, #tpu.memory_space<vmem>> -> memref<1x1x64xi32, #tpu.memory_space<vmem>>
      %dma_wait3A_417 = tpu.memref_squeeze %dma_wait3A_416 : memref<1x1x64xi32, #tpu.memory_space<vmem>> -> memref<64xi32, #tpu.memory_space<vmem>>
      %dma_wait3A_418 = arith.constant 0 : i32
      %dma_wait3A_419 = arith.constant 0 : i32
      %dma_wait3A_420 = tpu.memref_slice %arg6[%dma_wait3A_418, %dma_wait3A_419] : memref<10240x128xf32, #tpu.memory_space<vmem_shared>> -> memref<10240x128xf32, #tpu.memory_space<vmem_shared>>
      tpu.wait_indirect_dma semaphore(%arg10 : memref<!tpu.dma_semaphore, #tpu.memory_space<semaphore_mem>>) src(%dma_wait3A_414 : memref<64x128xf32, #tpu.memory_space<vmem>>) dst(%dma_wait3A_420 : memref<10240x128xf32, #tpu.memory_space<vmem_shared>>)
      %dma_start3A_421 = arith.constant 8 : i32
      %dma_start3A_422 = arith.constant 3 : i32
      %dma_start3A_423 = arith.constant 0 : i32
      %dma_start3A_424 = arith.constant 0 : i32
      %dma_start3A_425 = tpu.memref_slice %arg9[%dma_start3A_422, %dma_start3A_423, %dma_start3A_424] : memref<5x64x128xf32, #tpu.memory_space<vmem>> -> memref<1x64x128xf32, #tpu.memory_space<vmem>>
      %dma_start3A_426 = tpu.memref_squeeze %dma_start3A_425 : memref<1x64x128xf32, #tpu.memory_space<vmem>> -> memref<64x128xf32, #tpu.memory_space<vmem>>
      %dma_start3A_427 = arith.constant 0 : i32
      %dma_start3A_428 = tpu.memref_slice %arg7[%rem3A_130, %dma_start3A_421, %dma_start3A_427] : memref<2x16x64xi32, #tpu.memory_space<vmem>> -> memref<1x1x64xi32, #tpu.memory_space<vmem>>
      %dma_start3A_429 = tpu.memref_squeeze %dma_start3A_428 : memref<1x1x64xi32, #tpu.memory_space<vmem>> -> memref<64xi32, #tpu.memory_space<vmem>>
      %dma_start3A_430 = arith.constant 0 : i32
      %dma_start3A_431 = arith.constant 0 : i32
      %dma_start3A_432 = tpu.memref_slice %arg4[%dma_start3A_430, %dma_start3A_431] : memref<10240x128xf32, #tpu.memory_space<hbm>> -> memref<10240x128xf32, #tpu.memory_space<hbm>>
      tpu.enqueue_indirect_dma source(%dma_start3A_432 : memref<10240x128xf32, #tpu.memory_space<hbm>>) target(%dma_start3A_426 : memref<64x128xf32, #tpu.memory_space<vmem>>) offsets(%dma_start3A_429 : memref<64xi32, #tpu.memory_space<vmem>>) semaphore(%arg15 : memref<!tpu.dma_semaphore, #tpu.memory_space<semaphore_mem>>)
      %dma_start3A_433 = arith.constant 4 : i32
      %dma_start3A_434 = arith.constant 4 : i32
      %dma_start3A_435 = arith.constant 0 : i32
      %dma_start3A_436 = arith.constant 0 : i32
      %dma_start3A_437 = tpu.memref_slice %arg9[%dma_start3A_433, %dma_start3A_435, %dma_start3A_436] : memref<5x64x128xf32, #tpu.memory_space<vmem>> -> memref<1x64x128xf32, #tpu.memory_space<vmem>>
      %dma_start3A_438 = tpu.memref_squeeze %dma_start3A_437 : memref<1x64x128xf32, #tpu.memory_space<vmem>> -> memref<64x128xf32, #tpu.memory_space<vmem>>
      %dma_start3A_439 = arith.constant 0 : i32
      %dma_start3A_440 = tpu.memref_slice %arg8[%rem3A_130, %dma_start3A_434, %dma_start3A_439] : memref<2x16x64xi32, #tpu.memory_space<vmem>> -> memref<1x1x64xi32, #tpu.memory_space<vmem>>
      %dma_start3A_441 = tpu.memref_squeeze %dma_start3A_440 : memref<1x1x64xi32, #tpu.memory_space<vmem>> -> memref<64xi32, #tpu.memory_space<vmem>>
      %dma_start3A_442 = arith.constant 0 : i32
      %dma_start3A_443 = arith.constant 0 : i32
      %dma_start3A_444 = tpu.memref_slice %arg6[%dma_start3A_442, %dma_start3A_443] : memref<10240x128xf32, #tpu.memory_space<vmem_shared>> -> memref<10240x128xf32, #tpu.memory_space<vmem_shared>>
      tpu.enqueue_indirect_dma source(%dma_start3A_438 : memref<64x128xf32, #tpu.memory_space<vmem>>) target(%dma_start3A_444 : memref<10240x128xf32, #tpu.memory_space<vmem_shared>>) offsets(%dma_start3A_441 : memref<64xi32, #tpu.memory_space<vmem>>) semaphore(%arg10 : memref<!tpu.dma_semaphore, #tpu.memory_space<semaphore_mem>>) {add = true}
      %dma_wait3A_445 = arith.constant 5 : i32
      %dma_wait3A_446 = arith.constant 0 : i32
      %dma_wait3A_447 = arith.constant 0 : i32
      %dma_wait3A_448 = arith.constant 0 : i32
      %dma_wait3A_449 = tpu.memref_slice %arg9[%dma_wait3A_446, %dma_wait3A_447, %dma_wait3A_448] : memref<5x64x128xf32, #tpu.memory_space<vmem>> -> memref<1x64x128xf32, #tpu.memory_space<vmem>>
      %dma_wait3A_450 = tpu.memref_squeeze %dma_wait3A_449 : memref<1x64x128xf32, #tpu.memory_space<vmem>> -> memref<64x128xf32, #tpu.memory_space<vmem>>
      %dma_wait3A_451 = arith.constant 0 : i32
      %dma_wait3A_452 = tpu.memref_slice %arg7[%rem3A_130, %dma_wait3A_445, %dma_wait3A_451] : memref<2x16x64xi32, #tpu.memory_space<vmem>> -> memref<1x1x64xi32, #tpu.memory_space<vmem>>
      %dma_wait3A_453 = tpu.memref_squeeze %dma_wait3A_452 : memref<1x1x64xi32, #tpu.memory_space<vmem>> -> memref<64xi32, #tpu.memory_space<vmem>>
      %dma_wait3A_454 = arith.constant 0 : i32
      %dma_wait3A_455 = arith.constant 0 : i32
      %dma_wait3A_456 = tpu.memref_slice %arg4[%dma_wait3A_454, %dma_wait3A_455] : memref<10240x128xf32, #tpu.memory_space<hbm>> -> memref<10240x128xf32, #tpu.memory_space<hbm>>
      tpu.wait_indirect_dma semaphore(%arg12 : memref<!tpu.dma_semaphore, #tpu.memory_space<semaphore_mem>>) src(%dma_wait3A_456 : memref<10240x128xf32, #tpu.memory_space<hbm>>) dst(%dma_wait3A_450 : memref<64x128xf32, #tpu.memory_space<vmem>>)
      %dma_wait3A_457 = arith.constant 4 : i32
      %dma_wait3A_458 = arith.constant 4 : i32
      %dma_wait3A_459 = arith.constant 0 : i32
      %dma_wait3A_460 = arith.constant 0 : i32
      %dma_wait3A_461 = tpu.memref_slice %arg9[%dma_wait3A_457, %dma_wait3A_459, %dma_wait3A_460] : memref<5x64x128xf32, #tpu.memory_space<vmem>> -> memref<1x64x128xf32, #tpu.memory_space<vmem>>
      %dma_wait3A_462 = tpu.memref_squeeze %dma_wait3A_461 : memref<1x64x128xf32, #tpu.memory_space<vmem>> -> memref<64x128xf32, #tpu.memory_space<vmem>>
      %dma_wait3A_463 = arith.constant 0 : i32
      %dma_wait3A_464 = tpu.memref_slice %arg8[%rem3A_130, %dma_wait3A_458, %dma_wait3A_463] : memref<2x16x64xi32, #tpu.memory_space<vmem>> -> memref<1x1x64xi32, #tpu.memory_space<vmem>>
      %dma_wait3A_465 = tpu.memref_squeeze %dma_wait3A_464 : memref<1x1x64xi32, #tpu.memory_space<vmem>> -> memref<64xi32, #tpu.memory_space<vmem>>
      %dma_wait3A_466 = arith.constant 0 : i32
      %dma_wait3A_467 = arith.constant 0 : i32
      %dma_wait3A_468 = tpu.memref_slice %arg6[%dma_wait3A_466, %dma_wait3A_467] : memref<10240x128xf32, #tpu.memory_space<vmem_shared>> -> memref<10240x128xf32, #tpu.memory_space<vmem_shared>>
      tpu.wait_indirect_dma semaphore(%arg10 : memref<!tpu.dma_semaphore, #tpu.memory_space<semaphore_mem>>) src(%dma_wait3A_462 : memref<64x128xf32, #tpu.memory_space<vmem>>) dst(%dma_wait3A_468 : memref<10240x128xf32, #tpu.memory_space<vmem_shared>>)
      %dma_start3A_469 = arith.constant 9 : i32
      %dma_start3A_470 = arith.constant 4 : i32
      %dma_start3A_471 = arith.constant 0 : i32
      %dma_start3A_472 = arith.constant 0 : i32
      %dma_start3A_473 = tpu.memref_slice %arg9[%dma_start3A_470, %dma_start3A_471, %dma_start3A_472] : memref<5x64x128xf32, #tpu.memory_space<vmem>> -> memref<1x64x128xf32, #tpu.memory_space<vmem>>
      %dma_start3A_474 = tpu.memref_squeeze %dma_start3A_473 : memref<1x64x128xf32, #tpu.memory_space<vmem>> -> memref<64x128xf32, #tpu.memory_space<vmem>>
      %dma_start3A_475 = arith.constant 0 : i32
      %dma_start3A_476 = tpu.memref_slice %arg7[%rem3A_130, %dma_start3A_469, %dma_start3A_475] : memref<2x16x64xi32, #tpu.memory_space<vmem>> -> memref<1x1x64xi32, #tpu.memory_space<vmem>>
      %dma_start3A_477 = tpu.memref_squeeze %dma_start3A_476 : memref<1x1x64xi32, #tpu.memory_space<vmem>> -> memref<64xi32, #tpu.memory_space<vmem>>
      %dma_start3A_478 = arith.constant 0 : i32
      %dma_start3A_479 = arith.constant 0 : i32
      %dma_start3A_480 = tpu.memref_slice %arg4[%dma_start3A_478, %dma_start3A_479] : memref<10240x128xf32, #tpu.memory_space<hbm>> -> memref<10240x128xf32, #tpu.memory_space<hbm>>
      tpu.enqueue_indirect_dma source(%dma_start3A_480 : memref<10240x128xf32, #tpu.memory_space<hbm>>) target(%dma_start3A_474 : memref<64x128xf32, #tpu.memory_space<vmem>>) offsets(%dma_start3A_477 : memref<64xi32, #tpu.memory_space<vmem>>) semaphore(%arg16 : memref<!tpu.dma_semaphore, #tpu.memory_space<semaphore_mem>>)
      %dma_start3A_481 = arith.constant 0 : i32
      %dma_start3A_482 = arith.constant 5 : i32
      %dma_start3A_483 = arith.constant 0 : i32
      %dma_start3A_484 = arith.constant 0 : i32
      %dma_start3A_485 = tpu.memref_slice %arg9[%dma_start3A_481, %dma_start3A_483, %dma_start3A_484] : memref<5x64x128xf32, #tpu.memory_space<vmem>> -> memref<1x64x128xf32, #tpu.memory_space<vmem>>
      %dma_start3A_486 = tpu.memref_squeeze %dma_start3A_485 : memref<1x64x128xf32, #tpu.memory_space<vmem>> -> memref<64x128xf32, #tpu.memory_space<vmem>>
      %dma_start3A_487 = arith.constant 0 : i32
      %dma_start3A_488 = tpu.memref_slice %arg8[%rem3A_130, %dma_start3A_482, %dma_start3A_487] : memref<2x16x64xi32, #tpu.memory_space<vmem>> -> memref<1x1x64xi32, #tpu.memory_space<vmem>>
      %dma_start3A_489 = tpu.memref_squeeze %dma_start3A_488 : memref<1x1x64xi32, #tpu.memory_space<vmem>> -> memref<64xi32, #tpu.memory_space<vmem>>
      %dma_start3A_490 = arith.constant 0 : i32
      %dma_start3A_491 = arith.constant 0 : i32
      %dma_start3A_492 = tpu.memref_slice %arg6[%dma_start3A_490, %dma_start3A_491] : memref<10240x128xf32, #tpu.memory_space<vmem_shared>> -> memref<10240x128xf32, #tpu.memory_space<vmem_shared>>
      tpu.enqueue_indirect_dma source(%dma_start3A_486 : memref<64x128xf32, #tpu.memory_space<vmem>>) target(%dma_start3A_492 : memref<10240x128xf32, #tpu.memory_space<vmem_shared>>) offsets(%dma_start3A_489 : memref<64xi32, #tpu.memory_space<vmem>>) semaphore(%arg10 : memref<!tpu.dma_semaphore, #tpu.memory_space<semaphore_mem>>) {add = true}
      %dma_wait3A_493 = arith.constant 6 : i32
      %dma_wait3A_494 = arith.constant 1 : i32
      %dma_wait3A_495 = arith.constant 0 : i32
      %dma_wait3A_496 = arith.constant 0 : i32
      %dma_wait3A_497 = tpu.memref_slice %arg9[%dma_wait3A_494, %dma_wait3A_495, %dma_wait3A_496] : memref<5x64x128xf32, #tpu.memory_space<vmem>> -> memref<1x64x128xf32, #tpu.memory_space<vmem>>
      %dma_wait3A_498 = tpu.memref_squeeze %dma_wait3A_497 : memref<1x64x128xf32, #tpu.memory_space<vmem>> -> memref<64x128xf32, #tpu.memory_space<vmem>>
      %dma_wait3A_499 = arith.constant 0 : i32
      %dma_wait3A_500 = tpu.memref_slice %arg7[%rem3A_130, %dma_wait3A_493, %dma_wait3A_499] : memref<2x16x64xi32, #tpu.memory_space<vmem>> -> memref<1x1x64xi32, #tpu.memory_space<vmem>>
      %dma_wait3A_501 = tpu.memref_squeeze %dma_wait3A_500 : memref<1x1x64xi32, #tpu.memory_space<vmem>> -> memref<64xi32, #tpu.memory_space<vmem>>
      %dma_wait3A_502 = arith.constant 0 : i32
      %dma_wait3A_503 = arith.constant 0 : i32
      %dma_wait3A_504 = tpu.memref_slice %arg4[%dma_wait3A_502, %dma_wait3A_503] : memref<10240x128xf32, #tpu.memory_space<hbm>> -> memref<10240x128xf32, #tpu.memory_space<hbm>>
      tpu.wait_indirect_dma semaphore(%arg13 : memref<!tpu.dma_semaphore, #tpu.memory_space<semaphore_mem>>) src(%dma_wait3A_504 : memref<10240x128xf32, #tpu.memory_space<hbm>>) dst(%dma_wait3A_498 : memref<64x128xf32, #tpu.memory_space<vmem>>)
      %dma_wait3A_505 = arith.constant 0 : i32
      %dma_wait3A_506 = arith.constant 5 : i32
      %dma_wait3A_507 = arith.constant 0 : i32
      %dma_wait3A_508 = arith.constant 0 : i32
      %dma_wait3A_509 = tpu.memref_slice %arg9[%dma_wait3A_505, %dma_wait3A_507, %dma_wait3A_508] : memref<5x64x128xf32, #tpu.memory_space<vmem>> -> memref<1x64x128xf32, #tpu.memory_space<vmem>>
      %dma_wait3A_510 = tpu.memref_squeeze %dma_wait3A_509 : memref<1x64x128xf32, #tpu.memory_space<vmem>> -> memref<64x128xf32, #tpu.memory_space<vmem>>
      %dma_wait3A_511 = arith.constant 0 : i32
      %dma_wait3A_512 = tpu.memref_slice %arg8[%rem3A_130, %dma_wait3A_506, %dma_wait3A_511] : memref<2x16x64xi32, #tpu.memory_space<vmem>> -> memref<1x1x64xi32, #tpu.memory_space<vmem>>
      %dma_wait3A_513 = tpu.memref_squeeze %dma_wait3A_512 : memref<1x1x64xi32, #tpu.memory_space<vmem>> -> memref<64xi32, #tpu.memory_space<vmem>>
      %dma_wait3A_514 = arith.constant 0 : i32
      %dma_wait3A_515 = arith.constant 0 : i32
      %dma_wait3A_516 = tpu.memref_slice %arg6[%dma_wait3A_514, %dma_wait3A_515] : memref<10240x128xf32, #tpu.memory_space<vmem_shared>> -> memref<10240x128xf32, #tpu.memory_space<vmem_shared>>
      tpu.wait_indirect_dma semaphore(%arg10 : memref<!tpu.dma_semaphore, #tpu.memory_space<semaphore_mem>>) src(%dma_wait3A_510 : memref<64x128xf32, #tpu.memory_space<vmem>>) dst(%dma_wait3A_516 : memref<10240x128xf32, #tpu.memory_space<vmem_shared>>)
      %dma_start3A_517 = arith.constant 10 : i32
      %dma_start3A_518 = arith.constant 0 : i32
      %dma_start3A_519 = arith.constant 0 : i32
      %dma_start3A_520 = arith.constant 0 : i32
      %dma_start3A_521 = tpu.memref_slice %arg9[%dma_start3A_518, %dma_start3A_519, %dma_start3A_520] : memref<5x64x128xf32, #tpu.memory_space<vmem>> -> memref<1x64x128xf32, #tpu.memory_space<vmem>>
      %dma_start3A_522 = tpu.memref_squeeze %dma_start3A_521 : memref<1x64x128xf32, #tpu.memory_space<vmem>> -> memref<64x128xf32, #tpu.memory_space<vmem>>
      %dma_start3A_523 = arith.constant 0 : i32
      %dma_start3A_524 = tpu.memref_slice %arg7[%rem3A_130, %dma_start3A_517, %dma_start3A_523] : memref<2x16x64xi32, #tpu.memory_space<vmem>> -> memref<1x1x64xi32, #tpu.memory_space<vmem>>
      %dma_start3A_525 = tpu.memref_squeeze %dma_start3A_524 : memref<1x1x64xi32, #tpu.memory_space<vmem>> -> memref<64xi32, #tpu.memory_space<vmem>>
      %dma_start3A_526 = arith.constant 0 : i32
      %dma_start3A_527 = arith.constant 0 : i32
      %dma_start3A_528 = tpu.memref_slice %arg4[%dma_start3A_526, %dma_start3A_527] : memref<10240x128xf32, #tpu.memory_space<hbm>> -> memref<10240x128xf32, #tpu.memory_space<hbm>>
      tpu.enqueue_indirect_dma source(%dma_start3A_528 : memref<10240x128xf32, #tpu.memory_space<hbm>>) target(%dma_start3A_522 : memref<64x128xf32, #tpu.memory_space<vmem>>) offsets(%dma_start3A_525 : memref<64xi32, #tpu.memory_space<vmem>>) semaphore(%arg12 : memref<!tpu.dma_semaphore, #tpu.memory_space<semaphore_mem>>)
      %dma_start3A_529 = arith.constant 1 : i32
      %dma_start3A_530 = arith.constant 6 : i32
      %dma_start3A_531 = arith.constant 0 : i32
      %dma_start3A_532 = arith.constant 0 : i32
      %dma_start3A_533 = tpu.memref_slice %arg9[%dma_start3A_529, %dma_start3A_531, %dma_start3A_532] : memref<5x64x128xf32, #tpu.memory_space<vmem>> -> memref<1x64x128xf32, #tpu.memory_space<vmem>>
      %dma_start3A_534 = tpu.memref_squeeze %dma_start3A_533 : memref<1x64x128xf32, #tpu.memory_space<vmem>> -> memref<64x128xf32, #tpu.memory_space<vmem>>
      %dma_start3A_535 = arith.constant 0 : i32
      %dma_start3A_536 = tpu.memref_slice %arg8[%rem3A_130, %dma_start3A_530, %dma_start3A_535] : memref<2x16x64xi32, #tpu.memory_space<vmem>> -> memref<1x1x64xi32, #tpu.memory_space<vmem>>
      %dma_start3A_537 = tpu.memref_squeeze %dma_start3A_536 : memref<1x1x64xi32, #tpu.memory_space<vmem>> -> memref<64xi32, #tpu.memory_space<vmem>>
      %dma_start3A_538 = arith.constant 0 : i32
      %dma_start3A_539 = arith.constant 0 : i32
      %dma_start3A_540 = tpu.memref_slice %arg6[%dma_start3A_538, %dma_start3A_539] : memref<10240x128xf32, #tpu.memory_space<vmem_shared>> -> memref<10240x128xf32, #tpu.memory_space<vmem_shared>>
      tpu.enqueue_indirect_dma source(%dma_start3A_534 : memref<64x128xf32, #tpu.memory_space<vmem>>) target(%dma_start3A_540 : memref<10240x128xf32, #tpu.memory_space<vmem_shared>>) offsets(%dma_start3A_537 : memref<64xi32, #tpu.memory_space<vmem>>) semaphore(%arg10 : memref<!tpu.dma_semaphore, #tpu.memory_space<semaphore_mem>>) {add = true}
      %dma_wait3A_541 = arith.constant 7 : i32
      %dma_wait3A_542 = arith.constant 2 : i32
      %dma_wait3A_543 = arith.constant 0 : i32
      %dma_wait3A_544 = arith.constant 0 : i32
      %dma_wait3A_545 = tpu.memref_slice %arg9[%dma_wait3A_542, %dma_wait3A_543, %dma_wait3A_544] : memref<5x64x128xf32, #tpu.memory_space<vmem>> -> memref<1x64x128xf32, #tpu.memory_space<vmem>>
      %dma_wait3A_546 = tpu.memref_squeeze %dma_wait3A_545 : memref<1x64x128xf32, #tpu.memory_space<vmem>> -> memref<64x128xf32, #tpu.memory_space<vmem>>
      %dma_wait3A_547 = arith.constant 0 : i32
      %dma_wait3A_548 = tpu.memref_slice %arg7[%rem3A_130, %dma_wait3A_541, %dma_wait3A_547] : memref<2x16x64xi32, #tpu.memory_space<vmem>> -> memref<1x1x64xi32, #tpu.memory_space<vmem>>
      %dma_wait3A_549 = tpu.memref_squeeze %dma_wait3A_548 : memref<1x1x64xi32, #tpu.memory_space<vmem>> -> memref<64xi32, #tpu.memory_space<vmem>>
      %dma_wait3A_550 = arith.constant 0 : i32
      %dma_wait3A_551 = arith.constant 0 : i32
      %dma_wait3A_552 = tpu.memref_slice %arg4[%dma_wait3A_550, %dma_wait3A_551] : memref<10240x128xf32, #tpu.memory_space<hbm>> -> memref<10240x128xf32, #tpu.memory_space<hbm>>
      tpu.wait_indirect_dma semaphore(%arg14 : memref<!tpu.dma_semaphore, #tpu.memory_space<semaphore_mem>>) src(%dma_wait3A_552 : memref<10240x128xf32, #tpu.memory_space<hbm>>) dst(%dma_wait3A_546 : memref<64x128xf32, #tpu.memory_space<vmem>>)
      %dma_wait3A_553 = arith.constant 1 : i32
      %dma_wait3A_554 = arith.constant 6 : i32
      %dma_wait3A_555 = arith.constant 0 : i32
      %dma_wait3A_556 = arith.constant 0 : i32
      %dma_wait3A_557 = tpu.memref_slice %arg9[%dma_wait3A_553, %dma_wait3A_555, %dma_wait3A_556] : memref<5x64x128xf32, #tpu.memory_space<vmem>> -> memref<1x64x128xf32, #tpu.memory_space<vmem>>
      %dma_wait3A_558 = tpu.memref_squeeze %dma_wait3A_557 : memref<1x64x128xf32, #tpu.memory_space<vmem>> -> memref<64x128xf32, #tpu.memory_space<vmem>>
      %dma_wait3A_559 = arith.constant 0 : i32
      %dma_wait3A_560 = tpu.memref_slice %arg8[%rem3A_130, %dma_wait3A_554, %dma_wait3A_559] : memref<2x16x64xi32, #tpu.memory_space<vmem>> -> memref<1x1x64xi32, #tpu.memory_space<vmem>>
      %dma_wait3A_561 = tpu.memref_squeeze %dma_wait3A_560 : memref<1x1x64xi32, #tpu.memory_space<vmem>> -> memref<64xi32, #tpu.memory_space<vmem>>
      %dma_wait3A_562 = arith.constant 0 : i32
      %dma_wait3A_563 = arith.constant 0 : i32
      %dma_wait3A_564 = tpu.memref_slice %arg6[%dma_wait3A_562, %dma_wait3A_563] : memref<10240x128xf32, #tpu.memory_space<vmem_shared>> -> memref<10240x128xf32, #tpu.memory_space<vmem_shared>>
      tpu.wait_indirect_dma semaphore(%arg10 : memref<!tpu.dma_semaphore, #tpu.memory_space<semaphore_mem>>) src(%dma_wait3A_558 : memref<64x128xf32, #tpu.memory_space<vmem>>) dst(%dma_wait3A_564 : memref<10240x128xf32, #tpu.memory_space<vmem_shared>>)
      %dma_start3A_565 = arith.constant 11 : i32
      %dma_start3A_566 = arith.constant 1 : i32
      %dma_start3A_567 = arith.constant 0 : i32
      %dma_start3A_568 = arith.constant 0 : i32
      %dma_start3A_569 = tpu.memref_slice %arg9[%dma_start3A_566, %dma_start3A_567, %dma_start3A_568] : memref<5x64x128xf32, #tpu.memory_space<vmem>> -> memref<1x64x128xf32, #tpu.memory_space<vmem>>
      %dma_start3A_570 = tpu.memref_squeeze %dma_start3A_569 : memref<1x64x128xf32, #tpu.memory_space<vmem>> -> memref<64x128xf32, #tpu.memory_space<vmem>>
      %dma_start3A_571 = arith.constant 0 : i32
      %dma_start3A_572 = tpu.memref_slice %arg7[%rem3A_130, %dma_start3A_565, %dma_start3A_571] : memref<2x16x64xi32, #tpu.memory_space<vmem>> -> memref<1x1x64xi32, #tpu.memory_space<vmem>>
      %dma_start3A_573 = tpu.memref_squeeze %dma_start3A_572 : memref<1x1x64xi32, #tpu.memory_space<vmem>> -> memref<64xi32, #tpu.memory_space<vmem>>
      %dma_start3A_574 = arith.constant 0 : i32
      %dma_start3A_575 = arith.constant 0 : i32
      %dma_start3A_576 = tpu.memref_slice %arg4[%dma_start3A_574, %dma_start3A_575] : memref<10240x128xf32, #tpu.memory_space<hbm>> -> memref<10240x128xf32, #tpu.memory_space<hbm>>
      tpu.enqueue_indirect_dma source(%dma_start3A_576 : memref<10240x128xf32, #tpu.memory_space<hbm>>) target(%dma_start3A_570 : memref<64x128xf32, #tpu.memory_space<vmem>>) offsets(%dma_start3A_573 : memref<64xi32, #tpu.memory_space<vmem>>) semaphore(%arg13 : memref<!tpu.dma_semaphore, #tpu.memory_space<semaphore_mem>>)
      %dma_start3A_577 = arith.constant 2 : i32
      %dma_start3A_578 = arith.constant 7 : i32
      %dma_start3A_579 = arith.constant 0 : i32
      %dma_start3A_580 = arith.constant 0 : i32
      %dma_start3A_581 = tpu.memref_slice %arg9[%dma_start3A_577, %dma_start3A_579, %dma_start3A_580] : memref<5x64x128xf32, #tpu.memory_space<vmem>> -> memref<1x64x128xf32, #tpu.memory_space<vmem>>
      %dma_start3A_582 = tpu.memref_squeeze %dma_start3A_581 : memref<1x64x128xf32, #tpu.memory_space<vmem>> -> memref<64x128xf32, #tpu.memory_space<vmem>>
      %dma_start3A_583 = arith.constant 0 : i32
      %dma_start3A_584 = tpu.memref_slice %arg8[%rem3A_130, %dma_start3A_578, %dma_start3A_583] : memref<2x16x64xi32, #tpu.memory_space<vmem>> -> memref<1x1x64xi32, #tpu.memory_space<vmem>>
      %dma_start3A_585 = tpu.memref_squeeze %dma_start3A_584 : memref<1x1x64xi32, #tpu.memory_space<vmem>> -> memref<64xi32, #tpu.memory_space<vmem>>
      %dma_start3A_586 = arith.constant 0 : i32
      %dma_start3A_587 = arith.constant 0 : i32
      %dma_start3A_588 = tpu.memref_slice %arg6[%dma_start3A_586, %dma_start3A_587] : memref<10240x128xf32, #tpu.memory_space<vmem_shared>> -> memref<10240x128xf32, #tpu.memory_space<vmem_shared>>
      tpu.enqueue_indirect_dma source(%dma_start3A_582 : memref<64x128xf32, #tpu.memory_space<vmem>>) target(%dma_start3A_588 : memref<10240x128xf32, #tpu.memory_space<vmem_shared>>) offsets(%dma_start3A_585 : memref<64xi32, #tpu.memory_space<vmem>>) semaphore(%arg10 : memref<!tpu.dma_semaphore, #tpu.memory_space<semaphore_mem>>) {add = true}
      %dma_wait3A_589 = arith.constant 8 : i32
      %dma_wait3A_590 = arith.constant 3 : i32
      %dma_wait3A_591 = arith.constant 0 : i32
      %dma_wait3A_592 = arith.constant 0 : i32
      %dma_wait3A_593 = tpu.memref_slice %arg9[%dma_wait3A_590, %dma_wait3A_591, %dma_wait3A_592] : memref<5x64x128xf32, #tpu.memory_space<vmem>> -> memref<1x64x128xf32, #tpu.memory_space<vmem>>
      %dma_wait3A_594 = tpu.memref_squeeze %dma_wait3A_593 : memref<1x64x128xf32, #tpu.memory_space<vmem>> -> memref<64x128xf32, #tpu.memory_space<vmem>>
      %dma_wait3A_595 = arith.constant 0 : i32
      %dma_wait3A_596 = tpu.memref_slice %arg7[%rem3A_130, %dma_wait3A_589, %dma_wait3A_595] : memref<2x16x64xi32, #tpu.memory_space<vmem>> -> memref<1x1x64xi32, #tpu.memory_space<vmem>>
      %dma_wait3A_597 = tpu.memref_squeeze %dma_wait3A_596 : memref<1x1x64xi32, #tpu.memory_space<vmem>> -> memref<64xi32, #tpu.memory_space<vmem>>
      %dma_wait3A_598 = arith.constant 0 : i32
      %dma_wait3A_599 = arith.constant 0 : i32
      %dma_wait3A_600 = tpu.memref_slice %arg4[%dma_wait3A_598, %dma_wait3A_599] : memref<10240x128xf32, #tpu.memory_space<hbm>> -> memref<10240x128xf32, #tpu.memory_space<hbm>>
      tpu.wait_indirect_dma semaphore(%arg15 : memref<!tpu.dma_semaphore, #tpu.memory_space<semaphore_mem>>) src(%dma_wait3A_600 : memref<10240x128xf32, #tpu.memory_space<hbm>>) dst(%dma_wait3A_594 : memref<64x128xf32, #tpu.memory_space<vmem>>)
      %dma_wait3A_601 = arith.constant 2 : i32
      %dma_wait3A_602 = arith.constant 7 : i32
      %dma_wait3A_603 = arith.constant 0 : i32
      %dma_wait3A_604 = arith.constant 0 : i32
      %dma_wait3A_605 = tpu.memref_slice %arg9[%dma_wait3A_601, %dma_wait3A_603, %dma_wait3A_604] : memref<5x64x128xf32, #tpu.memory_space<vmem>> -> memref<1x64x128xf32, #tpu.memory_space<vmem>>
      %dma_wait3A_606 = tpu.memref_squeeze %dma_wait3A_605 : memref<1x64x128xf32, #tpu.memory_space<vmem>> -> memref<64x128xf32, #tpu.memory_space<vmem>>
      %dma_wait3A_607 = arith.constant 0 : i32
      %dma_wait3A_608 = tpu.memref_slice %arg8[%rem3A_130, %dma_wait3A_602, %dma_wait3A_607] : memref<2x16x64xi32, #tpu.memory_space<vmem>> -> memref<1x1x64xi32, #tpu.memory_space<vmem>>
      %dma_wait3A_609 = tpu.memref_squeeze %dma_wait3A_608 : memref<1x1x64xi32, #tpu.memory_space<vmem>> -> memref<64xi32, #tpu.memory_space<vmem>>
      %dma_wait3A_610 = arith.constant 0 : i32
      %dma_wait3A_611 = arith.constant 0 : i32
      %dma_wait3A_612 = tpu.memref_slice %arg6[%dma_wait3A_610, %dma_wait3A_611] : memref<10240x128xf32, #tpu.memory_space<vmem_shared>> -> memref<10240x128xf32, #tpu.memory_space<vmem_shared>>
      tpu.wait_indirect_dma semaphore(%arg10 : memref<!tpu.dma_semaphore, #tpu.memory_space<semaphore_mem>>) src(%dma_wait3A_606 : memref<64x128xf32, #tpu.memory_space<vmem>>) dst(%dma_wait3A_612 : memref<10240x128xf32, #tpu.memory_space<vmem_shared>>)
      %dma_start3A_613 = arith.constant 12 : i32
      %dma_start3A_614 = arith.constant 2 : i32
      %dma_start3A_615 = arith.constant 0 : i32
      %dma_start3A_616 = arith.constant 0 : i32
      %dma_start3A_617 = tpu.memref_slice %arg9[%dma_start3A_614, %dma_start3A_615, %dma_start3A_616] : memref<5x64x128xf32, #tpu.memory_space<vmem>> -> memref<1x64x128xf32, #tpu.memory_space<vmem>>
      %dma_start3A_618 = tpu.memref_squeeze %dma_start3A_617 : memref<1x64x128xf32, #tpu.memory_space<vmem>> -> memref<64x128xf32, #tpu.memory_space<vmem>>
      %dma_start3A_619 = arith.constant 0 : i32
      %dma_start3A_620 = tpu.memref_slice %arg7[%rem3A_130, %dma_start3A_613, %dma_start3A_619] : memref<2x16x64xi32, #tpu.memory_space<vmem>> -> memref<1x1x64xi32, #tpu.memory_space<vmem>>
      %dma_start3A_621 = tpu.memref_squeeze %dma_start3A_620 : memref<1x1x64xi32, #tpu.memory_space<vmem>> -> memref<64xi32, #tpu.memory_space<vmem>>
      %dma_start3A_622 = arith.constant 0 : i32
      %dma_start3A_623 = arith.constant 0 : i32
      %dma_start3A_624 = tpu.memref_slice %arg4[%dma_start3A_622, %dma_start3A_623] : memref<10240x128xf32, #tpu.memory_space<hbm>> -> memref<10240x128xf32, #tpu.memory_space<hbm>>
      tpu.enqueue_indirect_dma source(%dma_start3A_624 : memref<10240x128xf32, #tpu.memory_space<hbm>>) target(%dma_start3A_618 : memref<64x128xf32, #tpu.memory_space<vmem>>) offsets(%dma_start3A_621 : memref<64xi32, #tpu.memory_space<vmem>>) semaphore(%arg14 : memref<!tpu.dma_semaphore, #tpu.memory_space<semaphore_mem>>)
      %dma_start3A_625 = arith.constant 3 : i32
      %dma_start3A_626 = arith.constant 8 : i32
      %dma_start3A_627 = arith.constant 0 : i32
      %dma_start3A_628 = arith.constant 0 : i32
      %dma_start3A_629 = tpu.memref_slice %arg9[%dma_start3A_625, %dma_start3A_627, %dma_start3A_628] : memref<5x64x128xf32, #tpu.memory_space<vmem>> -> memref<1x64x128xf32, #tpu.memory_space<vmem>>
      %dma_start3A_630 = tpu.memref_squeeze %dma_start3A_629 : memref<1x64x128xf32, #tpu.memory_space<vmem>> -> memref<64x128xf32, #tpu.memory_space<vmem>>
      %dma_start3A_631 = arith.constant 0 : i32
      %dma_start3A_632 = tpu.memref_slice %arg8[%rem3A_130, %dma_start3A_626, %dma_start3A_631] : memref<2x16x64xi32, #tpu.memory_space<vmem>> -> memref<1x1x64xi32, #tpu.memory_space<vmem>>
      %dma_start3A_633 = tpu.memref_squeeze %dma_start3A_632 : memref<1x1x64xi32, #tpu.memory_space<vmem>> -> memref<64xi32, #tpu.memory_space<vmem>>
      %dma_start3A_634 = arith.constant 0 : i32
      %dma_start3A_635 = arith.constant 0 : i32
      %dma_start3A_636 = tpu.memref_slice %arg6[%dma_start3A_634, %dma_start3A_635] : memref<10240x128xf32, #tpu.memory_space<vmem_shared>> -> memref<10240x128xf32, #tpu.memory_space<vmem_shared>>
      tpu.enqueue_indirect_dma source(%dma_start3A_630 : memref<64x128xf32, #tpu.memory_space<vmem>>) target(%dma_start3A_636 : memref<10240x128xf32, #tpu.memory_space<vmem_shared>>) offsets(%dma_start3A_633 : memref<64xi32, #tpu.memory_space<vmem>>) semaphore(%arg10 : memref<!tpu.dma_semaphore, #tpu.memory_space<semaphore_mem>>) {add = true}
      %dma_wait3A_637 = arith.constant 9 : i32
      %dma_wait3A_638 = arith.constant 4 : i32
      %dma_wait3A_639 = arith.constant 0 : i32
      %dma_wait3A_640 = arith.constant 0 : i32
      %dma_wait3A_641 = tpu.memref_slice %arg9[%dma_wait3A_638, %dma_wait3A_639, %dma_wait3A_640] : memref<5x64x128xf32, #tpu.memory_space<vmem>> -> memref<1x64x128xf32, #tpu.memory_space<vmem>>
      %dma_wait3A_642 = tpu.memref_squeeze %dma_wait3A_641 : memref<1x64x128xf32, #tpu.memory_space<vmem>> -> memref<64x128xf32, #tpu.memory_space<vmem>>
      %dma_wait3A_643 = arith.constant 0 : i32
      %dma_wait3A_644 = tpu.memref_slice %arg7[%rem3A_130, %dma_wait3A_637, %dma_wait3A_643] : memref<2x16x64xi32, #tpu.memory_space<vmem>> -> memref<1x1x64xi32, #tpu.memory_space<vmem>>
      %dma_wait3A_645 = tpu.memref_squeeze %dma_wait3A_644 : memref<1x1x64xi32, #tpu.memory_space<vmem>> -> memref<64xi32, #tpu.memory_space<vmem>>
      %dma_wait3A_646 = arith.constant 0 : i32
      %dma_wait3A_647 = arith.constant 0 : i32
      %dma_wait3A_648 = tpu.memref_slice %arg4[%dma_wait3A_646, %dma_wait3A_647] : memref<10240x128xf32, #tpu.memory_space<hbm>> -> memref<10240x128xf32, #tpu.memory_space<hbm>>
      tpu.wait_indirect_dma semaphore(%arg16 : memref<!tpu.dma_semaphore, #tpu.memory_space<semaphore_mem>>) src(%dma_wait3A_648 : memref<10240x128xf32, #tpu.memory_space<hbm>>) dst(%dma_wait3A_642 : memref<64x128xf32, #tpu.memory_space<vmem>>)
      %dma_wait3A_649 = arith.constant 3 : i32
      %dma_wait3A_650 = arith.constant 8 : i32
      %dma_wait3A_651 = arith.constant 0 : i32
      %dma_wait3A_652 = arith.constant 0 : i32
      %dma_wait3A_653 = tpu.memref_slice %arg9[%dma_wait3A_649, %dma_wait3A_651, %dma_wait3A_652] : memref<5x64x128xf32, #tpu.memory_space<vmem>> -> memref<1x64x128xf32, #tpu.memory_space<vmem>>
      %dma_wait3A_654 = tpu.memref_squeeze %dma_wait3A_653 : memref<1x64x128xf32, #tpu.memory_space<vmem>> -> memref<64x128xf32, #tpu.memory_space<vmem>>
      %dma_wait3A_655 = arith.constant 0 : i32
      %dma_wait3A_656 = tpu.memref_slice %arg8[%rem3A_130, %dma_wait3A_650, %dma_wait3A_655] : memref<2x16x64xi32, #tpu.memory_space<vmem>> -> memref<1x1x64xi32, #tpu.memory_space<vmem>>
      %dma_wait3A_657 = tpu.memref_squeeze %dma_wait3A_656 : memref<1x1x64xi32, #tpu.memory_space<vmem>> -> memref<64xi32, #tpu.memory_space<vmem>>
      %dma_wait3A_658 = arith.constant 0 : i32
      %dma_wait3A_659 = arith.constant 0 : i32
      %dma_wait3A_660 = tpu.memref_slice %arg6[%dma_wait3A_658, %dma_wait3A_659] : memref<10240x128xf32, #tpu.memory_space<vmem_shared>> -> memref<10240x128xf32, #tpu.memory_space<vmem_shared>>
      tpu.wait_indirect_dma semaphore(%arg10 : memref<!tpu.dma_semaphore, #tpu.memory_space<semaphore_mem>>) src(%dma_wait3A_654 : memref<64x128xf32, #tpu.memory_space<vmem>>) dst(%dma_wait3A_660 : memref<10240x128xf32, #tpu.memory_space<vmem_shared>>)
      %dma_start3A_661 = arith.constant 13 : i32
      %dma_start3A_662 = arith.constant 3 : i32
      %dma_start3A_663 = arith.constant 0 : i32
      %dma_start3A_664 = arith.constant 0 : i32
      %dma_start3A_665 = tpu.memref_slice %arg9[%dma_start3A_662, %dma_start3A_663, %dma_start3A_664] : memref<5x64x128xf32, #tpu.memory_space<vmem>> -> memref<1x64x128xf32, #tpu.memory_space<vmem>>
      %dma_start3A_666 = tpu.memref_squeeze %dma_start3A_665 : memref<1x64x128xf32, #tpu.memory_space<vmem>> -> memref<64x128xf32, #tpu.memory_space<vmem>>
      %dma_start3A_667 = arith.constant 0 : i32
      %dma_start3A_668 = tpu.memref_slice %arg7[%rem3A_130, %dma_start3A_661, %dma_start3A_667] : memref<2x16x64xi32, #tpu.memory_space<vmem>> -> memref<1x1x64xi32, #tpu.memory_space<vmem>>
      %dma_start3A_669 = tpu.memref_squeeze %dma_start3A_668 : memref<1x1x64xi32, #tpu.memory_space<vmem>> -> memref<64xi32, #tpu.memory_space<vmem>>
      %dma_start3A_670 = arith.constant 0 : i32
      %dma_start3A_671 = arith.constant 0 : i32
      %dma_start3A_672 = tpu.memref_slice %arg4[%dma_start3A_670, %dma_start3A_671] : memref<10240x128xf32, #tpu.memory_space<hbm>> -> memref<10240x128xf32, #tpu.memory_space<hbm>>
      tpu.enqueue_indirect_dma source(%dma_start3A_672 : memref<10240x128xf32, #tpu.memory_space<hbm>>) target(%dma_start3A_666 : memref<64x128xf32, #tpu.memory_space<vmem>>) offsets(%dma_start3A_669 : memref<64xi32, #tpu.memory_space<vmem>>) semaphore(%arg15 : memref<!tpu.dma_semaphore, #tpu.memory_space<semaphore_mem>>)
      %dma_start3A_673 = arith.constant 4 : i32
      %dma_start3A_674 = arith.constant 9 : i32
      %dma_start3A_675 = arith.constant 0 : i32
      %dma_start3A_676 = arith.constant 0 : i32
      %dma_start3A_677 = tpu.memref_slice %arg9[%dma_start3A_673, %dma_start3A_675, %dma_start3A_676] : memref<5x64x128xf32, #tpu.memory_space<vmem>> -> memref<1x64x128xf32, #tpu.memory_space<vmem>>
      %dma_start3A_678 = tpu.memref_squeeze %dma_start3A_677 : memref<1x64x128xf32, #tpu.memory_space<vmem>> -> memref<64x128xf32, #tpu.memory_space<vmem>>
      %dma_start3A_679 = arith.constant 0 : i32
      %dma_start3A_680 = tpu.memref_slice %arg8[%rem3A_130, %dma_start3A_674, %dma_start3A_679] : memref<2x16x64xi32, #tpu.memory_space<vmem>> -> memref<1x1x64xi32, #tpu.memory_space<vmem>>
      %dma_start3A_681 = tpu.memref_squeeze %dma_start3A_680 : memref<1x1x64xi32, #tpu.memory_space<vmem>> -> memref<64xi32, #tpu.memory_space<vmem>>
      %dma_start3A_682 = arith.constant 0 : i32
      %dma_start3A_683 = arith.constant 0 : i32
      %dma_start3A_684 = tpu.memref_slice %arg6[%dma_start3A_682, %dma_start3A_683] : memref<10240x128xf32, #tpu.memory_space<vmem_shared>> -> memref<10240x128xf32, #tpu.memory_space<vmem_shared>>
      tpu.enqueue_indirect_dma source(%dma_start3A_678 : memref<64x128xf32, #tpu.memory_space<vmem>>) target(%dma_start3A_684 : memref<10240x128xf32, #tpu.memory_space<vmem_shared>>) offsets(%dma_start3A_681 : memref<64xi32, #tpu.memory_space<vmem>>) semaphore(%arg10 : memref<!tpu.dma_semaphore, #tpu.memory_space<semaphore_mem>>) {add = true}
      %dma_wait3A_685 = arith.constant 10 : i32
      %dma_wait3A_686 = arith.constant 0 : i32
      %dma_wait3A_687 = arith.constant 0 : i32
      %dma_wait3A_688 = arith.constant 0 : i32
      %dma_wait3A_689 = tpu.memref_slice %arg9[%dma_wait3A_686, %dma_wait3A_687, %dma_wait3A_688] : memref<5x64x128xf32, #tpu.memory_space<vmem>> -> memref<1x64x128xf32, #tpu.memory_space<vmem>>
      %dma_wait3A_690 = tpu.memref_squeeze %dma_wait3A_689 : memref<1x64x128xf32, #tpu.memory_space<vmem>> -> memref<64x128xf32, #tpu.memory_space<vmem>>
      %dma_wait3A_691 = arith.constant 0 : i32
      %dma_wait3A_692 = tpu.memref_slice %arg7[%rem3A_130, %dma_wait3A_685, %dma_wait3A_691] : memref<2x16x64xi32, #tpu.memory_space<vmem>> -> memref<1x1x64xi32, #tpu.memory_space<vmem>>
      %dma_wait3A_693 = tpu.memref_squeeze %dma_wait3A_692 : memref<1x1x64xi32, #tpu.memory_space<vmem>> -> memref<64xi32, #tpu.memory_space<vmem>>
      %dma_wait3A_694 = arith.constant 0 : i32
      %dma_wait3A_695 = arith.constant 0 : i32
      %dma_wait3A_696 = tpu.memref_slice %arg4[%dma_wait3A_694, %dma_wait3A_695] : memref<10240x128xf32, #tpu.memory_space<hbm>> -> memref<10240x128xf32, #tpu.memory_space<hbm>>
      tpu.wait_indirect_dma semaphore(%arg12 : memref<!tpu.dma_semaphore, #tpu.memory_space<semaphore_mem>>) src(%dma_wait3A_696 : memref<10240x128xf32, #tpu.memory_space<hbm>>) dst(%dma_wait3A_690 : memref<64x128xf32, #tpu.memory_space<vmem>>)
      %dma_wait3A_697 = arith.constant 4 : i32
      %dma_wait3A_698 = arith.constant 9 : i32
      %dma_wait3A_699 = arith.constant 0 : i32
      %dma_wait3A_700 = arith.constant 0 : i32
      %dma_wait3A_701 = tpu.memref_slice %arg9[%dma_wait3A_697, %dma_wait3A_699, %dma_wait3A_700] : memref<5x64x128xf32, #tpu.memory_space<vmem>> -> memref<1x64x128xf32, #tpu.memory_space<vmem>>
      %dma_wait3A_702 = tpu.memref_squeeze %dma_wait3A_701 : memref<1x64x128xf32, #tpu.memory_space<vmem>> -> memref<64x128xf32, #tpu.memory_space<vmem>>
      %dma_wait3A_703 = arith.constant 0 : i32
      %dma_wait3A_704 = tpu.memref_slice %arg8[%rem3A_130, %dma_wait3A_698, %dma_wait3A_703] : memref<2x16x64xi32, #tpu.memory_space<vmem>> -> memref<1x1x64xi32, #tpu.memory_space<vmem>>
      %dma_wait3A_705 = tpu.memref_squeeze %dma_wait3A_704 : memref<1x1x64xi32, #tpu.memory_space<vmem>> -> memref<64xi32, #tpu.memory_space<vmem>>
      %dma_wait3A_706 = arith.constant 0 : i32
      %dma_wait3A_707 = arith.constant 0 : i32
      %dma_wait3A_708 = tpu.memref_slice %arg6[%dma_wait3A_706, %dma_wait3A_707] : memref<10240x128xf32, #tpu.memory_space<vmem_shared>> -> memref<10240x128xf32, #tpu.memory_space<vmem_shared>>
      tpu.wait_indirect_dma semaphore(%arg10 : memref<!tpu.dma_semaphore, #tpu.memory_space<semaphore_mem>>) src(%dma_wait3A_702 : memref<64x128xf32, #tpu.memory_space<vmem>>) dst(%dma_wait3A_708 : memref<10240x128xf32, #tpu.memory_space<vmem_shared>>)
      %dma_start3A_709 = arith.constant 14 : i32
      %dma_start3A_710 = arith.constant 4 : i32
      %dma_start3A_711 = arith.constant 0 : i32
      %dma_start3A_712 = arith.constant 0 : i32
      %dma_start3A_713 = tpu.memref_slice %arg9[%dma_start3A_710, %dma_start3A_711, %dma_start3A_712] : memref<5x64x128xf32, #tpu.memory_space<vmem>> -> memref<1x64x128xf32, #tpu.memory_space<vmem>>
      %dma_start3A_714 = tpu.memref_squeeze %dma_start3A_713 : memref<1x64x128xf32, #tpu.memory_space<vmem>> -> memref<64x128xf32, #tpu.memory_space<vmem>>
      %dma_start3A_715 = arith.constant 0 : i32
      %dma_start3A_716 = tpu.memref_slice %arg7[%rem3A_130, %dma_start3A_709, %dma_start3A_715] : memref<2x16x64xi32, #tpu.memory_space<vmem>> -> memref<1x1x64xi32, #tpu.memory_space<vmem>>
      %dma_start3A_717 = tpu.memref_squeeze %dma_start3A_716 : memref<1x1x64xi32, #tpu.memory_space<vmem>> -> memref<64xi32, #tpu.memory_space<vmem>>
      %dma_start3A_718 = arith.constant 0 : i32
      %dma_start3A_719 = arith.constant 0 : i32
      %dma_start3A_720 = tpu.memref_slice %arg4[%dma_start3A_718, %dma_start3A_719] : memref<10240x128xf32, #tpu.memory_space<hbm>> -> memref<10240x128xf32, #tpu.memory_space<hbm>>
      tpu.enqueue_indirect_dma source(%dma_start3A_720 : memref<10240x128xf32, #tpu.memory_space<hbm>>) target(%dma_start3A_714 : memref<64x128xf32, #tpu.memory_space<vmem>>) offsets(%dma_start3A_717 : memref<64xi32, #tpu.memory_space<vmem>>) semaphore(%arg16 : memref<!tpu.dma_semaphore, #tpu.memory_space<semaphore_mem>>)
      %dma_start3A_721 = arith.constant 0 : i32
      %dma_start3A_722 = arith.constant 10 : i32
      %dma_start3A_723 = arith.constant 0 : i32
      %dma_start3A_724 = arith.constant 0 : i32
      %dma_start3A_725 = tpu.memref_slice %arg9[%dma_start3A_721, %dma_start3A_723, %dma_start3A_724] : memref<5x64x128xf32, #tpu.memory_space<vmem>> -> memref<1x64x128xf32, #tpu.memory_space<vmem>>
      %dma_start3A_726 = tpu.memref_squeeze %dma_start3A_725 : memref<1x64x128xf32, #tpu.memory_space<vmem>> -> memref<64x128xf32, #tpu.memory_space<vmem>>
      %dma_start3A_727 = arith.constant 0 : i32
      %dma_start3A_728 = tpu.memref_slice %arg8[%rem3A_130, %dma_start3A_722, %dma_start3A_727] : memref<2x16x64xi32, #tpu.memory_space<vmem>> -> memref<1x1x64xi32, #tpu.memory_space<vmem>>
      %dma_start3A_729 = tpu.memref_squeeze %dma_start3A_728 : memref<1x1x64xi32, #tpu.memory_space<vmem>> -> memref<64xi32, #tpu.memory_space<vmem>>
      %dma_start3A_730 = arith.constant 0 : i32
      %dma_start3A_731 = arith.constant 0 : i32
      %dma_start3A_732 = tpu.memref_slice %arg6[%dma_start3A_730, %dma_start3A_731] : memref<10240x128xf32, #tpu.memory_space<vmem_shared>> -> memref<10240x128xf32, #tpu.memory_space<vmem_shared>>
      tpu.enqueue_indirect_dma source(%dma_start3A_726 : memref<64x128xf32, #tpu.memory_space<vmem>>) target(%dma_start3A_732 : memref<10240x128xf32, #tpu.memory_space<vmem_shared>>) offsets(%dma_start3A_729 : memref<64xi32, #tpu.memory_space<vmem>>) semaphore(%arg10 : memref<!tpu.dma_semaphore, #tpu.memory_space<semaphore_mem>>) {add = true}
      %dma_wait3A_733 = arith.constant 11 : i32
      %dma_wait3A_734 = arith.constant 1 : i32
      %dma_wait3A_735 = arith.constant 0 : i32
      %dma_wait3A_736 = arith.constant 0 : i32
      %dma_wait3A_737 = tpu.memref_slice %arg9[%dma_wait3A_734, %dma_wait3A_735, %dma_wait3A_736] : memref<5x64x128xf32, #tpu.memory_space<vmem>> -> memref<1x64x128xf32, #tpu.memory_space<vmem>>
      %dma_wait3A_738 = tpu.memref_squeeze %dma_wait3A_737 : memref<1x64x128xf32, #tpu.memory_space<vmem>> -> memref<64x128xf32, #tpu.memory_space<vmem>>
      %dma_wait3A_739 = arith.constant 0 : i32
      %dma_wait3A_740 = tpu.memref_slice %arg7[%rem3A_130, %dma_wait3A_733, %dma_wait3A_739] : memref<2x16x64xi32, #tpu.memory_space<vmem>> -> memref<1x1x64xi32, #tpu.memory_space<vmem>>
      %dma_wait3A_741 = tpu.memref_squeeze %dma_wait3A_740 : memref<1x1x64xi32, #tpu.memory_space<vmem>> -> memref<64xi32, #tpu.memory_space<vmem>>
      %dma_wait3A_742 = arith.constant 0 : i32
      %dma_wait3A_743 = arith.constant 0 : i32
      %dma_wait3A_744 = tpu.memref_slice %arg4[%dma_wait3A_742, %dma_wait3A_743] : memref<10240x128xf32, #tpu.memory_space<hbm>> -> memref<10240x128xf32, #tpu.memory_space<hbm>>
      tpu.wait_indirect_dma semaphore(%arg13 : memref<!tpu.dma_semaphore, #tpu.memory_space<semaphore_mem>>) src(%dma_wait3A_744 : memref<10240x128xf32, #tpu.memory_space<hbm>>) dst(%dma_wait3A_738 : memref<64x128xf32, #tpu.memory_space<vmem>>)
      %dma_wait3A_745 = arith.constant 0 : i32
      %dma_wait3A_746 = arith.constant 10 : i32
      %dma_wait3A_747 = arith.constant 0 : i32
      %dma_wait3A_748 = arith.constant 0 : i32
      %dma_wait3A_749 = tpu.memref_slice %arg9[%dma_wait3A_745, %dma_wait3A_747, %dma_wait3A_748] : memref<5x64x128xf32, #tpu.memory_space<vmem>> -> memref<1x64x128xf32, #tpu.memory_space<vmem>>
      %dma_wait3A_750 = tpu.memref_squeeze %dma_wait3A_749 : memref<1x64x128xf32, #tpu.memory_space<vmem>> -> memref<64x128xf32, #tpu.memory_space<vmem>>
      %dma_wait3A_751 = arith.constant 0 : i32
      %dma_wait3A_752 = tpu.memref_slice %arg8[%rem3A_130, %dma_wait3A_746, %dma_wait3A_751] : memref<2x16x64xi32, #tpu.memory_space<vmem>> -> memref<1x1x64xi32, #tpu.memory_space<vmem>>
      %dma_wait3A_753 = tpu.memref_squeeze %dma_wait3A_752 : memref<1x1x64xi32, #tpu.memory_space<vmem>> -> memref<64xi32, #tpu.memory_space<vmem>>
      %dma_wait3A_754 = arith.constant 0 : i32
      %dma_wait3A_755 = arith.constant 0 : i32
      %dma_wait3A_756 = tpu.memref_slice %arg6[%dma_wait3A_754, %dma_wait3A_755] : memref<10240x128xf32, #tpu.memory_space<vmem_shared>> -> memref<10240x128xf32, #tpu.memory_space<vmem_shared>>
      tpu.wait_indirect_dma semaphore(%arg10 : memref<!tpu.dma_semaphore, #tpu.memory_space<semaphore_mem>>) src(%dma_wait3A_750 : memref<64x128xf32, #tpu.memory_space<vmem>>) dst(%dma_wait3A_756 : memref<10240x128xf32, #tpu.memory_space<vmem_shared>>)
      %dma_start3A_757 = arith.constant 15 : i32
      %dma_start3A_758 = arith.constant 0 : i32
      %dma_start3A_759 = arith.constant 0 : i32
      %dma_start3A_760 = arith.constant 0 : i32
      %dma_start3A_761 = tpu.memref_slice %arg9[%dma_start3A_758, %dma_start3A_759, %dma_start3A_760] : memref<5x64x128xf32, #tpu.memory_space<vmem>> -> memref<1x64x128xf32, #tpu.memory_space<vmem>>
      %dma_start3A_762 = tpu.memref_squeeze %dma_start3A_761 : memref<1x64x128xf32, #tpu.memory_space<vmem>> -> memref<64x128xf32, #tpu.memory_space<vmem>>
      %dma_start3A_763 = arith.constant 0 : i32
      %dma_start3A_764 = tpu.memref_slice %arg7[%rem3A_130, %dma_start3A_757, %dma_start3A_763] : memref<2x16x64xi32, #tpu.memory_space<vmem>> -> memref<1x1x64xi32, #tpu.memory_space<vmem>>
      %dma_start3A_765 = tpu.memref_squeeze %dma_start3A_764 : memref<1x1x64xi32, #tpu.memory_space<vmem>> -> memref<64xi32, #tpu.memory_space<vmem>>
      %dma_start3A_766 = arith.constant 0 : i32
      %dma_start3A_767 = arith.constant 0 : i32
      %dma_start3A_768 = tpu.memref_slice %arg4[%dma_start3A_766, %dma_start3A_767] : memref<10240x128xf32, #tpu.memory_space<hbm>> -> memref<10240x128xf32, #tpu.memory_space<hbm>>
      tpu.enqueue_indirect_dma source(%dma_start3A_768 : memref<10240x128xf32, #tpu.memory_space<hbm>>) target(%dma_start3A_762 : memref<64x128xf32, #tpu.memory_space<vmem>>) offsets(%dma_start3A_765 : memref<64xi32, #tpu.memory_space<vmem>>) semaphore(%arg12 : memref<!tpu.dma_semaphore, #tpu.memory_space<semaphore_mem>>)
      %dma_start3A_769 = arith.constant 1 : i32
      %dma_start3A_770 = arith.constant 11 : i32
      %dma_start3A_771 = arith.constant 0 : i32
      %dma_start3A_772 = arith.constant 0 : i32
      %dma_start3A_773 = tpu.memref_slice %arg9[%dma_start3A_769, %dma_start3A_771, %dma_start3A_772] : memref<5x64x128xf32, #tpu.memory_space<vmem>> -> memref<1x64x128xf32, #tpu.memory_space<vmem>>
      %dma_start3A_774 = tpu.memref_squeeze %dma_start3A_773 : memref<1x64x128xf32, #tpu.memory_space<vmem>> -> memref<64x128xf32, #tpu.memory_space<vmem>>
      %dma_start3A_775 = arith.constant 0 : i32
      %dma_start3A_776 = tpu.memref_slice %arg8[%rem3A_130, %dma_start3A_770, %dma_start3A_775] : memref<2x16x64xi32, #tpu.memory_space<vmem>> -> memref<1x1x64xi32, #tpu.memory_space<vmem>>
      %dma_start3A_777 = tpu.memref_squeeze %dma_start3A_776 : memref<1x1x64xi32, #tpu.memory_space<vmem>> -> memref<64xi32, #tpu.memory_space<vmem>>
      %dma_start3A_778 = arith.constant 0 : i32
      %dma_start3A_779 = arith.constant 0 : i32
      %dma_start3A_780 = tpu.memref_slice %arg6[%dma_start3A_778, %dma_start3A_779] : memref<10240x128xf32, #tpu.memory_space<vmem_shared>> -> memref<10240x128xf32, #tpu.memory_space<vmem_shared>>
      tpu.enqueue_indirect_dma source(%dma_start3A_774 : memref<64x128xf32, #tpu.memory_space<vmem>>) target(%dma_start3A_780 : memref<10240x128xf32, #tpu.memory_space<vmem_shared>>) offsets(%dma_start3A_777 : memref<64xi32, #tpu.memory_space<vmem>>) semaphore(%arg10 : memref<!tpu.dma_semaphore, #tpu.memory_space<semaphore_mem>>) {add = true}
      %dma_wait3A_781 = arith.constant 12 : i32
      %dma_wait3A_782 = arith.constant 2 : i32
      %dma_wait3A_783 = arith.constant 0 : i32
      %dma_wait3A_784 = arith.constant 0 : i32
      %dma_wait3A_785 = tpu.memref_slice %arg9[%dma_wait3A_782, %dma_wait3A_783, %dma_wait3A_784] : memref<5x64x128xf32, #tpu.memory_space<vmem>> -> memref<1x64x128xf32, #tpu.memory_space<vmem>>
      %dma_wait3A_786 = tpu.memref_squeeze %dma_wait3A_785 : memref<1x64x128xf32, #tpu.memory_space<vmem>> -> memref<64x128xf32, #tpu.memory_space<vmem>>
      %dma_wait3A_787 = arith.constant 0 : i32
      %dma_wait3A_788 = tpu.memref_slice %arg7[%rem3A_130, %dma_wait3A_781, %dma_wait3A_787] : memref<2x16x64xi32, #tpu.memory_space<vmem>> -> memref<1x1x64xi32, #tpu.memory_space<vmem>>
      %dma_wait3A_789 = tpu.memref_squeeze %dma_wait3A_788 : memref<1x1x64xi32, #tpu.memory_space<vmem>> -> memref<64xi32, #tpu.memory_space<vmem>>
      %dma_wait3A_790 = arith.constant 0 : i32
      %dma_wait3A_791 = arith.constant 0 : i32
      %dma_wait3A_792 = tpu.memref_slice %arg4[%dma_wait3A_790, %dma_wait3A_791] : memref<10240x128xf32, #tpu.memory_space<hbm>> -> memref<10240x128xf32, #tpu.memory_space<hbm>>
      tpu.wait_indirect_dma semaphore(%arg14 : memref<!tpu.dma_semaphore, #tpu.memory_space<semaphore_mem>>) src(%dma_wait3A_792 : memref<10240x128xf32, #tpu.memory_space<hbm>>) dst(%dma_wait3A_786 : memref<64x128xf32, #tpu.memory_space<vmem>>)
      %dma_wait3A_793 = arith.constant 1 : i32
      %dma_wait3A_794 = arith.constant 11 : i32
      %dma_wait3A_795 = arith.constant 0 : i32
      %dma_wait3A_796 = arith.constant 0 : i32
      %dma_wait3A_797 = tpu.memref_slice %arg9[%dma_wait3A_793, %dma_wait3A_795, %dma_wait3A_796] : memref<5x64x128xf32, #tpu.memory_space<vmem>> -> memref<1x64x128xf32, #tpu.memory_space<vmem>>
      %dma_wait3A_798 = tpu.memref_squeeze %dma_wait3A_797 : memref<1x64x128xf32, #tpu.memory_space<vmem>> -> memref<64x128xf32, #tpu.memory_space<vmem>>
      %dma_wait3A_799 = arith.constant 0 : i32
      %dma_wait3A_800 = tpu.memref_slice %arg8[%rem3A_130, %dma_wait3A_794, %dma_wait3A_799] : memref<2x16x64xi32, #tpu.memory_space<vmem>> -> memref<1x1x64xi32, #tpu.memory_space<vmem>>
      %dma_wait3A_801 = tpu.memref_squeeze %dma_wait3A_800 : memref<1x1x64xi32, #tpu.memory_space<vmem>> -> memref<64xi32, #tpu.memory_space<vmem>>
      %dma_wait3A_802 = arith.constant 0 : i32
      %dma_wait3A_803 = arith.constant 0 : i32
      %dma_wait3A_804 = tpu.memref_slice %arg6[%dma_wait3A_802, %dma_wait3A_803] : memref<10240x128xf32, #tpu.memory_space<vmem_shared>> -> memref<10240x128xf32, #tpu.memory_space<vmem_shared>>
      tpu.wait_indirect_dma semaphore(%arg10 : memref<!tpu.dma_semaphore, #tpu.memory_space<semaphore_mem>>) src(%dma_wait3A_798 : memref<64x128xf32, #tpu.memory_space<vmem>>) dst(%dma_wait3A_804 : memref<10240x128xf32, #tpu.memory_space<vmem_shared>>)
      %dma_start3A_805 = arith.constant 2 : i32
      %dma_start3A_806 = arith.constant 12 : i32
      %dma_start3A_807 = arith.constant 0 : i32
      %dma_start3A_808 = arith.constant 0 : i32
      %dma_start3A_809 = tpu.memref_slice %arg9[%dma_start3A_805, %dma_start3A_807, %dma_start3A_808] : memref<5x64x128xf32, #tpu.memory_space<vmem>> -> memref<1x64x128xf32, #tpu.memory_space<vmem>>
      %dma_start3A_810 = tpu.memref_squeeze %dma_start3A_809 : memref<1x64x128xf32, #tpu.memory_space<vmem>> -> memref<64x128xf32, #tpu.memory_space<vmem>>
      %dma_start3A_811 = arith.constant 0 : i32
      %dma_start3A_812 = tpu.memref_slice %arg8[%rem3A_130, %dma_start3A_806, %dma_start3A_811] : memref<2x16x64xi32, #tpu.memory_space<vmem>> -> memref<1x1x64xi32, #tpu.memory_space<vmem>>
      %dma_start3A_813 = tpu.memref_squeeze %dma_start3A_812 : memref<1x1x64xi32, #tpu.memory_space<vmem>> -> memref<64xi32, #tpu.memory_space<vmem>>
      %dma_start3A_814 = arith.constant 0 : i32
      %dma_start3A_815 = arith.constant 0 : i32
      %dma_start3A_816 = tpu.memref_slice %arg6[%dma_start3A_814, %dma_start3A_815] : memref<10240x128xf32, #tpu.memory_space<vmem_shared>> -> memref<10240x128xf32, #tpu.memory_space<vmem_shared>>
      tpu.enqueue_indirect_dma source(%dma_start3A_810 : memref<64x128xf32, #tpu.memory_space<vmem>>) target(%dma_start3A_816 : memref<10240x128xf32, #tpu.memory_space<vmem_shared>>) offsets(%dma_start3A_813 : memref<64xi32, #tpu.memory_space<vmem>>) semaphore(%arg10 : memref<!tpu.dma_semaphore, #tpu.memory_space<semaphore_mem>>) {add = true}
      %dma_wait3A_817 = arith.constant 13 : i32
      %dma_wait3A_818 = arith.constant 3 : i32
      %dma_wait3A_819 = arith.constant 0 : i32
      %dma_wait3A_820 = arith.constant 0 : i32
      %dma_wait3A_821 = tpu.memref_slice %arg9[%dma_wait3A_818, %dma_wait3A_819, %dma_wait3A_820] : memref<5x64x128xf32, #tpu.memory_space<vmem>> -> memref<1x64x128xf32, #tpu.memory_space<vmem>>
      %dma_wait3A_822 = tpu.memref_squeeze %dma_wait3A_821 : memref<1x64x128xf32, #tpu.memory_space<vmem>> -> memref<64x128xf32, #tpu.memory_space<vmem>>
      %dma_wait3A_823 = arith.constant 0 : i32
      %dma_wait3A_824 = tpu.memref_slice %arg7[%rem3A_130, %dma_wait3A_817, %dma_wait3A_823] : memref<2x16x64xi32, #tpu.memory_space<vmem>> -> memref<1x1x64xi32, #tpu.memory_space<vmem>>
      %dma_wait3A_825 = tpu.memref_squeeze %dma_wait3A_824 : memref<1x1x64xi32, #tpu.memory_space<vmem>> -> memref<64xi32, #tpu.memory_space<vmem>>
      %dma_wait3A_826 = arith.constant 0 : i32
      %dma_wait3A_827 = arith.constant 0 : i32
      %dma_wait3A_828 = tpu.memref_slice %arg4[%dma_wait3A_826, %dma_wait3A_827] : memref<10240x128xf32, #tpu.memory_space<hbm>> -> memref<10240x128xf32, #tpu.memory_space<hbm>>
      tpu.wait_indirect_dma semaphore(%arg15 : memref<!tpu.dma_semaphore, #tpu.memory_space<semaphore_mem>>) src(%dma_wait3A_828 : memref<10240x128xf32, #tpu.memory_space<hbm>>) dst(%dma_wait3A_822 : memref<64x128xf32, #tpu.memory_space<vmem>>)
      %dma_wait3A_829 = arith.constant 2 : i32
      %dma_wait3A_830 = arith.constant 12 : i32
      %dma_wait3A_831 = arith.constant 0 : i32
      %dma_wait3A_832 = arith.constant 0 : i32
      %dma_wait3A_833 = tpu.memref_slice %arg9[%dma_wait3A_829, %dma_wait3A_831, %dma_wait3A_832] : memref<5x64x128xf32, #tpu.memory_space<vmem>> -> memref<1x64x128xf32, #tpu.memory_space<vmem>>
      %dma_wait3A_834 = tpu.memref_squeeze %dma_wait3A_833 : memref<1x64x128xf32, #tpu.memory_space<vmem>> -> memref<64x128xf32, #tpu.memory_space<vmem>>
      %dma_wait3A_835 = arith.constant 0 : i32
      %dma_wait3A_836 = tpu.memref_slice %arg8[%rem3A_130, %dma_wait3A_830, %dma_wait3A_835] : memref<2x16x64xi32, #tpu.memory_space<vmem>> -> memref<1x1x64xi32, #tpu.memory_space<vmem>>
      %dma_wait3A_837 = tpu.memref_squeeze %dma_wait3A_836 : memref<1x1x64xi32, #tpu.memory_space<vmem>> -> memref<64xi32, #tpu.memory_space<vmem>>
      %dma_wait3A_838 = arith.constant 0 : i32
      %dma_wait3A_839 = arith.constant 0 : i32
      %dma_wait3A_840 = tpu.memref_slice %arg6[%dma_wait3A_838, %dma_wait3A_839] : memref<10240x128xf32, #tpu.memory_space<vmem_shared>> -> memref<10240x128xf32, #tpu.memory_space<vmem_shared>>
      tpu.wait_indirect_dma semaphore(%arg10 : memref<!tpu.dma_semaphore, #tpu.memory_space<semaphore_mem>>) src(%dma_wait3A_834 : memref<64x128xf32, #tpu.memory_space<vmem>>) dst(%dma_wait3A_840 : memref<10240x128xf32, #tpu.memory_space<vmem_shared>>)
      %dma_start3A_841 = arith.constant 3 : i32
      %dma_start3A_842 = arith.constant 13 : i32
      %dma_start3A_843 = arith.constant 0 : i32
      %dma_start3A_844 = arith.constant 0 : i32
      %dma_start3A_845 = tpu.memref_slice %arg9[%dma_start3A_841, %dma_start3A_843, %dma_start3A_844] : memref<5x64x128xf32, #tpu.memory_space<vmem>> -> memref<1x64x128xf32, #tpu.memory_space<vmem>>
      %dma_start3A_846 = tpu.memref_squeeze %dma_start3A_845 : memref<1x64x128xf32, #tpu.memory_space<vmem>> -> memref<64x128xf32, #tpu.memory_space<vmem>>
      %dma_start3A_847 = arith.constant 0 : i32
      %dma_start3A_848 = tpu.memref_slice %arg8[%rem3A_130, %dma_start3A_842, %dma_start3A_847] : memref<2x16x64xi32, #tpu.memory_space<vmem>> -> memref<1x1x64xi32, #tpu.memory_space<vmem>>
      %dma_start3A_849 = tpu.memref_squeeze %dma_start3A_848 : memref<1x1x64xi32, #tpu.memory_space<vmem>> -> memref<64xi32, #tpu.memory_space<vmem>>
      %dma_start3A_850 = arith.constant 0 : i32
      %dma_start3A_851 = arith.constant 0 : i32
      %dma_start3A_852 = tpu.memref_slice %arg6[%dma_start3A_850, %dma_start3A_851] : memref<10240x128xf32, #tpu.memory_space<vmem_shared>> -> memref<10240x128xf32, #tpu.memory_space<vmem_shared>>
      tpu.enqueue_indirect_dma source(%dma_start3A_846 : memref<64x128xf32, #tpu.memory_space<vmem>>) target(%dma_start3A_852 : memref<10240x128xf32, #tpu.memory_space<vmem_shared>>) offsets(%dma_start3A_849 : memref<64xi32, #tpu.memory_space<vmem>>) semaphore(%arg10 : memref<!tpu.dma_semaphore, #tpu.memory_space<semaphore_mem>>) {add = true}
      %dma_wait3A_853 = arith.constant 14 : i32
      %dma_wait3A_854 = arith.constant 4 : i32
      %dma_wait3A_855 = arith.constant 0 : i32
      %dma_wait3A_856 = arith.constant 0 : i32
      %dma_wait3A_857 = tpu.memref_slice %arg9[%dma_wait3A_854, %dma_wait3A_855, %dma_wait3A_856] : memref<5x64x128xf32, #tpu.memory_space<vmem>> -> memref<1x64x128xf32, #tpu.memory_space<vmem>>
      %dma_wait3A_858 = tpu.memref_squeeze %dma_wait3A_857 : memref<1x64x128xf32, #tpu.memory_space<vmem>> -> memref<64x128xf32, #tpu.memory_space<vmem>>
      %dma_wait3A_859 = arith.constant 0 : i32
      %dma_wait3A_860 = tpu.memref_slice %arg7[%rem3A_130, %dma_wait3A_853, %dma_wait3A_859] : memref<2x16x64xi32, #tpu.memory_space<vmem>> -> memref<1x1x64xi32, #tpu.memory_space<vmem>>
      %dma_wait3A_861 = tpu.memref_squeeze %dma_wait3A_860 : memref<1x1x64xi32, #tpu.memory_space<vmem>> -> memref<64xi32, #tpu.memory_space<vmem>>
      %dma_wait3A_862 = arith.constant 0 : i32
      %dma_wait3A_863 = arith.constant 0 : i32
      %dma_wait3A_864 = tpu.memref_slice %arg4[%dma_wait3A_862, %dma_wait3A_863] : memref<10240x128xf32, #tpu.memory_space<hbm>> -> memref<10240x128xf32, #tpu.memory_space<hbm>>
      tpu.wait_indirect_dma semaphore(%arg16 : memref<!tpu.dma_semaphore, #tpu.memory_space<semaphore_mem>>) src(%dma_wait3A_864 : memref<10240x128xf32, #tpu.memory_space<hbm>>) dst(%dma_wait3A_858 : memref<64x128xf32, #tpu.memory_space<vmem>>)
      %dma_wait3A_865 = arith.constant 3 : i32
      %dma_wait3A_866 = arith.constant 13 : i32
      %dma_wait3A_867 = arith.constant 0 : i32
      %dma_wait3A_868 = arith.constant 0 : i32
      %dma_wait3A_869 = tpu.memref_slice %arg9[%dma_wait3A_865, %dma_wait3A_867, %dma_wait3A_868] : memref<5x64x128xf32, #tpu.memory_space<vmem>> -> memref<1x64x128xf32, #tpu.memory_space<vmem>>
      %dma_wait3A_870 = tpu.memref_squeeze %dma_wait3A_869 : memref<1x64x128xf32, #tpu.memory_space<vmem>> -> memref<64x128xf32, #tpu.memory_space<vmem>>
      %dma_wait3A_871 = arith.constant 0 : i32
      %dma_wait3A_872 = tpu.memref_slice %arg8[%rem3A_130, %dma_wait3A_866, %dma_wait3A_871] : memref<2x16x64xi32, #tpu.memory_space<vmem>> -> memref<1x1x64xi32, #tpu.memory_space<vmem>>
      %dma_wait3A_873 = tpu.memref_squeeze %dma_wait3A_872 : memref<1x1x64xi32, #tpu.memory_space<vmem>> -> memref<64xi32, #tpu.memory_space<vmem>>
      %dma_wait3A_874 = arith.constant 0 : i32
      %dma_wait3A_875 = arith.constant 0 : i32
      %dma_wait3A_876 = tpu.memref_slice %arg6[%dma_wait3A_874, %dma_wait3A_875] : memref<10240x128xf32, #tpu.memory_space<vmem_shared>> -> memref<10240x128xf32, #tpu.memory_space<vmem_shared>>
      tpu.wait_indirect_dma semaphore(%arg10 : memref<!tpu.dma_semaphore, #tpu.memory_space<semaphore_mem>>) src(%dma_wait3A_870 : memref<64x128xf32, #tpu.memory_space<vmem>>) dst(%dma_wait3A_876 : memref<10240x128xf32, #tpu.memory_space<vmem_shared>>)
      %dma_start3A_877 = arith.constant 4 : i32
      %dma_start3A_878 = arith.constant 14 : i32
      %dma_start3A_879 = arith.constant 0 : i32
      %dma_start3A_880 = arith.constant 0 : i32
      %dma_start3A_881 = tpu.memref_slice %arg9[%dma_start3A_877, %dma_start3A_879, %dma_start3A_880] : memref<5x64x128xf32, #tpu.memory_space<vmem>> -> memref<1x64x128xf32, #tpu.memory_space<vmem>>
      %dma_start3A_882 = tpu.memref_squeeze %dma_start3A_881 : memref<1x64x128xf32, #tpu.memory_space<vmem>> -> memref<64x128xf32, #tpu.memory_space<vmem>>
      %dma_start3A_883 = arith.constant 0 : i32
      %dma_start3A_884 = tpu.memref_slice %arg8[%rem3A_130, %dma_start3A_878, %dma_start3A_883] : memref<2x16x64xi32, #tpu.memory_space<vmem>> -> memref<1x1x64xi32, #tpu.memory_space<vmem>>
      %dma_start3A_885 = tpu.memref_squeeze %dma_start3A_884 : memref<1x1x64xi32, #tpu.memory_space<vmem>> -> memref<64xi32, #tpu.memory_space<vmem>>
      %dma_start3A_886 = arith.constant 0 : i32
      %dma_start3A_887 = arith.constant 0 : i32
      %dma_start3A_888 = tpu.memref_slice %arg6[%dma_start3A_886, %dma_start3A_887] : memref<10240x128xf32, #tpu.memory_space<vmem_shared>> -> memref<10240x128xf32, #tpu.memory_space<vmem_shared>>
      tpu.enqueue_indirect_dma source(%dma_start3A_882 : memref<64x128xf32, #tpu.memory_space<vmem>>) target(%dma_start3A_888 : memref<10240x128xf32, #tpu.memory_space<vmem_shared>>) offsets(%dma_start3A_885 : memref<64xi32, #tpu.memory_space<vmem>>) semaphore(%arg10 : memref<!tpu.dma_semaphore, #tpu.memory_space<semaphore_mem>>) {add = true}
      %dma_wait3A_889 = arith.constant 15 : i32
      %dma_wait3A_890 = arith.constant 0 : i32
      %dma_wait3A_891 = arith.constant 0 : i32
      %dma_wait3A_892 = arith.constant 0 : i32
      %dma_wait3A_893 = tpu.memref_slice %arg9[%dma_wait3A_890, %dma_wait3A_891, %dma_wait3A_892] : memref<5x64x128xf32, #tpu.memory_space<vmem>> -> memref<1x64x128xf32, #tpu.memory_space<vmem>>
      %dma_wait3A_894 = tpu.memref_squeeze %dma_wait3A_893 : memref<1x64x128xf32, #tpu.memory_space<vmem>> -> memref<64x128xf32, #tpu.memory_space<vmem>>
      %dma_wait3A_895 = arith.constant 0 : i32
      %dma_wait3A_896 = tpu.memref_slice %arg7[%rem3A_130, %dma_wait3A_889, %dma_wait3A_895] : memref<2x16x64xi32, #tpu.memory_space<vmem>> -> memref<1x1x64xi32, #tpu.memory_space<vmem>>
      %dma_wait3A_897 = tpu.memref_squeeze %dma_wait3A_896 : memref<1x1x64xi32, #tpu.memory_space<vmem>> -> memref<64xi32, #tpu.memory_space<vmem>>
      %dma_wait3A_898 = arith.constant 0 : i32
      %dma_wait3A_899 = arith.constant 0 : i32
      %dma_wait3A_900 = tpu.memref_slice %arg4[%dma_wait3A_898, %dma_wait3A_899] : memref<10240x128xf32, #tpu.memory_space<hbm>> -> memref<10240x128xf32, #tpu.memory_space<hbm>>
      tpu.wait_indirect_dma semaphore(%arg12 : memref<!tpu.dma_semaphore, #tpu.memory_space<semaphore_mem>>) src(%dma_wait3A_900 : memref<10240x128xf32, #tpu.memory_space<hbm>>) dst(%dma_wait3A_894 : memref<64x128xf32, #tpu.memory_space<vmem>>)
      %dma_wait3A_901 = arith.constant 4 : i32
      %dma_wait3A_902 = arith.constant 14 : i32
      %dma_wait3A_903 = arith.constant 0 : i32
      %dma_wait3A_904 = arith.constant 0 : i32
      %dma_wait3A_905 = tpu.memref_slice %arg9[%dma_wait3A_901, %dma_wait3A_903, %dma_wait3A_904] : memref<5x64x128xf32, #tpu.memory_space<vmem>> -> memref<1x64x128xf32, #tpu.memory_space<vmem>>
      %dma_wait3A_906 = tpu.memref_squeeze %dma_wait3A_905 : memref<1x64x128xf32, #tpu.memory_space<vmem>> -> memref<64x128xf32, #tpu.memory_space<vmem>>
      %dma_wait3A_907 = arith.constant 0 : i32
      %dma_wait3A_908 = tpu.memref_slice %arg8[%rem3A_130, %dma_wait3A_902, %dma_wait3A_907] : memref<2x16x64xi32, #tpu.memory_space<vmem>> -> memref<1x1x64xi32, #tpu.memory_space<vmem>>
      %dma_wait3A_909 = tpu.memref_squeeze %dma_wait3A_908 : memref<1x1x64xi32, #tpu.memory_space<vmem>> -> memref<64xi32, #tpu.memory_space<vmem>>
      %dma_wait3A_910 = arith.constant 0 : i32
      %dma_wait3A_911 = arith.constant 0 : i32
      %dma_wait3A_912 = tpu.memref_slice %arg6[%dma_wait3A_910, %dma_wait3A_911] : memref<10240x128xf32, #tpu.memory_space<vmem_shared>> -> memref<10240x128xf32, #tpu.memory_space<vmem_shared>>
      tpu.wait_indirect_dma semaphore(%arg10 : memref<!tpu.dma_semaphore, #tpu.memory_space<semaphore_mem>>) src(%dma_wait3A_906 : memref<64x128xf32, #tpu.memory_space<vmem>>) dst(%dma_wait3A_912 : memref<10240x128xf32, #tpu.memory_space<vmem_shared>>)
      %dma_start3A_913 = arith.constant 0 : i32
      %dma_start3A_914 = arith.constant 15 : i32
      %dma_start3A_915 = arith.constant 0 : i32
      %dma_start3A_916 = arith.constant 0 : i32
      %dma_start3A_917 = tpu.memref_slice %arg9[%dma_start3A_913, %dma_start3A_915, %dma_start3A_916] : memref<5x64x128xf32, #tpu.memory_space<vmem>> -> memref<1x64x128xf32, #tpu.memory_space<vmem>>
      %dma_start3A_918 = tpu.memref_squeeze %dma_start3A_917 : memref<1x64x128xf32, #tpu.memory_space<vmem>> -> memref<64x128xf32, #tpu.memory_space<vmem>>
      %dma_start3A_919 = arith.constant 0 : i32
      %dma_start3A_920 = tpu.memref_slice %arg8[%rem3A_130, %dma_start3A_914, %dma_start3A_919] : memref<2x16x64xi32, #tpu.memory_space<vmem>> -> memref<1x1x64xi32, #tpu.memory_space<vmem>>
      %dma_start3A_921 = tpu.memref_squeeze %dma_start3A_920 : memref<1x1x64xi32, #tpu.memory_space<vmem>> -> memref<64xi32, #tpu.memory_space<vmem>>
      %dma_start3A_922 = arith.constant 0 : i32
      %dma_start3A_923 = arith.constant 0 : i32
      %dma_start3A_924 = tpu.memref_slice %arg6[%dma_start3A_922, %dma_start3A_923] : memref<10240x128xf32, #tpu.memory_space<vmem_shared>> -> memref<10240x128xf32, #tpu.memory_space<vmem_shared>>
      tpu.enqueue_indirect_dma source(%dma_start3A_918 : memref<64x128xf32, #tpu.memory_space<vmem>>) target(%dma_start3A_924 : memref<10240x128xf32, #tpu.memory_space<vmem_shared>>) offsets(%dma_start3A_921 : memref<64xi32, #tpu.memory_space<vmem>>) semaphore(%arg10 : memref<!tpu.dma_semaphore, #tpu.memory_space<semaphore_mem>>) {add = true}
      %dma_wait3A_925 = arith.constant 0 : i32
      %dma_wait3A_926 = arith.constant 15 : i32
      %dma_wait3A_927 = arith.constant 0 : i32
      %dma_wait3A_928 = arith.constant 0 : i32
      %dma_wait3A_929 = tpu.memref_slice %arg9[%dma_wait3A_925, %dma_wait3A_927, %dma_wait3A_928] : memref<5x64x128xf32, #tpu.memory_space<vmem>> -> memref<1x64x128xf32, #tpu.memory_space<vmem>>
      %dma_wait3A_930 = tpu.memref_squeeze %dma_wait3A_929 : memref<1x64x128xf32, #tpu.memory_space<vmem>> -> memref<64x128xf32, #tpu.memory_space<vmem>>
      %dma_wait3A_931 = arith.constant 0 : i32
      %dma_wait3A_932 = tpu.memref_slice %arg8[%rem3A_130, %dma_wait3A_926, %dma_wait3A_931] : memref<2x16x64xi32, #tpu.memory_space<vmem>> -> memref<1x1x64xi32, #tpu.memory_space<vmem>>
      %dma_wait3A_933 = tpu.memref_squeeze %dma_wait3A_932 : memref<1x1x64xi32, #tpu.memory_space<vmem>> -> memref<64xi32, #tpu.memory_space<vmem>>
      %dma_wait3A_934 = arith.constant 0 : i32
      %dma_wait3A_935 = arith.constant 0 : i32
      %dma_wait3A_936 = tpu.memref_slice %arg6[%dma_wait3A_934, %dma_wait3A_935] : memref<10240x128xf32, #tpu.memory_space<vmem_shared>> -> memref<10240x128xf32, #tpu.memory_space<vmem_shared>>
      tpu.wait_indirect_dma semaphore(%arg10 : memref<!tpu.dma_semaphore, #tpu.memory_space<semaphore_mem>>) src(%dma_wait3A_930 : memref<64x128xf32, #tpu.memory_space<vmem>>) dst(%dma_wait3A_936 : memref<10240x128xf32, #tpu.memory_space<vmem_shared>>)
      %dma_wait3A_937 = arith.constant 0 : i32
      %dma_wait3A_938 = arith.constant 0 : i32
      %dma_wait3A_939 = tpu.memref_slice %arg7[%rem3A_134, %dma_wait3A_937, %dma_wait3A_938] : memref<2x16x64xi32, #tpu.memory_space<vmem>> -> memref<1x16x64xi32, #tpu.memory_space<vmem>>
      %dma_wait3A_940 = tpu.memref_squeeze %dma_wait3A_939 : memref<1x16x64xi32, #tpu.memory_space<vmem>> -> memref<16x64xi32, #tpu.memory_space<vmem>>
      %dma_wait3A_941 = arith.constant 0 : i32
      %dma_wait3A_942 = tpu.memref_slice %arg2[%add3A_141, %dma_wait3A_941] : memref<5120x64xi32, #tpu.memory_space<hbm>> -> memref<16x64xi32, #tpu.memory_space<hbm>>
      %dma_wait3A_943 = arith.constant 0 : i32
      %dma_wait3A_944 = arith.constant 0 : i32
      %dma_wait3A_945 = tpu.memref_slice %arg7[%rem3A_134, %dma_wait3A_943, %dma_wait3A_944] : memref<2x16x64xi32, #tpu.memory_space<vmem>> -> memref<1x16x64xi32, #tpu.memory_space<vmem>>
      %dma_wait3A_946 = tpu.memref_squeeze %dma_wait3A_945 : memref<1x16x64xi32, #tpu.memory_space<vmem>> -> memref<16x64xi32, #tpu.memory_space<vmem>>
      %dma_wait3A_947 = arith.constant 0 : i32
      %dma_wait3A_948 = tpu.memref_slice %arg2[%add3A_141, %dma_wait3A_947] : memref<5120x64xi32, #tpu.memory_space<hbm>> -> memref<16x64xi32, #tpu.memory_space<hbm>>
      tpu.wait_dma2 semaphore(%arg11 : memref<!tpu.dma_semaphore, #tpu.memory_space<semaphore_mem>>) src(%dma_wait3A_948 : memref<16x64xi32, #tpu.memory_space<hbm>>) dst(%dma_wait3A_946 : memref<16x64xi32, #tpu.memory_space<vmem>>)
      %dma_wait3A_949 = arith.constant 0 : i32
      %dma_wait3A_950 = arith.constant 0 : i32
      %dma_wait3A_951 = tpu.memref_slice %arg8[%rem3A_134, %dma_wait3A_949, %dma_wait3A_950] : memref<2x16x64xi32, #tpu.memory_space<vmem>> -> memref<1x16x64xi32, #tpu.memory_space<vmem>>
      %dma_wait3A_952 = tpu.memref_squeeze %dma_wait3A_951 : memref<1x16x64xi32, #tpu.memory_space<vmem>> -> memref<16x64xi32, #tpu.memory_space<vmem>>
      %dma_wait3A_953 = arith.constant 0 : i32
      %dma_wait3A_954 = tpu.memref_slice %arg3[%add3A_156, %dma_wait3A_953] : memref<5120x64xi32, #tpu.memory_space<hbm>> -> memref<16x64xi32, #tpu.memory_space<hbm>>
      %dma_wait3A_955 = arith.constant 0 : i32
      %dma_wait3A_956 = arith.constant 0 : i32
      %dma_wait3A_957 = tpu.memref_slice %arg8[%rem3A_134, %dma_wait3A_955, %dma_wait3A_956] : memref<2x16x64xi32, #tpu.memory_space<vmem>> -> memref<1x16x64xi32, #tpu.memory_space<vmem>>
      %dma_wait3A_958 = tpu.memref_squeeze %dma_wait3A_957 : memref<1x16x64xi32, #tpu.memory_space<vmem>> -> memref<16x64xi32, #tpu.memory_space<vmem>>
      %dma_wait3A_959 = arith.constant 0 : i32
      %dma_wait3A_960 = tpu.memref_slice %arg3[%add3A_156, %dma_wait3A_959] : memref<5120x64xi32, #tpu.memory_space<hbm>> -> memref<16x64xi32, #tpu.memory_space<hbm>>
      tpu.wait_dma2 semaphore(%arg11 : memref<!tpu.dma_semaphore, #tpu.memory_space<semaphore_mem>>) src(%dma_wait3A_960 : memref<16x64xi32, #tpu.memory_space<hbm>>) dst(%dma_wait3A_958 : memref<16x64xi32, #tpu.memory_space<vmem>>)
    }
    %barrier3A_124 = arith.constant 0 : index
    tpu.barrier barrier_id(%barrier3A_124)
    %mul3A_125 = arith.constant 640 : i32
    %mul3A_126 = arith.muli %arg1, %mul3A_125 : i32
    %mul3A_127 = arith.constant 640 : i32
    %mul3A_128 = arith.muli %arg1, %mul3A_127 : i32
    "tpu.region"() ({
      %run_scoped3A_129 = tpu.sem_alloc : memref<!tpu.dma_semaphore, #tpu.memory_space<semaphore_mem>>
      %dma_start3A_130 = arith.constant 0 : i32
      %dma_start3A_131 = tpu.memref_slice %arg5[%arg0, %mul3A_128, %dma_start3A_130] : memref<2x10240x128xf32, #tpu.memory_space<hbm>> -> memref<1x640x128xf32, #tpu.memory_space<hbm>>
      %dma_start3A_132 = tpu.memref_squeeze %dma_start3A_131 : memref<1x640x128xf32, #tpu.memory_space<hbm>> -> memref<640x128xf32, #tpu.memory_space<hbm>>
      %dma_start3A_133 = arith.constant 0 : i32
      %dma_start3A_134 = tpu.memref_slice %arg6[%mul3A_126, %dma_start3A_133] : memref<10240x128xf32, #tpu.memory_space<vmem_shared>> -> memref<640x128xf32, #tpu.memory_space<vmem_shared>>
      tpu.enqueue_dma source(%dma_start3A_134 : memref<640x128xf32, #tpu.memory_space<vmem_shared>>) target(%dma_start3A_132 : memref<640x128xf32, #tpu.memory_space<hbm>>) target_semaphore(%run_scoped3A_129 : memref<!tpu.dma_semaphore, #tpu.memory_space<semaphore_mem>>)
      %dma_wait3A_135 = arith.constant 0 : i32
      %dma_wait3A_136 = tpu.memref_slice %arg5[%arg0, %mul3A_128, %dma_wait3A_135] : memref<2x10240x128xf32, #tpu.memory_space<hbm>> -> memref<1x640x128xf32, #tpu.memory_space<hbm>>
      %dma_wait3A_137 = tpu.memref_squeeze %dma_wait3A_136 : memref<1x640x128xf32, #tpu.memory_space<hbm>> -> memref<640x128xf32, #tpu.memory_space<hbm>>
      %dma_wait3A_138 = arith.constant 0 : i32
      %dma_wait3A_139 = tpu.memref_slice %arg6[%mul3A_126, %dma_wait3A_138] : memref<10240x128xf32, #tpu.memory_space<vmem_shared>> -> memref<640x128xf32, #tpu.memory_space<vmem_shared>>
      tpu.wait_dma2 semaphore(%run_scoped3A_129 : memref<!tpu.dma_semaphore, #tpu.memory_space<semaphore_mem>>) src(%dma_wait3A_139 : memref<640x128xf32, #tpu.memory_space<vmem_shared>>) dst(%dma_wait3A_137 : memref<640x128xf32, #tpu.memory_space<hbm>>)
      tpu.yield
    }) : () -> ()
    return
  }
}

#map = affine_map<(d0, d1) -> (0, 0)>
module attributes {stable_mosaic.version = 14 : i64} {
  func.func @_deg_body(%arg0: i32, %arg1: i32, %arg2: memref<5120x64xi32, #tpu.memory_space<hbm>>, %arg3: memref<32x10240xf32, #tpu.memory_space<hbm>>, %arg4: memref<10240xf32, #tpu.memory_space<vmem>>, %arg5: memref<160x64xi32, #tpu.memory_space<vmem>>) attributes {dimension_semantics = [#tpu.dimension_semantics<core_parallel>, #tpu.dimension_semantics<subcore_parallel>], iteration_bounds = array<i64: 2, 16>, scalar_prefetch = 0 : i64, scratch_operands = 2 : i64, tpu.core_type = #tpu.core_type<sc_vector_subcore>, window_params = [{transform_indices = #map}, {transform_indices = #map}]} {
    %eq3A = arith.constant 0 : i32
    %eq3A_0 = arith.cmpi eq, %arg0, %eq3A : i32
    %mul3A = arith.constant 160 : i32
    %mul3A_1 = arith.muli %arg1, %mul3A : i32
    %mul3A_2 = arith.constant 160 : i32
    %mul3A_3 = arith.muli %arg1, %mul3A_2 : i32
    %add3A = arith.constant 2560 : i32
    %add3A_4 = arith.addi %add3A, %mul3A_3 : i32
    %select_n3A = arith.select %eq3A_0, %mul3A_1, %add3A_4 : i32
    %eq3A_5 = arith.constant 0 : i32
    %eq3A_6 = arith.cmpi eq, %arg0, %eq3A_5 : i32
    %jit3A = arith.constant 160 : i32
    %jit3A_7 = arith.constant 160 : i32
    %select_n3A_8 = arith.select %eq3A_6, %jit3A, %jit3A_7 : i32
    %broadcast_in_dim3A = arith.constant 0.000000e+00 : f32
    %broadcast_in_dim3A_9 = vector.broadcast %broadcast_in_dim3A : f32 to vector<16xf32>
    %scan3A = arith.constant 0 : i32
    %scan3A_10 = arith.constant 0 : i32
    %scan3A_11 = arith.constant 640 : i32
    %scan3A_12 = arith.addi %scan3A_10, %scan3A_11 : i32
    %scan3A_13 = arith.constant 1 : i32
    scf.for %scan3A_29 = %scan3A_10 to %scan3A_12 step %scan3A_13  : i32 {
      %mul3A_30 = arith.constant 16 : i32
      %mul3A_31 = arith.muli %scan3A_29, %mul3A_30 : i32
      %swap3A = arith.index_cast %mul3A_31 : i32 to index
      %swap3A_32 = tpu.vector_load %arg4[%swap3A] {strides = array<i32>} : memref<10240xf32, #tpu.memory_space<vmem>>, vector<16xf32>,
      tpu.vector_store %arg4[%swap3A], %broadcast_in_dim3A_9 {strides = array<i32>} : memref<10240xf32, #tpu.memory_space<vmem>>, vector<16xf32>,
    }
    %scan3A_14 = arith.constant 640 : i32
    "tpu.region"() ({
      %run_scoped3A = tpu.sem_alloc : memref<!tpu.dma_semaphore, #tpu.memory_space<semaphore_mem>>
      %dma_start3A = arith.constant 0 : i32
      %dma_start3A_29 = arith.constant 0 : i32
      %dma_start3A_30 = tpu.memref_slice %arg5[%dma_start3A, %dma_start3A_29] : memref<160x64xi32, #tpu.memory_space<vmem>> -> memref<160x64xi32, #tpu.memory_space<vmem>>
      %dma_start3A_31 = arith.constant 0 : i32
      %dma_start3A_32 = tpu.memref_slice %arg2[%select_n3A, %dma_start3A_31] : memref<5120x64xi32, #tpu.memory_space<hbm>> -> memref<160x64xi32, #tpu.memory_space<hbm>>
      %dma_start3A_33 = arith.constant 0 : i32
      %dma_start3A_34 = arith.constant 0 : i32
      %dma_start3A_35 = tpu.memref_slice %arg5[%dma_start3A_33, %dma_start3A_34] : memref<160x64xi32, #tpu.memory_space<vmem>> -> memref<160x64xi32, #tpu.memory_space<vmem>>
      %dma_start3A_36 = arith.constant 0 : i32
      %dma_start3A_37 = tpu.memref_slice %arg2[%select_n3A, %dma_start3A_36] : memref<5120x64xi32, #tpu.memory_space<hbm>> -> memref<160x64xi32, #tpu.memory_space<hbm>>
      tpu.enqueue_dma source(%dma_start3A_37 : memref<160x64xi32, #tpu.memory_space<hbm>>) target(%dma_start3A_35 : memref<160x64xi32, #tpu.memory_space<vmem>>) target_semaphore(%run_scoped3A : memref<!tpu.dma_semaphore, #tpu.memory_space<semaphore_mem>>)
      %dma_wait3A = arith.constant 0 : i32
      %dma_wait3A_38 = arith.constant 0 : i32
      %dma_wait3A_39 = tpu.memref_slice %arg5[%dma_wait3A, %dma_wait3A_38] : memref<160x64xi32, #tpu.memory_space<vmem>> -> memref<160x64xi32, #tpu.memory_space<vmem>>
      %dma_wait3A_40 = arith.constant 0 : i32
      %dma_wait3A_41 = tpu.memref_slice %arg2[%select_n3A, %dma_wait3A_40] : memref<5120x64xi32, #tpu.memory_space<hbm>> -> memref<160x64xi32, #tpu.memory_space<hbm>>
      %dma_wait3A_42 = arith.constant 0 : i32
      %dma_wait3A_43 = arith.constant 0 : i32
      %dma_wait3A_44 = tpu.memref_slice %arg5[%dma_wait3A_42, %dma_wait3A_43] : memref<160x64xi32, #tpu.memory_space<vmem>> -> memref<160x64xi32, #tpu.memory_space<vmem>>
      %dma_wait3A_45 = arith.constant 0 : i32
      %dma_wait3A_46 = tpu.memref_slice %arg2[%select_n3A, %dma_wait3A_45] : memref<5120x64xi32, #tpu.memory_space<hbm>> -> memref<160x64xi32, #tpu.memory_space<hbm>>
      tpu.wait_dma2 semaphore(%run_scoped3A : memref<!tpu.dma_semaphore, #tpu.memory_space<semaphore_mem>>) src(%dma_wait3A_46 : memref<160x64xi32, #tpu.memory_space<hbm>>) dst(%dma_wait3A_44 : memref<160x64xi32, #tpu.memory_space<vmem>>)
      tpu.yield
    }) : () -> ()
    %broadcast_in_dim3A_15 = arith.constant 1.000000e+00 : f32
    %broadcast_in_dim3A_16 = vector.broadcast %broadcast_in_dim3A_15 : f32 to vector<16xf32>
    %while3A = arith.constant 0 : i32
    %while3A_17 = arith.constant 0 : i32
    %while3A_18 = arith.subi %select_n3A_8, %while3A_17 : i32
    %while3A_19 = arith.addi %while3A_17, %while3A_18 : i32
    %while3A_20 = arith.constant 1 : i32
    %while3A_21 = arith.divsi %while3A_18, %while3A_20 : i32
    %while3A_22 = arith.muli %while3A_21, %while3A_20 : i32
    %while3A_23 = arith.addi %while3A_17, %while3A_22 : i32
    %while3A_24 = arith.constant 1 : i32
    scf.for %while3A_29 = %while3A_17 to %while3A_23 step %while3A_24  : i32 {
      %scan3A_30 = arith.constant 0 : i32
      %scan3A_31 = arith.constant 4 : i32
      %scan3A_32 = arith.addi %scan3A_30, %scan3A_31 : i32
      %scan3A_33 = arith.constant 1 : i32
      scf.for %scan3A_35 = %scan3A_30 to %scan3A_32 step %scan3A_33  : i32 {
        %mul3A_36 = arith.constant 16 : i32
        %mul3A_37 = arith.muli %scan3A_35, %mul3A_36 : i32
        %get3A = arith.index_cast %while3A_29 : i32 to index
        %get3A_38 = arith.index_cast %mul3A_37 : i32 to index
        %get3A_39 = tpu.vector_load %arg5[%get3A, %get3A_38] {strides = array<i32>} : memref<160x64xi32, #tpu.memory_space<vmem>>, vector<16xi32>,
        tpu.vector_store_idx %arg4[%get3A_39], %broadcast_in_dim3A_16 {add = true} : memref<10240xf32, #tpu.memory_space<vmem>>[vector<16xi32>], vector<16xf32>,
      }
      %scan3A_34 = arith.constant 4 : i32
    }
    %while3A_25 = arith.constant 1 : i32
    scf.for %while3A_29 = %while3A_23 to %while3A_19 step %while3A_25  : i32 {
      %scan3A_30 = arith.constant 0 : i32
      %scan3A_31 = arith.constant 4 : i32
      %scan3A_32 = arith.addi %scan3A_30, %scan3A_31 : i32
      %scan3A_33 = arith.constant 1 : i32
      scf.for %scan3A_35 = %scan3A_30 to %scan3A_32 step %scan3A_33  : i32 {
        %mul3A_36 = arith.constant 16 : i32
        %mul3A_37 = arith.muli %scan3A_35, %mul3A_36 : i32
        %get3A = arith.index_cast %while3A_29 : i32 to index
        %get3A_38 = arith.index_cast %mul3A_37 : i32 to index
        %get3A_39 = tpu.vector_load %arg5[%get3A, %get3A_38] {strides = array<i32>} : memref<160x64xi32, #tpu.memory_space<vmem>>, vector<16xi32>,
        tpu.vector_store_idx %arg4[%get3A_39], %broadcast_in_dim3A_16 {add = true} : memref<10240xf32, #tpu.memory_space<vmem>>[vector<16xi32>], vector<16xf32>,
      }
      %scan3A_34 = arith.constant 4 : i32
    }
    %mul3A_26 = arith.constant 2 : i32
    %mul3A_27 = arith.muli %arg1, %mul3A_26 : i32
    %add3A_28 = arith.addi %mul3A_27, %arg0 : i32
    "tpu.region"() ({
      %run_scoped3A = tpu.sem_alloc : memref<!tpu.dma_semaphore, #tpu.memory_space<semaphore_mem>>
      %dma_start3A = arith.constant 0 : i32
      %dma_start3A_29 = tpu.memref_slice %arg3[%add3A_28, %dma_start3A] : memref<32x10240xf32, #tpu.memory_space<hbm>> -> memref<1x10240xf32, #tpu.memory_space<hbm>>
      %dma_start3A_30 = tpu.memref_squeeze %dma_start3A_29 : memref<1x10240xf32, #tpu.memory_space<hbm>> -> memref<10240xf32, #tpu.memory_space<hbm>>
      %dma_start3A_31 = arith.constant 0 : i32
      %dma_start3A_32 = tpu.memref_slice %arg3[%add3A_28, %dma_start3A_31] : memref<32x10240xf32, #tpu.memory_space<hbm>> -> memref<1x10240xf32, #tpu.memory_space<hbm>>
      %dma_start3A_33 = tpu.memref_squeeze %dma_start3A_32 : memref<1x10240xf32, #tpu.memory_space<hbm>> -> memref<10240xf32, #tpu.memory_space<hbm>>
      tpu.enqueue_dma source(%arg4 : memref<10240xf32, #tpu.memory_space<vmem>>) target(%dma_start3A_33 : memref<10240xf32, #tpu.memory_space<hbm>>) target_semaphore(%run_scoped3A : memref<!tpu.dma_semaphore, #tpu.memory_space<semaphore_mem>>)
      %dma_wait3A = arith.constant 0 : i32
      %dma_wait3A_34 = tpu.memref_slice %arg3[%add3A_28, %dma_wait3A] : memref<32x10240xf32, #tpu.memory_space<hbm>> -> memref<1x10240xf32, #tpu.memory_space<hbm>>
      %dma_wait3A_35 = tpu.memref_squeeze %dma_wait3A_34 : memref<1x10240xf32, #tpu.memory_space<hbm>> -> memref<10240xf32, #tpu.memory_space<hbm>>
      %dma_wait3A_36 = arith.constant 0 : i32
      %dma_wait3A_37 = tpu.memref_slice %arg3[%add3A_28, %dma_wait3A_36] : memref<32x10240xf32, #tpu.memory_space<hbm>> -> memref<1x10240xf32, #tpu.memory_space<hbm>>
      %dma_wait3A_38 = tpu.memref_squeeze %dma_wait3A_37 : memref<1x10240xf32, #tpu.memory_space<hbm>> -> memref<10240xf32, #tpu.memory_space<hbm>>
      tpu.wait_dma2 semaphore(%run_scoped3A : memref<!tpu.dma_semaphore, #tpu.memory_space<semaphore_mem>>) src(%arg4 : memref<10240xf32, #tpu.memory_space<vmem>>) dst(%dma_wait3A_38 : memref<10240xf32, #tpu.memory_space<hbm>>)
      tpu.yield
    }) : () -> ()
    return
  }
}

module attributes {stable_mosaic.version = 14 : i64} {
  func.func @_stage1_body(%arg0: i32, %arg1: memref<2x1000x128xf32, #tpu.memory_space<vmem>>, %arg2: memref<1000x128xf32, #tpu.memory_space<vmem>>, %arg3: memref<1000x128xf32, #tpu.memory_space<vmem>>, %arg4: memref<1000x128xf32, #tpu.memory_space<vmem>>, %arg5: memref<1x128xf32, #tpu.memory_space<vmem>>, %arg6: memref<128x128xf32, #tpu.memory_space<vmem>>, %arg7: memref<1x128xf32, #tpu.memory_space<vmem>>, %arg8: memref<128x128xf32, #tpu.memory_space<vmem>>, %arg9: memref<1x128xf32, #tpu.memory_space<vmem>>, %arg10: memref<128x128xf32, #tpu.memory_space<vmem>>, %arg11: memref<1x128xf32, #tpu.memory_space<vmem>>, %arg12: memref<1000x128xf32, #tpu.memory_space<vmem>>, %arg13: memref<8x128xf32, #tpu.memory_space<vmem>>) attributes {dimension_semantics = [#tpu.dimension_semantics<arbitrary>], iteration_bounds = array<i64: 10>, scalar_prefetch = 0 : i64, scratch_operands = 0 : i64, tpu.core_type = #tpu.core_type<tc>, window_params = [{transform_indices = @transform_0, window_bounds = array<i64: 2, 1000, 128>}, {transform_indices = @transform_1, window_bounds = array<i64: 1000, 128>}, {transform_indices = @transform_2, window_bounds = array<i64: 1000, 128>}, {transform_indices = @transform_3, window_bounds = array<i64: 1000, 128>}, {pipeline_mode = #tpu.pipeline_mode<synchronous>, transform_indices = @transform_4, window_bounds = array<i64: 1, 128>}, {pipeline_mode = #tpu.pipeline_mode<synchronous>, transform_indices = @transform_5, window_bounds = array<i64: 128, 128>}, {pipeline_mode = #tpu.pipeline_mode<synchronous>, transform_indices = @transform_6, window_bounds = array<i64: 1, 128>}, {pipeline_mode = #tpu.pipeline_mode<synchronous>, transform_indices = @transform_7, window_bounds = array<i64: 128, 128>}, {pipeline_mode = #tpu.pipeline_mode<synchronous>, transform_indices = @transform_8, window_bounds = array<i64: 1, 128>}, {pipeline_mode = #tpu.pipeline_mode<synchronous>, transform_indices = @transform_9, window_bounds = array<i64: 128, 128>}, {pipeline_mode = #tpu.pipeline_mode<synchronous>, transform_indices = @transform_10, window_bounds = array<i64: 1, 128>}, {transform_indices = @transform_11, window_bounds = array<i64: 1000, 128>}, {pipeline_mode = #tpu.pipeline_mode<synchronous>, transform_indices = @transform_12, window_bounds = array<i64: 8, 128>}]} {
    %get3A = arith.constant 0 : index
    %get3A_0 = arith.constant 0 : index
    %get3A_1 = arith.constant 0 : index
    %get3A_2 = vector.load %arg1[%get3A, %get3A_0, %get3A_1] : memref<2x1000x128xf32, #tpu.memory_space<vmem>>, vector<1x1000x128xf32>
    %get3A_3 = vector.shape_cast %get3A_2 : vector<1x1000x128xf32> to vector<1000x128xf32>
    %get3A_4 = arith.constant 1 : index
    %get3A_5 = arith.constant 0 : index
    %get3A_6 = arith.constant 0 : index
    %get3A_7 = vector.load %arg1[%get3A_4, %get3A_5, %get3A_6] : memref<2x1000x128xf32, #tpu.memory_space<vmem>>, vector<1x1000x128xf32>
    %get3A_8 = vector.shape_cast %get3A_7 : vector<1x1000x128xf32> to vector<1000x128xf32>
    %add3A = arith.addf %get3A_3, %get3A_8 : vector<1000x128xf32>
    %get3A_9 = arith.constant 0 : index
    %get3A_10 = arith.constant 0 : index
    %get3A_11 = vector.load %arg2[%get3A_9, %get3A_10] : memref<1000x128xf32, #tpu.memory_space<vmem>>, vector<1000x128xf32>
    %add3A_12 = arith.addf %add3A, %get3A_11 : vector<1000x128xf32>
    %get3A_13 = arith.constant 0 : index
    %get3A_14 = arith.constant 0 : index
    %get3A_15 = vector.load %arg3[%get3A_13, %get3A_14] : memref<1000x128xf32, #tpu.memory_space<vmem>>, vector<1000x128xf32>
    %mul3A = arith.mulf %get3A_15, %add3A_12 : vector<1000x128xf32>
    %get3A_16 = arith.constant 0 : index
    %get3A_17 = arith.constant 0 : index
    %get3A_18 = vector.load %arg5[%get3A_16, %get3A_17] : memref<1x128xf32, #tpu.memory_space<vmem>>, vector<1x128xf32>
    %add3A_19 = vector.broadcast %get3A_18 : vector<1x128xf32> to vector<1000x128xf32>
    %add3A_20 = arith.addf %mul3A, %add3A_19 : vector<1000x128xf32>
    %tanh3A = math.tanh %add3A_20 : vector<1000x128xf32>
    %get3A_21 = arith.constant 0 : index
    %get3A_22 = arith.constant 0 : index
    %get3A_23 = vector.load %arg6[%get3A_21, %get3A_22] : memref<128x128xf32, #tpu.memory_space<vmem>>, vector<128x128xf32>
    %dot_general3A = arith.constant dense<0.000000e+00> : vector<1000x128xf32>
    %dot_general3A_24 = tpu.matmul %tanh3A, %get3A_23, %dot_general3A {dimension_numbers = #tpu.dot_dimension_numbers<[1], [0], [0], [1], [0, 0, 1, 1], [], []>, transpose_lhs_hint = false} : vector<1000x128xf32>, vector<128x128xf32>, vector<1000x128xf32> -> vector<1000x128xf32>
    %get3A_25 = arith.constant 0 : index
    %get3A_26 = arith.constant 0 : index
    %get3A_27 = vector.load %arg7[%get3A_25, %get3A_26] : memref<1x128xf32, #tpu.memory_space<vmem>>, vector<1x128xf32>
    %add3A_28 = vector.broadcast %get3A_27 : vector<1x128xf32> to vector<1000x128xf32>
    %add3A_29 = arith.addf %dot_general3A_24, %add3A_28 : vector<1000x128xf32>
    %logistic3A = arith.negf %add3A_29 : vector<1000x128xf32>
    %logistic3A_30 = math.exp %logistic3A : vector<1000x128xf32>
    %logistic3A_31 = arith.constant 1.000000e+00 : f32
    %logistic3A_32 = vector.broadcast %logistic3A_31 : f32 to vector<1000x128xf32>
    %logistic3A_33 = arith.addf %logistic3A_32, %logistic3A_30 : vector<1000x128xf32>
    %logistic3A_34 = arith.divf %logistic3A_32, %logistic3A_33 : vector<1000x128xf32>
    %get3A_35 = arith.constant 0 : index
    %get3A_36 = arith.constant 0 : index
    %get3A_37 = vector.load %arg4[%get3A_35, %get3A_36] : memref<1000x128xf32, #tpu.memory_space<vmem>>, vector<1000x128xf32>
    %get3A_38 = arith.constant 0 : index
    %get3A_39 = arith.constant 0 : index
    %get3A_40 = vector.load %arg8[%get3A_38, %get3A_39] : memref<128x128xf32, #tpu.memory_space<vmem>>, vector<128x128xf32>
    %dot_general3A_41 = arith.constant dense<0.000000e+00> : vector<1000x128xf32>
    %dot_general3A_42 = tpu.matmul %get3A_37, %get3A_40, %dot_general3A_41 {dimension_numbers = #tpu.dot_dimension_numbers<[1], [0], [0], [1], [0, 0, 1, 1], [], []>, transpose_lhs_hint = false} : vector<1000x128xf32>, vector<128x128xf32>, vector<1000x128xf32> -> vector<1000x128xf32>
    %get3A_43 = arith.constant 0 : index
    %get3A_44 = arith.constant 0 : index
    %get3A_45 = vector.load %arg9[%get3A_43, %get3A_44] : memref<1x128xf32, #tpu.memory_space<vmem>>, vector<1x128xf32>
    %add3A_46 = vector.broadcast %get3A_45 : vector<1x128xf32> to vector<1000x128xf32>
    %add3A_47 = arith.addf %dot_general3A_42, %add3A_46 : vector<1000x128xf32>
    %sub3A = arith.constant 1.000000e+00 : f32
    %sub3A_48 = vector.broadcast %sub3A : f32 to vector<1000x128xf32>
    %sub3A_49 = arith.subf %sub3A_48, %logistic3A_34 : vector<1000x128xf32>
    %mul3A_50 = arith.mulf %sub3A_49, %add3A_47 : vector<1000x128xf32>
    %mul3A_51 = arith.mulf %logistic3A_34, %tanh3A : vector<1000x128xf32>
    %add3A_52 = arith.addf %mul3A_50, %mul3A_51 : vector<1000x128xf32>
    %get3A_53 = arith.constant 0 : index
    %get3A_54 = arith.constant 0 : index
    %get3A_55 = vector.load %arg10[%get3A_53, %get3A_54] : memref<128x128xf32, #tpu.memory_space<vmem>>, vector<128x128xf32>
    %dot_general3A_56 = arith.constant dense<0.000000e+00> : vector<1000x128xf32>
    %dot_general3A_57 = tpu.matmul %add3A_52, %get3A_55, %dot_general3A_56 {dimension_numbers = #tpu.dot_dimension_numbers<[1], [0], [0], [1], [0, 0, 1, 1], [], []>, transpose_lhs_hint = false} : vector<1000x128xf32>, vector<128x128xf32>, vector<1000x128xf32> -> vector<1000x128xf32>
    %get3A_58 = arith.constant 0 : index
    %get3A_59 = arith.constant 0 : index
    %get3A_60 = vector.load %arg11[%get3A_58, %get3A_59] : memref<1x128xf32, #tpu.memory_space<vmem>>, vector<1x128xf32>
    %add3A_61 = vector.broadcast %get3A_60 : vector<1x128xf32> to vector<1000x128xf32>
    %add3A_62 = arith.addf %dot_general3A_57, %add3A_61 : vector<1000x128xf32>
    %max3A = arith.constant 0.000000e+00 : f32
    %max3A_63 = vector.broadcast %max3A : f32 to vector<1000x128xf32>
    %max3A_64 = arith.maximumf %add3A_62, %max3A_63 : vector<1000x128xf32>
    %swap3A = arith.constant 0 : index
    %swap3A_65 = arith.constant 0 : index
    %swap3A_66 = vector.load %arg12[%swap3A, %swap3A_65] : memref<1000x128xf32, #tpu.memory_space<vmem>>, vector<1000x128xf32>
    tpu.vector_store %arg12[%swap3A, %swap3A_65], %max3A_64 {strides = array<i32>} : memref<1000x128xf32, #tpu.memory_space<vmem>>, vector<1000x128xf32>,
    %reduce_sum3A = arith.constant dense<0.000000e+00> : vector<128xf32>
    %reduce_sum3A_67 = vector.multi_reduction <add>, %max3A_64, %reduce_sum3A [0] : vector<1000x128xf32> to vector<128xf32>
    %mul3A_68 = arith.mulf %max3A_64, %max3A_64 : vector<1000x128xf32>
    %reduce_sum3A_69 = arith.constant dense<0.000000e+00> : vector<128xf32>
    %reduce_sum3A_70 = vector.multi_reduction <add>, %mul3A_68, %reduce_sum3A_69 [0] : vector<1000x128xf32> to vector<128xf32>
    %broadcast_in_dim3A = vector.shape_cast %reduce_sum3A_67 : vector<128xf32> to vector<1x128xf32>
    %broadcast_in_dim3A_71 = vector.shape_cast %reduce_sum3A_70 : vector<128xf32> to vector<1x128xf32>
    %broadcast_in_dim3A_72 = arith.constant 0.000000e+00 : f32
    %broadcast_in_dim3A_73 = vector.broadcast %broadcast_in_dim3A_72 : f32 to vector<6x128xf32>
    %concatenate3A = tpu.concatenate %broadcast_in_dim3A, %broadcast_in_dim3A_71, %broadcast_in_dim3A_73 in 0 : vector<1x128xf32>, vector<1x128xf32>, vector<6x128xf32> -> vector<8x128xf32>
    %eq3A = arith.constant 0 : i32
    %eq3A_74 = arith.cmpi eq, %arg0, %eq3A : i32
    %convert_element_type3A = arith.extui %eq3A_74 : i1 to i32
    %cond3A = arith.constant 0 : i32
    %cond3A_75 = arith.cmpi ne, %convert_element_type3A, %cond3A : i32
    scf.if %cond3A_75 {
      %swap3A_80 = arith.constant 0 : index
      %swap3A_81 = arith.constant 0 : index
      %swap3A_82 = vector.load %arg13[%swap3A_80, %swap3A_81] : memref<8x128xf32, #tpu.memory_space<vmem>>, vector<8x128xf32>
      tpu.vector_store %arg13[%swap3A_80, %swap3A_81], %concatenate3A {strides = array<i32>} : memref<8x128xf32, #tpu.memory_space<vmem>>, vector<8x128xf32>,
    } else {
    }
    %gt3A = arith.constant 0 : i32
    %gt3A_76 = arith.cmpi sgt, %arg0, %gt3A : i32
    %convert_element_type3A_77 = arith.extui %gt3A_76 : i1 to i32
    %cond3A_78 = arith.constant 0 : i32
    %cond3A_79 = arith.cmpi ne, %convert_element_type3A_77, %cond3A_78 : i32
    scf.if %cond3A_79 {
      %get3A_80 = arith.constant 0 : index
      %get3A_81 = arith.constant 0 : index
      %get3A_82 = vector.load %arg13[%get3A_80, %get3A_81] : memref<8x128xf32, #tpu.memory_space<vmem>>, vector<8x128xf32>
      %add3A_83 = arith.addf %get3A_82, %concatenate3A : vector<8x128xf32>
      %swap3A_84 = arith.constant 0 : index
      %swap3A_85 = arith.constant 0 : index
      %swap3A_86 = vector.load %arg13[%swap3A_84, %swap3A_85] : memref<8x128xf32, #tpu.memory_space<vmem>>, vector<8x128xf32>
      tpu.vector_store %arg13[%swap3A_84, %swap3A_85], %add3A_83 {strides = array<i32>} : memref<8x128xf32, #tpu.memory_space<vmem>>, vector<8x128xf32>,
    } else {
    }
    return
  }
  func.func @transform_0(%arg0: i32) -> (i32, i32, i32) {
    %c0_i32 = arith.constant 0 : i32
    %c0_i32_0 = arith.constant 0 : i32
    %c0_i32_1 = arith.constant 0 : i32
    return %c0_i32, %arg0, %c0_i32_0 : i32, i32, i32
  }
  func.func @transform_1(%arg0: i32) -> (i32, i32) {
    %c0_i32 = arith.constant 0 : i32
    %c0_i32_0 = arith.constant 0 : i32
    return %arg0, %c0_i32 : i32, i32
  }
  func.func @transform_2(%arg0: i32) -> (i32, i32) {
    %c0_i32 = arith.constant 0 : i32
    %c0_i32_0 = arith.constant 0 : i32
    return %arg0, %c0_i32 : i32, i32
  }
  func.func @transform_3(%arg0: i32) -> (i32, i32) {
    %c0_i32 = arith.constant 0 : i32
    %c0_i32_0 = arith.constant 0 : i32
    return %arg0, %c0_i32 : i32, i32
  }
  func.func @transform_4(%arg0: i32) -> (i32, i32) {
    %c0_i32 = arith.constant 0 : i32
    %c0_i32_0 = arith.constant 0 : i32
    %c0_i32_1 = arith.constant 0 : i32
    return %c0_i32, %c0_i32_0 : i32, i32
  }
  func.func @transform_5(%arg0: i32) -> (i32, i32) {
    %c0_i32 = arith.constant 0 : i32
    %c0_i32_0 = arith.constant 0 : i32
    %c0_i32_1 = arith.constant 0 : i32
    return %c0_i32, %c0_i32_0 : i32, i32
  }
  func.func @transform_6(%arg0: i32) -> (i32, i32) {
    %c0_i32 = arith.constant 0 : i32
    %c0_i32_0 = arith.constant 0 : i32
    %c0_i32_1 = arith.constant 0 : i32
    return %c0_i32, %c0_i32_0 : i32, i32
  }
  func.func @transform_7(%arg0: i32) -> (i32, i32) {
    %c0_i32 = arith.constant 0 : i32
    %c0_i32_0 = arith.constant 0 : i32
    %c0_i32_1 = arith.constant 0 : i32
    return %c0_i32, %c0_i32_0 : i32, i32
  }
  func.func @transform_8(%arg0: i32) -> (i32, i32) {
    %c0_i32 = arith.constant 0 : i32
    %c0_i32_0 = arith.constant 0 : i32
    %c0_i32_1 = arith.constant 0 : i32
    return %c0_i32, %c0_i32_0 : i32, i32
  }
  func.func @transform_9(%arg0: i32) -> (i32, i32) {
    %c0_i32 = arith.constant 0 : i32
    %c0_i32_0 = arith.constant 0 : i32
    %c0_i32_1 = arith.constant 0 : i32
    return %c0_i32, %c0_i32_0 : i32, i32
  }
  func.func @transform_10(%arg0: i32) -> (i32, i32) {
    %c0_i32 = arith.constant 0 : i32
    %c0_i32_0 = arith.constant 0 : i32
    %c0_i32_1 = arith.constant 0 : i32
    return %c0_i32, %c0_i32_0 : i32, i32
  }
  func.func @transform_11(%arg0: i32) -> (i32, i32) {
    %c0_i32 = arith.constant 0 : i32
    %c0_i32_0 = arith.constant 0 : i32
    return %arg0, %c0_i32 : i32, i32
  }
  func.func @transform_12(%arg0: i32) -> (i32, i32) {
    %c0_i32 = arith.constant 0 : i32
    %c0_i32_0 = arith.constant 0 : i32
    %c0_i32_1 = arith.constant 0 : i32
    return %c0_i32, %c0_i32_0 : i32, i32
  }
}

module attributes {stable_mosaic.version = 14 : i64} {
  func.func @_prep_body(%arg0: i32, %arg1: memref<32x512xf32, #tpu.memory_space<vmem>>, %arg2: memref<512x128xf32, #tpu.memory_space<vmem>>, %arg3: memref<128x128xf32, #tpu.memory_space<vmem>>, %arg4: memref<512x128xf32, #tpu.memory_space<vmem>>, %arg5: memref<512x128xf32, #tpu.memory_space<vmem>>) attributes {dimension_semantics = [#tpu.dimension_semantics<arbitrary>], iteration_bounds = array<i64: 20>, scalar_prefetch = 0 : i64, scratch_operands = 0 : i64, tpu.core_type = #tpu.core_type<tc>, window_params = [{transform_indices = @transform_0, window_bounds = array<i64: 32, 512>}, {transform_indices = @transform_1, window_bounds = array<i64: 512, 128>}, {pipeline_mode = #tpu.pipeline_mode<synchronous>, transform_indices = @transform_2, window_bounds = array<i64: 128, 128>}, {transform_indices = @transform_3, window_bounds = array<i64: 512, 128>}, {transform_indices = @transform_4, window_bounds = array<i64: 512, 128>}]} {
    %get3A = arith.constant 0 : index
    %get3A_0 = arith.constant 0 : index
    %get3A_1 = vector.load %arg1[%get3A, %get3A_0] : memref<32x512xf32, #tpu.memory_space<vmem>>, vector<32x512xf32>
    %reduce_sum3A = arith.constant dense<0.000000e+00> : vector<512xf32>
    %reduce_sum3A_2 = vector.multi_reduction <add>, %get3A_1, %reduce_sum3A [0] : vector<32x512xf32> to vector<512xf32>
    %add3A = arith.constant 1.000000e+00 : f32
    %add3A_3 = vector.broadcast %add3A : f32 to vector<512xf32>
    %add3A_4 = arith.addf %reduce_sum3A_2, %add3A_3 : vector<512xf32>
    %rsqrt3A = math.rsqrt %add3A_4 : vector<512xf32>
    %get3A_5 = arith.constant 0 : index
    %get3A_6 = arith.constant 0 : index
    %get3A_7 = vector.load %arg2[%get3A_5, %get3A_6] : memref<512x128xf32, #tpu.memory_space<vmem>>, vector<512x128xf32>
    %get3A_8 = arith.constant 0 : index
    %get3A_9 = arith.constant 0 : index
    %get3A_10 = vector.load %arg3[%get3A_8, %get3A_9] : memref<128x128xf32, #tpu.memory_space<vmem>>, vector<128x128xf32>
    %dot_general3A = arith.constant dense<0.000000e+00> : vector<512x128xf32>
    %dot_general3A_11 = tpu.matmul %get3A_7, %get3A_10, %dot_general3A {dimension_numbers = #tpu.dot_dimension_numbers<[1], [0], [0], [1], [0, 0, 1, 1], [], []>, transpose_lhs_hint = false} : vector<512x128xf32>, vector<128x128xf32>, vector<512x128xf32> -> vector<512x128xf32>
    %broadcast_in_dim3A = vector.shape_cast %rsqrt3A : vector<512xf32> to vector<512x1xf32>
    %mul3A = vector.broadcast %broadcast_in_dim3A : vector<512x1xf32> to vector<512x128xf32>
    %mul3A_12 = arith.mulf %dot_general3A_11, %mul3A : vector<512x128xf32>
    %swap3A = arith.constant 0 : index
    %swap3A_13 = arith.constant 0 : index
    %swap3A_14 = vector.load %arg4[%swap3A, %swap3A_13] : memref<512x128xf32, #tpu.memory_space<vmem>>, vector<512x128xf32>
    tpu.vector_store %arg4[%swap3A, %swap3A_13], %mul3A_12 {strides = array<i32>} : memref<512x128xf32, #tpu.memory_space<vmem>>, vector<512x128xf32>,
    %broadcast_in_dim3A_15 = vector.shape_cast %rsqrt3A : vector<512xf32> to vector<512x1xf32>
    %broadcast_in_dim3A_16 = vector.shape_cast %broadcast_in_dim3A_15 : vector<512x1xf32> to vector<512x1xf32>
    %broadcast_in_dim3A_17 = vector.broadcast %broadcast_in_dim3A_16 : vector<512x1xf32> to vector<512x128xf32>
    %swap3A_18 = arith.constant 0 : index
    %swap3A_19 = arith.constant 0 : index
    %swap3A_20 = vector.load %arg5[%swap3A_18, %swap3A_19] : memref<512x128xf32, #tpu.memory_space<vmem>>, vector<512x128xf32>
    tpu.vector_store %arg5[%swap3A_18, %swap3A_19], %broadcast_in_dim3A_17 {strides = array<i32>} : memref<512x128xf32, #tpu.memory_space<vmem>>, vector<512x128xf32>,
    return
  }
  func.func @transform_0(%arg0: i32) -> (i32, i32) {
    %c0_i32 = arith.constant 0 : i32
    %c0_i32_0 = arith.constant 0 : i32
    return %c0_i32, %arg0 : i32, i32
  }
  func.func @transform_1(%arg0: i32) -> (i32, i32) {
    %c0_i32 = arith.constant 0 : i32
    %c0_i32_0 = arith.constant 0 : i32
    return %arg0, %c0_i32 : i32, i32
  }
  func.func @transform_2(%arg0: i32) -> (i32, i32) {
    %c0_i32 = arith.constant 0 : i32
    %c0_i32_0 = arith.constant 0 : i32
    %c0_i32_1 = arith.constant 0 : i32
    return %c0_i32, %c0_i32_0 : i32, i32
  }
  func.func @transform_3(%arg0: i32) -> (i32, i32) {
    %c0_i32 = arith.constant 0 : i32
    %c0_i32_0 = arith.constant 0 : i32
    return %arg0, %c0_i32 : i32, i32
  }
  func.func @transform_4(%arg0: i32) -> (i32, i32) {
    %c0_i32 = arith.constant 0 : i32
    %c0_i32_0 = arith.constant 0 : i32
    return %arg0, %c0_i32 : i32, i32
  }
}

module attributes {stable_mosaic.version = 14 : i64} {
  func.func @_stage3_body(%arg0: i32, %arg1: memref<1000x128xf32, #tpu.memory_space<vmem>>, %arg2: memref<8x128xf32, #tpu.memory_space<vmem>>, %arg3: memref<1000x128xf32, #tpu.memory_space<vmem>>, %arg4: memref<1x128xf32, #tpu.memory_space<vmem>>, %arg5: memref<1x128xf32, #tpu.memory_space<vmem>>, %arg6: memref<128x128xf32, #tpu.memory_space<vmem>>, %arg7: memref<1x128xf32, #tpu.memory_space<vmem>>, %arg8: memref<1000x128xf32, #tpu.memory_space<vmem>>, %arg9: memref<1000x128xf32, #tpu.memory_space<vmem>>, %arg10: memref<8x128xf32, #tpu.memory_space<vmem>>) attributes {dimension_semantics = [#tpu.dimension_semantics<arbitrary>], iteration_bounds = array<i64: 10>, scalar_prefetch = 0 : i64, scratch_operands = 0 : i64, tpu.core_type = #tpu.core_type<tc>, window_params = [{transform_indices = @transform_0, window_bounds = array<i64: 1000, 128>}, {pipeline_mode = #tpu.pipeline_mode<synchronous>, transform_indices = @transform_1, window_bounds = array<i64: 8, 128>}, {transform_indices = @transform_2, window_bounds = array<i64: 1000, 128>}, {pipeline_mode = #tpu.pipeline_mode<synchronous>, transform_indices = @transform_3, window_bounds = array<i64: 1, 128>}, {pipeline_mode = #tpu.pipeline_mode<synchronous>, transform_indices = @transform_4, window_bounds = array<i64: 1, 128>}, {pipeline_mode = #tpu.pipeline_mode<synchronous>, transform_indices = @transform_5, window_bounds = array<i64: 128, 128>}, {pipeline_mode = #tpu.pipeline_mode<synchronous>, transform_indices = @transform_6, window_bounds = array<i64: 1, 128>}, {transform_indices = @transform_7, window_bounds = array<i64: 1000, 128>}, {transform_indices = @transform_8, window_bounds = array<i64: 1000, 128>}, {pipeline_mode = #tpu.pipeline_mode<synchronous>, transform_indices = @transform_9, window_bounds = array<i64: 8, 128>}]} {
    %get3A = arith.constant 0 : index
    %get3A_0 = arith.constant 0 : index
    %get3A_1 = vector.load %arg2[%get3A, %get3A_0] : memref<8x128xf32, #tpu.memory_space<vmem>>, vector<1x128xf32>
    %get3A_2 = vector.shape_cast %get3A_1 : vector<1x128xf32> to vector<128xf32>
    %div3A = arith.constant 1.000000e+04 : f32
    %div3A_3 = vector.broadcast %div3A : f32 to vector<128xf32>
    %div3A_4 = arith.divf %get3A_2, %div3A_3 : vector<128xf32>
    %get3A_5 = arith.constant 1 : index
    %get3A_6 = arith.constant 0 : index
    %get3A_7 = vector.load %arg2[%get3A_5, %get3A_6] : memref<8x128xf32, #tpu.memory_space<vmem>>, vector<1x128xf32>
    %get3A_8 = vector.shape_cast %get3A_7 : vector<1x128xf32> to vector<128xf32>
    %div3A_9 = arith.constant 1.000000e+04 : f32
    %div3A_10 = vector.broadcast %div3A_9 : f32 to vector<128xf32>
    %div3A_11 = arith.divf %get3A_8, %div3A_10 : vector<128xf32>
    %mul3A = arith.mulf %div3A_4, %div3A_4 : vector<128xf32>
    %sub3A = arith.subf %div3A_11, %mul3A : vector<128xf32>
    %get3A_12 = arith.constant 0 : index
    %get3A_13 = arith.constant 0 : index
    %get3A_14 = vector.load %arg4[%get3A_12, %get3A_13] : memref<1x128xf32, #tpu.memory_space<vmem>>, vector<1x128xf32>
    %get3A_15 = vector.shape_cast %get3A_14 : vector<1x128xf32> to vector<128xf32>
    %add3A = arith.constant 9.99999974E-6 : f32
    %add3A_16 = vector.broadcast %add3A : f32 to vector<128xf32>
    %add3A_17 = arith.addf %sub3A, %add3A_16 : vector<128xf32>
    %rsqrt3A = math.rsqrt %add3A_17 : vector<128xf32>
    %mul3A_18 = arith.mulf %get3A_15, %rsqrt3A : vector<128xf32>
    %get3A_19 = arith.constant 0 : index
    %get3A_20 = arith.constant 0 : index
    %get3A_21 = vector.load %arg5[%get3A_19, %get3A_20] : memref<1x128xf32, #tpu.memory_space<vmem>>, vector<1x128xf32>
    %get3A_22 = vector.shape_cast %get3A_21 : vector<1x128xf32> to vector<128xf32>
    %mul3A_23 = arith.mulf %div3A_4, %mul3A_18 : vector<128xf32>
    %sub3A_24 = arith.subf %get3A_22, %mul3A_23 : vector<128xf32>
    %get3A_25 = arith.constant 0 : index
    %get3A_26 = arith.constant 0 : index
    %get3A_27 = vector.load %arg1[%get3A_25, %get3A_26] : memref<1000x128xf32, #tpu.memory_space<vmem>>, vector<1000x128xf32>
    %broadcast_in_dim3A = vector.shape_cast %mul3A_18 : vector<128xf32> to vector<1x128xf32>
    %mul3A_28 = vector.broadcast %broadcast_in_dim3A : vector<1x128xf32> to vector<1000x128xf32>
    %mul3A_29 = arith.mulf %get3A_27, %mul3A_28 : vector<1000x128xf32>
    %broadcast_in_dim3A_30 = vector.shape_cast %sub3A_24 : vector<128xf32> to vector<1x128xf32>
    %add3A_31 = vector.broadcast %broadcast_in_dim3A_30 : vector<1x128xf32> to vector<1000x128xf32>
    %add3A_32 = arith.addf %mul3A_29, %add3A_31 : vector<1000x128xf32>
    %get3A_33 = arith.constant 0 : index
    %get3A_34 = arith.constant 0 : index
    %get3A_35 = vector.load %arg3[%get3A_33, %get3A_34] : memref<1000x128xf32, #tpu.memory_space<vmem>>, vector<1000x128xf32>
    %add3A_36 = arith.addf %add3A_32, %get3A_35 : vector<1000x128xf32>
    %swap3A = arith.constant 0 : index
    %swap3A_37 = arith.constant 0 : index
    %swap3A_38 = vector.load %arg8[%swap3A, %swap3A_37] : memref<1000x128xf32, #tpu.memory_space<vmem>>, vector<1000x128xf32>
    tpu.vector_store %arg8[%swap3A, %swap3A_37], %add3A_36 {strides = array<i32>} : memref<1000x128xf32, #tpu.memory_space<vmem>>, vector<1000x128xf32>,
    %get3A_39 = arith.constant 0 : index
    %get3A_40 = arith.constant 0 : index
    %get3A_41 = vector.load %arg6[%get3A_39, %get3A_40] : memref<128x128xf32, #tpu.memory_space<vmem>>, vector<128x128xf32>
    %dot_general3A = arith.constant dense<0.000000e+00> : vector<1000x128xf32>
    %dot_general3A_42 = tpu.matmul %add3A_36, %get3A_41, %dot_general3A {dimension_numbers = #tpu.dot_dimension_numbers<[1], [0], [0], [1], [0, 0, 1, 1], [], []>, transpose_lhs_hint = false} : vector<1000x128xf32>, vector<128x128xf32>, vector<1000x128xf32> -> vector<1000x128xf32>
    %get3A_43 = arith.constant 0 : index
    %get3A_44 = arith.constant 0 : index
    %get3A_45 = vector.load %arg7[%get3A_43, %get3A_44] : memref<1x128xf32, #tpu.memory_space<vmem>>, vector<1x128xf32>
    %add3A_46 = vector.broadcast %get3A_45 : vector<1x128xf32> to vector<1000x128xf32>
    %add3A_47 = arith.addf %dot_general3A_42, %add3A_46 : vector<1000x128xf32>
    %max3A = arith.constant 0.000000e+00 : f32
    %max3A_48 = vector.broadcast %max3A : f32 to vector<1000x128xf32>
    %max3A_49 = arith.maximumf %add3A_47, %max3A_48 : vector<1000x128xf32>
    %swap3A_50 = arith.constant 0 : index
    %swap3A_51 = arith.constant 0 : index
    %swap3A_52 = vector.load %arg9[%swap3A_50, %swap3A_51] : memref<1000x128xf32, #tpu.memory_space<vmem>>, vector<1000x128xf32>
    tpu.vector_store %arg9[%swap3A_50, %swap3A_51], %max3A_49 {strides = array<i32>} : memref<1000x128xf32, #tpu.memory_space<vmem>>, vector<1000x128xf32>,
    %reduce_sum3A = arith.constant dense<0.000000e+00> : vector<128xf32>
    %reduce_sum3A_53 = vector.multi_reduction <add>, %max3A_49, %reduce_sum3A [0] : vector<1000x128xf32> to vector<128xf32>
    %mul3A_54 = arith.mulf %max3A_49, %max3A_49 : vector<1000x128xf32>
    %reduce_sum3A_55 = arith.constant dense<0.000000e+00> : vector<128xf32>
    %reduce_sum3A_56 = vector.multi_reduction <add>, %mul3A_54, %reduce_sum3A_55 [0] : vector<1000x128xf32> to vector<128xf32>
    %broadcast_in_dim3A_57 = vector.shape_cast %reduce_sum3A_53 : vector<128xf32> to vector<1x128xf32>
    %broadcast_in_dim3A_58 = vector.shape_cast %reduce_sum3A_56 : vector<128xf32> to vector<1x128xf32>
    %broadcast_in_dim3A_59 = arith.constant 0.000000e+00 : f32
    %broadcast_in_dim3A_60 = vector.broadcast %broadcast_in_dim3A_59 : f32 to vector<6x128xf32>
    %concatenate3A = tpu.concatenate %broadcast_in_dim3A_57, %broadcast_in_dim3A_58, %broadcast_in_dim3A_60 in 0 : vector<1x128xf32>, vector<1x128xf32>, vector<6x128xf32> -> vector<8x128xf32>
    %eq3A = arith.constant 0 : i32
    %eq3A_61 = arith.cmpi eq, %arg0, %eq3A : i32
    %convert_element_type3A = arith.extui %eq3A_61 : i1 to i32
    %cond3A = arith.constant 0 : i32
    %cond3A_62 = arith.cmpi ne, %convert_element_type3A, %cond3A : i32
    scf.if %cond3A_62 {
      %swap3A_67 = arith.constant 0 : index
      %swap3A_68 = arith.constant 0 : index
      %swap3A_69 = vector.load %arg10[%swap3A_67, %swap3A_68] : memref<8x128xf32, #tpu.memory_space<vmem>>, vector<8x128xf32>
      tpu.vector_store %arg10[%swap3A_67, %swap3A_68], %concatenate3A {strides = array<i32>} : memref<8x128xf32, #tpu.memory_space<vmem>>, vector<8x128xf32>,
    } else {
    }
    %gt3A = arith.constant 0 : i32
    %gt3A_63 = arith.cmpi sgt, %arg0, %gt3A : i32
    %convert_element_type3A_64 = arith.extui %gt3A_63 : i1 to i32
    %cond3A_65 = arith.constant 0 : i32
    %cond3A_66 = arith.cmpi ne, %convert_element_type3A_64, %cond3A_65 : i32
    scf.if %cond3A_66 {
      %get3A_67 = arith.constant 0 : index
      %get3A_68 = arith.constant 0 : index
      %get3A_69 = vector.load %arg10[%get3A_67, %get3A_68] : memref<8x128xf32, #tpu.memory_space<vmem>>, vector<8x128xf32>
      %add3A_70 = arith.addf %get3A_69, %concatenate3A : vector<8x128xf32>
      %swap3A_71 = arith.constant 0 : index
      %swap3A_72 = arith.constant 0 : index
      %swap3A_73 = vector.load %arg10[%swap3A_71, %swap3A_72] : memref<8x128xf32, #tpu.memory_space<vmem>>, vector<8x128xf32>
      tpu.vector_store %arg10[%swap3A_71, %swap3A_72], %add3A_70 {strides = array<i32>} : memref<8x128xf32, #tpu.memory_space<vmem>>, vector<8x128xf32>,
    } else {
    }
    return
  }
  func.func @transform_0(%arg0: i32) -> (i32, i32) {
    %c0_i32 = arith.constant 0 : i32
    %c0_i32_0 = arith.constant 0 : i32
    return %arg0, %c0_i32 : i32, i32
  }
  func.func @transform_1(%arg0: i32) -> (i32, i32) {
    %c0_i32 = arith.constant 0 : i32
    %c0_i32_0 = arith.constant 0 : i32
    %c0_i32_1 = arith.constant 0 : i32
    return %c0_i32, %c0_i32_0 : i32, i32
  }
  func.func @transform_2(%arg0: i32) -> (i32, i32) {
    %c0_i32 = arith.constant 0 : i32
    %c0_i32_0 = arith.constant 0 : i32
    return %arg0, %c0_i32 : i32, i32
  }
  func.func @transform_3(%arg0: i32) -> (i32, i32) {
    %c0_i32 = arith.constant 0 : i32
    %c0_i32_0 = arith.constant 0 : i32
    %c0_i32_1 = arith.constant 0 : i32
    return %c0_i32, %c0_i32_0 : i32, i32
  }
  func.func @transform_4(%arg0: i32) -> (i32, i32) {
    %c0_i32 = arith.constant 0 : i32
    %c0_i32_0 = arith.constant 0 : i32
    %c0_i32_1 = arith.constant 0 : i32
    return %c0_i32, %c0_i32_0 : i32, i32
  }
  func.func @transform_5(%arg0: i32) -> (i32, i32) {
    %c0_i32 = arith.constant 0 : i32
    %c0_i32_0 = arith.constant 0 : i32
    %c0_i32_1 = arith.constant 0 : i32
    return %c0_i32, %c0_i32_0 : i32, i32
  }
  func.func @transform_6(%arg0: i32) -> (i32, i32) {
    %c0_i32 = arith.constant 0 : i32
    %c0_i32_0 = arith.constant 0 : i32
    %c0_i32_1 = arith.constant 0 : i32
    return %c0_i32, %c0_i32_0 : i32, i32
  }
  func.func @transform_7(%arg0: i32) -> (i32, i32) {
    %c0_i32 = arith.constant 0 : i32
    %c0_i32_0 = arith.constant 0 : i32
    return %arg0, %c0_i32 : i32, i32
  }
  func.func @transform_8(%arg0: i32) -> (i32, i32) {
    %c0_i32 = arith.constant 0 : i32
    %c0_i32_0 = arith.constant 0 : i32
    return %arg0, %c0_i32 : i32, i32
  }
  func.func @transform_9(%arg0: i32) -> (i32, i32) {
    %c0_i32 = arith.constant 0 : i32
    %c0_i32_0 = arith.constant 0 : i32
    %c0_i32_1 = arith.constant 0 : i32
    return %c0_i32, %c0_i32_0 : i32, i32
  }
}

module attributes {stable_mosaic.version = 14 : i64} {
  func.func @_stage2_body(%arg0: i32, %arg1: memref<1000x128xf32, #tpu.memory_space<vmem>>, %arg2: memref<8x128xf32, #tpu.memory_space<vmem>>, %arg3: memref<1x128xf32, #tpu.memory_space<vmem>>, %arg4: memref<1x128xf32, #tpu.memory_space<vmem>>, %arg5: memref<128x128xf32, #tpu.memory_space<vmem>>, %arg6: memref<1x128xf32, #tpu.memory_space<vmem>>, %arg7: memref<1000x128xf32, #tpu.memory_space<vmem>>, %arg8: memref<1000x128xf32, #tpu.memory_space<vmem>>, %arg9: memref<8x128xf32, #tpu.memory_space<vmem>>) attributes {dimension_semantics = [#tpu.dimension_semantics<arbitrary>], iteration_bounds = array<i64: 10>, scalar_prefetch = 0 : i64, scratch_operands = 0 : i64, tpu.core_type = #tpu.core_type<tc>, window_params = [{transform_indices = @transform_0, window_bounds = array<i64: 1000, 128>}, {pipeline_mode = #tpu.pipeline_mode<synchronous>, transform_indices = @transform_1, window_bounds = array<i64: 8, 128>}, {pipeline_mode = #tpu.pipeline_mode<synchronous>, transform_indices = @transform_2, window_bounds = array<i64: 1, 128>}, {pipeline_mode = #tpu.pipeline_mode<synchronous>, transform_indices = @transform_3, window_bounds = array<i64: 1, 128>}, {pipeline_mode = #tpu.pipeline_mode<synchronous>, transform_indices = @transform_4, window_bounds = array<i64: 128, 128>}, {pipeline_mode = #tpu.pipeline_mode<synchronous>, transform_indices = @transform_5, window_bounds = array<i64: 1, 128>}, {transform_indices = @transform_6, window_bounds = array<i64: 1000, 128>}, {transform_indices = @transform_7, window_bounds = array<i64: 1000, 128>}, {pipeline_mode = #tpu.pipeline_mode<synchronous>, transform_indices = @transform_8, window_bounds = array<i64: 8, 128>}]} {
    %get3A = arith.constant 0 : index
    %get3A_0 = arith.constant 0 : index
    %get3A_1 = vector.load %arg2[%get3A, %get3A_0] : memref<8x128xf32, #tpu.memory_space<vmem>>, vector<1x128xf32>
    %get3A_2 = vector.shape_cast %get3A_1 : vector<1x128xf32> to vector<128xf32>
    %div3A = arith.constant 1.000000e+04 : f32
    %div3A_3 = vector.broadcast %div3A : f32 to vector<128xf32>
    %div3A_4 = arith.divf %get3A_2, %div3A_3 : vector<128xf32>
    %get3A_5 = arith.constant 1 : index
    %get3A_6 = arith.constant 0 : index
    %get3A_7 = vector.load %arg2[%get3A_5, %get3A_6] : memref<8x128xf32, #tpu.memory_space<vmem>>, vector<1x128xf32>
    %get3A_8 = vector.shape_cast %get3A_7 : vector<1x128xf32> to vector<128xf32>
    %div3A_9 = arith.constant 1.000000e+04 : f32
    %div3A_10 = vector.broadcast %div3A_9 : f32 to vector<128xf32>
    %div3A_11 = arith.divf %get3A_8, %div3A_10 : vector<128xf32>
    %mul3A = arith.mulf %div3A_4, %div3A_4 : vector<128xf32>
    %sub3A = arith.subf %div3A_11, %mul3A : vector<128xf32>
    %get3A_12 = arith.constant 0 : index
    %get3A_13 = arith.constant 0 : index
    %get3A_14 = vector.load %arg3[%get3A_12, %get3A_13] : memref<1x128xf32, #tpu.memory_space<vmem>>, vector<1x128xf32>
    %get3A_15 = vector.shape_cast %get3A_14 : vector<1x128xf32> to vector<128xf32>
    %add3A = arith.constant 9.99999974E-6 : f32
    %add3A_16 = vector.broadcast %add3A : f32 to vector<128xf32>
    %add3A_17 = arith.addf %sub3A, %add3A_16 : vector<128xf32>
    %rsqrt3A = math.rsqrt %add3A_17 : vector<128xf32>
    %mul3A_18 = arith.mulf %get3A_15, %rsqrt3A : vector<128xf32>
    %get3A_19 = arith.constant 0 : index
    %get3A_20 = arith.constant 0 : index
    %get3A_21 = vector.load %arg4[%get3A_19, %get3A_20] : memref<1x128xf32, #tpu.memory_space<vmem>>, vector<1x128xf32>
    %get3A_22 = vector.shape_cast %get3A_21 : vector<1x128xf32> to vector<128xf32>
    %mul3A_23 = arith.mulf %div3A_4, %mul3A_18 : vector<128xf32>
    %sub3A_24 = arith.subf %get3A_22, %mul3A_23 : vector<128xf32>
    %get3A_25 = arith.constant 0 : index
    %get3A_26 = arith.constant 0 : index
    %get3A_27 = vector.load %arg1[%get3A_25, %get3A_26] : memref<1000x128xf32, #tpu.memory_space<vmem>>, vector<1000x128xf32>
    %broadcast_in_dim3A = vector.shape_cast %mul3A_18 : vector<128xf32> to vector<1x128xf32>
    %mul3A_28 = vector.broadcast %broadcast_in_dim3A : vector<1x128xf32> to vector<1000x128xf32>
    %mul3A_29 = arith.mulf %get3A_27, %mul3A_28 : vector<1000x128xf32>
    %broadcast_in_dim3A_30 = vector.shape_cast %sub3A_24 : vector<128xf32> to vector<1x128xf32>
    %add3A_31 = vector.broadcast %broadcast_in_dim3A_30 : vector<1x128xf32> to vector<1000x128xf32>
    %add3A_32 = arith.addf %mul3A_29, %add3A_31 : vector<1000x128xf32>
    %swap3A = arith.constant 0 : index
    %swap3A_33 = arith.constant 0 : index
    %swap3A_34 = vector.load %arg7[%swap3A, %swap3A_33] : memref<1000x128xf32, #tpu.memory_space<vmem>>, vector<1000x128xf32>
    tpu.vector_store %arg7[%swap3A, %swap3A_33], %add3A_32 {strides = array<i32>} : memref<1000x128xf32, #tpu.memory_space<vmem>>, vector<1000x128xf32>,
    %get3A_35 = arith.constant 0 : index
    %get3A_36 = arith.constant 0 : index
    %get3A_37 = vector.load %arg5[%get3A_35, %get3A_36] : memref<128x128xf32, #tpu.memory_space<vmem>>, vector<128x128xf32>
    %dot_general3A = arith.constant dense<0.000000e+00> : vector<1000x128xf32>
    %dot_general3A_38 = tpu.matmul %add3A_32, %get3A_37, %dot_general3A {dimension_numbers = #tpu.dot_dimension_numbers<[1], [0], [0], [1], [0, 0, 1, 1], [], []>, transpose_lhs_hint = false} : vector<1000x128xf32>, vector<128x128xf32>, vector<1000x128xf32> -> vector<1000x128xf32>
    %get3A_39 = arith.constant 0 : index
    %get3A_40 = arith.constant 0 : index
    %get3A_41 = vector.load %arg6[%get3A_39, %get3A_40] : memref<1x128xf32, #tpu.memory_space<vmem>>, vector<1x128xf32>
    %add3A_42 = vector.broadcast %get3A_41 : vector<1x128xf32> to vector<1000x128xf32>
    %add3A_43 = arith.addf %dot_general3A_38, %add3A_42 : vector<1000x128xf32>
    %max3A = arith.constant 0.000000e+00 : f32
    %max3A_44 = vector.broadcast %max3A : f32 to vector<1000x128xf32>
    %max3A_45 = arith.maximumf %add3A_43, %max3A_44 : vector<1000x128xf32>
    %swap3A_46 = arith.constant 0 : index
    %swap3A_47 = arith.constant 0 : index
    %swap3A_48 = vector.load %arg8[%swap3A_46, %swap3A_47] : memref<1000x128xf32, #tpu.memory_space<vmem>>, vector<1000x128xf32>
    tpu.vector_store %arg8[%swap3A_46, %swap3A_47], %max3A_45 {strides = array<i32>} : memref<1000x128xf32, #tpu.memory_space<vmem>>, vector<1000x128xf32>,
    %reduce_sum3A = arith.constant dense<0.000000e+00> : vector<128xf32>
    %reduce_sum3A_49 = vector.multi_reduction <add>, %max3A_45, %reduce_sum3A [0] : vector<1000x128xf32> to vector<128xf32>
    %mul3A_50 = arith.mulf %max3A_45, %max3A_45 : vector<1000x128xf32>
    %reduce_sum3A_51 = arith.constant dense<0.000000e+00> : vector<128xf32>
    %reduce_sum3A_52 = vector.multi_reduction <add>, %mul3A_50, %reduce_sum3A_51 [0] : vector<1000x128xf32> to vector<128xf32>
    %broadcast_in_dim3A_53 = vector.shape_cast %reduce_sum3A_49 : vector<128xf32> to vector<1x128xf32>
    %broadcast_in_dim3A_54 = vector.shape_cast %reduce_sum3A_52 : vector<128xf32> to vector<1x128xf32>
    %broadcast_in_dim3A_55 = arith.constant 0.000000e+00 : f32
    %broadcast_in_dim3A_56 = vector.broadcast %broadcast_in_dim3A_55 : f32 to vector<6x128xf32>
    %concatenate3A = tpu.concatenate %broadcast_in_dim3A_53, %broadcast_in_dim3A_54, %broadcast_in_dim3A_56 in 0 : vector<1x128xf32>, vector<1x128xf32>, vector<6x128xf32> -> vector<8x128xf32>
    %eq3A = arith.constant 0 : i32
    %eq3A_57 = arith.cmpi eq, %arg0, %eq3A : i32
    %convert_element_type3A = arith.extui %eq3A_57 : i1 to i32
    %cond3A = arith.constant 0 : i32
    %cond3A_58 = arith.cmpi ne, %convert_element_type3A, %cond3A : i32
    scf.if %cond3A_58 {
      %swap3A_63 = arith.constant 0 : index
      %swap3A_64 = arith.constant 0 : index
      %swap3A_65 = vector.load %arg9[%swap3A_63, %swap3A_64] : memref<8x128xf32, #tpu.memory_space<vmem>>, vector<8x128xf32>
      tpu.vector_store %arg9[%swap3A_63, %swap3A_64], %concatenate3A {strides = array<i32>} : memref<8x128xf32, #tpu.memory_space<vmem>>, vector<8x128xf32>,
    } else {
    }
    %gt3A = arith.constant 0 : i32
    %gt3A_59 = arith.cmpi sgt, %arg0, %gt3A : i32
    %convert_element_type3A_60 = arith.extui %gt3A_59 : i1 to i32
    %cond3A_61 = arith.constant 0 : i32
    %cond3A_62 = arith.cmpi ne, %convert_element_type3A_60, %cond3A_61 : i32
    scf.if %cond3A_62 {
      %get3A_63 = arith.constant 0 : index
      %get3A_64 = arith.constant 0 : index
      %get3A_65 = vector.load %arg9[%get3A_63, %get3A_64] : memref<8x128xf32, #tpu.memory_space<vmem>>, vector<8x128xf32>
      %add3A_66 = arith.addf %get3A_65, %concatenate3A : vector<8x128xf32>
      %swap3A_67 = arith.constant 0 : index
      %swap3A_68 = arith.constant 0 : index
      %swap3A_69 = vector.load %arg9[%swap3A_67, %swap3A_68] : memref<8x128xf32, #tpu.memory_space<vmem>>, vector<8x128xf32>
      tpu.vector_store %arg9[%swap3A_67, %swap3A_68], %add3A_66 {strides = array<i32>} : memref<8x128xf32, #tpu.memory_space<vmem>>, vector<8x128xf32>,
    } else {
    }
    return
  }
  func.func @transform_0(%arg0: i32) -> (i32, i32) {
    %c0_i32 = arith.constant 0 : i32
    %c0_i32_0 = arith.constant 0 : i32
    return %arg0, %c0_i32 : i32, i32
  }
  func.func @transform_1(%arg0: i32) -> (i32, i32) {
    %c0_i32 = arith.constant 0 : i32
    %c0_i32_0 = arith.constant 0 : i32
    %c0_i32_1 = arith.constant 0 : i32
    return %c0_i32, %c0_i32_0 : i32, i32
  }
  func.func @transform_2(%arg0: i32) -> (i32, i32) {
    %c0_i32 = arith.constant 0 : i32
    %c0_i32_0 = arith.constant 0 : i32
    %c0_i32_1 = arith.constant 0 : i32
    return %c0_i32, %c0_i32_0 : i32, i32
  }
  func.func @transform_3(%arg0: i32) -> (i32, i32) {
    %c0_i32 = arith.constant 0 : i32
    %c0_i32_0 = arith.constant 0 : i32
    %c0_i32_1 = arith.constant 0 : i32
    return %c0_i32, %c0_i32_0 : i32, i32
  }
  func.func @transform_4(%arg0: i32) -> (i32, i32) {
    %c0_i32 = arith.constant 0 : i32
    %c0_i32_0 = arith.constant 0 : i32
    %c0_i32_1 = arith.constant 0 : i32
    return %c0_i32, %c0_i32_0 : i32, i32
  }
  func.func @transform_5(%arg0: i32) -> (i32, i32) {
    %c0_i32 = arith.constant 0 : i32
    %c0_i32_0 = arith.constant 0 : i32
    %c0_i32_1 = arith.constant 0 : i32
    return %c0_i32, %c0_i32_0 : i32, i32
  }
  func.func @transform_6(%arg0: i32) -> (i32, i32) {
    %c0_i32 = arith.constant 0 : i32
    %c0_i32_0 = arith.constant 0 : i32
    return %arg0, %c0_i32 : i32, i32
  }
  func.func @transform_7(%arg0: i32) -> (i32, i32) {
    %c0_i32 = arith.constant 0 : i32
    %c0_i32_0 = arith.constant 0 : i32
    return %arg0, %c0_i32 : i32, i32
  }
  func.func @transform_8(%arg0: i32) -> (i32, i32) {
    %c0_i32 = arith.constant 0 : i32
    %c0_i32_0 = arith.constant 0 : i32
    %c0_i32_1 = arith.constant 0 : i32
    return %c0_i32, %c0_i32_0 : i32, i32
  }
}

module attributes {stable_mosaic.version = 14 : i64} {
  func.func @_stage4_body(%arg0: i32, %arg1: memref<1000x128xf32, #tpu.memory_space<vmem>>, %arg2: memref<8x128xf32, #tpu.memory_space<vmem>>, %arg3: memref<1000x128xf32, #tpu.memory_space<vmem>>, %arg4: memref<1x128xf32, #tpu.memory_space<vmem>>, %arg5: memref<1x128xf32, #tpu.memory_space<vmem>>, %arg6: memref<1000x128xf32, #tpu.memory_space<vmem>>) attributes {dimension_semantics = [#tpu.dimension_semantics<arbitrary>], iteration_bounds = array<i64: 10>, scalar_prefetch = 0 : i64, scratch_operands = 0 : i64, tpu.core_type = #tpu.core_type<tc>, window_params = [{transform_indices = @transform_0, window_bounds = array<i64: 1000, 128>}, {pipeline_mode = #tpu.pipeline_mode<synchronous>, transform_indices = @transform_1, window_bounds = array<i64: 8, 128>}, {transform_indices = @transform_2, window_bounds = array<i64: 1000, 128>}, {pipeline_mode = #tpu.pipeline_mode<synchronous>, transform_indices = @transform_3, window_bounds = array<i64: 1, 128>}, {pipeline_mode = #tpu.pipeline_mode<synchronous>, transform_indices = @transform_4, window_bounds = array<i64: 1, 128>}, {transform_indices = @transform_5, window_bounds = array<i64: 1000, 128>}]} {
    %get3A = arith.constant 0 : index
    %get3A_0 = arith.constant 0 : index
    %get3A_1 = vector.load %arg2[%get3A, %get3A_0] : memref<8x128xf32, #tpu.memory_space<vmem>>, vector<1x128xf32>
    %get3A_2 = vector.shape_cast %get3A_1 : vector<1x128xf32> to vector<128xf32>
    %div3A = arith.constant 1.000000e+04 : f32
    %div3A_3 = vector.broadcast %div3A : f32 to vector<128xf32>
    %div3A_4 = arith.divf %get3A_2, %div3A_3 : vector<128xf32>
    %get3A_5 = arith.constant 1 : index
    %get3A_6 = arith.constant 0 : index
    %get3A_7 = vector.load %arg2[%get3A_5, %get3A_6] : memref<8x128xf32, #tpu.memory_space<vmem>>, vector<1x128xf32>
    %get3A_8 = vector.shape_cast %get3A_7 : vector<1x128xf32> to vector<128xf32>
    %div3A_9 = arith.constant 1.000000e+04 : f32
    %div3A_10 = vector.broadcast %div3A_9 : f32 to vector<128xf32>
    %div3A_11 = arith.divf %get3A_8, %div3A_10 : vector<128xf32>
    %mul3A = arith.mulf %div3A_4, %div3A_4 : vector<128xf32>
    %sub3A = arith.subf %div3A_11, %mul3A : vector<128xf32>
    %get3A_12 = arith.constant 0 : index
    %get3A_13 = arith.constant 0 : index
    %get3A_14 = vector.load %arg4[%get3A_12, %get3A_13] : memref<1x128xf32, #tpu.memory_space<vmem>>, vector<1x128xf32>
    %get3A_15 = vector.shape_cast %get3A_14 : vector<1x128xf32> to vector<128xf32>
    %add3A = arith.constant 9.99999974E-6 : f32
    %add3A_16 = vector.broadcast %add3A : f32 to vector<128xf32>
    %add3A_17 = arith.addf %sub3A, %add3A_16 : vector<128xf32>
    %rsqrt3A = math.rsqrt %add3A_17 : vector<128xf32>
    %mul3A_18 = arith.mulf %get3A_15, %rsqrt3A : vector<128xf32>
    %get3A_19 = arith.constant 0 : index
    %get3A_20 = arith.constant 0 : index
    %get3A_21 = vector.load %arg5[%get3A_19, %get3A_20] : memref<1x128xf32, #tpu.memory_space<vmem>>, vector<1x128xf32>
    %get3A_22 = vector.shape_cast %get3A_21 : vector<1x128xf32> to vector<128xf32>
    %mul3A_23 = arith.mulf %div3A_4, %mul3A_18 : vector<128xf32>
    %sub3A_24 = arith.subf %get3A_22, %mul3A_23 : vector<128xf32>
    %get3A_25 = arith.constant 0 : index
    %get3A_26 = arith.constant 0 : index
    %get3A_27 = vector.load %arg1[%get3A_25, %get3A_26] : memref<1000x128xf32, #tpu.memory_space<vmem>>, vector<1000x128xf32>
    %broadcast_in_dim3A = vector.shape_cast %mul3A_18 : vector<128xf32> to vector<1x128xf32>
    %mul3A_28 = vector.broadcast %broadcast_in_dim3A : vector<1x128xf32> to vector<1000x128xf32>
    %mul3A_29 = arith.mulf %get3A_27, %mul3A_28 : vector<1000x128xf32>
    %broadcast_in_dim3A_30 = vector.shape_cast %sub3A_24 : vector<128xf32> to vector<1x128xf32>
    %add3A_31 = vector.broadcast %broadcast_in_dim3A_30 : vector<1x128xf32> to vector<1000x128xf32>
    %add3A_32 = arith.addf %mul3A_29, %add3A_31 : vector<1000x128xf32>
    %get3A_33 = arith.constant 0 : index
    %get3A_34 = arith.constant 0 : index
    %get3A_35 = vector.load %arg3[%get3A_33, %get3A_34] : memref<1000x128xf32, #tpu.memory_space<vmem>>, vector<1000x128xf32>
    %add3A_36 = arith.addf %add3A_32, %get3A_35 : vector<1000x128xf32>
    %swap3A = arith.constant 0 : index
    %swap3A_37 = arith.constant 0 : index
    %swap3A_38 = vector.load %arg6[%swap3A, %swap3A_37] : memref<1000x128xf32, #tpu.memory_space<vmem>>, vector<1000x128xf32>
    tpu.vector_store %arg6[%swap3A, %swap3A_37], %add3A_36 {strides = array<i32>} : memref<1000x128xf32, #tpu.memory_space<vmem>>, vector<1000x128xf32>,
    return
  }
  func.func @transform_0(%arg0: i32) -> (i32, i32) {
    %c0_i32 = arith.constant 0 : i32
    %c0_i32_0 = arith.constant 0 : i32
    return %arg0, %c0_i32 : i32, i32
  }
  func.func @transform_1(%arg0: i32) -> (i32, i32) {
    %c0_i32 = arith.constant 0 : i32
    %c0_i32_0 = arith.constant 0 : i32
    %c0_i32_1 = arith.constant 0 : i32
    return %c0_i32, %c0_i32_0 : i32, i32
  }
  func.func @transform_2(%arg0: i32) -> (i32, i32) {
    %c0_i32 = arith.constant 0 : i32
    %c0_i32_0 = arith.constant 0 : i32
    return %arg0, %c0_i32 : i32, i32
  }
  func.func @transform_3(%arg0: i32) -> (i32, i32) {
    %c0_i32 = arith.constant 0 : i32
    %c0_i32_0 = arith.constant 0 : i32
    %c0_i32_1 = arith.constant 0 : i32
    return %c0_i32, %c0_i32_0 : i32, i32
  }
  func.func @transform_4(%arg0: i32) -> (i32, i32) {
    %c0_i32 = arith.constant 0 : i32
    %c0_i32_0 = arith.constant 0 : i32
    %c0_i32_1 = arith.constant 0 : i32
    return %c0_i32, %c0_i32_0 : i32, i32
  }
  func.func @transform_5(%arg0: i32) -> (i32, i32) {
    %c0_i32 = arith.constant 0 : i32
    %c0_i32_0 = arith.constant 0 : i32
    return %arg0, %c0_i32 : i32, i32
  }
}

</mosaic_0001>

<sc_bundles>
// kernel: kernel.12.cloned.1.call-start
scs
__scs_entry_jumppad:
0x0: {  	(pc) =	sbr.rel $0x88, $3  }
0x1: {  	(tag) =	ssettag $0x0;
	lr =	simm.s32 $0x1  }
0x2: {  	[smem:$0x3F8D] =	sst lr;
	_ =	strace $0xD0000000  }
0x3: {  	_ = 	snop  }
0x4: {  	_ = 	snop  }
0x5: {  	_ = 	snop  }
0x6: {  	_ = 	snop  }
0x7: {  	_ = 	snop  }
__scs_overlays_trampoline_lowered:
0x8: {  	[smem:$0x3F9C] =	sst s0  }
0x9: {  	[smem:$0x3F9D] =	sst s1  }
0xa: {  	[smem:$0x3F9E] =	sst s2  }
0xb: {  	[smem:$0x3F9F] =	sst s3  }
0xc: {  	[smem:$0x3FA0] =	sst s4  }
0xd: {  	[smem:$0x3FA1] =	sst s5  }
0xe: {  	[smem:$0x3FA2] =	sst s6  }
0xf: {  	[smem:$0x3FA3] =	sst s7  }
0x10: {  	[smem:$0x3FA4] =	sst s8  }
0x11: {  	[smem:$0x3FA5] =	sst s9;
	s0 =	simm.s32 @!p0 $0x0  }
0x12: {  	s1 =	sld [smem:$0x3F8B];
	s0 =	simm.s32 @p0 $0x1  }
0x13: {  	[smem:$0x3FA6] =	sst s0;
	s0 =	simm.s32 @!p1 $0x0  }
0x14: {  	s2 =	sld [smem:$0x3F8A];
	s0 =	simm.s32 @p1 $0x1  }
0x15: {  	[smem:$0x3FA7] =	sst s0;
	s0 =	simm.s32 @!p2 $0x0  }
0x16: {  	s3 =	sld [smem:$0x3FDB];
	s0 =	simm.s32 @p2 $0x1  }
0x17: {  	s4 =	simm.s32 $0x1BF5;
	[smem:$0x3FA9] =	sst s0  }
0x18: {  	s0 =	sld [smem:$0x3F8C];
	_ =	swait.ge [sflag:s4], $0x0  }
0x19: {  	s7 =	sld [smem:$0x3F8D]  }
0x1a: {  	s8 =	sadd.s32 $0xFFFFE003, lr  }
0x1b: {  	s9 =	sadd.s32 $0xFFFFFEF7, lr;
	s5 =	simm.s32 $0xFFFFFFFF;
	p2 =	slt.u32 s8, $0xFFFFF086  }
0x1c: {  	p1 =	slt.u32 s9, $0xF7A;
	s5 =	simm.s32 @!p2 $0x0  }
0x1d: {  	s5 =	simm.s32 @p1 $0x1;
	p0 =	seq.s32 s7, s2  }
0x1e: {  	s7 =	smul.u32 @!p0 $0xF7A, s2;
	p2 =	seq.s32 @!p0 s5, $0x0  }
0x1f: {  	s9 =	smul.u32 $0xF7A, s1;
	s8 =	simm.s32 @!p0 $0x1BF5;
	p2 =	por !p2, p0  }
0x20: {  	[sflag:s8] =	ssyncset.s32 @!p0 $0xFFFFF086;
	s6 =	sadd.s32 @!p0 s3, s7;
	s7 =	simm.s32 @!p0 $0x108  }
0x21: {  	s3 =	sadd.s32 s3, s9;
	s6 =	sadd.s32 @!p0 $0x88, s6;
	s7 =	simm.s32 @p2 $0x1082  }
0x22: {  	[simem:s7], [sflag:s8] =	dma.local @!p0 [hbm:s6], $0xF7A  }
0x23: {  	s9 =	sor.u32 $0xD0000000, s2;
	s6 =	simm.s32 $0x108;
	_ =	swait.ge @!p0 [sflag:s8], $0x0  }
0x24: {  	s3 =	sadd.s32 $0x88, s3;
	s6 =	simm.s32 @!p1 $0x1082;
	[sflag:s4] =	ssyncset.s32 $0xFFFFF086  }
0x25: {  	[simem:s6], [sflag:s4] =	dma.local [hbm:s3], $0xF7A  }
0x26: {  	[smem:$0x3F8D] =	sst s1;
	(tag) =	ssettag s2;
	_ =	strace s9  }
0x27: {  	s1 =	sld [smem:$0x3F9D]  }
0x28: {  	s2 =	sld [smem:$0x3F9E]  }
0x29: {  	s4 =	sld [smem:$0x3FA0]  }
0x2a: {  	p0 =	seq.s32 s5, $0x0;
	s5 =	sld [smem:$0x3FA1]  }
0x2b: {  	s6 =	sld [smem:$0x3FA2]  }
0x2c: {  	s7 =	sld [smem:$0x3FA3]  }
0x2d: {  	s3 =	simm.s32 $0x108;
	s8 =	sld [smem:$0x3FA4]  }
0x2e: {  	s3 =	simm.s32 @!p0 $0x1082;
	s9 =	sld [smem:$0x3FA5]  }
0x2f: {  	lr =	sadd.s32 s0, s3;
	s0 =	sld [smem:$0x3F9C]  }
0x30: {  	s3 =	sld [smem:$0x3F9F]  }
0x31: {  	[smem:$0x3FA8] =	sst s10  }
0x32: {  	s10 =	sld [smem:$0x3FA6];
	_ =	sdelay $0x3  }
0x33: {  	p0 =	seq.s32 s10, $0x1;
	s10 =	sld [smem:$0x3FA8];
	_ =	sdelay $0x3  }
0x34: {  	[smem:$0x3FA8] =	sst s10  }
0x35: {  	s10 =	sld [smem:$0x3FA7];
	_ =	sdelay $0x3  }
0x36: {  	p1 =	seq.s32 s10, $0x1;
	s10 =	sld [smem:$0x3FA8];
	_ =	sdelay $0x3  }
0x37: {  	[smem:$0x3FA8] =	sst s10  }
0x38: {  	s10 =	sld [smem:$0x3FA9]  }
0x39: {  	_ = 	snop;
	(pc) =	sbr.ind lr, $3  }
0x3a: {  	_ = 	snop  }
0x3b: {  	_ = 	snop  }
0x3c: {  	p2 =	seq.s32 s10, $0x1;
	s10 =	sld [smem:$0x3FA8]  }
0x3d: {  	_ =	shalt  }
0x3e: {  	_ =	shalt  }
0x3f: {  	_ =	shalt  }
0x40: {  	_ =	shalt  }
0x41: {  	_ =	shalt  }
0x42: {  	_ =	shalt  }
0x43: {  	_ =	shalt  }
0x44: {  	_ =	shalt  }
0x45: {  	_ =	shalt  }
0x46: {  	_ =	shalt  }
0x47: {  	_ =	shalt  }
0x48: {  	_ =	shalt  }
0x49: {  	_ =	shalt  }
0x4a: {  	_ =	shalt  }
0x4b: {  	_ =	shalt  }
0x4c: {  	_ =	shalt  }
0x4d: {  	_ =	shalt  }
0x4e: {  	_ =	shalt  }
0x4f: {  	_ =	shalt  }
0x50: {  	_ =	shalt  }
0x51: {  	_ =	shalt  }
0x52: {  	_ =	shalt  }
0x53: {  	_ =	shalt  }
0x54: {  	_ =	shalt  }
0x55: {  	_ =	shalt  }
0x56: {  	_ =	shalt  }
0x57: {  	_ =	shalt  }
0x58: {  	_ =	shalt  }
0x59: {  	_ =	shalt  }
0x5a: {  	_ =	shalt  }
0x5b: {  	_ =	shalt  }
0x5c: {  	_ =	shalt  }
0x5d: {  	_ =	shalt  }
0x5e: {  	_ =	shalt  }
0x5f: {  	_ =	shalt  }
0x60: {  	_ =	shalt  }
0x61: {  	_ =	shalt  }
0x62: {  	_ =	shalt  }
0x63: {  	_ =	shalt  }
0x64: {  	_ =	shalt  }
0x65: {  	_ =	shalt  }
0x66: {  	_ =	shalt  }
0x67: {  	_ =	shalt  }
0x68: {  	_ =	shalt  }
0x69: {  	_ =	shalt  }
0x6a: {  	_ =	shalt  }
0x6b: {  	_ =	shalt  }
0x6c: {  	_ =	shalt  }
0x6d: {  	_ =	shalt  }
0x6e: {  	_ =	shalt  }
0x6f: {  	_ =	shalt  }
0x70: {  	_ =	shalt  }
0x71: {  	_ =	shalt  }
0x72: {  	_ =	shalt  }
0x73: {  	_ =	shalt  }
0x74: {  	_ =	shalt  }
0x75: {  	_ =	shalt  }
0x76: {  	_ =	shalt  }
0x77: {  	_ =	shalt  }
0x78: {  	_ =	shalt  }
0x79: {  	_ =	shalt  }
0x7a: {  	_ =	shalt  }
0x7b: {  	_ =	shalt  }
0x7c: {  	_ =	shalt  }
0x7d: {  	_ =	shalt  }
0x7e: {  	_ =	shalt  }
0x7f: {  	_ =	shalt  }
0x80: {  	_ =	shalt  }
0x81: {  	_ =	shalt  }
0x82: {  	_ =	shalt  }
0x83: {  	_ =	shalt  }
0x84: {  	_ =	shalt  }
0x85: {  	_ =	shalt  }
0x86: {  	_ =	shalt  }
0x87: {  	_ =	shalt  }
.Lfunc_end0:
.L_simem_size_0:
called_computation.1_lowered:
.L_overlay_start_0:
0x88: {  	s2 =	sld [smem:$0x3FD9]  }
0x89: {  	s3 =	sld [smem:$0x3FFE];
	_ =	sdelay $0x1  }
0x8a: {  	s1 =	srdreg.scid  }
0x8b: {  	s0 =	sand.u32 $0x1, s1  }
0x8c: {  	s17 =	sshll.u32 s0, $0xA;
	s2 =	sadd.s32 s3, s2  }
0x8d: {  	s2 =	sadd.s32 s2, s17  }
0x8e: {  	[smem:$0x3FB4] =	sst s2  }
0x8f: {  	_ = 	snop  }
0x90: {  	s2 =	sld [smem:$0x3FD0];
	(tm) =	ssettm $0x1  }
0x91: {  	s18 =	sld [smem:$0x3FFB];
	_ =	sdelay $0x3  }
0x92: {  	_ =	strace s18  }
0x93: {  	s3 =	sld [smem:$0x3FFC];
	_ =	sdelay $0x3  }
0x94: {  	_ =	strace s3  }
0x95: {  	s3 =	sld [smem:$0x3FFD];
	_ =	sdelay $0x3  }
0x96: {  	_ =	strace s3  }
0x97: {  	_ =	strace $0x8FFFFFFF  }
0x98: {  	s19 =	sld [smem:$0x3FDB];
	_ =	sdelay $0x1  }
0x99: {  	s4 =	simm.s32 $_scs_section_size  }
0x9a: {  	s5 =	simm.s32 $_size__tile_overlayer_lowered;
	s6 =	simm.s32 $_tile_overlayer_lowered  }
0x9b: {  	s22 =	simm.s32 $0x1BFF;
	s21 =	sshll.u32 s6, $0x1;
	s3 =	sadd.s32 s4, s19  }
0x9c: {  	s7 =	simm.s32 $0x0;
	s20 =	sshll.u32 s5, $0x1;
	s5 =	sadd.s32 s21, s3  }
0x9d: {  	[timem:s7], [sflag:s22] =	dma.local [hbm:s5], s20  }
0x9e: {  	_ =	swait.ge [sflag:s22], s20  }
0x9f: {  	s4 =	ssub.s32 $0x0, s20;
	[sflag:s22] =	ssyncset.done $0x0  }
0xa0: {  	[sflag:s22] =	ssyncadd.s32 s4;
	_ =	sdelay $0x1  }
0xa1: {  	s23 =	simm.s32 $0x1B8B  }
0xa2: {  	_ =	swait.ge [sflag:s23], $0x1  }
0xa3: {  	[sflag:s23] =	ssyncset.done $0x0  }
0xa4: {  	s25 =	simm.s32 $0x1B8E;
	s24 =	sld [smem:$0x3FFE];
	[sflag:s23] =	ssyncadd.s32 $0xFFFFFFFF  }
0xa5: {  	s26 =	simm.s32 $execute0_lowered;
	[smem:$0x3FD2] =	sst s25  }
0xa6: {  	s5 =	sshll.u32 s26, $0x1;
	_ =	strace $0x80000049;
	[dreg:$0x1] =	wrdreg $0xFFFFFFFF  }
0xa7: {  	s28 =	simm.s32 $_size_execute0_lowered;
	s3 =	sadd.s32 s3, s5;
	[dreg:$0x0] =	wrdreg $0x0  }
0xa8: {  	s5 =	sshll.u32 s28, $0x1;
	[dreg:$0x2] =	wrdreg s3  }
0xa9: {  	[dreg:$0x3] =	wrdreg s5  }
0xaa: {  	[dreg:$0x4] =	wrdreg $0xC0  }
0xab: {  	_ =	task [dreg:s7], $0x5FFFF  }
0xac: {  	[dreg:$0x1] =	wrdreg $0xFFFFFFFF  }
0xad: {  	[dreg:$0x0] =	wrdreg $0x60  }
0xae: {  	[dreg:$0x2] =	wrdreg s2  }
0xaf: {  	[dreg:$0x3] =	wrdreg s24  }
0xb0: {  	[dreg:$0x4] =	wrdreg $0x0  }
0xb1: {  	[dreg:$0x5] =	wrdreg $0x9  }
0xb2: {  	_ =	task.clear_ibuf [dreg:s7], $0x6FFFF;
	_ =	strace $0x90000049  }
0xb3: {  	s29 =	simm.s32 $0x9;
	_ =	strace $0x8000004B  }
0xb4: {  	_ =	swait.ge [sflag:s29], $0x1  }
0xb5: {  	[sflag:s29] =	ssyncadd.s32 $0xFFFFFFFF  }
0xb6: {  	_ =	strace $0x9000004B  }
0xb7: {  	_ =	sfence  }
0xb8: {  	s30 =	sld [smem:$0x0];
	_ =	sdelay $0x2  }
0xb9: {  	s31 =	sshll.u32 s1, $0xD;
	s1 =	sshrl.u32 s1, $0x2  }
0xba: {  	s3 =	sand.u32 $0x4000, s31;
	s1 =	sadd.s32 s1, s30  }
0xbb: {  	s0 =	sor.u32 s3, s0;
	s1 =	sshll.u32 s1, $0x11  }
0xbc: {  	s0 =	sor.u32 s1, s0  }
0xbd: {  	s0 =	sadd.s32 $0x8F2B, s0  }
0xbe: {  	[sflag:s0] =	ssyncadd.remote.s32 $0x1  }
0xbf: {  	_ =	sfence.sel $0xFFFF  }
0xc0: {  	[dreg:$0x0] =	wrdreg $0xFFFFFFFF;
	(pc) =	sbr.abs _section_cstart, $3  }
0xc1: {  	[dreg:$0x1] =	wrdreg $0xFFFFFFFF  }
0xc2: {  	_ =	task.clear_ibuf [dreg:s7], $0x2FFFF;
	_ =	strace $0x9FFFFFFF  }
0xc3: {  	(tm) =	ssettm $0x7FFFFFFF  }
tec
execute0_lowered:
.L_overlay_start_1:
0x0: {  	(tag) =	ssettag $0x1  }
0x1: {  	s1 =	rddreg [dreg:$0x0]  }
0x2: {  	s3 =	srdreg.scid;
	s10 =	stileid.u32  }
0x3: {  	s0 =	rddreg [dreg:$0x1];
	s3 =	sand.u32 $0x1, s3;
	s7 =	smul.u32 $0x14000, s10  }
0x4: {  	s2 =	rddreg [dreg:$0x2];
	s4 =	simm.s32 $0x0;
	s6 =	smul.u32 $0x140000, s3  }
0x5: {  	s28 =	simm.s32 $0x40;
	s29 =	simm.s32 $0x18000;
	[smem:$0x7FF] =	sst s4  }
0x6: {  	s5 =	sadd.s32 $0x4200, s0;
	s8 =	smul.u32 $0xA00, s10;
	s6 =	sadd.s32 s7, s6  }
0x7: {  	s10 =	smul.u32 $0x50000, s10;
	p0 =	seq.s32 s3, $0x0;
	s7 =	sshrl.u32 s6, $0x3  }
0x8: {  	s6 =	sadd.s32 $0x18200, s0;
	s0 =	sadd.s32 s7, s0;
	s7 =	sadd.s32 $0xA000, s8  }
0x9: {  	_ =	strace $0x8000004A;
	s7 =	smov.u32 @p0 s8;
	s0 =	sadd.s32 $0x40200, s0  }
0xa: {  	s15 =	sshrl.u32 s10, $0x2;
	s16 =	sadd.s32 s1, s7;
	[dreg:$0xf] =	wrdreg s0  }
0xb: {  	s8 =	sadd.s32 s15, s2;
	s17 =	sadd.s32 s5, s7;
	[dreg:$0x4] =	wrdreg s16  }
0xc: {  	s30 =	simm.s32 $0x1A000;
	s18 =	sadd.s32 $0x2000, s8;
	[dreg:$0x5] =	wrdreg s17  }
0xd: {  	s31 =	simm.s32 $0x1C000;
	s19 =	sadd.s32 $0x4000, s8;
	[dreg:$0x6] =	wrdreg s18  }
0xe: {  	s12 =	simm.s32 $0x0;
	s20 =	sadd.s32 $0x6000, s8;
	[dreg:$0x7] =	wrdreg s19  }
0xf: {  	s9 =	ssub.s32 $0x2, s3;
	s21 =	sadd.s32 $0x8000, s8;
	[dreg:$0x8] =	wrdreg s20  }
0x10: {  	s3 =	simm.s32 $0x5;
	s22 =	sadd.s32 $0xA000, s8;
	[dreg:$0x9] =	wrdreg s21  }
0x11: {  	s11 =	sshrl.u32 s9, $0x1;
	s23 =	sadd.s32 $0xC000, s8;
	[dreg:$0xa] =	wrdreg s22  }
0x12: {  	s10 =	simm.s32 $0x7;
	s24 =	sadd.s32 $0xE000, s8;
	[dreg:$0xb] =	wrdreg s23  }
0x13: {  	s9 =	ssub.s32 s9, s11;
	s25 =	sadd.s32 $0x10000, s8;
	[dreg:$0xc] =	wrdreg s24  }
0x14: {  	s11 =	simm.s32 $0x2;
	s26 =	sadd.s32 $0x12000, s8;
	[dreg:$0xd] =	wrdreg s25  }
0x15: {  	s0 =	simm.s32 $0x1E000;
	[dreg:$0xe] =	wrdreg s26;
	s21 =	smax.u32 s9, $0x1  }
0x16: {  	s24 =	simm.s32 $0x16000;
	s25 =	simm.s32 $0x8;
	s26 =	simm.s32 $0x3  }
0x17: {  	v0 =	vimm.f32 $0.0e+00;
	s22 =	simm.s32 $0x4;
	s23 =	simm.s32 $0x1;
	s9 =	simm.s32 $0x6  }
.LBB2_1:
0x18: {  	s13 =	rddreg [dreg:$0x4]  }
0x19: {  	s14 =	simm.s32 $0x14000;
	s17 =	rddreg [dreg:$0x5];
	s19 =	sand.u32 $0x7E00, s4  }
0x1a: {  	[tilespmem:s14], [sflag:$0x3] =	stream.linear.gather [hbm4b:s13+s4], $0x800, $0x38;
	v63 =	vld [tilespmem:$0x0]  }
0x1b: {  	s18 =	simm.s32 $0x15000;
	s20 =	sand.u32 $0x70, s4;
	s15 =	sshrl.u32 s19, $0x2  }
0x1c: {  	s13 =	simm.s32 $0x40;
	s14 =	simm.s32 $0x0;
	s15 =	sor.u32 s20, s15  }
0x1d: {  	[tilespmem:s18], [sflag:$0x1] =	stream.linear.gather [hbm4b:s17+s4], $0x800, $0x38;
	v63 =	vld [tilespmem:$0x0]  }
.LBB2_2:
0x1e: {  	p0 =	sne.s32 s13, $0x7FC0  }
0x1f: {  	[tilespmem:s15+$0x16000] =	vst v0;
	s14 =	sadd.s32 $0x10, s14;
	s15 =	smov.u32 s13;
	s13 =	sadd.s32 $0x40, s13  }
.Ltmp0:
0x20: {  	(pc) =	sbr.rel @p0 .LBB2_2-.Ltmp0, $4  }
0x21: {  	_ = 	snop  }
0x22: {  	s15 =	sand.u32 $0x7E00, s15  }
0x23: {  	s16 =	sand.u32 $0x70, s14;
	s15 =	sshrl.u32 s15, $0x2  }
0x24: {  	s15 =	sor.u32 s16, s15  }
0x25: {  	[tilespmem:s15+$0x16000] =	vst v0  }
0x26: {  	[spmem:s8] =	stream.linear.scatter [tilespmem:s24], [sflag:$0x8], $0x2000, $0x38;
	v63 =	vld [tilespmem:$0x0]  }
0x27: {  	_ =	swait.ge [sflag:s25], $0x2000  }
0x28: {  	[sflag:s25] =	ssyncset.done $0x0  }
0x29: {  	s13 =	rddreg [dreg:$0x6];
	[sflag:s25] =	ssyncadd.s32 $0xFFFFE000  }
0x2a: {  	[spmem:s13] =	stream.linear.scatter [tilespmem:s24], [sflag:$0x8], $0x2000, $0x38;
	v63 =	vld [tilespmem:$0x0]  }
0x2b: {  	_ =	swait.ge [sflag:s25], $0x2000  }
0x2c: {  	[sflag:s25] =	ssyncset.done $0x0  }
0x2d: {  	s17 =	rddreg [dreg:$0x7];
	[sflag:s25] =	ssyncadd.s32 $0xFFFFE000  }
0x2e: {  	[spmem:s17] =	stream.linear.scatter [tilespmem:s24], [sflag:$0x8], $0x2000, $0x38;
	v63 =	vld [tilespmem:$0x0]  }
0x2f: {  	_ =	swait.ge [sflag:s25], $0x2000  }
0x30: {  	[sflag:s25] =	ssyncset.done $0x0  }
0x31: {  	s18 =	rddreg [dreg:$0x8];
	[sflag:s25] =	ssyncadd.s32 $0xFFFFE000  }
0x32: {  	[spmem:s18] =	stream.linear.scatter [tilespmem:s24], [sflag:$0x8], $0x2000, $0x38;
	v63 =	vld [tilespmem:$0x0]  }
0x33: {  	_ =	swait.ge [sflag:s25], $0x2000  }
0x34: {  	[sflag:s25] =	ssyncset.done $0x0  }
0x35: {  	s19 =	rddreg [dreg:$0x9];
	[sflag:s25] =	ssyncadd.s32 $0xFFFFE000  }
0x36: {  	[spmem:s19] =	stream.linear.scatter [tilespmem:s24], [sflag:$0x8], $0x2000, $0x38;
	v63 =	vld [tilespmem:$0x0]  }
0x37: {  	_ =	swait.ge [sflag:s25], $0x2000  }
0x38: {  	[sflag:s25] =	ssyncset.done $0x0  }
0x39: {  	s20 =	rddreg [dreg:$0xa];
	[sflag:s25] =	ssyncadd.s32 $0xFFFFE000  }
0x3a: {  	[spmem:s20] =	stream.linear.scatter [tilespmem:s24], [sflag:$0x8], $0x2000, $0x38;
	v63 =	vld [tilespmem:$0x0]  }
0x3b: {  	_ =	swait.ge [sflag:s25], $0x2000  }
0x3c: {  	[sflag:s25] =	ssyncset.done $0x0  }
0x3d: {  	s14 =	rddreg [dreg:$0xb];
	[sflag:s25] =	ssyncadd.s32 $0xFFFFE000  }
0x3e: {  	[spmem:s14] =	stream.linear.scatter [tilespmem:s24], [sflag:$0x8], $0x2000, $0x38;
	v63 =	vld [tilespmem:$0x0]  }
0x3f: {  	_ =	swait.ge [sflag:s25], $0x2000  }
0x40: {  	[sflag:s25] =	ssyncset.done $0x0  }
0x41: {  	s15 =	rddreg [dreg:$0xc];
	[sflag:s25] =	ssyncadd.s32 $0xFFFFE000  }
0x42: {  	[spmem:s15] =	stream.linear.scatter [tilespmem:s24], [sflag:$0x8], $0x2000, $0x38;
	v63 =	vld [tilespmem:$0x0]  }
0x43: {  	_ =	swait.ge [sflag:s25], $0x2000  }
0x44: {  	[sflag:s25] =	ssyncset.done $0x0  }
0x45: {  	s16 =	rddreg [dreg:$0xd];
	[sflag:s25] =	ssyncadd.s32 $0xFFFFE000  }
0x46: {  	[spmem:s16] =	stream.linear.scatter [tilespmem:s24], [sflag:$0x8], $0x2000, $0x38;
	v63 =	vld [tilespmem:$0x0]  }
0x47: {  	_ =	swait.ge [sflag:s25], $0x2000  }
0x48: {  	[sflag:s25] =	ssyncset.done $0x0  }
0x49: {  	s17 =	rddreg [dreg:$0xe];
	[sflag:s25] =	ssyncadd.s32 $0xFFFFE000  }
0x4a: {  	[spmem:s17] =	stream.linear.scatter [tilespmem:s24], [sflag:$0x8], $0x2000, $0x38;
	v63 =	vld [tilespmem:$0x0]  }
0x4b: {  	_ =	swait.ge [sflag:s25], $0x2000  }
0x4c: {  	[sflag:s25] =	ssyncset.done $0x0  }
0x4d: {  	[sflag:s25] =	ssyncadd.s32 $0xFFFFE000  }
0x4e: {  	_ =	swait.ge [sflag:s26], $0x800  }
0x4f: {  	[sflag:s26] =	ssyncset.done $0x0  }
0x50: {  	s14 =	simm.s32 $0x1;
	[sflag:s26] =	ssyncadd.s32 $0xFFFFF800  }
0x51: {  	s13 =	simm.s32 $0x800;
	s18 =	smin.u32 s14, $0x9;
	_ =	swait.ge [sflag:s14], $0x800  }
0x52: {  	s19 =	sshll.u32 s18, $0x8;
	s18 =	sand.u32 $0x800, s13;
	[sflag:s14] =	ssyncset.done $0x0  }
0x53: {  	s20 =	sadd.s32 s7, s19;
	s19 =	simm.s32 $0x0;
	[sflag:s14] =	ssyncadd.s32 $0xFFFFF800  }
0x54: {  	s16 =	sor.u32 $0x14000, s18;
	s17 =	sadd.s32 s1, s20;
	[bflag:$0x0] =	sbarrier.arrive $0xFFFF  }
0x55: {  	[tilespmem:s16], [sflag:$0x2] =	stream.linear.gather [hbm4b:s17+s4], $0x800, $0x38;
	v63 =	vld [tilespmem:$0x0]  }
0x56: {  	s15 =	sor.u32 $0x15000, s18;
	s20 =	sadd.s32 s5, s20;
	s14 =	sand.u32 $0x800, s19  }
0x57: {  	[tilespmem:s15], [sflag:$0x2] =	stream.linear.gather [hbm4b:s20+s4], $0x800, $0x38;
	v63 =	vld [tilespmem:$0x0]  }
0x58: {  	s18 =	sor.u32 $0x14000, s14  }
0x59: {  	[tilespmem:s24], [sflag:$0x3] =	stream.indirect.gather [hbm4b:s6+s28], $0x80, s18, s28, $0xb8;
	v63 =	vld [tilespmem:$0x0]  }
0x5a: {  	s19 =	sor.u32 $0x14080, s14  }
0x5b: {  	[tilespmem:s29], [sflag:$0x4] =	stream.indirect.gather [hbm4b:s6+s28], $0x80, s19, s28, $0xb8;
	v63 =	vld [tilespmem:$0x0]  }
0x5c: {  	s20 =	sor.u32 $0x14100, s14  }
0x5d: {  	[tilespmem:s30], [sflag:$0x5] =	stream.indirect.gather [hbm4b:s6+s28], $0x80, s20, s28, $0xb8;
	v63 =	vld [tilespmem:$0x0]  }
0x5e: {  	s16 =	sor.u32 $0x14180, s14  }
0x5f: {  	[tilespmem:s31], [sflag:$0x6] =	stream.indirect.gather [hbm4b:s6+s28], $0x80, s16, s28, $0xb8;
	v63 =	vld [tilespmem:$0x0]  }
0x60: {  	_ =	swait.ge [sflag:s26], $0x2000  }
0x61: {  	[sflag:s26] =	ssyncset.done $0x0  }
0x62: {  	s17 =	sor.u32 $0x14200, s14;
	[sflag:s26] =	ssyncadd.s32 $0xFFFFE000  }
0x63: {  	[tilespmem:s0], [sflag:$0x7] =	stream.indirect.gather [hbm4b:s6+s28], $0x80, s17, s28, $0xb8;
	v63 =	vld [tilespmem:$0x0]  }
0x64: {  	s18 =	sor.u32 $0x15000, s14  }
0x65: {  	[spmem:s2] =	stream.indirect.scatter.add.f32 [tilespmem:s24], [sflag:$0x1], $0x80, s18, s28, $0xb8;
	v63 =	vld [tilespmem:$0x0]  }
0x66: {  	_ =	swait.ge [sflag:s22], $0x2000  }
0x67: {  	[sflag:s22] =	ssyncset.done $0x0  }
0x68: {  	[sflag:s22] =	ssyncadd.s32 $0xFFFFE000  }
0x69: {  	_ =	swait.ge [sflag:s23], $0x2000  }
0x6a: {  	[sflag:s23] =	ssyncset.done $0x0  }
0x6b: {  	s19 =	sor.u32 $0x14280, s14;
	[sflag:s23] =	ssyncadd.s32 $0xFFFFE000  }
0x6c: {  	[tilespmem:s24], [sflag:$0x3] =	stream.indirect.gather [hbm4b:s6+s28], $0x80, s19, s28, $0xb8;
	v63 =	vld [tilespmem:$0x0]  }
0x6d: {  	s20 =	sor.u32 $0x15080, s14  }
0x6e: {  	[spmem:s2] =	stream.indirect.scatter.add.f32 [tilespmem:s29], [sflag:$0x1], $0x80, s20, s28, $0xb8;
	v63 =	vld [tilespmem:$0x0]  }
0x6f: {  	_ =	swait.ge [sflag:s3], $0x2000  }
0x70: {  	[sflag:s3] =	ssyncset.done $0x0  }
0x71: {  	[sflag:s3] =	ssyncadd.s32 $0xFFFFE000  }
0x72: {  	_ =	swait.ge [sflag:s23], $0x2000  }
0x73: {  	[sflag:s23] =	ssyncset.done $0x0  }
0x74: {  	s16 =	sor.u32 $0x14300, s14;
	[sflag:s23] =	ssyncadd.s32 $0xFFFFE000  }
0x75: {  	[tilespmem:s29], [sflag:$0x4] =	stream.indirect.gather [hbm4b:s6+s28], $0x80, s16, s28, $0xb8;
	v63 =	vld [tilespmem:$0x0]  }
0x76: {  	s17 =	sor.u32 $0x15100, s14  }
0x77: {  	[spmem:s2] =	stream.indirect.scatter.add.f32 [tilespmem:s30], [sflag:$0x1], $0x80, s17, s28, $0xb8;
	v63 =	vld [tilespmem:$0x0]  }
0x78: {  	_ =	swait.ge [sflag:s9], $0x2000  }
0x79: {  	[sflag:s9] =	ssyncset.done $0x0  }
0x7a: {  	[sflag:s9] =	ssyncadd.s32 $0xFFFFE000  }
0x7b: {  	_ =	swait.ge [sflag:s23], $0x2000  }
0x7c: {  	[sflag:s23] =	ssyncset.done $0x0  }
0x7d: {  	s18 =	sor.u32 $0x14380, s14;
	[sflag:s23] =	ssyncadd.s32 $0xFFFFE000  }
0x7e: {  	[tilespmem:s30], [sflag:$0x5] =	stream.indirect.gather [hbm4b:s6+s28], $0x80, s18, s28, $0xb8;
	v63 =	vld [tilespmem:$0x0]  }
0x7f: {  	s19 =	sor.u32 $0x15180, s14  }
0x80: {  	[spmem:s2] =	stream.indirect.scatter.add.f32 [tilespmem:s31], [sflag:$0x1], $0x80, s19, s28, $0xb8;
	v63 =	vld [tilespmem:$0x0]  }
0x81: {  	_ =	swait.ge [sflag:s10], $0x2000  }
0x82: {  	[sflag:s10] =	ssyncset.done $0x0  }
0x83: {  	[sflag:s10] =	ssyncadd.s32 $0xFFFFE000  }
0x84: {  	_ =	swait.ge [sflag:s23], $0x2000  }
0x85: {  	[sflag:s23] =	ssyncset.done $0x0  }
0x86: {  	s20 =	sor.u32 $0x14400, s14;
	[sflag:s23] =	ssyncadd.s32 $0xFFFFE000  }
0x87: {  	[tilespmem:s31], [sflag:$0x6] =	stream.indirect.gather [hbm4b:s6+s28], $0x80, s20, s28, $0xb8;
	v63 =	vld [tilespmem:$0x0]  }
0x88: {  	s16 =	sor.u32 $0x15200, s14  }
0x89: {  	[spmem:s2] =	stream.indirect.scatter.add.f32 [tilespmem:s0], [sflag:$0x1], $0x80, s16, s28, $0xb8;
	v63 =	vld [tilespmem:$0x0]  }
0x8a: {  	_ =	swait.ge [sflag:s26], $0x2000  }
0x8b: {  	[sflag:s26] =	ssyncset.done $0x0  }
0x8c: {  	[sflag:s26] =	ssyncadd.s32 $0xFFFFE000  }
0x8d: {  	_ =	swait.ge [sflag:s23], $0x2000  }
0x8e: {  	[sflag:s23] =	ssyncset.done $0x0  }
0x8f: {  	s17 =	sor.u32 $0x14480, s14;
	[sflag:s23] =	ssyncadd.s32 $0xFFFFE000  }
0x90: {  	[tilespmem:s0], [sflag:$0x7] =	stream.indirect.gather [hbm4b:s6+s28], $0x80, s17, s28, $0xb8;
	v63 =	vld [tilespmem:$0x0]  }
0x91: {  	s18 =	sor.u32 $0x15280, s14  }
0x92: {  	[spmem:s2] =	stream.indirect.scatter.add.f32 [tilespmem:s24], [sflag:$0x1], $0x80, s18, s28, $0xb8;
	v63 =	vld [tilespmem:$0x0]  }
0x93: {  	_ =	swait.ge [sflag:s22], $0x2000  }
0x94: {  	[sflag:s22] =	ssyncset.done $0x0  }
0x95: {  	[sflag:s22] =	ssyncadd.s32 $0xFFFFE000  }
0x96: {  	_ =	swait.ge [sflag:s23], $0x2000  }
0x97: {  	[sflag:s23] =	ssyncset.done $0x0  }
0x98: {  	s19 =	sor.u32 $0x14500, s14;
	[sflag:s23] =	ssyncadd.s32 $0xFFFFE000  }
0x99: {  	[tilespmem:s24], [sflag:$0x3] =	stream.indirect.gather [hbm4b:s6+s28], $0x80, s19, s28, $0xb8;
	v63 =	vld [tilespmem:$0x0]  }
0x9a: {  	s20 =	sor.u32 $0x15300, s14  }
0x9b: {  	[spmem:s2] =	stream.indirect.scatter.add.f32 [tilespmem:s29], [sflag:$0x1], $0x80, s20, s28, $0xb8;
	v63 =	vld [tilespmem:$0x0]  }
0x9c: {  	_ =	swait.ge [sflag:s3], $0x2000  }
0x9d: {  	[sflag:s3] =	ssyncset.done $0x0  }
0x9e: {  	[sflag:s3] =	ssyncadd.s32 $0xFFFFE000  }
0x9f: {  	_ =	swait.ge [sflag:s23], $0x2000  }
0xa0: {  	[sflag:s23] =	ssyncset.done $0x0  }
0xa1: {  	s16 =	sor.u32 $0x14580, s14;
	[sflag:s23] =	ssyncadd.s32 $0xFFFFE000  }
0xa2: {  	[tilespmem:s29], [sflag:$0x4] =	stream.indirect.gather [hbm4b:s6+s28], $0x80, s16, s28, $0xb8;
	v63 =	vld [tilespmem:$0x0]  }
0xa3: {  	s17 =	sor.u32 $0x15380, s14  }
0xa4: {  	[spmem:s2] =	stream.indirect.scatter.add.f32 [tilespmem:s30], [sflag:$0x1], $0x80, s17, s28, $0xb8;
	v63 =	vld [tilespmem:$0x0]  }
0xa5: {  	_ =	swait.ge [sflag:s9], $0x2000  }
0xa6: {  	[sflag:s9] =	ssyncset.done $0x0  }
0xa7: {  	[sflag:s9] =	ssyncadd.s32 $0xFFFFE000  }
0xa8: {  	_ =	swait.ge [sflag:s23], $0x2000  }
0xa9: {  	[sflag:s23] =	ssyncset.done $0x0  }
0xaa: {  	s18 =	sor.u32 $0x14600, s14;
	[sflag:s23] =	ssyncadd.s32 $0xFFFFE000  }
0xab: {  	[tilespmem:s30], [sflag:$0x5] =	stream.indirect.gather [hbm4b:s6+s28], $0x80, s18, s28, $0xb8;
	v63 =	vld [tilespmem:$0x0]  }
0xac: {  	s19 =	sor.u32 $0x15400, s14  }
0xad: {  	[spmem:s2] =	stream.indirect.scatter.add.f32 [tilespmem:s31], [sflag:$0x1], $0x80, s19, s28, $0xb8;
	v63 =	vld [tilespmem:$0x0]  }
0xae: {  	_ =	swait.ge [sflag:s10], $0x2000  }
0xaf: {  	[sflag:s10] =	ssyncset.done $0x0  }
0xb0: {  	[sflag:s10] =	ssyncadd.s32 $0xFFFFE000  }
0xb1: {  	_ =	swait.ge [sflag:s23], $0x2000  }
0xb2: {  	[sflag:s23] =	ssyncset.done $0x0  }
0xb3: {  	s20 =	sor.u32 $0x14680, s14;
	[sflag:s23] =	ssyncadd.s32 $0xFFFFE000  }
0xb4: {  	[tilespmem:s31], [sflag:$0x6] =	stream.indirect.gather [hbm4b:s6+s28], $0x80, s20, s28, $0xb8;
	v63 =	vld [tilespmem:$0x0]  }
0xb5: {  	s16 =	sor.u32 $0x15480, s14  }
0xb6: {  	[spmem:s2] =	stream.indirect.scatter.add.f32 [tilespmem:s0], [sflag:$0x1], $0x80, s16, s28, $0xb8;
	v63 =	vld [tilespmem:$0x0]  }
0xb7: {  	_ =	swait.ge [sflag:s26], $0x2000  }
0xb8: {  	[sflag:s26] =	ssyncset.done $0x0  }
0xb9: {  	[sflag:s26] =	ssyncadd.s32 $0xFFFFE000  }
0xba: {  	_ =	swait.ge [sflag:s23], $0x2000  }
0xbb: {  	[sflag:s23] =	ssyncset.done $0x0  }
0xbc: {  	s17 =	sor.u32 $0x14700, s14;
	[sflag:s23] =	ssyncadd.s32 $0xFFFFE000  }
0xbd: {  	[tilespmem:s0], [sflag:$0x7] =	stream.indirect.gather [hbm4b:s6+s28], $0x80, s17, s28, $0xb8;
	v63 =	vld [tilespmem:$0x0]  }
0xbe: {  	s18 =	sor.u32 $0x15500, s14  }
0xbf: {  	[spmem:s2] =	stream.indirect.scatter.add.f32 [tilespmem:s24], [sflag:$0x1], $0x80, s18, s28, $0xb8;
	v63 =	vld [tilespmem:$0x0]  }
0xc0: {  	_ =	swait.ge [sflag:s22], $0x2000  }
0xc1: {  	[sflag:s22] =	ssyncset.done $0x0  }
0xc2: {  	[sflag:s22] =	ssyncadd.s32 $0xFFFFE000  }
0xc3: {  	_ =	swait.ge [sflag:s23], $0x2000  }
0xc4: {  	[sflag:s23] =	ssyncset.done $0x0  }
0xc5: {  	s19 =	sor.u32 $0x14780, s14;
	[sflag:s23] =	ssyncadd.s32 $0xFFFFE000  }
0xc6: {  	[tilespmem:s24], [sflag:$0x3] =	stream.indirect.gather [hbm4b:s6+s28], $0x80, s19, s28, $0xb8;
	v63 =	vld [tilespmem:$0x0]  }
0xc7: {  	s20 =	sor.u32 $0x15580, s14  }
0xc8: {  	[spmem:s2] =	stream.indirect.scatter.add.f32 [tilespmem:s29], [sflag:$0x1], $0x80, s20, s28, $0xb8;
	v63 =	vld [tilespmem:$0x0]  }
0xc9: {  	_ =	swait.ge [sflag:s3], $0x2000  }
0xca: {  	[sflag:s3] =	ssyncset.done $0x0  }
0xcb: {  	[sflag:s3] =	ssyncadd.s32 $0xFFFFE000  }
0xcc: {  	_ =	swait.ge [sflag:s23], $0x2000  }
0xcd: {  	[sflag:s23] =	ssyncset.done $0x0  }
0xce: {  	s16 =	sor.u32 $0x15600, s14;
	[sflag:s23] =	ssyncadd.s32 $0xFFFFE000  }
0xcf: {  	[spmem:s2] =	stream.indirect.scatter.add.f32 [tilespmem:s30], [sflag:$0x1], $0x80, s16, s28, $0xb8;
	v63 =	vld [tilespmem:$0x0]  }
0xd0: {  	_ =	swait.ge [sflag:s9], $0x2000  }
0xd1: {  	[sflag:s9] =	ssyncset.done $0x0  }
0xd2: {  	[sflag:s9] =	ssyncadd.s32 $0xFFFFE000  }
0xd3: {  	_ =	swait.ge [sflag:s23], $0x2000  }
0xd4: {  	[sflag:s23] =	ssyncset.done $0x0  }
0xd5: {  	s17 =	sor.u32 $0x15680, s14;
	[sflag:s23] =	ssyncadd.s32 $0xFFFFE000  }
0xd6: {  	[spmem:s2] =	stream.indirect.scatter.add.f32 [tilespmem:s31], [sflag:$0x1], $0x80, s17, s28, $0xb8;
	v63 =	vld [tilespmem:$0x0]  }
0xd7: {  	_ =	swait.ge [sflag:s10], $0x2000  }
0xd8: {  	[sflag:s10] =	ssyncset.done $0x0  }
0xd9: {  	[sflag:s10] =	ssyncadd.s32 $0xFFFFE000  }
0xda: {  	_ =	swait.ge [sflag:s23], $0x2000  }
0xdb: {  	[sflag:s23] =	ssyncset.done $0x0  }
0xdc: {  	s18 =	sor.u32 $0x15700, s14;
	[sflag:s23] =	ssyncadd.s32 $0xFFFFE000  }
0xdd: {  	[spmem:s2] =	stream.indirect.scatter.add.f32 [tilespmem:s0], [sflag:$0x1], $0x80, s18, s28, $0xb8;
	v63 =	vld [tilespmem:$0x0]  }
0xde: {  	_ =	swait.ge [sflag:s26], $0x2000  }
0xdf: {  	[sflag:s26] =	ssyncset.done $0x0  }
0xe0: {  	[sflag:s26] =	ssyncadd.s32 $0xFFFFE000  }
0xe1: {  	_ =	swait.ge [sflag:s23], $0x2000  }
0xe2: {  	[sflag:s23] =	ssyncset.done $0x0  }
0xe3: {  	s14 =	sor.u32 $0x15780, s14;
	[sflag:s23] =	ssyncadd.s32 $0xFFFFE000  }
0xe4: {  	[spmem:s2] =	stream.indirect.scatter.add.f32 [tilespmem:s24], [sflag:$0x1], $0x80, s14, s28, $0xb8;
	v63 =	vld [tilespmem:$0x0]  }
0xe5: {  	_ =	swait.ge [sflag:s23], $0x2000  }
0xe6: {  	[sflag:s23] =	ssyncset.done $0x0  }
0xe7: {  	[sflag:s23] =	ssyncadd.s32 $0xFFFFE000  }
0xe8: {  	s19 =	simm.s32 $0x2;
	_ =	swait.ge [sflag:s11], $0x800  }
0xe9: {  	s15 =	smin.u32 s19, $0x9;
	[sflag:s11] =	ssyncset.done $0x0  }
0xea: {  	s20 =	sshll.u32 s15, $0x8;
	[sflag:s11] =	ssyncadd.s32 $0xFFFFF800  }
0xeb: {  	s15 =	simm.s32 $0x1000;
	s17 =	sadd.s32 s7, s20;
	_ =	swait.ge [sflag:s11], $0x800  }
0xec: {  	s18 =	sand.u32 $0x800, s15;
	s14 =	simm.s32 $0x3;
	[sflag:s11] =	ssyncset.done $0x0  }
.LBB2_4:
0xed: {  	s19 =	sor.u32 $0x14000, s18  }
0xee: {  	s20 =	sadd.s32 s1, s17;
	[sflag:s11] =	ssyncadd.s32 $0xFFFFF800;
	s16 =	smov.u32 s14  }
0xef: {  	[tilespmem:s19], [sflag:$0x2] =	stream.linear.gather [hbm4b:s20+s4], $0x800, $0x38;
	v63 =	vld [tilespmem:$0x0]  }
0xf0: {  	s18 =	sor.u32 $0x15000, s18;
	s19 =	sadd.s32 s5, s17;
	s17 =	sand.u32 $0x800, s13  }
0xf1: {  	[tilespmem:s18], [sflag:$0x2] =	stream.linear.gather [hbm4b:s19+s4], $0x800, $0x38;
	v63 =	vld [tilespmem:$0x0]  }
0xf2: {  	p0 =	sne.s32 s14, $0xA;
	s14 =	sadd.s32 $0x1, s14;
	s13 =	sor.u32 $0x14000, s17  }
0xf3: {  	[tilespmem:s24], [sflag:$0x3] =	stream.indirect.gather [hbm4b:s6+s28], $0x80, s13, s28, $0xb8;
	v63 =	vld [tilespmem:$0x0]  }
0xf4: {  	s18 =	sor.u32 $0x14080, s17;
	s13 =	smov.u32 s15  }
0xf5: {  	[tilespmem:s29], [sflag:$0x4] =	stream.indirect.gather [hbm4b:s6+s28], $0x80, s18, s28, $0xb8;
	v63 =	vld [tilespmem:$0x0]  }
0xf6: {  	s18 =	sor.u32 $0x14100, s17  }
0xf7: {  	[tilespmem:s30], [sflag:$0x5] =	stream.indirect.gather [hbm4b:s6+s28], $0x80, s18, s28, $0xb8;
	v63 =	vld [tilespmem:$0x0]  }
0xf8: {  	s18 =	sor.u32 $0x14180, s17  }
0xf9: {  	[tilespmem:s31], [sflag:$0x6] =	stream.indirect.gather [hbm4b:s6+s28], $0x80, s18, s28, $0xb8;
	v63 =	vld [tilespmem:$0x0]  }
0xfa: {  	_ =	swait.ge [sflag:s26], $0x2000  }
0xfb: {  	[sflag:s26] =	ssyncset.done $0x0  }
0xfc: {  	s18 =	sor.u32 $0x14200, s17;
	[sflag:s26] =	ssyncadd.s32 $0xFFFFE000  }
0xfd: {  	[tilespmem:s0], [sflag:$0x7] =	stream.indirect.gather [hbm4b:s6+s28], $0x80, s18, s28, $0xb8;
	v63 =	vld [tilespmem:$0x0]  }
0xfe: {  	s18 =	sor.u32 $0x15000, s17  }
0xff: {  	[spmem:s2] =	stream.indirect.scatter.add.f32 [tilespmem:s24], [sflag:$0x1], $0x80, s18, s28, $0xb8;
	v63 =	vld [tilespmem:$0x0]  }
0x100: {  	_ =	swait.ge [sflag:s22], $0x2000  }
0x101: {  	[sflag:s22] =	ssyncset.done $0x0  }
0x102: {  	[sflag:s22] =	ssyncadd.s32 $0xFFFFE000  }
0x103: {  	_ =	swait.ge [sflag:s23], $0x2000  }
0x104: {  	[sflag:s23] =	ssyncset.done $0x0  }
0x105: {  	s18 =	sor.u32 $0x14280, s17;
	[sflag:s23] =	ssyncadd.s32 $0xFFFFE000  }
0x106: {  	[tilespmem:s24], [sflag:$0x3] =	stream.indirect.gather [hbm4b:s6+s28], $0x80, s18, s28, $0xb8;
	v63 =	vld [tilespmem:$0x0]  }
0x107: {  	s18 =	sor.u32 $0x15080, s17  }
0x108: {  	[spmem:s2] =	stream.indirect.scatter.add.f32 [tilespmem:s29], [sflag:$0x1], $0x80, s18, s28, $0xb8;
	v63 =	vld [tilespmem:$0x0]  }
0x109: {  	_ =	swait.ge [sflag:s3], $0x2000  }
0x10a: {  	[sflag:s3] =	ssyncset.done $0x0  }
0x10b: {  	[sflag:s3] =	ssyncadd.s32 $0xFFFFE000  }
0x10c: {  	_ =	swait.ge [sflag:s23], $0x2000  }
0x10d: {  	[sflag:s23] =	ssyncset.done $0x0  }
0x10e: {  	s18 =	sor.u32 $0x14300, s17;
	[sflag:s23] =	ssyncadd.s32 $0xFFFFE000  }
0x10f: {  	[tilespmem:s29], [sflag:$0x4] =	stream.indirect.gather [hbm4b:s6+s28], $0x80, s18, s28, $0xb8;
	v63 =	vld [tilespmem:$0x0]  }
0x110: {  	s18 =	sor.u32 $0x15100, s17  }
0x111: {  	[spmem:s2] =	stream.indirect.scatter.add.f32 [tilespmem:s30], [sflag:$0x1], $0x80, s18, s28, $0xb8;
	v63 =	vld [tilespmem:$0x0]  }
0x112: {  	_ =	swait.ge [sflag:s9], $0x2000  }
0x113: {  	[sflag:s9] =	ssyncset.done $0x0  }
0x114: {  	[sflag:s9] =	ssyncadd.s32 $0xFFFFE000  }
0x115: {  	_ =	swait.ge [sflag:s23], $0x2000  }
0x116: {  	[sflag:s23] =	ssyncset.done $0x0  }
0x117: {  	s18 =	sor.u32 $0x14380, s17;
	[sflag:s23] =	ssyncadd.s32 $0xFFFFE000  }
0x118: {  	[tilespmem:s30], [sflag:$0x5] =	stream.indirect.gather [hbm4b:s6+s28], $0x80, s18, s28, $0xb8;
	v63 =	vld [tilespmem:$0x0]  }
0x119: {  	s18 =	sor.u32 $0x15180, s17  }
0x11a: {  	[spmem:s2] =	stream.indirect.scatter.add.f32 [tilespmem:s31], [sflag:$0x1], $0x80, s18, s28, $0xb8;
	v63 =	vld [tilespmem:$0x0]  }
0x11b: {  	_ =	swait.ge [sflag:s10], $0x2000  }
0x11c: {  	[sflag:s10] =	ssyncset.done $0x0  }
0x11d: {  	[sflag:s10] =	ssyncadd.s32 $0xFFFFE000  }
0x11e: {  	_ =	swait.ge [sflag:s23], $0x2000  }
0x11f: {  	[sflag:s23] =	ssyncset.done $0x0  }
0x120: {  	s18 =	sor.u32 $0x14400, s17;
	[sflag:s23] =	ssyncadd.s32 $0xFFFFE000  }
0x121: {  	[tilespmem:s31], [sflag:$0x6] =	stream.indirect.gather [hbm4b:s6+s28], $0x80, s18, s28, $0xb8;
	v63 =	vld [tilespmem:$0x0]  }
0x122: {  	s18 =	sor.u32 $0x15200, s17  }
0x123: {  	[spmem:s2] =	stream.indirect.scatter.add.f32 [tilespmem:s0], [sflag:$0x1], $0x80, s18, s28, $0xb8;
	v63 =	vld [tilespmem:$0x0]  }
0x124: {  	_ =	swait.ge [sflag:s26], $0x2000  }
0x125: {  	[sflag:s26] =	ssyncset.done $0x0  }
0x126: {  	[sflag:s26] =	ssyncadd.s32 $0xFFFFE000  }
0x127: {  	_ =	swait.ge [sflag:s23], $0x2000  }
0x128: {  	[sflag:s23] =	ssyncset.done $0x0  }
0x129: {  	s18 =	sor.u32 $0x14480, s17;
	[sflag:s23] =	ssyncadd.s32 $0xFFFFE000  }
0x12a: {  	[tilespmem:s0], [sflag:$0x7] =	stream.indirect.gather [hbm4b:s6+s28], $0x80, s18, s28, $0xb8;
	v63 =	vld [tilespmem:$0x0]  }
0x12b: {  	s18 =	sor.u32 $0x15280, s17  }
0x12c: {  	[spmem:s2] =	stream.indirect.scatter.add.f32 [tilespmem:s24], [sflag:$0x1], $0x80, s18, s28, $0xb8;
	v63 =	vld [tilespmem:$0x0]  }
0x12d: {  	_ =	swait.ge [sflag:s22], $0x2000  }
0x12e: {  	[sflag:s22] =	ssyncset.done $0x0  }
0x12f: {  	[sflag:s22] =	ssyncadd.s32 $0xFFFFE000  }
0x130: {  	_ =	swait.ge [sflag:s23], $0x2000  }
0x131: {  	[sflag:s23] =	ssyncset.done $0x0  }
0x132: {  	s18 =	sor.u32 $0x14500, s17;
	[sflag:s23] =	ssyncadd.s32 $0xFFFFE000  }
0x133: {  	[tilespmem:s24], [sflag:$0x3] =	stream.indirect.gather [hbm4b:s6+s28], $0x80, s18, s28, $0xb8;
	v63 =	vld [tilespmem:$0x0]  }
0x134: {  	s18 =	sor.u32 $0x15300, s17  }
0x135: {  	[spmem:s2] =	stream.indirect.scatter.add.f32 [tilespmem:s29], [sflag:$0x1], $0x80, s18, s28, $0xb8;
	v63 =	vld [tilespmem:$0x0]  }
0x136: {  	_ =	swait.ge [sflag:s3], $0x2000  }
0x137: {  	[sflag:s3] =	ssyncset.done $0x0  }
0x138: {  	[sflag:s3] =	ssyncadd.s32 $0xFFFFE000  }
0x139: {  	_ =	swait.ge [sflag:s23], $0x2000  }
0x13a: {  	[sflag:s23] =	ssyncset.done $0x0  }
0x13b: {  	s18 =	sor.u32 $0x14580, s17;
	[sflag:s23] =	ssyncadd.s32 $0xFFFFE000  }
0x13c: {  	[tilespmem:s29], [sflag:$0x4] =	stream.indirect.gather [hbm4b:s6+s28], $0x80, s18, s28, $0xb8;
	v63 =	vld [tilespmem:$0x0]  }
0x13d: {  	s18 =	sor.u32 $0x15380, s17  }
0x13e: {  	[spmem:s2] =	stream.indirect.scatter.add.f32 [tilespmem:s30], [sflag:$0x1], $0x80, s18, s28, $0xb8;
	v63 =	vld [tilespmem:$0x0]  }
0x13f: {  	_ =	swait.ge [sflag:s9], $0x2000  }
0x140: {  	[sflag:s9] =	ssyncset.done $0x0  }
0x141: {  	[sflag:s9] =	ssyncadd.s32 $0xFFFFE000  }
0x142: {  	_ =	swait.ge [sflag:s23], $0x2000  }
0x143: {  	[sflag:s23] =	ssyncset.done $0x0  }
0x144: {  	s18 =	sor.u32 $0x14600, s17;
	[sflag:s23] =	ssyncadd.s32 $0xFFFFE000  }
0x145: {  	[tilespmem:s30], [sflag:$0x5] =	stream.indirect.gather [hbm4b:s6+s28], $0x80, s18, s28, $0xb8;
	v63 =	vld [tilespmem:$0x0]  }
0x146: {  	s18 =	sor.u32 $0x15400, s17  }
0x147: {  	[spmem:s2] =	stream.indirect.scatter.add.f32 [tilespmem:s31], [sflag:$0x1], $0x80, s18, s28, $0xb8;
	v63 =	vld [tilespmem:$0x0]  }
0x148: {  	_ =	swait.ge [sflag:s10], $0x2000  }
0x149: {  	[sflag:s10] =	ssyncset.done $0x0  }
0x14a: {  	[sflag:s10] =	ssyncadd.s32 $0xFFFFE000  }
0x14b: {  	_ =	swait.ge [sflag:s23], $0x2000  }
0x14c: {  	[sflag:s23] =	ssyncset.done $0x0  }
0x14d: {  	s18 =	sor.u32 $0x14680, s17;
	[sflag:s23] =	ssyncadd.s32 $0xFFFFE000  }
0x14e: {  	[tilespmem:s31], [sflag:$0x6] =	stream.indirect.gather [hbm4b:s6+s28], $0x80, s18, s28, $0xb8;
	v63 =	vld [tilespmem:$0x0]  }
0x14f: {  	s18 =	sor.u32 $0x15480, s17  }
0x150: {  	[spmem:s2] =	stream.indirect.scatter.add.f32 [tilespmem:s0], [sflag:$0x1], $0x80, s18, s28, $0xb8;
	v63 =	vld [tilespmem:$0x0]  }
0x151: {  	_ =	swait.ge [sflag:s26], $0x2000  }
0x152: {  	[sflag:s26] =	ssyncset.done $0x0  }
0x153: {  	[sflag:s26] =	ssyncadd.s32 $0xFFFFE000  }
0x154: {  	_ =	swait.ge [sflag:s23], $0x2000  }
0x155: {  	[sflag:s23] =	ssyncset.done $0x0  }
0x156: {  	s18 =	sor.u32 $0x14700, s17;
	[sflag:s23] =	ssyncadd.s32 $0xFFFFE000  }
0x157: {  	[tilespmem:s0], [sflag:$0x7] =	stream.indirect.gather [hbm4b:s6+s28], $0x80, s18, s28, $0xb8;
	v63 =	vld [tilespmem:$0x0]  }
0x158: {  	s18 =	sor.u32 $0x15500, s17  }
0x159: {  	[spmem:s2] =	stream.indirect.scatter.add.f32 [tilespmem:s24], [sflag:$0x1], $0x80, s18, s28, $0xb8;
	v63 =	vld [tilespmem:$0x0]  }
0x15a: {  	_ =	swait.ge [sflag:s22], $0x2000  }
0x15b: {  	[sflag:s22] =	ssyncset.done $0x0  }
0x15c: {  	[sflag:s22] =	ssyncadd.s32 $0xFFFFE000  }
0x15d: {  	_ =	swait.ge [sflag:s23], $0x2000  }
0x15e: {  	[sflag:s23] =	ssyncset.done $0x0  }
0x15f: {  	s18 =	sor.u32 $0x14780, s17;
	[sflag:s23] =	ssyncadd.s32 $0xFFFFE000  }
0x160: {  	[tilespmem:s24], [sflag:$0x3] =	stream.indirect.gather [hbm4b:s6+s28], $0x80, s18, s28, $0xb8;
	v63 =	vld [tilespmem:$0x0]  }
0x161: {  	s18 =	sor.u32 $0x15580, s17  }
0x162: {  	[spmem:s2] =	stream.indirect.scatter.add.f32 [tilespmem:s29], [sflag:$0x1], $0x80, s18, s28, $0xb8;
	v63 =	vld [tilespmem:$0x0]  }
0x163: {  	_ =	swait.ge [sflag:s3], $0x2000  }
0x164: {  	[sflag:s3] =	ssyncset.done $0x0  }
0x165: {  	[sflag:s3] =	ssyncadd.s32 $0xFFFFE000  }
0x166: {  	_ =	swait.ge [sflag:s23], $0x2000  }
0x167: {  	[sflag:s23] =	ssyncset.done $0x0  }
0x168: {  	s18 =	sor.u32 $0x15600, s17;
	[sflag:s23] =	ssyncadd.s32 $0xFFFFE000  }
0x169: {  	[spmem:s2] =	stream.indirect.scatter.add.f32 [tilespmem:s30], [sflag:$0x1], $0x80, s18, s28, $0xb8;
	v63 =	vld [tilespmem:$0x0]  }
0x16a: {  	_ =	swait.ge [sflag:s9], $0x2000  }
0x16b: {  	[sflag:s9] =	ssyncset.done $0x0  }
0x16c: {  	[sflag:s9] =	ssyncadd.s32 $0xFFFFE000  }
0x16d: {  	_ =	swait.ge [sflag:s23], $0x2000  }
0x16e: {  	[sflag:s23] =	ssyncset.done $0x0  }
0x16f: {  	s18 =	sor.u32 $0x15680, s17;
	[sflag:s23] =	ssyncadd.s32 $0xFFFFE000  }
0x170: {  	[spmem:s2] =	stream.indirect.scatter.add.f32 [tilespmem:s31], [sflag:$0x1], $0x80, s18, s28, $0xb8;
	v63 =	vld [tilespmem:$0x0]  }
0x171: {  	_ =	swait.ge [sflag:s10], $0x2000  }
0x172: {  	[sflag:s10] =	ssyncset.done $0x0  }
0x173: {  	[sflag:s10] =	ssyncadd.s32 $0xFFFFE000  }
0x174: {  	_ =	swait.ge [sflag:s23], $0x2000  }
0x175: {  	[sflag:s23] =	ssyncset.done $0x0  }
0x176: {  	s18 =	sor.u32 $0x15700, s17;
	[sflag:s23] =	ssyncadd.s32 $0xFFFFE000  }
0x177: {  	[spmem:s2] =	stream.indirect.scatter.add.f32 [tilespmem:s0], [sflag:$0x1], $0x80, s18, s28, $0xb8;
	v63 =	vld [tilespmem:$0x0]  }
0x178: {  	_ =	swait.ge [sflag:s26], $0x2000  }
0x179: {  	[sflag:s26] =	ssyncset.done $0x0  }
0x17a: {  	[sflag:s26] =	ssyncadd.s32 $0xFFFFE000  }
0x17b: {  	_ =	swait.ge [sflag:s23], $0x2000  }
0x17c: {  	[sflag:s23] =	ssyncset.done $0x0  }
0x17d: {  	s17 =	sor.u32 $0x15780, s17;
	[sflag:s23] =	ssyncadd.s32 $0xFFFFE000  }
0x17e: {  	[spmem:s2] =	stream.indirect.scatter.add.f32 [tilespmem:s24], [sflag:$0x1], $0x80, s17, s28, $0xb8;
	v63 =	vld [tilespmem:$0x0]  }
0x17f: {  	_ =	swait.ge [sflag:s23], $0x2000  }
0x180: {  	[sflag:s23] =	ssyncset.done $0x0  }
0x181: {  	[sflag:s23] =	ssyncadd.s32 $0xFFFFE000  }
.Ltmp1:
0x182: {  	_ =	swait.ge [sflag:s11], $0x800;
	(pc) =	sbr.rel @p0 .LBB2_4-.Ltmp1, $4  }
0x183: {  	[sflag:s11] =	ssyncset.done $0x0  }
0x184: {  	s16 =	smin.u32 s16, $0x9;
	[sflag:s11] =	ssyncadd.s32 $0xFFFFF800  }
0x185: {  	s16 =	sshll.u32 s16, $0x8;
	s15 =	sadd.s32 $0x800, s15;
	_ =	swait.ge [sflag:s11], $0x800  }
0x186: {  	s18 =	sand.u32 $0x800, s15;
	s17 =	sadd.s32 s7, s16;
	[sflag:s11] =	ssyncset.done $0x0  }
0x187: {  	s14 =	sor.u32 $0x14000, s18;
	s15 =	sadd.s32 s1, s17;
	[sflag:s11] =	ssyncadd.s32 $0xFFFFF800  }
0x188: {  	[tilespmem:s14], [sflag:$0x2] =	stream.linear.gather [hbm4b:s15+s4], $0x800, $0x38;
	v63 =	vld [tilespmem:$0x0]  }
0x189: {  	s16 =	sadd.s32 s5, s17;
	s13 =	sand.u32 $0x800, s13;
	s15 =	sor.u32 $0x15000, s18  }
0x18a: {  	[tilespmem:s15], [sflag:$0x2] =	stream.linear.gather [hbm4b:s16+s4], $0x800, $0x38;
	v63 =	vld [tilespmem:$0x0]  }
0x18b: {  	s17 =	sor.u32 $0x14000, s13  }
0x18c: {  	[tilespmem:s24], [sflag:$0x3] =	stream.indirect.gather [hbm4b:s6+s28], $0x80, s17, s28, $0xb8;
	v63 =	vld [tilespmem:$0x0]  }
0x18d: {  	s18 =	sor.u32 $0x14080, s13  }
0x18e: {  	[tilespmem:s29], [sflag:$0x4] =	stream.indirect.gather [hbm4b:s6+s28], $0x80, s18, s28, $0xb8;
	v63 =	vld [tilespmem:$0x0]  }
0x18f: {  	s19 =	sor.u32 $0x14100, s13  }
0x190: {  	[tilespmem:s30], [sflag:$0x5] =	stream.indirect.gather [hbm4b:s6+s28], $0x80, s19, s28, $0xb8;
	v63 =	vld [tilespmem:$0x0]  }
0x191: {  	s20 =	sor.u32 $0x14180, s13  }
0x192: {  	[tilespmem:s31], [sflag:$0x6] =	stream.indirect.gather [hbm4b:s6+s28], $0x80, s20, s28, $0xb8;
	v63 =	vld [tilespmem:$0x0]  }
0x193: {  	_ =	swait.ge [sflag:s26], $0x2000  }
0x194: {  	[sflag:s26] =	ssyncset.done $0x0  }
0x195: {  	s15 =	sor.u32 $0x14200, s13;
	[sflag:s26] =	ssyncadd.s32 $0xFFFFE000  }
0x196: {  	[tilespmem:s0], [sflag:$0x7] =	stream.indirect.gather [hbm4b:s6+s28], $0x80, s15, s28, $0xb8;
	v63 =	vld [tilespmem:$0x0]  }
0x197: {  	s16 =	sor.u32 $0x15000, s13  }
0x198: {  	[spmem:s2] =	stream.indirect.scatter.add.f32 [tilespmem:s24], [sflag:$0x1], $0x80, s16, s28, $0xb8;
	v63 =	vld [tilespmem:$0x0]  }
0x199: {  	_ =	swait.ge [sflag:s22], $0x2000  }
0x19a: {  	[sflag:s22] =	ssyncset.done $0x0  }
0x19b: {  	[sflag:s22] =	ssyncadd.s32 $0xFFFFE000  }
0x19c: {  	_ =	swait.ge [sflag:s23], $0x2000  }
0x19d: {  	[sflag:s23] =	ssyncset.done $0x0  }
0x19e: {  	s17 =	sor.u32 $0x14280, s13;
	[sflag:s23] =	ssyncadd.s32 $0xFFFFE000  }
0x19f: {  	[tilespmem:s24], [sflag:$0x3] =	stream.indirect.gather [hbm4b:s6+s28], $0x80, s17, s28, $0xb8;
	v63 =	vld [tilespmem:$0x0]  }
0x1a0: {  	s18 =	sor.u32 $0x15080, s13  }
0x1a1: {  	[spmem:s2] =	stream.indirect.scatter.add.f32 [tilespmem:s29], [sflag:$0x1], $0x80, s18, s28, $0xb8;
	v63 =	vld [tilespmem:$0x0]  }
0x1a2: {  	_ =	swait.ge [sflag:s3], $0x2000  }
0x1a3: {  	[sflag:s3] =	ssyncset.done $0x0  }
0x1a4: {  	[sflag:s3] =	ssyncadd.s32 $0xFFFFE000  }
0x1a5: {  	_ =	swait.ge [sflag:s23], $0x2000  }
0x1a6: {  	[sflag:s23] =	ssyncset.done $0x0  }
0x1a7: {  	s19 =	sor.u32 $0x14300, s13;
	[sflag:s23] =	ssyncadd.s32 $0xFFFFE000  }
0x1a8: {  	[tilespmem:s29], [sflag:$0x4] =	stream.indirect.gather [hbm4b:s6+s28], $0x80, s19, s28, $0xb8;
	v63 =	vld [tilespmem:$0x0]  }
0x1a9: {  	s20 =	sor.u32 $0x15100, s13  }
0x1aa: {  	[spmem:s2] =	stream.indirect.scatter.add.f32 [tilespmem:s30], [sflag:$0x1], $0x80, s20, s28, $0xb8;
	v63 =	vld [tilespmem:$0x0]  }
0x1ab: {  	_ =	swait.ge [sflag:s9], $0x2000  }
0x1ac: {  	[sflag:s9] =	ssyncset.done $0x0  }
0x1ad: {  	[sflag:s9] =	ssyncadd.s32 $0xFFFFE000  }
0x1ae: {  	_ =	swait.ge [sflag:s23], $0x2000  }
0x1af: {  	[sflag:s23] =	ssyncset.done $0x0  }
0x1b0: {  	s15 =	sor.u32 $0x14380, s13;
	[sflag:s23] =	ssyncadd.s32 $0xFFFFE000  }
0x1b1: {  	[tilespmem:s30], [sflag:$0x5] =	stream.indirect.gather [hbm4b:s6+s28], $0x80, s15, s28, $0xb8;
	v63 =	vld [tilespmem:$0x0]  }
0x1b2: {  	s16 =	sor.u32 $0x15180, s13  }
0x1b3: {  	[spmem:s2] =	stream.indirect.scatter.add.f32 [tilespmem:s31], [sflag:$0x1], $0x80, s16, s28, $0xb8;
	v63 =	vld [tilespmem:$0x0]  }
0x1b4: {  	_ =	swait.ge [sflag:s10], $0x2000  }
0x1b5: {  	[sflag:s10] =	ssyncset.done $0x0  }
0x1b6: {  	[sflag:s10] =	ssyncadd.s32 $0xFFFFE000  }
0x1b7: {  	_ =	swait.ge [sflag:s23], $0x2000  }
0x1b8: {  	[sflag:s23] =	ssyncset.done $0x0  }
0x1b9: {  	s17 =	sor.u32 $0x14400, s13;
	[sflag:s23] =	ssyncadd.s32 $0xFFFFE000  }
0x1ba: {  	[tilespmem:s31], [sflag:$0x6] =	stream.indirect.gather [hbm4b:s6+s28], $0x80, s17, s28, $0xb8;
	v63 =	vld [tilespmem:$0x0]  }
0x1bb: {  	s18 =	sor.u32 $0x15200, s13  }
0x1bc: {  	[spmem:s2] =	stream.indirect.scatter.add.f32 [tilespmem:s0], [sflag:$0x1], $0x80, s18, s28, $0xb8;
	v63 =	vld [tilespmem:$0x0]  }
0x1bd: {  	_ =	swait.ge [sflag:s26], $0x2000  }
0x1be: {  	[sflag:s26] =	ssyncset.done $0x0  }
0x1bf: {  	[sflag:s26] =	ssyncadd.s32 $0xFFFFE000  }
0x1c0: {  	_ =	swait.ge [sflag:s23], $0x2000  }
0x1c1: {  	[sflag:s23] =	ssyncset.done $0x0  }
0x1c2: {  	s19 =	sor.u32 $0x14480, s13;
	[sflag:s23] =	ssyncadd.s32 $0xFFFFE000  }
0x1c3: {  	[tilespmem:s0], [sflag:$0x7] =	stream.indirect.gather [hbm4b:s6+s28], $0x80, s19, s28, $0xb8;
	v63 =	vld [tilespmem:$0x0]  }
0x1c4: {  	s20 =	sor.u32 $0x15280, s13  }
0x1c5: {  	[spmem:s2] =	stream.indirect.scatter.add.f32 [tilespmem:s24], [sflag:$0x1], $0x80, s20, s28, $0xb8;
	v63 =	vld [tilespmem:$0x0]  }
0x1c6: {  	_ =	swait.ge [sflag:s22], $0x2000  }
0x1c7: {  	[sflag:s22] =	ssyncset.done $0x0  }
0x1c8: {  	[sflag:s22] =	ssyncadd.s32 $0xFFFFE000  }
0x1c9: {  	_ =	swait.ge [sflag:s23], $0x2000  }
0x1ca: {  	[sflag:s23] =	ssyncset.done $0x0  }
0x1cb: {  	s15 =	sor.u32 $0x14500, s13;
	[sflag:s23] =	ssyncadd.s32 $0xFFFFE000  }
0x1cc: {  	[tilespmem:s24], [sflag:$0x3] =	stream.indirect.gather [hbm4b:s6+s28], $0x80, s15, s28, $0xb8;
	v63 =	vld [tilespmem:$0x0]  }
0x1cd: {  	s16 =	sor.u32 $0x15300, s13  }
0x1ce: {  	[spmem:s2] =	stream.indirect.scatter.add.f32 [tilespmem:s29], [sflag:$0x1], $0x80, s16, s28, $0xb8;
	v63 =	vld [tilespmem:$0x0]  }
0x1cf: {  	_ =	swait.ge [sflag:s3], $0x2000  }
0x1d0: {  	[sflag:s3] =	ssyncset.done $0x0  }
0x1d1: {  	[sflag:s3] =	ssyncadd.s32 $0xFFFFE000  }
0x1d2: {  	_ =	swait.ge [sflag:s23], $0x2000  }
0x1d3: {  	[sflag:s23] =	ssyncset.done $0x0  }
0x1d4: {  	s17 =	sor.u32 $0x14580, s13;
	[sflag:s23] =	ssyncadd.s32 $0xFFFFE000  }
0x1d5: {  	[tilespmem:s29], [sflag:$0x4] =	stream.indirect.gather [hbm4b:s6+s28], $0x80, s17, s28, $0xb8;
	v63 =	vld [tilespmem:$0x0]  }
0x1d6: {  	s18 =	sor.u32 $0x15380, s13  }
0x1d7: {  	[spmem:s2] =	stream.indirect.scatter.add.f32 [tilespmem:s30], [sflag:$0x1], $0x80, s18, s28, $0xb8;
	v63 =	vld [tilespmem:$0x0]  }
0x1d8: {  	_ =	swait.ge [sflag:s9], $0x2000  }
0x1d9: {  	[sflag:s9] =	ssyncset.done $0x0  }
0x1da: {  	[sflag:s9] =	ssyncadd.s32 $0xFFFFE000  }
0x1db: {  	_ =	swait.ge [sflag:s23], $0x2000  }
0x1dc: {  	[sflag:s23] =	ssyncset.done $0x0  }
0x1dd: {  	s19 =	sor.u32 $0x14600, s13;
	[sflag:s23] =	ssyncadd.s32 $0xFFFFE000  }
0x1de: {  	[tilespmem:s30], [sflag:$0x5] =	stream.indirect.gather [hbm4b:s6+s28], $0x80, s19, s28, $0xb8;
	v63 =	vld [tilespmem:$0x0]  }
0x1df: {  	s20 =	sor.u32 $0x15400, s13  }
0x1e0: {  	[spmem:s2] =	stream.indirect.scatter.add.f32 [tilespmem:s31], [sflag:$0x1], $0x80, s20, s28, $0xb8;
	v63 =	vld [tilespmem:$0x0]  }
0x1e1: {  	_ =	swait.ge [sflag:s10], $0x2000  }
0x1e2: {  	[sflag:s10] =	ssyncset.done $0x0  }
0x1e3: {  	[sflag:s10] =	ssyncadd.s32 $0xFFFFE000  }
0x1e4: {  	_ =	swait.ge [sflag:s23], $0x2000  }
0x1e5: {  	[sflag:s23] =	ssyncset.done $0x0  }
0x1e6: {  	s15 =	sor.u32 $0x14680, s13;
	[sflag:s23] =	ssyncadd.s32 $0xFFFFE000  }
0x1e7: {  	[tilespmem:s31], [sflag:$0x6] =	stream.indirect.gather [hbm4b:s6+s28], $0x80, s15, s28, $0xb8;
	v63 =	vld [tilespmem:$0x0]  }
0x1e8: {  	s16 =	sor.u32 $0x15480, s13  }
0x1e9: {  	[spmem:s2] =	stream.indirect.scatter.add.f32 [tilespmem:s0], [sflag:$0x1], $0x80, s16, s28, $0xb8;
	v63 =	vld [tilespmem:$0x0]  }
0x1ea: {  	_ =	swait.ge [sflag:s26], $0x2000  }
0x1eb: {  	[sflag:s26] =	ssyncset.done $0x0  }
0x1ec: {  	[sflag:s26] =	ssyncadd.s32 $0xFFFFE000  }
0x1ed: {  	_ =	swait.ge [sflag:s23], $0x2000  }
0x1ee: {  	[sflag:s23] =	ssyncset.done $0x0  }
0x1ef: {  	s17 =	sor.u32 $0x14700, s13;
	[sflag:s23] =	ssyncadd.s32 $0xFFFFE000  }
0x1f0: {  	[tilespmem:s0], [sflag:$0x7] =	stream.indirect.gather [hbm4b:s6+s28], $0x80, s17, s28, $0xb8;
	v63 =	vld [tilespmem:$0x0]  }
0x1f1: {  	s18 =	sor.u32 $0x15500, s13  }
0x1f2: {  	[spmem:s2] =	stream.indirect.scatter.add.f32 [tilespmem:s24], [sflag:$0x1], $0x80, s18, s28, $0xb8;
	v63 =	vld [tilespmem:$0x0]  }
0x1f3: {  	_ =	swait.ge [sflag:s22], $0x2000  }
0x1f4: {  	[sflag:s22] =	ssyncset.done $0x0  }
0x1f5: {  	[sflag:s22] =	ssyncadd.s32 $0xFFFFE000  }
0x1f6: {  	_ =	swait.ge [sflag:s23], $0x2000  }
0x1f7: {  	[sflag:s23] =	ssyncset.done $0x0  }
0x1f8: {  	s19 =	sor.u32 $0x14780, s13;
	[sflag:s23] =	ssyncadd.s32 $0xFFFFE000  }
0x1f9: {  	[tilespmem:s24], [sflag:$0x3] =	stream.indirect.gather [hbm4b:s6+s28], $0x80, s19, s28, $0xb8;
	v63 =	vld [tilespmem:$0x0]  }
0x1fa: {  	s20 =	sor.u32 $0x15580, s13  }
0x1fb: {  	[spmem:s2] =	stream.indirect.scatter.add.f32 [tilespmem:s29], [sflag:$0x1], $0x80, s20, s28, $0xb8;
	v63 =	vld [tilespmem:$0x0]  }
0x1fc: {  	_ =	swait.ge [sflag:s3], $0x2000  }
0x1fd: {  	[sflag:s3] =	ssyncset.done $0x0  }
0x1fe: {  	[sflag:s3] =	ssyncadd.s32 $0xFFFFE000  }
0x1ff: {  	_ =	swait.ge [sflag:s23], $0x2000  }
0x200: {  	[sflag:s23] =	ssyncset.done $0x0  }
0x201: {  	s15 =	sor.u32 $0x15600, s13;
	[sflag:s23] =	ssyncadd.s32 $0xFFFFE000  }
0x202: {  	[spmem:s2] =	stream.indirect.scatter.add.f32 [tilespmem:s30], [sflag:$0x1], $0x80, s15, s28, $0xb8;
	v63 =	vld [tilespmem:$0x0]  }
0x203: {  	_ =	swait.ge [sflag:s9], $0x2000  }
0x204: {  	[sflag:s9] =	ssyncset.done $0x0  }
0x205: {  	[sflag:s9] =	ssyncadd.s32 $0xFFFFE000  }
0x206: {  	_ =	swait.ge [sflag:s23], $0x2000  }
0x207: {  	[sflag:s23] =	ssyncset.done $0x0  }
0x208: {  	s16 =	sor.u32 $0x15680, s13;
	[sflag:s23] =	ssyncadd.s32 $0xFFFFE000  }
0x209: {  	[spmem:s2] =	stream.indirect.scatter.add.f32 [tilespmem:s31], [sflag:$0x1], $0x80, s16, s28, $0xb8;
	v63 =	vld [tilespmem:$0x0]  }
0x20a: {  	_ =	swait.ge [sflag:s10], $0x2000  }
0x20b: {  	[sflag:s10] =	ssyncset.done $0x0  }
0x20c: {  	[sflag:s10] =	ssyncadd.s32 $0xFFFFE000  }
0x20d: {  	_ =	swait.ge [sflag:s23], $0x2000  }
0x20e: {  	[sflag:s23] =	ssyncset.done $0x0  }
0x20f: {  	s17 =	sor.u32 $0x15700, s13;
	[sflag:s23] =	ssyncadd.s32 $0xFFFFE000  }
0x210: {  	[spmem:s2] =	stream.indirect.scatter.add.f32 [tilespmem:s0], [sflag:$0x1], $0x80, s17, s28, $0xb8;
	v63 =	vld [tilespmem:$0x0]  }
0x211: {  	_ =	swait.ge [sflag:s26], $0x2000  }
0x212: {  	[sflag:s26] =	ssyncset.done $0x0  }
0x213: {  	[sflag:s26] =	ssyncadd.s32 $0xFFFFE000  }
0x214: {  	_ =	swait.ge [sflag:s23], $0x2000  }
0x215: {  	[sflag:s23] =	ssyncset.done $0x0  }
0x216: {  	s13 =	sor.u32 $0x15780, s13;
	[sflag:s23] =	ssyncadd.s32 $0xFFFFE000  }
0x217: {  	[spmem:s2] =	stream.indirect.scatter.add.f32 [tilespmem:s24], [sflag:$0x1], $0x80, s13, s28, $0xb8;
	v63 =	vld [tilespmem:$0x0]  }
0x218: {  	_ =	swait.ge [sflag:s23], $0x2000  }
0x219: {  	[sflag:s23] =	ssyncset.done $0x0  }
0x21a: {  	[sflag:s23] =	ssyncadd.s32 $0xFFFFE000  }
0x21b: {  	_ =	swait.ge [sflag:s11], $0x800  }
0x21c: {  	[sflag:s11] =	ssyncset.done $0x0  }
0x21d: {  	[sflag:s11] =	ssyncadd.s32 $0xFFFFF800  }
0x21e: {  	_ =	swait.ge [sflag:s11], $0x800  }
0x21f: {  	s12 =	sadd.s32 $0x1, s12;
	[sflag:s11] =	ssyncset.done $0x0  }
0x220: {  	p0 =	sne.s32 s12, s21;
	s18 =	stileid.u32;
	[sflag:s11] =	ssyncadd.s32 $0xFFFFF800  }
0x221: {  	s19 =	sshrl.u32 s8, $0x3;
	s13 =	sshll.u32 s18, $0x6;
	[bflag:$0x0] =	sbarrier.arrive $0xFFFF  }
.Ltmp2:
0x222: {  	s13 =	sor.u32 $0x1C08, s13;
	s20 =	rddreg [dreg:$0xf];
	(pc) =	sbr.rel @p0 .LBB2_1-.Ltmp2, $4  }
0x223: {  	[hbm:s20], [sflag:s13] =	dma.local [spmem:s19], $0x2800  }
0x224: {  	_ =	swait.ge [sflag:s25], $0x2800  }
0x225: {  	[sflag:s25] =	ssyncset.done $0x0  }
0x226: {  	[sflag:s25] =	ssyncadd.s32 $0xFFFFD800  }
0x227: {  	_ =	sfence.sel $0x180000  }
0x228: {  	[bflag:$0x0] =	sbarrier.arrive $0xFFFF  }
0x229: {  	_ =	strace $0x9000004A  }
0x22a: {  	s0 =	stileid.u32;
	[bflag:$0x2] =	sbarrier.arrive $0xFFFF  }
0x22b: {  	p0 =	sne.s32 s0, $0x0;
	s0 =	rddreg [dreg:$0x3]  }
0x22c: {  	s0 =	sadd.s32 @!p0 $0x100000, s0  }
0x22d: {  	[sflag:s0] =	ssyncadd.tile.s32 @!p0 $0x1;
	_ =	shalt  }
.Lfunc_end2:
_tile_overlayer_lowered:
.L_overlay_start_2:
0x22e: {  	(tag) =	ssettag $0x2  }
0x22f: {  	s0 =	rddreg [dreg:$0x0];
	s2 =	stileid.u32  }
0x230: {  	s1 =	rddreg [dreg:$0x1];
	p0 =	sne.s32 s2, $0x0  }
0x231: {  	s3 =	rddreg [dreg:$0x2];
	[bflag:$0x3] =	sbarrier.arrive $0xFFFF;
	s2 =	simm.s32 @!p0 $0x1C08  }
0x232: {  	[timem:s3], [sflag:s2] =	dma.local @!p0 [hbm:s0], s1  }
0x233: {  	s0 =	simm.s32 @!p0 $0x8  }
0x234: {  	_ =	swait.ge @!p0 [sflag:s0], s1  }
0x235: {  	s1 =	ssub.s32 @!p0 $0x0, s1;
	[sflag:s0] =	ssyncset.done @!p0 $0x0  }
0x236: {  	[sflag:s0] =	ssyncadd.s32 @!p0 s1  }
0x237: {  	[bflag:$0x3] =	sbarrier.arrive $0xFFFF  }
0x238: {  	_ =	shalt  }

// kernel: kernel.9.cloned.1.call-start
scs
__scs_entry_jumppad:
0x0: {  	(pc) =	sbr.rel $0x88, $3  }
0x1: {  	(tag) =	ssettag $0x0;
	lr =	simm.s32 $0x1  }
0x2: {  	[smem:$0x3F8D] =	sst lr;
	_ =	strace $0xD0000000  }
0x3: {  	_ = 	snop  }
0x4: {  	_ = 	snop  }
0x5: {  	_ = 	snop  }
0x6: {  	_ = 	snop  }
0x7: {  	_ = 	snop  }
__scs_overlays_trampoline_lowered:
0x8: {  	[smem:$0x3F9C] =	sst s0  }
0x9: {  	[smem:$0x3F9D] =	sst s1  }
0xa: {  	[smem:$0x3F9E] =	sst s2  }
0xb: {  	[smem:$0x3F9F] =	sst s3  }
0xc: {  	[smem:$0x3FA0] =	sst s4  }
0xd: {  	[smem:$0x3FA1] =	sst s5  }
0xe: {  	[smem:$0x3FA2] =	sst s6  }
0xf: {  	[smem:$0x3FA3] =	sst s7  }
0x10: {  	[smem:$0x3FA4] =	sst s8  }
0x11: {  	[smem:$0x3FA5] =	sst s9;
	s0 =	simm.s32 @!p0 $0x0  }
0x12: {  	s1 =	sld [smem:$0x3F8B];
	s0 =	simm.s32 @p0 $0x1  }
0x13: {  	[smem:$0x3FA6] =	sst s0;
	s0 =	simm.s32 @!p1 $0x0  }
0x14: {  	s2 =	sld [smem:$0x3F8A];
	s0 =	simm.s32 @p1 $0x1  }
0x15: {  	[smem:$0x3FA7] =	sst s0;
	s0 =	simm.s32 @!p2 $0x0  }
0x16: {  	s3 =	sld [smem:$0x3FDB];
	s0 =	simm.s32 @p2 $0x1  }
0x17: {  	s4 =	simm.s32 $0x1BF5;
	[smem:$0x3FA9] =	sst s0  }
0x18: {  	s0 =	sld [smem:$0x3F8C];
	_ =	swait.ge [sflag:s4], $0x0  }
0x19: {  	s7 =	sld [smem:$0x3F8D]  }
0x1a: {  	s8 =	sadd.s32 $0xFFFFE003, lr  }
0x1b: {  	s9 =	sadd.s32 $0xFFFFFEF7, lr;
	s5 =	simm.s32 $0xFFFFFFFF;
	p2 =	slt.u32 s8, $0xFFFFF086  }
0x1c: {  	p1 =	slt.u32 s9, $0xF7A;
	s5 =	simm.s32 @!p2 $0x0  }
0x1d: {  	s5 =	simm.s32 @p1 $0x1;
	p0 =	seq.s32 s7, s2  }
0x1e: {  	s7 =	smul.u32 @!p0 $0xF7A, s2;
	p2 =	seq.s32 @!p0 s5, $0x0  }
0x1f: {  	s9 =	smul.u32 $0xF7A, s1;
	s8 =	simm.s32 @!p0 $0x1BF5;
	p2 =	por !p2, p0  }
0x20: {  	[sflag:s8] =	ssyncset.s32 @!p0 $0xFFFFF086;
	s6 =	sadd.s32 @!p0 s3, s7;
	s7 =	simm.s32 @!p0 $0x108  }
0x21: {  	s3 =	sadd.s32 s3, s9;
	s6 =	sadd.s32 @!p0 $0x88, s6;
	s7 =	simm.s32 @p2 $0x1082  }
0x22: {  	[simem:s7], [sflag:s8] =	dma.local @!p0 [hbm:s6], $0xF7A  }
0x23: {  	s9 =	sor.u32 $0xD0000000, s2;
	s6 =	simm.s32 $0x108;
	_ =	swait.ge @!p0 [sflag:s8], $0x0  }
0x24: {  	s3 =	sadd.s32 $0x88, s3;
	s6 =	simm.s32 @!p1 $0x1082;
	[sflag:s4] =	ssyncset.s32 $0xFFFFF086  }
0x25: {  	[simem:s6], [sflag:s4] =	dma.local [hbm:s3], $0xF7A  }
0x26: {  	[smem:$0x3F8D] =	sst s1;
	(tag) =	ssettag s2;
	_ =	strace s9  }
0x27: {  	s1 =	sld [smem:$0x3F9D]  }
0x28: {  	s2 =	sld [smem:$0x3F9E]  }
0x29: {  	s4 =	sld [smem:$0x3FA0]  }
0x2a: {  	p0 =	seq.s32 s5, $0x0;
	s5 =	sld [smem:$0x3FA1]  }
0x2b: {  	s6 =	sld [smem:$0x3FA2]  }
0x2c: {  	s7 =	sld [smem:$0x3FA3]  }
0x2d: {  	s3 =	simm.s32 $0x108;
	s8 =	sld [smem:$0x3FA4]  }
0x2e: {  	s3 =	simm.s32 @!p0 $0x1082;
	s9 =	sld [smem:$0x3FA5]  }
0x2f: {  	lr =	sadd.s32 s0, s3;
	s0 =	sld [smem:$0x3F9C]  }
0x30: {  	s3 =	sld [smem:$0x3F9F]  }
0x31: {  	[smem:$0x3FA8] =	sst s10  }
0x32: {  	s10 =	sld [smem:$0x3FA6];
	_ =	sdelay $0x3  }
0x33: {  	p0 =	seq.s32 s10, $0x1;
	s10 =	sld [smem:$0x3FA8];
	_ =	sdelay $0x3  }
0x34: {  	[smem:$0x3FA8] =	sst s10  }
0x35: {  	s10 =	sld [smem:$0x3FA7];
	_ =	sdelay $0x3  }
0x36: {  	p1 =	seq.s32 s10, $0x1;
	s10 =	sld [smem:$0x3FA8];
	_ =	sdelay $0x3  }
0x37: {  	[smem:$0x3FA8] =	sst s10  }
0x38: {  	s10 =	sld [smem:$0x3FA9]  }
0x39: {  	_ = 	snop;
	(pc) =	sbr.ind lr, $3  }
0x3a: {  	_ = 	snop  }
0x3b: {  	_ = 	snop  }
0x3c: {  	p2 =	seq.s32 s10, $0x1;
	s10 =	sld [smem:$0x3FA8]  }
0x3d: {  	_ =	shalt  }
0x3e: {  	_ =	shalt  }
0x3f: {  	_ =	shalt  }
0x40: {  	_ =	shalt  }
0x41: {  	_ =	shalt  }
0x42: {  	_ =	shalt  }
0x43: {  	_ =	shalt  }
0x44: {  	_ =	shalt  }
0x45: {  	_ =	shalt  }
0x46: {  	_ =	shalt  }
0x47: {  	_ =	shalt  }
0x48: {  	_ =	shalt  }
0x49: {  	_ =	shalt  }
0x4a: {  	_ =	shalt  }
0x4b: {  	_ =	shalt  }
0x4c: {  	_ =	shalt  }
0x4d: {  	_ =	shalt  }
0x4e: {  	_ =	shalt  }
0x4f: {  	_ =	shalt  }
0x50: {  	_ =	shalt  }
0x51: {  	_ =	shalt  }
0x52: {  	_ =	shalt  }
0x53: {  	_ =	shalt  }
0x54: {  	_ =	shalt  }
0x55: {  	_ =	shalt  }
0x56: {  	_ =	shalt  }
0x57: {  	_ =	shalt  }
0x58: {  	_ =	shalt  }
0x59: {  	_ =	shalt  }
0x5a: {  	_ =	shalt  }
0x5b: {  	_ =	shalt  }
0x5c: {  	_ =	shalt  }
0x5d: {  	_ =	shalt  }
0x5e: {  	_ =	shalt  }
0x5f: {  	_ =	shalt  }
0x60: {  	_ =	shalt  }
0x61: {  	_ =	shalt  }
0x62: {  	_ =	shalt  }
0x63: {  	_ =	shalt  }
0x64: {  	_ =	shalt  }
0x65: {  	_ =	shalt  }
0x66: {  	_ =	shalt  }
0x67: {  	_ =	shalt  }
0x68: {  	_ =	shalt  }
0x69: {  	_ =	shalt  }
0x6a: {  	_ =	shalt  }
0x6b: {  	_ =	shalt  }
0x6c: {  	_ =	shalt  }
0x6d: {  	_ =	shalt  }
0x6e: {  	_ =	shalt  }
0x6f: {  	_ =	shalt  }
0x70: {  	_ =	shalt  }
0x71: {  	_ =	shalt  }
0x72: {  	_ =	shalt  }
0x73: {  	_ =	shalt  }
0x74: {  	_ =	shalt  }
0x75: {  	_ =	shalt  }
0x76: {  	_ =	shalt  }
0x77: {  	_ =	shalt  }
0x78: {  	_ =	shalt  }
0x79: {  	_ =	shalt  }
0x7a: {  	_ =	shalt  }
0x7b: {  	_ =	shalt  }
0x7c: {  	_ =	shalt  }
0x7d: {  	_ =	shalt  }
0x7e: {  	_ =	shalt  }
0x7f: {  	_ =	shalt  }
0x80: {  	_ =	shalt  }
0x81: {  	_ =	shalt  }
0x82: {  	_ =	shalt  }
0x83: {  	_ =	shalt  }
0x84: {  	_ =	shalt  }
0x85: {  	_ =	shalt  }
0x86: {  	_ =	shalt  }
0x87: {  	_ =	shalt  }
.Lfunc_end0:
.L_simem_size_0:
called_computation_lowered:
.L_overlay_start_0:
0x88: {  	s2 =	sld [smem:$0x3FD9]  }
0x89: {  	s3 =	sld [smem:$0x3FFE];
	_ =	sdelay $0x1  }
0x8a: {  	s1 =	srdreg.scid  }
0x8b: {  	s0 =	sand.u32 $0x1, s1  }
0x8c: {  	s16 =	sshll.u32 s0, $0xA;
	s2 =	sadd.s32 s3, s2  }
0x8d: {  	s2 =	sadd.s32 s2, s16  }
0x8e: {  	[smem:$0x3FB4] =	sst s2  }
0x8f: {  	_ = 	snop  }
0x90: {  	(tm) =	ssettm $0x1  }
0x91: {  	s17 =	sld [smem:$0x3FFB];
	_ =	sdelay $0x3  }
0x92: {  	_ =	strace s17  }
0x93: {  	s2 =	sld [smem:$0x3FFC];
	_ =	sdelay $0x3  }
0x94: {  	_ =	strace s2  }
0x95: {  	s2 =	sld [smem:$0x3FFD];
	_ =	sdelay $0x3  }
0x96: {  	_ =	strace s2  }
0x97: {  	_ =	strace $0x8FFFFFFF  }
0x98: {  	s18 =	sld [smem:$0x3FDB];
	_ =	sdelay $0x1  }
0x99: {  	s19 =	simm.s32 $_scs_section_size  }
0x9a: {  	s4 =	simm.s32 $_size__tile_overlayer_lowered;
	s5 =	simm.s32 $_tile_overlayer_lowered  }
0x9b: {  	s22 =	simm.s32 $0x1BFF;
	s21 =	sshll.u32 s5, $0x1;
	s2 =	sadd.s32 s19, s18  }
0x9c: {  	s6 =	simm.s32 $0x0;
	s20 =	sshll.u32 s4, $0x1;
	s4 =	sadd.s32 s21, s2  }
0x9d: {  	[timem:s6], [sflag:s22] =	dma.local [hbm:s4], s20  }
0x9e: {  	_ =	swait.ge [sflag:s22], s20  }
0x9f: {  	s3 =	ssub.s32 $0x0, s20;
	[sflag:s22] =	ssyncset.done $0x0  }
0xa0: {  	[sflag:s22] =	ssyncadd.s32 s3;
	_ =	sdelay $0x1  }
0xa1: {  	s23 =	simm.s32 $0x1B8B  }
0xa2: {  	_ =	swait.ge [sflag:s23], $0x1  }
0xa3: {  	[sflag:s23] =	ssyncset.done $0x0  }
0xa4: {  	s25 =	simm.s32 $0x1B8E;
	s24 =	sld [smem:$0x3FFE];
	[sflag:s23] =	ssyncadd.s32 $0xFFFFFFFF  }
0xa5: {  	s26 =	simm.s32 $execute0_lowered;
	[smem:$0x3FD2] =	sst s25  }
0xa6: {  	s4 =	sshll.u32 s26, $0x1;
	_ =	strace $0x80000046;
	[dreg:$0x1] =	wrdreg $0xFFFFFFFF  }
0xa7: {  	s28 =	simm.s32 $_size_execute0_lowered;
	s2 =	sadd.s32 s2, s4;
	[dreg:$0x0] =	wrdreg $0x0  }
0xa8: {  	s4 =	sshll.u32 s28, $0x1;
	[dreg:$0x2] =	wrdreg s2  }
0xa9: {  	[dreg:$0x3] =	wrdreg s4  }
0xaa: {  	[dreg:$0x4] =	wrdreg $0xC0  }
0xab: {  	_ =	task [dreg:s6], $0x5FFFF  }
0xac: {  	[dreg:$0x1] =	wrdreg $0xFFFFFFFF  }
0xad: {  	[dreg:$0x0] =	wrdreg $0x60  }
0xae: {  	[dreg:$0x2] =	wrdreg s24  }
0xaf: {  	[dreg:$0x3] =	wrdreg $0x9  }
0xb0: {  	_ =	task.clear_ibuf [dreg:s6], $0x4FFFF;
	_ =	strace $0x90000046  }
0xb1: {  	s29 =	simm.s32 $0x9;
	_ =	strace $0x80000048  }
0xb2: {  	_ =	swait.ge [sflag:s29], $0x1  }
0xb3: {  	[sflag:s29] =	ssyncadd.s32 $0xFFFFFFFF  }
0xb4: {  	_ =	strace $0x90000048  }
0xb5: {  	_ =	sfence  }
0xb6: {  	s30 =	sld [smem:$0x0];
	_ =	sdelay $0x2  }
0xb7: {  	s31 =	sshll.u32 s1, $0xD;
	s1 =	sshrl.u32 s1, $0x2  }
0xb8: {  	s3 =	sand.u32 $0x4000, s31;
	s1 =	sadd.s32 s1, s30  }
0xb9: {  	s0 =	sor.u32 s3, s0;
	s1 =	sshll.u32 s1, $0x11  }
0xba: {  	s0 =	sor.u32 s1, s0  }
0xbb: {  	s0 =	sadd.s32 $0x8F2B, s0  }
0xbc: {  	[sflag:s0] =	ssyncadd.remote.s32 $0x1  }
0xbd: {  	_ =	sfence.sel $0xFFFF  }
0xbe: {  	[dreg:$0x0] =	wrdreg $0xFFFFFFFF;
	(pc) =	sbr.abs _section_cstart, $3  }
0xbf: {  	[dreg:$0x1] =	wrdreg $0xFFFFFFFF  }
0xc0: {  	_ =	task.clear_ibuf [dreg:s6], $0x2FFFF;
	_ =	strace $0x9FFFFFFF  }
0xc1: {  	(tm) =	ssettm $0x7FFFFFFF  }
tec
execute0_lowered:
.L_overlay_start_1:
0x0: {  	(tag) =	ssettag $0x1  }
0x1: {  	s3 =	rddreg [dreg:$0x0]  }
0x2: {  	s0 =	rddreg [dreg:$0x1];
	s2 =	simm.s32 $0x0;
	s4 =	srdreg.scid  }
0x3: {  	s1 =	stileid.u32;
	s10 =	simm.s32 $0x0;
	[smem:$0x7FF] =	sst s2  }
0x4: {  	s4 =	sand.u32 $0x1, s4;
	s5 =	smul.u32 $0x5000, s1;
	s6 =	sshrl.u32 s1, $0x2  }
0x5: {  	s7 =	sshll.u32 s1, $0x8;
	s6 =	smul.u32 $0x14000, s6;
	s8 =	sshll.u32 s4, $0x7  }
0x6: {  	s7 =	sand.u32 $0x300, s7;
	p0 =	seq.s32 s4, $0x0;
	_ =	strace $0x80000047  }
0x7: {  	s4 =	ssub.s32 $0x2, s4;
	s9 =	sadd.s32 $0x50000, s5;
	s7 =	sor.u32 s8, s7  }
0x8: {  	s30 =	sshrl.u32 s4, $0x1;
	s8 =	simm.s32 $0x80;
	s9 =	smov.u32 @p0 s5  }
0x9: {  	s28 =	sor.u32 s6, s7;
	s31 =	ssub.s32 s4, s30;
	s29 =	sshrl.u32 s9, $0x3  }
0xa: {  	s7 =	simm.s32 $0x1;
	s5 =	sshrl.u32 s28, $0x3;
	s6 =	sadd.s32 s29, s3  }
0xb: {  	s9 =	simm.s32 $0x400;
	s5 =	sadd.s32 s5, s3;
	s3 =	sadd.s32 $0x4200, s6  }
0xc: {  	v0 =	vimm.f32 $0.0e+00;
	v1 =	vimm.f32 $1.000000000e+00;
	s4 =	sadd.s32 $0x18200, s5;
	s5 =	smax.u32 s31, $0x1;
	s6 =	simm.s32 $0x2800  }
.LBB2_1:
0xd: {  	s11 =	simm.s32 $0x40;
	s12 =	simm.s32 $0x0  }
.LBB2_2:
0xe: {  	p0 =	sne.s32 s11, $0x9FC0;
	[tilespmem:s12+$0x0] =	vst v0;
	s12 =	smov.u32 s11;
	s11 =	sadd.s32 $0x40, s11  }
.Ltmp0:
0xf: {  	(pc) =	sbr.rel @p0 .LBB2_2-.Ltmp0, $2  }
0x10: {  	_ =	sdelay $0x2  }
0x11: {  	s12 =	sshra.s32 s12, $0x2  }
0x12: {  	[tilespmem:s12+$0x0] =	vst v0;
	s11 =	simm.s32 $0x0  }
0x13: {  	[tilespmem:s6], [sflag:$0x1] =	stream.linear.gather [hbm4b:s3+s11], $0x5000, $0x38;
	[tilespmem:$0x7800] =	vst v63  }
0x14: {  	_ =	swait.ge [sflag:s7], $0x5000  }
0x15: {  	[sflag:s7] =	ssyncset.done $0x0  }
0x16: {  	[sflag:s7] =	ssyncadd.s32 $0xFFFFB000  }
.LBB2_4:
0x17: {  	s12 =	sshra.s32 s11, $0x2  }
0x18: {  	v2 =	vld [tilespmem:s12+$0x2800];
	_ =	sdelay $0x7  }
0x19: {  	[tilespmem:v2+s2+$0x0] =	vst.idx.add.f32.msk $0xffff, v1  }
0x1a: {  	v2 =	vld [tilespmem:s12+$0x2810];
	_ =	sdelay $0x7  }
0x1b: {  	[tilespmem:v2+s2+$0x0] =	vst.idx.add.f32.msk $0xffff, v1  }
0x1c: {  	v2 =	vld [tilespmem:s12+$0x2820];
	_ =	sdelay $0x7  }
0x1d: {  	[tilespmem:v2+s2+$0x0] =	vst.idx.add.f32.msk $0xffff, v1  }
0x1e: {  	v2 =	vld [tilespmem:s12+$0x2830];
	_ =	sdelay $0x2  }
0x1f: {  	p0 =	sne.s32 s11, $0x13E00  }
.Ltmp1:
0x20: {  	_ = 	snop;
	(pc) =	sbr.rel @p0 .LBB2_4-.Ltmp1, $2  }
0x21: {  	_ =	sdelay $0x2  }
0x22: {  	s11 =	sadd.s32 $0x200, s11;
	[tilespmem:v2+s2+$0x0] =	vst.idx.add.f32.msk $0xffff, v1  }
0x23: {  	s10 =	sadd.s32 $0x1, s10  }
0x24: {  	p0 =	sne.s32 s10, s5  }
.Ltmp2:
0x25: {  	_ = 	snop;
	(pc) =	sbr.rel @p0 .LBB2_1-.Ltmp2, $4  }
0x26: {  	[hbm4b:s4+s8] =	stream.strided.scatter [tilespmem:s2], [sflag:$0x1], $0x2800, s9, s8, $0x38;
	[tilespmem:$0x7800] =	vst v63  }
0x27: {  	_ =	swait.ge [sflag:s7], $0x2800  }
0x28: {  	[sflag:s7] =	ssyncset.done $0x0  }
0x29: {  	[sflag:s7] =	ssyncadd.s32 $0xFFFFD800  }
0x2a: {  	_ =	sfence.sel $0x180000  }
0x2b: {  	[bflag:$0x0] =	sbarrier.arrive $0xFFFF  }
0x2c: {  	p0 =	sne.s32 s1, $0x0;
	_ =	strace $0x90000047  }
0x2d: {  	s0 =	sadd.s32 @!p0 $0x100000, s0;
	[bflag:$0x2] =	sbarrier.arrive $0xFFFF  }
0x2e: {  	[sflag:s0] =	ssyncadd.tile.s32 @!p0 $0x1;
	_ =	shalt  }
.Lfunc_end2:
_tile_overlayer_lowered:
.L_overlay_start_2:
0x2f: {  	(tag) =	ssettag $0x2  }
0x30: {  	s0 =	rddreg [dreg:$0x0];
	s2 =	stileid.u32  }
0x31: {  	s1 =	rddreg [dreg:$0x1];
	p0 =	sne.s32 s2, $0x0  }
0x32: {  	s3 =	rddreg [dreg:$0x2];
	[bflag:$0x3] =	sbarrier.arrive $0xFFFF;
	s2 =	simm.s32 @!p0 $0x1C01  }
0x33: {  	[timem:s3], [sflag:s2] =	dma.local @!p0 [hbm:s0], s1  }
0x34: {  	s0 =	simm.s32 @!p0 $0x1  }
0x35: {  	_ =	swait.ge @!p0 [sflag:s0], s1  }
0x36: {  	s1 =	ssub.s32 @!p0 $0x0, s1;
	[sflag:s0] =	ssyncset.done @!p0 $0x0  }
0x37: {  	[sflag:s0] =	ssyncadd.s32 @!p0 s1  }
0x38: {  	[bflag:$0x3] =	sbarrier.arrive $0xFFFF  }
0x39: {  	_ =	shalt  }

</sc_bundles>
